<compile_context>
chip_gen: v7x
topology: tpu7x:2x2x1
jax: 0.10.2.dev20260603
libtpu: 0.0.44.dev20260713+nightly
codegen_flags: <defaults>
</compile_context>

<pallas_src>
import jax
import jax.numpy as jnp
from jax import lax
from jax.experimental import pallas as pl
from jax.experimental.pallas import tpu as pltpu
from jax.experimental.pallas import tpu_sc as plsc

f32 = jnp.float32

N_PAD = 10240
ROWS_PER_SUB = N_PAD // 16
K = 64
CW = 80



def _node_mm_body(u, v, wult, bul, wvlt, bvl, waut, bau, wavt, bav,
                  sheu, shev, dhev, attu, attv):
    uu = u[...]
    vv = v[...]
    sheu[...] = jnp.dot(uu, wult[...], preferred_element_type=f32) + bul[...]
    shev[...] = jnp.dot(vv, wvlt[...], preferred_element_type=f32) + bvl[...]
    dhev[...] = jnp.dot(vv, wult[...], preferred_element_type=f32) + bul[...]
    attu[...] = jnp.dot(uu, waut[...], preferred_element_type=f32) + bau[...]
    attv[...] = jnp.dot(vv, wavt[...], preferred_element_type=f32) + bav[...]


def _node_mm(u_feat, v_feat, wult, bul, wvlt, bvl, waut, bau, wavt, bav):
    n = u_feat.shape[0]
    bn = 1000
    grid = n // bn
    row = lambda shp: pl.BlockSpec(shp, lambda i: (i, 0))
    full = lambda shp: pl.BlockSpec(shp, lambda i: (0, 0))
    return pl.pallas_call(
        _node_mm_body,
        grid=(grid,),
        in_specs=[row((bn, 128)), row((bn, 128)),
                  full((128, 128)), full((1, 128)),
                  full((128, 128)), full((1, 128)),
                  full((128, 144)), full((1, 144)),
                  full((128, 144)), full((1, 144))],
        out_specs=[row((bn, 128)), row((bn, 128)), row((bn, 128)),
                   row((bn, 144)), row((bn, 144))],
        out_shape=[jax.ShapeDtypeStruct((n, 128), f32)] * 3
        + [jax.ShapeDtypeStruct((n, 144), f32)] * 2,
    )(u_feat, v_feat, wult, bul, wvlt, bvl, waut, bau, wavt, bav)


def _edge_mm_body(f, b, wet, be, fw, bw):
    fw[...] = jnp.dot(f[...], wet[...], preferred_element_type=f32) + be[...]
    bw[...] = jnp.dot(b[...], wet[...], preferred_element_type=f32) + be[...]


def _edge_mm(f_feat, b_feat, wet, be):
    e = f_feat.shape[0]
    bn = 4000
    grid = e // bn
    row = lambda shp: pl.BlockSpec(shp, lambda i: (i, 0))
    full = lambda shp: pl.BlockSpec(shp, lambda i: (0, 0))
    return pl.pallas_call(
        _edge_mm_body,
        grid=(grid,),
        in_specs=[row((bn, 16)), row((bn, 16)), full((16, 128)), full((1, 128))],
        out_specs=[row((bn, 128)), row((bn, 128))],
        out_shape=[jax.ShapeDtypeStruct((e, 128), f32)] * 2,
    )(f_feat, b_feat, wet, be)


def _final_body(u, v, sau, sbu, scu, hau, hbu, hcu,
                sav, sbv, scv, hav, hbv, hcv,
                wvut, bvu, wvvt, bvv,
                wwua, wwub, wwuc, bwu, wwva, wwvb, wwvc, bwv,
                hu, hv):
    eps = 1e-16
    dot = lambda a, b: jnp.dot(a, b, preferred_element_type=f32)
    hnu = (dot(hau[...] / (sau[...] + eps), wwua[...])
           + dot(hbu[...] / (sbu[...] + eps), wwub[...])
           + dot(hcu[...] / (scu[...] + eps), wwuc[...]) + bwu[...])
    hnv = (dot(hav[...] / (sav[...] + eps), wwva[...])
           + dot(hbv[...] / (sbv[...] + eps), wwvb[...])
           + dot(hcv[...] / (scv[...] + eps), wwvc[...]) + bwv[...])
    hul = dot(u[...], wvut[...]) + bvu[...]
    hvl = dot(v[...], wvvt[...]) + bvv[...]
    hu[...] = jnp.concatenate([hul, hnu], axis=-1)
    hv[...] = jnp.concatenate([hvl, hnv], axis=-1)


def _final_mm(u_feat, v_feat, s_parts, h_parts,
              wvut, bvu, wvvt, bvv, wwut, bwu, wwvt, bwv):
    n = u_feat.shape[0]
    bn = 1000
    grid = n // bn
    row = lambda shp: pl.BlockSpec(shp, lambda i: (i, 0))
    full = lambda shp: pl.BlockSpec(shp, lambda i: (0, 0))
    sau, sbu, scu, sav, sbv, scv = s_parts
    hau, hbu, hcu, hav, hbv, hcv = h_parts
    return pl.pallas_call(
        _final_body,
        grid=(grid,),
        in_specs=[row((bn, 128)), row((bn, 128)),
                  row((bn, 64)), row((bn, 64)), row((bn, 16)),
                  row((bn, 64)), row((bn, 64)), row((bn, 16)),
                  row((bn, 64)), row((bn, 64)), row((bn, 16)),
                  row((bn, 64)), row((bn, 64)), row((bn, 16)),
                  full((128, 64)), full((1, 64)), full((128, 64)), full((1, 64)),
                  full((64, 64)), full((64, 64)), full((16, 64)), full((1, 64)),
                  full((64, 64)), full((64, 64)), full((16, 64)), full((1, 64))],
        out_specs=[row((bn, 128)), row((bn, 128))],
        out_shape=[jax.ShapeDtypeStruct((n, 128), f32)] * 2,
    )(u_feat, v_feat, sau, sbu, scu, hau, hbu, hcu,
      sav, sbv, scv, hav, hbv, hcv,
      wvut, bvu, wvvt, bvv,
      wwut[:64], wwut[64:128], wwut[128:], bwu,
      wwvt[:64], wwvt[64:128], wwvt[128:], bwv)



def _make_softmax(EP):
    epw = EP // 16
    nchunks = epw // K
    mesh = plsc.VectorSubcoreMesh(core_axis_name="c", subcore_axis_name="s")

    def body(seg_glob2, seg_loc2, gat_glob2, att_catA, att_catB, feat_cat,
             ef_cat, os_all,
             segGb, segLb, gatb, attb, featb, efb, ubuf, acc,
             segGb2, segLb2, gatb2, attb2, featb2, efb2,
             sem1, sem2, sem3, sem4, sem5, sem6, sem7):
        cid = lax.axis_index("c")
        sid = lax.axis_index("s")

        def zero_acc():
            def zrow(k, _):
                for cc in range(8):
                    ubuf[k, pl.ds(cc * 16, 16)] = jnp.zeros((16,), f32)
                return 0
            lax.fori_loop(0, K, zrow, 0)

            def zacc(r, _):
                off = pl.multiple_of(sid * ROWS_PER_SUB + r * K, K)
                pltpu.sync_copy(ubuf, acc.at[pl.ds(off, K)])
                return 0
            lax.fori_loop(0, ROWS_PER_SUB // K, zacc, 0)
            plsc.subcore_barrier()

        def writeout(blk):
            base = blk * N_PAD + sid * ROWS_PER_SUB

            def wrow(r, _):
                srco = pl.multiple_of(sid * ROWS_PER_SUB + r * K, K)
                dsto = pl.multiple_of(base + r * K, K)
                pltpu.sync_copy(acc.at[pl.ds(srco, K)], ubuf)
                pltpu.sync_copy(ubuf, os_all.at[pl.ds(dsto, K)])
                return 0
            lax.fori_loop(0, ROWS_PER_SUB // K, wrow, 0)
            plsc.subcore_barrier()


        def phase01(ph, carry):
            zero_acc()
            foff = pl.multiple_of(ph * 64, 64)
            base = pl.multiple_of(cid * EP + sid * epw, K)

            def ld_idx(t, sg, sl, gt):
                off = pl.multiple_of(base + t * K, K)
                c1 = pltpu.async_copy(seg_glob2.at[pl.ds(off, K)], sg, sem3)
                c2 = pltpu.async_copy(seg_loc2.at[pl.ds(off, K)], sl, sem4)
                c3 = pltpu.async_copy(gat_glob2.at[pl.ds(off, K)], gt, sem5)
                c1.wait()
                c2.wait()
                c3.wait()

            def gath(sg, gt, at, ft, s1, s2):
                ca = pltpu.async_copy(att_catA.at[sg], at, s1)
                cf = pltpu.async_copy(feat_cat.at[gt], ft, s2)
                return ca, cf

            def compute(at, ft, sl, ca, cf):
                ca.wait()
                cf.wait()

                @plsc.parallel_loop(0, K, unroll=8)
                def edge(k):
                    for cc in range(4):
                        a = at[k, pl.ds(foff + cc * 16, 16)]
                        h = ft[k, pl.ds(foff + cc * 16, 16)]
                        ex = jnp.exp(a * h)
                        ubuf[k, pl.ds(cc * 16, 16)] = ex
                        ubuf[k, pl.ds(64 + cc * 16, 16)] = h * ex
                pltpu.sync_copy(ubuf, acc.at[sl], add=True)

            ld_idx(0, segGb, segLb, gatb)
            gath(segGb, gatb, attb, featb, sem1, sem2)
            ld_idx(1, segGb2, segLb2, gatb2)

            def pair(g, _):
                t0 = 2 * g
                cb = gath(segGb2, gatb2, attb2, featb2, sem6, sem7)
                dA = pltpu.make_async_copy(att_catA.at[segGb], attb, sem1)
                dA2 = pltpu.make_async_copy(feat_cat.at[gatb], featb, sem2)
                compute(attb, featb, segLb, dA, dA2)
                ld_idx(t0 + 2, segGb, segLb, gatb)
                ca = gath(segGb, gatb, attb, featb, sem1, sem2)
                compute(attb2, featb2, segLb2, cb[0], cb[1])
                ld_idx(t0 + 3, segGb2, segLb2, gatb2)
                return 0
            lax.fori_loop(0, nchunks // 2, pair, 0)
            pltpu.make_async_copy(att_catA.at[segGb], attb, sem1).wait()
            pltpu.make_async_copy(feat_cat.at[gatb], featb, sem2).wait()
            plsc.subcore_barrier()
            writeout(ph * 2 + cid)
            return carry

        lax.fori_loop(0, 2, phase01, 0)

        zero_acc()

        base2 = pl.multiple_of(cid * EP + sid * epw, K)

        def ld2(t, sg, sl, ef, s1, s2, s3):
            off = pl.multiple_of(base2 + t * K, K)
            offe = pl.multiple_of(off // 8, K // 8)
            c1 = pltpu.async_copy(seg_glob2.at[pl.ds(off, K)], sg, s1)
            c2 = pltpu.async_copy(seg_loc2.at[pl.ds(off, K)], sl, s2)
            c3 = pltpu.async_copy(ef_cat.at[pl.ds(offe, K // 8)], ef, s3)
            c1.wait()
            c2.wait()
            c3.wait()
            return pltpu.async_copy(att_catB.at[sg], attb if ef is efb else attb2, s3)

        def comp2(at, ef, sl, s3):
            pltpu.make_async_copy(att_catB.at[sl], at, s3).wait()

            @plsc.parallel_loop(0, K, unroll=8)
            def edge(k):
                a = at[k, pl.ds(0, 16)]
                h = ef[k // 8, pl.ds((k % 8) * 16, 16)]
                ex = jnp.exp(a * h)
                ubuf[k, pl.ds(0, 16)] = ex
                ubuf[k, pl.ds(16, 16)] = h * ex
            pltpu.sync_copy(ubuf, acc.at[sl], add=True)

        ld2(0, segGb, segLb, efb, sem3, sem4, sem1)
        ld2(1, segGb2, segLb2, efb2, sem5, sem6, sem2)

        def pair2(g, _):
            t0 = 2 * g
            comp2(attb, efb, segLb, sem1)
            ld2(t0 + 2, segGb, segLb, efb, sem3, sem4, sem1)
            comp2(attb2, efb2, segLb2, sem2)
            ld2(t0 + 3, segGb2, segLb2, efb2, sem5, sem6, sem2)
            return 0
        lax.fori_loop(0, nchunks // 2, pair2, 0)
        pltpu.make_async_copy(att_catB.at[segLb], attb, sem1).wait()
        pltpu.make_async_copy(att_catB.at[segLb2], attb2, sem2).wait()
        plsc.subcore_barrier()
        writeout(4 + cid)

    out_t = jax.ShapeDtypeStruct((6 * N_PAD, 128), f32)
    scratch = [
        pltpu.VMEM((K,), jnp.int32),
        pltpu.VMEM((K,), jnp.int32),
        pltpu.VMEM((K,), jnp.int32),
        pltpu.VMEM((K, 128), f32),
        pltpu.VMEM((K, 128), f32),
        pltpu.VMEM((K // 8, 128), f32),
        pltpu.VMEM((K, 128), f32),
        pltpu.VMEM_SHARED((N_PAD, 128), f32),
        pltpu.VMEM((K,), jnp.int32),
        pltpu.VMEM((K,), jnp.int32),
        pltpu.VMEM((K,), jnp.int32),
        pltpu.VMEM((K, 128), f32),
        pltpu.VMEM((K, 128), f32),
        pltpu.VMEM((K // 8, 128), f32),
        pltpu.SemaphoreType.DMA,
        pltpu.SemaphoreType.DMA,
        pltpu.SemaphoreType.DMA,
        pltpu.SemaphoreType.DMA,
        pltpu.SemaphoreType.DMA,
        pltpu.SemaphoreType.DMA,
        pltpu.SemaphoreType.DMA,
    ]
    return pl.kernel(body, mesh=mesh, out_type=out_t, scratch_types=scratch)



def _make_passc(EP2):
    per_w = EP2 // 32
    nch = per_w // K
    mesh = plsc.VectorSubcoreMesh(core_axis_name="c", subcore_axis_name="s")

    def body(uidx, vidx, sheu, shev, dhev, bwhe, fwhe, hf, hb,
             ub, vb, fbuf, bbuf, ub2, vb2, fbuf2, bbuf2,
             sem, sem2, sem3, sem4, sem5, sem6, sem7, sem8):
        cid = lax.axis_index("c")
        sid = lax.axis_index("s")
        wid = sid * 2 + cid
        base = pl.multiple_of(wid * per_w, K)

        def loads(t, u_b, v_b, f_b, b_b, s1, s2, s3, s4):
            off = pl.multiple_of(base + t * K, K)
            cu = pltpu.async_copy(uidx.at[pl.ds(off, K)], u_b, s1)
            cv = pltpu.async_copy(vidx.at[pl.ds(off, K)], v_b, s2)
            cf = pltpu.async_copy(bwhe.at[pl.ds(off, K)], f_b, s3)
            cb = pltpu.async_copy(fwhe.at[pl.ds(off, K)], b_b, s4)
            cu.wait()
            cv.wait()
            cf.wait()
            cb.wait()

        def addg(u_b, v_b, f_b, b_b, s1, s2, s3, s4):
            pltpu.async_copy(sheu.at[u_b], f_b, s1, add=True)
            pltpu.async_copy(shev.at[v_b], f_b, s2, add=True)
            pltpu.async_copy(sheu.at[u_b], b_b, s3, add=True)
            pltpu.async_copy(dhev.at[v_b], b_b, s4, add=True)

        def drain(u_b, v_b, f_b, b_b, s1, s2, s3, s4):
            pltpu.make_async_copy(sheu.at[u_b], f_b, s1).wait()
            pltpu.make_async_copy(shev.at[v_b], f_b, s2).wait()
            pltpu.make_async_copy(sheu.at[u_b], b_b, s3).wait()
            pltpu.make_async_copy(dhev.at[v_b], b_b, s4).wait()

        def store(t, f_b, b_b, s1, s2):
            off = pl.multiple_of(base + t * K, K)
            c1 = pltpu.async_copy(f_b, hf.at[pl.ds(off, K)], s1)
            c2 = pltpu.async_copy(b_b, hb.at[pl.ds(off, K)], s2)
            c1.wait()
            c2.wait()

        loads(0, ub, vb, fbuf, bbuf, sem, sem2, sem3, sem4)
        addg(ub, vb, fbuf, bbuf, sem, sem2, sem3, sem4)

        def pair(g, _):
            t0 = 2 * g
            loads(t0 + 1, ub2, vb2, fbuf2, bbuf2, sem5, sem6, sem7, sem8)
            addg(ub2, vb2, fbuf2, bbuf2, sem5, sem6, sem7, sem8)
            drain(ub, vb, fbuf, bbuf, sem, sem2, sem3, sem4)
            store(t0, fbuf, bbuf, sem, sem2)
            loads(t0 + 2, ub, vb, fbuf, bbuf, sem, sem2, sem3, sem4)
            addg(ub, vb, fbuf, bbuf, sem, sem2, sem3, sem4)
            drain(ub2, vb2, fbuf2, bbuf2, sem5, sem6, sem7, sem8)
            store(t0 + 1, fbuf2, bbuf2, sem5, sem6)
            return 0
        lax.fori_loop(0, nch // 2, pair, 0)
        drain(ub, vb, fbuf, bbuf, sem, sem2, sem3, sem4)

    out_t = [jax.ShapeDtypeStruct((EP2 + 2 * K, 128), f32)] * 2
    scratch = [
        pltpu.VMEM((K,), jnp.int32),
        pltpu.VMEM((K,), jnp.int32),
        pltpu.VMEM((K, 128), f32),
        pltpu.VMEM((K, 128), f32),
        pltpu.VMEM((K,), jnp.int32),
        pltpu.VMEM((K,), jnp.int32),
        pltpu.VMEM((K, 128), f32),
        pltpu.VMEM((K, 128), f32),
    ] + [pltpu.SemaphoreType.DMA] * 8
    return pl.kernel(body, mesh=mesh, out_type=out_t, scratch_types=scratch)



def kernel(f_feat, b_feat, u_feat, v_feat, edge_index, We, be, Wul, bul,
           Wvl, bvl, Wau, bau, Wav, bav, Wwu, bwu, Wwv, bwv, WVu, bVu,
           WVv, bVv):
    E = f_feat.shape[0]
    N = u_feat.shape[0]
    u_idx = edge_index[0]
    v_idx = edge_index[1]

    r2 = lambda x: x.reshape(1, -1)

    sheu, shev, dhev, attu, attv = _node_mm(
        u_feat, v_feat, Wul.T, r2(bul), Wvl.T, r2(bvl),
        Wau.T, r2(bau), Wav.T, r2(bav))
    fwhe, bwhe = _edge_mm(f_feat, b_feat, We.T, r2(be))

    padn = ((0, N_PAD - N), (0, 0))
    attu_p = jnp.pad(attu, padn)
    attv_p = jnp.pad(attv, padn)
    att_catA = jnp.concatenate([attu_p[:, :128], attv_p[:, :128]], axis=0)
    att_catB = jnp.concatenate(
        [jnp.pad(attu_p[:, 128:144], ((0, 0), (0, 112))),
         jnp.pad(attv_p[:, 128:144], ((0, 0), (0, 112)))], axis=0)
    feat_cat = jnp.concatenate(
        [jnp.pad(v_feat, padn), jnp.pad(u_feat, padn)], axis=0)

    EP = ((E + 2047) // 2048) * 2048
    pad = EP - E
    if pad:
        iota = lax.iota(jnp.int32, pad)
        seg_pad = N + (iota % (N_PAD - N))
        u_ip = jnp.concatenate([u_idx, seg_pad])
        v_ip = jnp.concatenate([v_idx, seg_pad])
        bfe_p = jnp.pad(b_feat, ((0, pad), (0, 0)))
        ffe_p = jnp.pad(f_feat, ((0, pad), (0, 0)))
    else:
        u_ip, v_ip, bfe_p, ffe_p = u_idx, v_idx, b_feat, f_feat
    ef_cat = jnp.concatenate(
        [bfe_p.reshape(EP // 8, 128), ffe_p.reshape(EP // 8, 128),
         jnp.zeros((2 * K // 8, 128), f32)], axis=0)

    zpad = jnp.zeros((2 * K,), jnp.int32)
    seg_loc2 = jnp.concatenate([u_ip, v_ip, zpad])
    seg_glob2 = jnp.concatenate([u_ip, v_ip + N_PAD, zpad])
    gat_glob2 = jnp.concatenate([v_ip, u_ip + N_PAD, zpad])

    os_all = _make_softmax(EP)(
        seg_glob2, seg_loc2, gat_glob2, att_catA, att_catB, feat_cat, ef_cat)

    EP2 = ((E + 64 * K - 1) // (64 * K)) * (64 * K)
    pad2 = EP2 + 2 * K - E
    iota2 = lax.iota(jnp.int32, pad2)
    u_p2 = jnp.concatenate([u_idx, iota2 % N])
    v_p2 = jnp.concatenate([v_idx, iota2 % N])
    bwhe_p = jnp.pad(bwhe, ((0, pad2), (0, 0)))
    fwhe_p = jnp.pad(fwhe, ((0, pad2), (0, 0)))

    hf_p, hb_p = _make_passc(EP2)(u_p2, v_p2, sheu, shev, dhev,
                                  bwhe_p, fwhe_p)
    hf = hf_p[:E]
    hb = hb_p[:E]

    blk = lambda i: os_all[i * N_PAD: i * N_PAD + N]
    s_parts = (blk(0)[:, :64], blk(2)[:, :64], blk(4)[:, 0:16],
               blk(1)[:, :64], blk(3)[:, :64], blk(5)[:, 0:16])
    h_parts = (blk(0)[:, 64:128], blk(2)[:, 64:128], blk(4)[:, 16:32],
               blk(1)[:, 64:128], blk(3)[:, 64:128], blk(5)[:, 16:32])
    hu, hv = _final_mm(
        u_feat, v_feat, s_parts, h_parts,
        WVu.T, r2(bVu), WVv.T, r2(bVv), Wwu.T, r2(bwu), Wwv.T, r2(bwv))

    return (hf, hb, hu, hv)

# --- scband reference (transcript-rebuilt; emitter-appended) ---
"""Pipeline reference for scband-gasconv-90305982366105 (READ-ONLY COPY).

The authoritative reference and input builder live on the scoring server;
editing this copy changes nothing except your own understanding.
"""

import jax, jax.numpy as jnp
import numpy as np

N = 10000
E = 320000
D = 128
DE = 16
EOUT = 128
UOUT = 128
NH = UOUT // 2

def _linear_params(key, out_dim, in_dim):
    s = 1.0 / np.sqrt(in_dim)
    W = jax.random.uniform(key, (out_dim, in_dim), minval=-s, maxval=s, dtype=jnp.float32)
    b = jnp.zeros((out_dim,), dtype=jnp.float32)
    return W, b

def _lin(x, W, b):
    return x @ W.T + b

def _edge_softmax(x, seg, n):
    m = jax.ops.segment_max(x, seg, num_segments=n)
    m = jnp.where(jnp.isfinite(m), m, 0.0)
    ex = jnp.exp(x - m[seg])
    s = jax.ops.segment_sum(ex, seg, num_segments=n)
    return ex / (s[seg] + 1e-16)

def setup_inputs(seed: int = 0):
    key = jax.random.key(seed)
    ks = jax.random.split(key, 14)
    inp = {}
    inp["f_feat"] = jax.random.normal(ks[0], (E, DE), dtype=jnp.float32)
    inp["b_feat"] = jax.random.normal(ks[1], (E, DE), dtype=jnp.float32)
    inp["u_feat"] = jax.random.normal(ks[2], (N, D), dtype=jnp.float32)
    inp["v_feat"] = jax.random.normal(ks[3], (N, D), dtype=jnp.float32)
    inp["edge_index"] = jax.random.randint(ks[4], (2, E), 0, N, dtype=jnp.int32)
    inp["We"], inp["be"] = _linear_params(ks[5], EOUT, DE)
    inp["Wul"], inp["bul"] = _linear_params(ks[6], EOUT, D)
    inp["Wvl"], inp["bvl"] = _linear_params(ks[7], EOUT, D)
    inp["Wau"], inp["bau"] = _linear_params(ks[8], D + DE, D)
    inp["Wav"], inp["bav"] = _linear_params(ks[9], D + DE, D)
    inp["Wwu"], inp["bwu"] = _linear_params(ks[10], NH, D + DE)
    inp["Wwv"], inp["bwv"] = _linear_params(ks[11], NH, D + DE)
    inp["WVu"], inp["bVu"] = _linear_params(ks[12], UOUT - NH, D)
    inp["WVv"], inp["bVv"] = _linear_params(ks[13], UOUT - NH, D)
    return inp

def reference(f_feat, b_feat, u_feat, v_feat, edge_index, We, be, Wul, bul, Wvl, bvl, Wau, bau, Wav, bav, Wwu, bwu, Wwv, bwv, WVu, bVu, WVv, bVv):
    u_idx = edge_index[0]
    v_idx = edge_index[1]
    Nu = u_feat.shape[0]
    Nv = v_feat.shape[0]
    src_he_u = _lin(u_feat, Wul, bul)
    src_he_v = _lin(v_feat, Wvl, bvl)
    dst_he_u = src_he_u
    dst_he_v = _lin(v_feat, Wul, bul)
    fw_he_e = _lin(f_feat, We, be)
    bw_he_e = _lin(b_feat, We, be)
    hf = bw_he_e + dst_he_u[u_idx] + src_he_v[v_idx]
    hb = fw_he_e + src_he_u[u_idx] + dst_he_v[v_idx]
    h_ve = jnp.concatenate([v_feat[v_idx], b_feat], axis=-1)
    h_ue = jnp.concatenate([u_feat[u_idx], f_feat], axis=-1)
    att_u = _lin(u_feat, Wau, bau)
    att_v = _lin(v_feat, Wav, bav)
    bw_edotv = h_ve * att_u[u_idx]
    fw_edotv = h_ue * att_v[v_idx]
    bw_sfm = _edge_softmax(bw_edotv, u_idx, Nu)
    fw_sfm = _edge_softmax(fw_edotv, v_idx, Nv)
    agg_u = jax.ops.segment_sum(h_ve * bw_sfm, u_idx, num_segments=Nu)
    agg_v = jax.ops.segment_sum(h_ue * fw_sfm, v_idx, num_segments=Nv)
    h_nu = _lin(agg_u, Wwu, bwu)
    h_nv = _lin(agg_v, Wwv, bwv)
    hu = jnp.concatenate([_lin(u_feat, WVu, bVu), h_nu], axis=-1)
    hv = jnp.concatenate([_lin(v_feat, WVv, bVv), h_nv], axis=-1)
    return (hf, hb, hu, hv)

if __name__ == "__main__":
    import jax
    _d = setup_inputs()
    print(jax.jit(kernel)(*tuple(_d.values())))

</pallas_src>

<mosaic_0001>
#map = affine_map<(d0, d1) -> (0)>
#map1 = affine_map<(d0, d1) -> (0, 0)>
module attributes {stable_mosaic.version = 14 : i64} {
  func.func @body(%arg0: i32, %arg1: i32, %arg2: memref<323712xi32, #tpu.memory_space<hbm>>, %arg3: memref<323712xi32, #tpu.memory_space<hbm>>, %arg4: memref<10000x128xf32, #tpu.memory_space<hbm>>, %arg5: memref<10000x128xf32, #tpu.memory_space<hbm>>, %arg6: memref<10000x128xf32, #tpu.memory_space<hbm>>, %arg7: memref<323712x128xf32, #tpu.memory_space<hbm>>, %arg8: memref<323712x128xf32, #tpu.memory_space<hbm>>, %arg9: memref<323712x128xf32, #tpu.memory_space<hbm>>, %arg10: memref<323712x128xf32, #tpu.memory_space<hbm>>, %arg11: memref<64xi32, #tpu.memory_space<vmem>>, %arg12: memref<64xi32, #tpu.memory_space<vmem>>, %arg13: memref<64x128xf32, #tpu.memory_space<vmem>>, %arg14: memref<64x128xf32, #tpu.memory_space<vmem>>, %arg15: memref<64xi32, #tpu.memory_space<vmem>>, %arg16: memref<64xi32, #tpu.memory_space<vmem>>, %arg17: memref<64x128xf32, #tpu.memory_space<vmem>>, %arg18: memref<64x128xf32, #tpu.memory_space<vmem>>, %arg19: memref<!tpu.dma_semaphore, #tpu.memory_space<semaphore_mem>>, %arg20: memref<!tpu.dma_semaphore, #tpu.memory_space<semaphore_mem>>, %arg21: memref<!tpu.dma_semaphore, #tpu.memory_space<semaphore_mem>>, %arg22: memref<!tpu.dma_semaphore, #tpu.memory_space<semaphore_mem>>, %arg23: memref<!tpu.dma_semaphore, #tpu.memory_space<semaphore_mem>>, %arg24: memref<!tpu.dma_semaphore, #tpu.memory_space<semaphore_mem>>, %arg25: memref<!tpu.dma_semaphore, #tpu.memory_space<semaphore_mem>>, %arg26: memref<!tpu.dma_semaphore, #tpu.memory_space<semaphore_mem>>) attributes {dimension_semantics = [#tpu.dimension_semantics<core_parallel>, #tpu.dimension_semantics<subcore_parallel>], iteration_bounds = array<i64: 2, 16>, scalar_prefetch = 0 : i64, scratch_operands = 16 : i64, tpu.core_type = #tpu.core_type<sc_vector_subcore>, window_params = [{transform_indices = #map}, {transform_indices = #map}, {transform_indices = #map1}, {transform_indices = #map1}, {transform_indices = #map1}, {transform_indices = #map1}, {transform_indices = #map1}, {transform_indices = #map1}, {transform_indices = #map1}]} {
    %mul3A = arith.constant 2 : i32
    %mul3A_0 = arith.muli %arg1, %mul3A : i32
    %add3A = arith.addi %mul3A_0, %arg0 : i32
    %mul3A_1 = arith.constant 10112 : i32
    %mul3A_2 = arith.muli %add3A, %mul3A_1 : i32
    %multiple_of3A = tpu.assume_multiple %mul3A_2, 64 : i32
    %add3A_3 = arith.constant 0 : i32
    %add3A_4 = arith.addi %multiple_of3A, %add3A_3 : i32
    %multiple_of3A_5 = tpu.assume_multiple %add3A_4, 64 : i32
    %dma_start3A = tpu.memref_slice %arg2[%multiple_of3A_5] : memref<323712xi32, #tpu.memory_space<hbm>> -> memref<64xi32, #tpu.memory_space<hbm>>
    %dma_start3A_6 = tpu.memref_slice %arg2[%multiple_of3A_5] : memref<323712xi32, #tpu.memory_space<hbm>> -> memref<64xi32, #tpu.memory_space<hbm>>
    tpu.enqueue_dma source(%dma_start3A_6 : memref<64xi32, #tpu.memory_space<hbm>>) target(%arg11 : memref<64xi32, #tpu.memory_space<vmem>>) target_semaphore(%arg19 : memref<!tpu.dma_semaphore, #tpu.memory_space<semaphore_mem>>)
    %dma_start3A_7 = tpu.memref_slice %arg3[%multiple_of3A_5] : memref<323712xi32, #tpu.memory_space<hbm>> -> memref<64xi32, #tpu.memory_space<hbm>>
    %dma_start3A_8 = tpu.memref_slice %arg3[%multiple_of3A_5] : memref<323712xi32, #tpu.memory_space<hbm>> -> memref<64xi32, #tpu.memory_space<hbm>>
    tpu.enqueue_dma source(%dma_start3A_8 : memref<64xi32, #tpu.memory_space<hbm>>) target(%arg12 : memref<64xi32, #tpu.memory_space<vmem>>) target_semaphore(%arg20 : memref<!tpu.dma_semaphore, #tpu.memory_space<semaphore_mem>>)
    %dma_start3A_9 = arith.constant 0 : i32
    %dma_start3A_10 = tpu.memref_slice %arg7[%multiple_of3A_5, %dma_start3A_9] : memref<323712x128xf32, #tpu.memory_space<hbm>> -> memref<64x128xf32, #tpu.memory_space<hbm>>
    %dma_start3A_11 = arith.constant 0 : i32
    %dma_start3A_12 = tpu.memref_slice %arg7[%multiple_of3A_5, %dma_start3A_11] : memref<323712x128xf32, #tpu.memory_space<hbm>> -> memref<64x128xf32, #tpu.memory_space<hbm>>
    tpu.enqueue_dma source(%dma_start3A_12 : memref<64x128xf32, #tpu.memory_space<hbm>>) target(%arg13 : memref<64x128xf32, #tpu.memory_space<vmem>>) target_semaphore(%arg21 : memref<!tpu.dma_semaphore, #tpu.memory_space<semaphore_mem>>)
    %dma_start3A_13 = arith.constant 0 : i32
    %dma_start3A_14 = tpu.memref_slice %arg8[%multiple_of3A_5, %dma_start3A_13] : memref<323712x128xf32, #tpu.memory_space<hbm>> -> memref<64x128xf32, #tpu.memory_space<hbm>>
    %dma_start3A_15 = arith.constant 0 : i32
    %dma_start3A_16 = tpu.memref_slice %arg8[%multiple_of3A_5, %dma_start3A_15] : memref<323712x128xf32, #tpu.memory_space<hbm>> -> memref<64x128xf32, #tpu.memory_space<hbm>>
    tpu.enqueue_dma source(%dma_start3A_16 : memref<64x128xf32, #tpu.memory_space<hbm>>) target(%arg14 : memref<64x128xf32, #tpu.memory_space<vmem>>) target_semaphore(%arg22 : memref<!tpu.dma_semaphore, #tpu.memory_space<semaphore_mem>>)
    %dma_wait3A = tpu.memref_slice %arg2[%multiple_of3A_5] : memref<323712xi32, #tpu.memory_space<hbm>> -> memref<64xi32, #tpu.memory_space<hbm>>
    %dma_wait3A_17 = tpu.memref_slice %arg2[%multiple_of3A_5] : memref<323712xi32, #tpu.memory_space<hbm>> -> memref<64xi32, #tpu.memory_space<hbm>>
    tpu.wait_dma2 semaphore(%arg19 : memref<!tpu.dma_semaphore, #tpu.memory_space<semaphore_mem>>) src(%dma_wait3A_17 : memref<64xi32, #tpu.memory_space<hbm>>) dst(%arg11 : memref<64xi32, #tpu.memory_space<vmem>>)
    %dma_wait3A_18 = tpu.memref_slice %arg3[%multiple_of3A_5] : memref<323712xi32, #tpu.memory_space<hbm>> -> memref<64xi32, #tpu.memory_space<hbm>>
    %dma_wait3A_19 = tpu.memref_slice %arg3[%multiple_of3A_5] : memref<323712xi32, #tpu.memory_space<hbm>> -> memref<64xi32, #tpu.memory_space<hbm>>
    tpu.wait_dma2 semaphore(%arg20 : memref<!tpu.dma_semaphore, #tpu.memory_space<semaphore_mem>>) src(%dma_wait3A_19 : memref<64xi32, #tpu.memory_space<hbm>>) dst(%arg12 : memref<64xi32, #tpu.memory_space<vmem>>)
    %dma_wait3A_20 = arith.constant 0 : i32
    %dma_wait3A_21 = tpu.memref_slice %arg7[%multiple_of3A_5, %dma_wait3A_20] : memref<323712x128xf32, #tpu.memory_space<hbm>> -> memref<64x128xf32, #tpu.memory_space<hbm>>
    %dma_wait3A_22 = arith.constant 0 : i32
    %dma_wait3A_23 = tpu.memref_slice %arg7[%multiple_of3A_5, %dma_wait3A_22] : memref<323712x128xf32, #tpu.memory_space<hbm>> -> memref<64x128xf32, #tpu.memory_space<hbm>>
    tpu.wait_dma2 semaphore(%arg21 : memref<!tpu.dma_semaphore, #tpu.memory_space<semaphore_mem>>) src(%dma_wait3A_23 : memref<64x128xf32, #tpu.memory_space<hbm>>) dst(%arg13 : memref<64x128xf32, #tpu.memory_space<vmem>>)
    %dma_wait3A_24 = arith.constant 0 : i32
    %dma_wait3A_25 = tpu.memref_slice %arg8[%multiple_of3A_5, %dma_wait3A_24] : memref<323712x128xf32, #tpu.memory_space<hbm>> -> memref<64x128xf32, #tpu.memory_space<hbm>>
    %dma_wait3A_26 = arith.constant 0 : i32
    %dma_wait3A_27 = tpu.memref_slice %arg8[%multiple_of3A_5, %dma_wait3A_26] : memref<323712x128xf32, #tpu.memory_space<hbm>> -> memref<64x128xf32, #tpu.memory_space<hbm>>
    tpu.wait_dma2 semaphore(%arg22 : memref<!tpu.dma_semaphore, #tpu.memory_space<semaphore_mem>>) src(%dma_wait3A_27 : memref<64x128xf32, #tpu.memory_space<hbm>>) dst(%arg14 : memref<64x128xf32, #tpu.memory_space<vmem>>)
    %dma_start3A_28 = arith.constant 0 : i32
    %dma_start3A_29 = arith.constant 0 : i32
    %dma_start3A_30 = tpu.memref_slice %arg4[%dma_start3A_28, %dma_start3A_29] : memref<10000x128xf32, #tpu.memory_space<hbm>> -> memref<10000x128xf32, #tpu.memory_space<hbm>>
    tpu.enqueue_indirect_dma source(%dma_start3A_30 : memref<10000x128xf32, #tpu.memory_space<hbm>>) target(%arg13 : memref<64x128xf32, #tpu.memory_space<vmem>>) offsets(%arg11 : memref<64xi32, #tpu.memory_space<vmem>>) semaphore(%arg19 : memref<!tpu.dma_semaphore, #tpu.memory_space<semaphore_mem>>) {add = true}
    %dma_start3A_31 = arith.constant 0 : i32
    %dma_start3A_32 = arith.constant 0 : i32
    %dma_start3A_33 = tpu.memref_slice %arg5[%dma_start3A_31, %dma_start3A_32] : memref<10000x128xf32, #tpu.memory_space<hbm>> -> memref<10000x128xf32, #tpu.memory_space<hbm>>
    tpu.enqueue_indirect_dma source(%dma_start3A_33 : memref<10000x128xf32, #tpu.memory_space<hbm>>) target(%arg13 : memref<64x128xf32, #tpu.memory_space<vmem>>) offsets(%arg12 : memref<64xi32, #tpu.memory_space<vmem>>) semaphore(%arg20 : memref<!tpu.dma_semaphore, #tpu.memory_space<semaphore_mem>>) {add = true}
    %dma_start3A_34 = arith.constant 0 : i32
    %dma_start3A_35 = arith.constant 0 : i32
    %dma_start3A_36 = tpu.memref_slice %arg4[%dma_start3A_34, %dma_start3A_35] : memref<10000x128xf32, #tpu.memory_space<hbm>> -> memref<10000x128xf32, #tpu.memory_space<hbm>>
    tpu.enqueue_indirect_dma source(%dma_start3A_36 : memref<10000x128xf32, #tpu.memory_space<hbm>>) target(%arg14 : memref<64x128xf32, #tpu.memory_space<vmem>>) offsets(%arg11 : memref<64xi32, #tpu.memory_space<vmem>>) semaphore(%arg21 : memref<!tpu.dma_semaphore, #tpu.memory_space<semaphore_mem>>) {add = true}
    %dma_start3A_37 = arith.constant 0 : i32
    %dma_start3A_38 = arith.constant 0 : i32
    %dma_start3A_39 = tpu.memref_slice %arg6[%dma_start3A_37, %dma_start3A_38] : memref<10000x128xf32, #tpu.memory_space<hbm>> -> memref<10000x128xf32, #tpu.memory_space<hbm>>
    tpu.enqueue_indirect_dma source(%dma_start3A_39 : memref<10000x128xf32, #tpu.memory_space<hbm>>) target(%arg14 : memref<64x128xf32, #tpu.memory_space<vmem>>) offsets(%arg12 : memref<64xi32, #tpu.memory_space<vmem>>) semaphore(%arg22 : memref<!tpu.dma_semaphore, #tpu.memory_space<semaphore_mem>>) {add = true}
    %scan3A = arith.constant 0 : i32
    %scan3A_40 = arith.constant 0 : i32
    %scan3A_41 = arith.constant 79 : i32
    %scan3A_42 = arith.addi %scan3A_40, %scan3A_41 : i32
    %scan3A_43 = arith.constant 1 : i32
    %scan3A_44 = scf.for %scan3A_58 = %scan3A_40 to %scan3A_42 step %scan3A_43 iter_args(%scan3A_59 = %scan3A) -> (i32)  : i32 {
      %mul3A_60 = arith.constant 2 : i32
      %mul3A_61 = arith.muli %mul3A_60, %scan3A_58 : i32
      %add3A_62 = arith.constant 1 : i32
      %add3A_63 = arith.addi %mul3A_61, %add3A_62 : i32
      %mul3A_64 = arith.constant 64 : i32
      %mul3A_65 = arith.muli %add3A_63, %mul3A_64 : i32
      %add3A_66 = arith.addi %multiple_of3A, %mul3A_65 : i32
      %multiple_of3A_67 = tpu.assume_multiple %add3A_66, 64 : i32
      %dma_start3A_68 = tpu.memref_slice %arg2[%multiple_of3A_67] : memref<323712xi32, #tpu.memory_space<hbm>> -> memref<64xi32, #tpu.memory_space<hbm>>
      %dma_start3A_69 = tpu.memref_slice %arg2[%multiple_of3A_67] : memref<323712xi32, #tpu.memory_space<hbm>> -> memref<64xi32, #tpu.memory_space<hbm>>
      tpu.enqueue_dma source(%dma_start3A_69 : memref<64xi32, #tpu.memory_space<hbm>>) target(%arg15 : memref<64xi32, #tpu.memory_space<vmem>>) target_semaphore(%arg23 : memref<!tpu.dma_semaphore, #tpu.memory_space<semaphore_mem>>)
      %dma_start3A_70 = tpu.memref_slice %arg3[%multiple_of3A_67] : memref<323712xi32, #tpu.memory_space<hbm>> -> memref<64xi32, #tpu.memory_space<hbm>>
      %dma_start3A_71 = tpu.memref_slice %arg3[%multiple_of3A_67] : memref<323712xi32, #tpu.memory_space<hbm>> -> memref<64xi32, #tpu.memory_space<hbm>>
      tpu.enqueue_dma source(%dma_start3A_71 : memref<64xi32, #tpu.memory_space<hbm>>) target(%arg16 : memref<64xi32, #tpu.memory_space<vmem>>) target_semaphore(%arg24 : memref<!tpu.dma_semaphore, #tpu.memory_space<semaphore_mem>>)
      %dma_start3A_72 = arith.constant 0 : i32
      %dma_start3A_73 = tpu.memref_slice %arg7[%multiple_of3A_67, %dma_start3A_72] : memref<323712x128xf32, #tpu.memory_space<hbm>> -> memref<64x128xf32, #tpu.memory_space<hbm>>
      %dma_start3A_74 = arith.constant 0 : i32
      %dma_start3A_75 = tpu.memref_slice %arg7[%multiple_of3A_67, %dma_start3A_74] : memref<323712x128xf32, #tpu.memory_space<hbm>> -> memref<64x128xf32, #tpu.memory_space<hbm>>
      tpu.enqueue_dma source(%dma_start3A_75 : memref<64x128xf32, #tpu.memory_space<hbm>>) target(%arg17 : memref<64x128xf32, #tpu.memory_space<vmem>>) target_semaphore(%arg25 : memref<!tpu.dma_semaphore, #tpu.memory_space<semaphore_mem>>)
      %dma_start3A_76 = arith.constant 0 : i32
      %dma_start3A_77 = tpu.memref_slice %arg8[%multiple_of3A_67, %dma_start3A_76] : memref<323712x128xf32, #tpu.memory_space<hbm>> -> memref<64x128xf32, #tpu.memory_space<hbm>>
      %dma_start3A_78 = arith.constant 0 : i32
      %dma_start3A_79 = tpu.memref_slice %arg8[%multiple_of3A_67, %dma_start3A_78] : memref<323712x128xf32, #tpu.memory_space<hbm>> -> memref<64x128xf32, #tpu.memory_space<hbm>>
      tpu.enqueue_dma source(%dma_start3A_79 : memref<64x128xf32, #tpu.memory_space<hbm>>) target(%arg18 : memref<64x128xf32, #tpu.memory_space<vmem>>) target_semaphore(%arg26 : memref<!tpu.dma_semaphore, #tpu.memory_space<semaphore_mem>>)
      %dma_wait3A_80 = tpu.memref_slice %arg2[%multiple_of3A_67] : memref<323712xi32, #tpu.memory_space<hbm>> -> memref<64xi32, #tpu.memory_space<hbm>>
      %dma_wait3A_81 = tpu.memref_slice %arg2[%multiple_of3A_67] : memref<323712xi32, #tpu.memory_space<hbm>> -> memref<64xi32, #tpu.memory_space<hbm>>
      tpu.wait_dma2 semaphore(%arg23 : memref<!tpu.dma_semaphore, #tpu.memory_space<semaphore_mem>>) src(%dma_wait3A_81 : memref<64xi32, #tpu.memory_space<hbm>>) dst(%arg15 : memref<64xi32, #tpu.memory_space<vmem>>)
      %dma_wait3A_82 = tpu.memref_slice %arg3[%multiple_of3A_67] : memref<323712xi32, #tpu.memory_space<hbm>> -> memref<64xi32, #tpu.memory_space<hbm>>
      %dma_wait3A_83 = tpu.memref_slice %arg3[%multiple_of3A_67] : memref<323712xi32, #tpu.memory_space<hbm>> -> memref<64xi32, #tpu.memory_space<hbm>>
      tpu.wait_dma2 semaphore(%arg24 : memref<!tpu.dma_semaphore, #tpu.memory_space<semaphore_mem>>) src(%dma_wait3A_83 : memref<64xi32, #tpu.memory_space<hbm>>) dst(%arg16 : memref<64xi32, #tpu.memory_space<vmem>>)
      %dma_wait3A_84 = arith.constant 0 : i32
      %dma_wait3A_85 = tpu.memref_slice %arg7[%multiple_of3A_67, %dma_wait3A_84] : memref<323712x128xf32, #tpu.memory_space<hbm>> -> memref<64x128xf32, #tpu.memory_space<hbm>>
      %dma_wait3A_86 = arith.constant 0 : i32
      %dma_wait3A_87 = tpu.memref_slice %arg7[%multiple_of3A_67, %dma_wait3A_86] : memref<323712x128xf32, #tpu.memory_space<hbm>> -> memref<64x128xf32, #tpu.memory_space<hbm>>
      tpu.wait_dma2 semaphore(%arg25 : memref<!tpu.dma_semaphore, #tpu.memory_space<semaphore_mem>>) src(%dma_wait3A_87 : memref<64x128xf32, #tpu.memory_space<hbm>>) dst(%arg17 : memref<64x128xf32, #tpu.memory_space<vmem>>)
      %dma_wait3A_88 = arith.constant 0 : i32
      %dma_wait3A_89 = tpu.memref_slice %arg8[%multiple_of3A_67, %dma_wait3A_88] : memref<323712x128xf32, #tpu.memory_space<hbm>> -> memref<64x128xf32, #tpu.memory_space<hbm>>
      %dma_wait3A_90 = arith.constant 0 : i32
      %dma_wait3A_91 = tpu.memref_slice %arg8[%multiple_of3A_67, %dma_wait3A_90] : memref<323712x128xf32, #tpu.memory_space<hbm>> -> memref<64x128xf32, #tpu.memory_space<hbm>>
      tpu.wait_dma2 semaphore(%arg26 : memref<!tpu.dma_semaphore, #tpu.memory_space<semaphore_mem>>) src(%dma_wait3A_91 : memref<64x128xf32, #tpu.memory_space<hbm>>) dst(%arg18 : memref<64x128xf32, #tpu.memory_space<vmem>>)
      %dma_start3A_92 = arith.constant 0 : i32
      %dma_start3A_93 = arith.constant 0 : i32
      %dma_start3A_94 = tpu.memref_slice %arg4[%dma_start3A_92, %dma_start3A_93] : memref<10000x128xf32, #tpu.memory_space<hbm>> -> memref<10000x128xf32, #tpu.memory_space<hbm>>
      tpu.enqueue_indirect_dma source(%dma_start3A_94 : memref<10000x128xf32, #tpu.memory_space<hbm>>) target(%arg17 : memref<64x128xf32, #tpu.memory_space<vmem>>) offsets(%arg15 : memref<64xi32, #tpu.memory_space<vmem>>) semaphore(%arg23 : memref<!tpu.dma_semaphore, #tpu.memory_space<semaphore_mem>>) {add = true}
      %dma_start3A_95 = arith.constant 0 : i32
      %dma_start3A_96 = arith.constant 0 : i32
      %dma_start3A_97 = tpu.memref_slice %arg5[%dma_start3A_95, %dma_start3A_96] : memref<10000x128xf32, #tpu.memory_space<hbm>> -> memref<10000x128xf32, #tpu.memory_space<hbm>>
      tpu.enqueue_indirect_dma source(%dma_start3A_97 : memref<10000x128xf32, #tpu.memory_space<hbm>>) target(%arg17 : memref<64x128xf32, #tpu.memory_space<vmem>>) offsets(%arg16 : memref<64xi32, #tpu.memory_space<vmem>>) semaphore(%arg24 : memref<!tpu.dma_semaphore, #tpu.memory_space<semaphore_mem>>) {add = true}
      %dma_start3A_98 = arith.constant 0 : i32
      %dma_start3A_99 = arith.constant 0 : i32
      %dma_start3A_100 = tpu.memref_slice %arg4[%dma_start3A_98, %dma_start3A_99] : memref<10000x128xf32, #tpu.memory_space<hbm>> -> memref<10000x128xf32, #tpu.memory_space<hbm>>
      tpu.enqueue_indirect_dma source(%dma_start3A_100 : memref<10000x128xf32, #tpu.memory_space<hbm>>) target(%arg18 : memref<64x128xf32, #tpu.memory_space<vmem>>) offsets(%arg15 : memref<64xi32, #tpu.memory_space<vmem>>) semaphore(%arg25 : memref<!tpu.dma_semaphore, #tpu.memory_space<semaphore_mem>>) {add = true}
      %dma_start3A_101 = arith.constant 0 : i32
      %dma_start3A_102 = arith.constant 0 : i32
      %dma_start3A_103 = tpu.memref_slice %arg6[%dma_start3A_101, %dma_start3A_102] : memref<10000x128xf32, #tpu.memory_space<hbm>> -> memref<10000x128xf32, #tpu.memory_space<hbm>>
      tpu.enqueue_indirect_dma source(%dma_start3A_103 : memref<10000x128xf32, #tpu.memory_space<hbm>>) target(%arg18 : memref<64x128xf32, #tpu.memory_space<vmem>>) offsets(%arg16 : memref<64xi32, #tpu.memory_space<vmem>>) semaphore(%arg26 : memref<!tpu.dma_semaphore, #tpu.memory_space<semaphore_mem>>) {add = true}
      %dma_wait3A_104 = arith.constant 0 : i32
      %dma_wait3A_105 = arith.constant 0 : i32
      %dma_wait3A_106 = tpu.memref_slice %arg4[%dma_wait3A_104, %dma_wait3A_105] : memref<10000x128xf32, #tpu.memory_space<hbm>> -> memref<10000x128xf32, #tpu.memory_space<hbm>>
      tpu.wait_indirect_dma semaphore(%arg19 : memref<!tpu.dma_semaphore, #tpu.memory_space<semaphore_mem>>) src(%dma_wait3A_106 : memref<10000x128xf32, #tpu.memory_space<hbm>>) dst(%arg13 : memref<64x128xf32, #tpu.memory_space<vmem>>)
      %dma_wait3A_107 = arith.constant 0 : i32
      %dma_wait3A_108 = arith.constant 0 : i32
      %dma_wait3A_109 = tpu.memref_slice %arg5[%dma_wait3A_107, %dma_wait3A_108] : memref<10000x128xf32, #tpu.memory_space<hbm>> -> memref<10000x128xf32, #tpu.memory_space<hbm>>
      tpu.wait_indirect_dma semaphore(%arg20 : memref<!tpu.dma_semaphore, #tpu.memory_space<semaphore_mem>>) src(%dma_wait3A_109 : memref<10000x128xf32, #tpu.memory_space<hbm>>) dst(%arg13 : memref<64x128xf32, #tpu.memory_space<vmem>>)
      %dma_wait3A_110 = arith.constant 0 : i32
      %dma_wait3A_111 = arith.constant 0 : i32
      %dma_wait3A_112 = tpu.memref_slice %arg4[%dma_wait3A_110, %dma_wait3A_111] : memref<10000x128xf32, #tpu.memory_space<hbm>> -> memref<10000x128xf32, #tpu.memory_space<hbm>>
      tpu.wait_indirect_dma semaphore(%arg21 : memref<!tpu.dma_semaphore, #tpu.memory_space<semaphore_mem>>) src(%dma_wait3A_112 : memref<10000x128xf32, #tpu.memory_space<hbm>>) dst(%arg14 : memref<64x128xf32, #tpu.memory_space<vmem>>)
      %dma_wait3A_113 = arith.constant 0 : i32
      %dma_wait3A_114 = arith.constant 0 : i32
      %dma_wait3A_115 = tpu.memref_slice %arg6[%dma_wait3A_113, %dma_wait3A_114] : memref<10000x128xf32, #tpu.memory_space<hbm>> -> memref<10000x128xf32, #tpu.memory_space<hbm>>
      tpu.wait_indirect_dma semaphore(%arg22 : memref<!tpu.dma_semaphore, #tpu.memory_space<semaphore_mem>>) src(%dma_wait3A_115 : memref<10000x128xf32, #tpu.memory_space<hbm>>) dst(%arg14 : memref<64x128xf32, #tpu.memory_space<vmem>>)
      %mul3A_116 = arith.constant 64 : i32
      %mul3A_117 = arith.muli %mul3A_61, %mul3A_116 : i32
      %add3A_118 = arith.addi %multiple_of3A, %mul3A_117 : i32
      %multiple_of3A_119 = tpu.assume_multiple %add3A_118, 64 : i32
      %dma_start3A_120 = arith.constant 0 : i32
      %dma_start3A_121 = tpu.memref_slice %arg9[%multiple_of3A_119, %dma_start3A_120] : memref<323712x128xf32, #tpu.memory_space<hbm>> -> memref<64x128xf32, #tpu.memory_space<hbm>>
      %dma_start3A_122 = arith.constant 0 : i32
      %dma_start3A_123 = tpu.memref_slice %arg9[%multiple_of3A_119, %dma_start3A_122] : memref<323712x128xf32, #tpu.memory_space<hbm>> -> memref<64x128xf32, #tpu.memory_space<hbm>>
      tpu.enqueue_dma source(%arg13 : memref<64x128xf32, #tpu.memory_space<vmem>>) target(%dma_start3A_123 : memref<64x128xf32, #tpu.memory_space<hbm>>) target_semaphore(%arg19 : memref<!tpu.dma_semaphore, #tpu.memory_space<semaphore_mem>>)
      %dma_start3A_124 = arith.constant 0 : i32
      %dma_start3A_125 = tpu.memref_slice %arg10[%multiple_of3A_119, %dma_start3A_124] : memref<323712x128xf32, #tpu.memory_space<hbm>> -> memref<64x128xf32, #tpu.memory_space<hbm>>
      %dma_start3A_126 = arith.constant 0 : i32
      %dma_start3A_127 = tpu.memref_slice %arg10[%multiple_of3A_119, %dma_start3A_126] : memref<323712x128xf32, #tpu.memory_space<hbm>> -> memref<64x128xf32, #tpu.memory_space<hbm>>
      tpu.enqueue_dma source(%arg14 : memref<64x128xf32, #tpu.memory_space<vmem>>) target(%dma_start3A_127 : memref<64x128xf32, #tpu.memory_space<hbm>>) target_semaphore(%arg20 : memref<!tpu.dma_semaphore, #tpu.memory_space<semaphore_mem>>)
      %dma_wait3A_128 = arith.constant 0 : i32
      %dma_wait3A_129 = tpu.memref_slice %arg9[%multiple_of3A_119, %dma_wait3A_128] : memref<323712x128xf32, #tpu.memory_space<hbm>> -> memref<64x128xf32, #tpu.memory_space<hbm>>
      %dma_wait3A_130 = arith.constant 0 : i32
      %dma_wait3A_131 = tpu.memref_slice %arg9[%multiple_of3A_119, %dma_wait3A_130] : memref<323712x128xf32, #tpu.memory_space<hbm>> -> memref<64x128xf32, #tpu.memory_space<hbm>>
      tpu.wait_dma2 semaphore(%arg19 : memref<!tpu.dma_semaphore, #tpu.memory_space<semaphore_mem>>) src(%arg13 : memref<64x128xf32, #tpu.memory_space<vmem>>) dst(%dma_wait3A_131 : memref<64x128xf32, #tpu.memory_space<hbm>>)
      %dma_wait3A_132 = arith.constant 0 : i32
      %dma_wait3A_133 = tpu.memref_slice %arg10[%multiple_of3A_119, %dma_wait3A_132] : memref<323712x128xf32, #tpu.memory_space<hbm>> -> memref<64x128xf32, #tpu.memory_space<hbm>>
      %dma_wait3A_134 = arith.constant 0 : i32
      %dma_wait3A_135 = tpu.memref_slice %arg10[%multiple_of3A_119, %dma_wait3A_134] : memref<323712x128xf32, #tpu.memory_space<hbm>> -> memref<64x128xf32, #tpu.memory_space<hbm>>
      tpu.wait_dma2 semaphore(%arg20 : memref<!tpu.dma_semaphore, #tpu.memory_space<semaphore_mem>>) src(%arg14 : memref<64x128xf32, #tpu.memory_space<vmem>>) dst(%dma_wait3A_135 : memref<64x128xf32, #tpu.memory_space<hbm>>)
      %add3A_136 = arith.constant 2 : i32
      %add3A_137 = arith.addi %mul3A_61, %add3A_136 : i32
      %mul3A_138 = arith.constant 64 : i32
      %mul3A_139 = arith.muli %add3A_137, %mul3A_138 : i32
      %add3A_140 = arith.addi %multiple_of3A, %mul3A_139 : i32
      %multiple_of3A_141 = tpu.assume_multiple %add3A_140, 64 : i32
      %dma_start3A_142 = tpu.memref_slice %arg2[%multiple_of3A_141] : memref<323712xi32, #tpu.memory_space<hbm>> -> memref<64xi32, #tpu.memory_space<hbm>>
      %dma_start3A_143 = tpu.memref_slice %arg2[%multiple_of3A_141] : memref<323712xi32, #tpu.memory_space<hbm>> -> memref<64xi32, #tpu.memory_space<hbm>>
      tpu.enqueue_dma source(%dma_start3A_143 : memref<64xi32, #tpu.memory_space<hbm>>) target(%arg11 : memref<64xi32, #tpu.memory_space<vmem>>) target_semaphore(%arg19 : memref<!tpu.dma_semaphore, #tpu.memory_space<semaphore_mem>>)
      %dma_start3A_144 = tpu.memref_slice %arg3[%multiple_of3A_141] : memref<323712xi32, #tpu.memory_space<hbm>> -> memref<64xi32, #tpu.memory_space<hbm>>
      %dma_start3A_145 = tpu.memref_slice %arg3[%multiple_of3A_141] : memref<323712xi32, #tpu.memory_space<hbm>> -> memref<64xi32, #tpu.memory_space<hbm>>
      tpu.enqueue_dma source(%dma_start3A_145 : memref<64xi32, #tpu.memory_space<hbm>>) target(%arg12 : memref<64xi32, #tpu.memory_space<vmem>>) target_semaphore(%arg20 : memref<!tpu.dma_semaphore, #tpu.memory_space<semaphore_mem>>)
      %dma_start3A_146 = arith.constant 0 : i32
      %dma_start3A_147 = tpu.memref_slice %arg7[%multiple_of3A_141, %dma_start3A_146] : memref<323712x128xf32, #tpu.memory_space<hbm>> -> memref<64x128xf32, #tpu.memory_space<hbm>>
      %dma_start3A_148 = arith.constant 0 : i32
      %dma_start3A_149 = tpu.memref_slice %arg7[%multiple_of3A_141, %dma_start3A_148] : memref<323712x128xf32, #tpu.memory_space<hbm>> -> memref<64x128xf32, #tpu.memory_space<hbm>>
      tpu.enqueue_dma source(%dma_start3A_149 : memref<64x128xf32, #tpu.memory_space<hbm>>) target(%arg13 : memref<64x128xf32, #tpu.memory_space<vmem>>) target_semaphore(%arg21 : memref<!tpu.dma_semaphore, #tpu.memory_space<semaphore_mem>>)
      %dma_start3A_150 = arith.constant 0 : i32
      %dma_start3A_151 = tpu.memref_slice %arg8[%multiple_of3A_141, %dma_start3A_150] : memref<323712x128xf32, #tpu.memory_space<hbm>> -> memref<64x128xf32, #tpu.memory_space<hbm>>
      %dma_start3A_152 = arith.constant 0 : i32
      %dma_start3A_153 = tpu.memref_slice %arg8[%multiple_of3A_141, %dma_start3A_152] : memref<323712x128xf32, #tpu.memory_space<hbm>> -> memref<64x128xf32, #tpu.memory_space<hbm>>
      tpu.enqueue_dma source(%dma_start3A_153 : memref<64x128xf32, #tpu.memory_space<hbm>>) target(%arg14 : memref<64x128xf32, #tpu.memory_space<vmem>>) target_semaphore(%arg22 : memref<!tpu.dma_semaphore, #tpu.memory_space<semaphore_mem>>)
      %dma_wait3A_154 = tpu.memref_slice %arg2[%multiple_of3A_141] : memref<323712xi32, #tpu.memory_space<hbm>> -> memref<64xi32, #tpu.memory_space<hbm>>
      %dma_wait3A_155 = tpu.memref_slice %arg2[%multiple_of3A_141] : memref<323712xi32, #tpu.memory_space<hbm>> -> memref<64xi32, #tpu.memory_space<hbm>>
      tpu.wait_dma2 semaphore(%arg19 : memref<!tpu.dma_semaphore, #tpu.memory_space<semaphore_mem>>) src(%dma_wait3A_155 : memref<64xi32, #tpu.memory_space<hbm>>) dst(%arg11 : memref<64xi32, #tpu.memory_space<vmem>>)
      %dma_wait3A_156 = tpu.memref_slice %arg3[%multiple_of3A_141] : memref<323712xi32, #tpu.memory_space<hbm>> -> memref<64xi32, #tpu.memory_space<hbm>>
      %dma_wait3A_157 = tpu.memref_slice %arg3[%multiple_of3A_141] : memref<323712xi32, #tpu.memory_space<hbm>> -> memref<64xi32, #tpu.memory_space<hbm>>
      tpu.wait_dma2 semaphore(%arg20 : memref<!tpu.dma_semaphore, #tpu.memory_space<semaphore_mem>>) src(%dma_wait3A_157 : memref<64xi32, #tpu.memory_space<hbm>>) dst(%arg12 : memref<64xi32, #tpu.memory_space<vmem>>)
      %dma_wait3A_158 = arith.constant 0 : i32
      %dma_wait3A_159 = tpu.memref_slice %arg7[%multiple_of3A_141, %dma_wait3A_158] : memref<323712x128xf32, #tpu.memory_space<hbm>> -> memref<64x128xf32, #tpu.memory_space<hbm>>
      %dma_wait3A_160 = arith.constant 0 : i32
      %dma_wait3A_161 = tpu.memref_slice %arg7[%multiple_of3A_141, %dma_wait3A_160] : memref<323712x128xf32, #tpu.memory_space<hbm>> -> memref<64x128xf32, #tpu.memory_space<hbm>>
      tpu.wait_dma2 semaphore(%arg21 : memref<!tpu.dma_semaphore, #tpu.memory_space<semaphore_mem>>) src(%dma_wait3A_161 : memref<64x128xf32, #tpu.memory_space<hbm>>) dst(%arg13 : memref<64x128xf32, #tpu.memory_space<vmem>>)
      %dma_wait3A_162 = arith.constant 0 : i32
      %dma_wait3A_163 = tpu.memref_slice %arg8[%multiple_of3A_141, %dma_wait3A_162] : memref<323712x128xf32, #tpu.memory_space<hbm>> -> memref<64x128xf32, #tpu.memory_space<hbm>>
      %dma_wait3A_164 = arith.constant 0 : i32
      %dma_wait3A_165 = tpu.memref_slice %arg8[%multiple_of3A_141, %dma_wait3A_164] : memref<323712x128xf32, #tpu.memory_space<hbm>> -> memref<64x128xf32, #tpu.memory_space<hbm>>
      tpu.wait_dma2 semaphore(%arg22 : memref<!tpu.dma_semaphore, #tpu.memory_space<semaphore_mem>>) src(%dma_wait3A_165 : memref<64x128xf32, #tpu.memory_space<hbm>>) dst(%arg14 : memref<64x128xf32, #tpu.memory_space<vmem>>)
      %dma_start3A_166 = arith.constant 0 : i32
      %dma_start3A_167 = arith.constant 0 : i32
      %dma_start3A_168 = tpu.memref_slice %arg4[%dma_start3A_166, %dma_start3A_167] : memref<10000x128xf32, #tpu.memory_space<hbm>> -> memref<10000x128xf32, #tpu.memory_space<hbm>>
      tpu.enqueue_indirect_dma source(%dma_start3A_168 : memref<10000x128xf32, #tpu.memory_space<hbm>>) target(%arg13 : memref<64x128xf32, #tpu.memory_space<vmem>>) offsets(%arg11 : memref<64xi32, #tpu.memory_space<vmem>>) semaphore(%arg19 : memref<!tpu.dma_semaphore, #tpu.memory_space<semaphore_mem>>) {add = true}
      %dma_start3A_169 = arith.constant 0 : i32
      %dma_start3A_170 = arith.constant 0 : i32
      %dma_start3A_171 = tpu.memref_slice %arg5[%dma_start3A_169, %dma_start3A_170] : memref<10000x128xf32, #tpu.memory_space<hbm>> -> memref<10000x128xf32, #tpu.memory_space<hbm>>
      tpu.enqueue_indirect_dma source(%dma_start3A_171 : memref<10000x128xf32, #tpu.memory_space<hbm>>) target(%arg13 : memref<64x128xf32, #tpu.memory_space<vmem>>) offsets(%arg12 : memref<64xi32, #tpu.memory_space<vmem>>) semaphore(%arg20 : memref<!tpu.dma_semaphore, #tpu.memory_space<semaphore_mem>>) {add = true}
      %dma_start3A_172 = arith.constant 0 : i32
      %dma_start3A_173 = arith.constant 0 : i32
      %dma_start3A_174 = tpu.memref_slice %arg4[%dma_start3A_172, %dma_start3A_173] : memref<10000x128xf32, #tpu.memory_space<hbm>> -> memref<10000x128xf32, #tpu.memory_space<hbm>>
      tpu.enqueue_indirect_dma source(%dma_start3A_174 : memref<10000x128xf32, #tpu.memory_space<hbm>>) target(%arg14 : memref<64x128xf32, #tpu.memory_space<vmem>>) offsets(%arg11 : memref<64xi32, #tpu.memory_space<vmem>>) semaphore(%arg21 : memref<!tpu.dma_semaphore, #tpu.memory_space<semaphore_mem>>) {add = true}
      %dma_start3A_175 = arith.constant 0 : i32
      %dma_start3A_176 = arith.constant 0 : i32
      %dma_start3A_177 = tpu.memref_slice %arg6[%dma_start3A_175, %dma_start3A_176] : memref<10000x128xf32, #tpu.memory_space<hbm>> -> memref<10000x128xf32, #tpu.memory_space<hbm>>
      tpu.enqueue_indirect_dma source(%dma_start3A_177 : memref<10000x128xf32, #tpu.memory_space<hbm>>) target(%arg14 : memref<64x128xf32, #tpu.memory_space<vmem>>) offsets(%arg12 : memref<64xi32, #tpu.memory_space<vmem>>) semaphore(%arg22 : memref<!tpu.dma_semaphore, #tpu.memory_space<semaphore_mem>>) {add = true}
      %dma_wait3A_178 = arith.constant 0 : i32
      %dma_wait3A_179 = arith.constant 0 : i32
      %dma_wait3A_180 = tpu.memref_slice %arg4[%dma_wait3A_178, %dma_wait3A_179] : memref<10000x128xf32, #tpu.memory_space<hbm>> -> memref<10000x128xf32, #tpu.memory_space<hbm>>
      tpu.wait_indirect_dma semaphore(%arg23 : memref<!tpu.dma_semaphore, #tpu.memory_space<semaphore_mem>>) src(%dma_wait3A_180 : memref<10000x128xf32, #tpu.memory_space<hbm>>) dst(%arg17 : memref<64x128xf32, #tpu.memory_space<vmem>>)
      %dma_wait3A_181 = arith.constant 0 : i32
      %dma_wait3A_182 = arith.constant 0 : i32
      %dma_wait3A_183 = tpu.memref_slice %arg5[%dma_wait3A_181, %dma_wait3A_182] : memref<10000x128xf32, #tpu.memory_space<hbm>> -> memref<10000x128xf32, #tpu.memory_space<hbm>>
      tpu.wait_indirect_dma semaphore(%arg24 : memref<!tpu.dma_semaphore, #tpu.memory_space<semaphore_mem>>) src(%dma_wait3A_183 : memref<10000x128xf32, #tpu.memory_space<hbm>>) dst(%arg17 : memref<64x128xf32, #tpu.memory_space<vmem>>)
      %dma_wait3A_184 = arith.constant 0 : i32
      %dma_wait3A_185 = arith.constant 0 : i32
      %dma_wait3A_186 = tpu.memref_slice %arg4[%dma_wait3A_184, %dma_wait3A_185] : memref<10000x128xf32, #tpu.memory_space<hbm>> -> memref<10000x128xf32, #tpu.memory_space<hbm>>
      tpu.wait_indirect_dma semaphore(%arg25 : memref<!tpu.dma_semaphore, #tpu.memory_space<semaphore_mem>>) src(%dma_wait3A_186 : memref<10000x128xf32, #tpu.memory_space<hbm>>) dst(%arg18 : memref<64x128xf32, #tpu.memory_space<vmem>>)
      %dma_wait3A_187 = arith.constant 0 : i32
      %dma_wait3A_188 = arith.constant 0 : i32
      %dma_wait3A_189 = tpu.memref_slice %arg6[%dma_wait3A_187, %dma_wait3A_188] : memref<10000x128xf32, #tpu.memory_space<hbm>> -> memref<10000x128xf32, #tpu.memory_space<hbm>>
      tpu.wait_indirect_dma semaphore(%arg26 : memref<!tpu.dma_semaphore, #tpu.memory_space<semaphore_mem>>) src(%dma_wait3A_189 : memref<10000x128xf32, #tpu.memory_space<hbm>>) dst(%arg18 : memref<64x128xf32, #tpu.memory_space<vmem>>)
      %add3A_190 = arith.constant 1 : i32
      %add3A_191 = arith.addi %mul3A_61, %add3A_190 : i32
      %mul3A_192 = arith.constant 64 : i32
      %mul3A_193 = arith.muli %add3A_191, %mul3A_192 : i32
      %add3A_194 = arith.addi %multiple_of3A, %mul3A_193 : i32
      %multiple_of3A_195 = tpu.assume_multiple %add3A_194, 64 : i32
      %dma_start3A_196 = arith.constant 0 : i32
      %dma_start3A_197 = tpu.memref_slice %arg9[%multiple_of3A_195, %dma_start3A_196] : memref<323712x128xf32, #tpu.memory_space<hbm>> -> memref<64x128xf32, #tpu.memory_space<hbm>>
      %dma_start3A_198 = arith.constant 0 : i32
      %dma_start3A_199 = tpu.memref_slice %arg9[%multiple_of3A_195, %dma_start3A_198] : memref<323712x128xf32, #tpu.memory_space<hbm>> -> memref<64x128xf32, #tpu.memory_space<hbm>>
      tpu.enqueue_dma source(%arg17 : memref<64x128xf32, #tpu.memory_space<vmem>>) target(%dma_start3A_199 : memref<64x128xf32, #tpu.memory_space<hbm>>) target_semaphore(%arg23 : memref<!tpu.dma_semaphore, #tpu.memory_space<semaphore_mem>>)
      %dma_start3A_200 = arith.constant 0 : i32
      %dma_start3A_201 = tpu.memref_slice %arg10[%multiple_of3A_195, %dma_start3A_200] : memref<323712x128xf32, #tpu.memory_space<hbm>> -> memref<64x128xf32, #tpu.memory_space<hbm>>
      %dma_start3A_202 = arith.constant 0 : i32
      %dma_start3A_203 = tpu.memref_slice %arg10[%multiple_of3A_195, %dma_start3A_202] : memref<323712x128xf32, #tpu.memory_space<hbm>> -> memref<64x128xf32, #tpu.memory_space<hbm>>
      tpu.enqueue_dma source(%arg18 : memref<64x128xf32, #tpu.memory_space<vmem>>) target(%dma_start3A_203 : memref<64x128xf32, #tpu.memory_space<hbm>>) target_semaphore(%arg24 : memref<!tpu.dma_semaphore, #tpu.memory_space<semaphore_mem>>)
      %dma_wait3A_204 = arith.constant 0 : i32
      %dma_wait3A_205 = tpu.memref_slice %arg9[%multiple_of3A_195, %dma_wait3A_204] : memref<323712x128xf32, #tpu.memory_space<hbm>> -> memref<64x128xf32, #tpu.memory_space<hbm>>
      %dma_wait3A_206 = arith.constant 0 : i32
      %dma_wait3A_207 = tpu.memref_slice %arg9[%multiple_of3A_195, %dma_wait3A_206] : memref<323712x128xf32, #tpu.memory_space<hbm>> -> memref<64x128xf32, #tpu.memory_space<hbm>>
      tpu.wait_dma2 semaphore(%arg23 : memref<!tpu.dma_semaphore, #tpu.memory_space<semaphore_mem>>) src(%arg17 : memref<64x128xf32, #tpu.memory_space<vmem>>) dst(%dma_wait3A_207 : memref<64x128xf32, #tpu.memory_space<hbm>>)
      %dma_wait3A_208 = arith.constant 0 : i32
      %dma_wait3A_209 = tpu.memref_slice %arg10[%multiple_of3A_195, %dma_wait3A_208] : memref<323712x128xf32, #tpu.memory_space<hbm>> -> memref<64x128xf32, #tpu.memory_space<hbm>>
      %dma_wait3A_210 = arith.constant 0 : i32
      %dma_wait3A_211 = tpu.memref_slice %arg10[%multiple_of3A_195, %dma_wait3A_210] : memref<323712x128xf32, #tpu.memory_space<hbm>> -> memref<64x128xf32, #tpu.memory_space<hbm>>
      tpu.wait_dma2 semaphore(%arg24 : memref<!tpu.dma_semaphore, #tpu.memory_space<semaphore_mem>>) src(%arg18 : memref<64x128xf32, #tpu.memory_space<vmem>>) dst(%dma_wait3A_211 : memref<64x128xf32, #tpu.memory_space<hbm>>)
      %scan3A_212 = arith.constant 0 : i32
      scf.yield %scan3A_212 : i32
    }
    %scan3A_45 = arith.constant 79 : i32
    %dma_wait3A_46 = arith.constant 0 : i32
    %dma_wait3A_47 = arith.constant 0 : i32
    %dma_wait3A_48 = tpu.memref_slice %arg4[%dma_wait3A_46, %dma_wait3A_47] : memref<10000x128xf32, #tpu.memory_space<hbm>> -> memref<10000x128xf32, #tpu.memory_space<hbm>>
    tpu.wait_indirect_dma semaphore(%arg19 : memref<!tpu.dma_semaphore, #tpu.memory_space<semaphore_mem>>) src(%dma_wait3A_48 : memref<10000x128xf32, #tpu.memory_space<hbm>>) dst(%arg13 : memref<64x128xf32, #tpu.memory_space<vmem>>)
    %dma_wait3A_49 = arith.constant 0 : i32
    %dma_wait3A_50 = arith.constant 0 : i32
    %dma_wait3A_51 = tpu.memref_slice %arg5[%dma_wait3A_49, %dma_wait3A_50] : memref<10000x128xf32, #tpu.memory_space<hbm>> -> memref<10000x128xf32, #tpu.memory_space<hbm>>
    tpu.wait_indirect_dma semaphore(%arg20 : memref<!tpu.dma_semaphore, #tpu.memory_space<semaphore_mem>>) src(%dma_wait3A_51 : memref<10000x128xf32, #tpu.memory_space<hbm>>) dst(%arg13 : memref<64x128xf32, #tpu.memory_space<vmem>>)
    %dma_wait3A_52 = arith.constant 0 : i32
    %dma_wait3A_53 = arith.constant 0 : i32
    %dma_wait3A_54 = tpu.memref_slice %arg4[%dma_wait3A_52, %dma_wait3A_53] : memref<10000x128xf32, #tpu.memory_space<hbm>> -> memref<10000x128xf32, #tpu.memory_space<hbm>>
    tpu.wait_indirect_dma semaphore(%arg21 : memref<!tpu.dma_semaphore, #tpu.memory_space<semaphore_mem>>) src(%dma_wait3A_54 : memref<10000x128xf32, #tpu.memory_space<hbm>>) dst(%arg14 : memref<64x128xf32, #tpu.memory_space<vmem>>)
    %dma_wait3A_55 = arith.constant 0 : i32
    %dma_wait3A_56 = arith.constant 0 : i32
    %dma_wait3A_57 = tpu.memref_slice %arg6[%dma_wait3A_55, %dma_wait3A_56] : memref<10000x128xf32, #tpu.memory_space<hbm>> -> memref<10000x128xf32, #tpu.memory_space<hbm>>
    tpu.wait_indirect_dma semaphore(%arg22 : memref<!tpu.dma_semaphore, #tpu.memory_space<semaphore_mem>>) src(%dma_wait3A_57 : memref<10000x128xf32, #tpu.memory_space<hbm>>) dst(%arg14 : memref<64x128xf32, #tpu.memory_space<vmem>>)
    return
  }
}

#map = affine_map<(d0, d1) -> (0)>
#map1 = affine_map<(d0, d1) -> (0, 0)>
module attributes {stable_mosaic.version = 14 : i64} {
  func.func @body(%arg0: i32, %arg1: i32, %arg2: memref<643200xi32, #tpu.memory_space<hbm>>, %arg3: memref<643200xi32, #tpu.memory_space<hbm>>, %arg4: memref<643200xi32, #tpu.memory_space<hbm>>, %arg5: memref<20480x128xf32, #tpu.memory_space<hbm>>, %arg6: memref<20480x128xf32, #tpu.memory_space<hbm>>, %arg7: memref<20480x128xf32, #tpu.memory_space<hbm>>, %arg8: memref<80400x128xf32, #tpu.memory_space<hbm>>, %arg9: memref<61440x128xf32, #tpu.memory_space<hbm>>, %arg10: memref<64xi32, #tpu.memory_space<vmem>>, %arg11: memref<64xi32, #tpu.memory_space<vmem>>, %arg12: memref<64xi32, #tpu.memory_space<vmem>>, %arg13: memref<64x128xf32, #tpu.memory_space<vmem>>, %arg14: memref<64x128xf32, #tpu.memory_space<vmem>>, %arg15: memref<8x128xf32, #tpu.memory_space<vmem>>, %arg16: memref<64x128xf32, #tpu.memory_space<vmem>>, %arg17: memref<10240x128xf32, #tpu.memory_space<vmem_shared>>, %arg18: memref<64xi32, #tpu.memory_space<vmem>>, %arg19: memref<64xi32, #tpu.memory_space<vmem>>, %arg20: memref<64xi32, #tpu.memory_space<vmem>>, %arg21: memref<64x128xf32, #tpu.memory_space<vmem>>, %arg22: memref<64x128xf32, #tpu.memory_space<vmem>>, %arg23: memref<8x128xf32, #tpu.memory_space<vmem>>, %arg24: memref<!tpu.dma_semaphore, #tpu.memory_space<semaphore_mem>>, %arg25: memref<!tpu.dma_semaphore, #tpu.memory_space<semaphore_mem>>, %arg26: memref<!tpu.dma_semaphore, #tpu.memory_space<semaphore_mem>>, %arg27: memref<!tpu.dma_semaphore, #tpu.memory_space<semaphore_mem>>, %arg28: memref<!tpu.dma_semaphore, #tpu.memory_space<semaphore_mem>>, %arg29: memref<!tpu.dma_semaphore, #tpu.memory_space<semaphore_mem>>, %arg30: memref<!tpu.dma_semaphore, #tpu.memory_space<semaphore_mem>>) attributes {dimension_semantics = [#tpu.dimension_semantics<core_parallel>, #tpu.dimension_semantics<subcore_parallel>], iteration_bounds = array<i64: 2, 16>, scalar_prefetch = 0 : i64, scratch_operands = 21 : i64, tpu.core_type = #tpu.core_type<sc_vector_subcore>, window_params = [{transform_indices = #map}, {transform_indices = #map}, {transform_indices = #map}, {transform_indices = #map1}, {transform_indices = #map1}, {transform_indices = #map1}, {transform_indices = #map1}, {transform_indices = #map1}]} {
    %scan3A = arith.constant 0 : i32
    %scan3A_0 = arith.constant 0 : i32
    %scan3A_1 = arith.constant 2 : i32
    %scan3A_2 = arith.addi %scan3A_0, %scan3A_1 : i32
    %scan3A_3 = arith.constant 1 : i32
    scf.for %scan3A_135 = %scan3A_0 to %scan3A_2 step %scan3A_3  : i32 {
      %scan3A_136 = arith.constant 0 : i32
      %scan3A_137 = arith.constant 0 : i32
      %scan3A_138 = arith.constant 64 : i32
      %scan3A_139 = arith.addi %scan3A_137, %scan3A_138 : i32
      %scan3A_140 = arith.constant 1 : i32
      %scan3A_141 = scf.for %scan3A_226 = %scan3A_137 to %scan3A_139 step %scan3A_140 iter_args(%scan3A_227 = %scan3A_136) -> (i32)  : i32 {
        %broadcast_in_dim3A = arith.constant 0.000000e+00 : f32
        %broadcast_in_dim3A_228 = vector.broadcast %broadcast_in_dim3A : f32 to vector<16xf32>
        %swap3A = arith.index_cast %scan3A_226 : i32 to index
        %swap3A_229 = arith.constant 0 : index
        %swap3A_230 = tpu.vector_load %arg16[%swap3A, %swap3A_229] {strides = array<i32>} : memref<64x128xf32, #tpu.memory_space<vmem>>, vector<1x16xf32>,
        %swap3A_231 = vector.shape_cast %swap3A_230 : vector<1x16xf32> to vector<16xf32>
        %swap3A_232 = vector.shape_cast %broadcast_in_dim3A_228 : vector<16xf32> to vector<1x16xf32>
        tpu.vector_store %arg16[%swap3A, %swap3A_229], %swap3A_232 {strides = array<i32>} : memref<64x128xf32, #tpu.memory_space<vmem>>, vector<1x16xf32>,
        %broadcast_in_dim3A_233 = arith.constant 0.000000e+00 : f32
        %broadcast_in_dim3A_234 = vector.broadcast %broadcast_in_dim3A_233 : f32 to vector<16xf32>
        %swap3A_235 = arith.index_cast %scan3A_226 : i32 to index
        %swap3A_236 = arith.constant 16 : index
        %swap3A_237 = tpu.vector_load %arg16[%swap3A_235, %swap3A_236] {strides = array<i32>} : memref<64x128xf32, #tpu.memory_space<vmem>>, vector<1x16xf32>,
        %swap3A_238 = vector.shape_cast %swap3A_237 : vector<1x16xf32> to vector<16xf32>
        %swap3A_239 = vector.shape_cast %broadcast_in_dim3A_234 : vector<16xf32> to vector<1x16xf32>
        tpu.vector_store %arg16[%swap3A_235, %swap3A_236], %swap3A_239 {strides = array<i32>} : memref<64x128xf32, #tpu.memory_space<vmem>>, vector<1x16xf32>,
        %broadcast_in_dim3A_240 = arith.constant 0.000000e+00 : f32
        %broadcast_in_dim3A_241 = vector.broadcast %broadcast_in_dim3A_240 : f32 to vector<16xf32>
        %swap3A_242 = arith.index_cast %scan3A_226 : i32 to index
        %swap3A_243 = arith.constant 32 : index
        %swap3A_244 = tpu.vector_load %arg16[%swap3A_242, %swap3A_243] {strides = array<i32>} : memref<64x128xf32, #tpu.memory_space<vmem>>, vector<1x16xf32>,
        %swap3A_245 = vector.shape_cast %swap3A_244 : vector<1x16xf32> to vector<16xf32>
        %swap3A_246 = vector.shape_cast %broadcast_in_dim3A_241 : vector<16xf32> to vector<1x16xf32>
        tpu.vector_store %arg16[%swap3A_242, %swap3A_243], %swap3A_246 {strides = array<i32>} : memref<64x128xf32, #tpu.memory_space<vmem>>, vector<1x16xf32>,
        %broadcast_in_dim3A_247 = arith.constant 0.000000e+00 : f32
        %broadcast_in_dim3A_248 = vector.broadcast %broadcast_in_dim3A_247 : f32 to vector<16xf32>
        %swap3A_249 = arith.index_cast %scan3A_226 : i32 to index
        %swap3A_250 = arith.constant 48 : index
        %swap3A_251 = tpu.vector_load %arg16[%swap3A_249, %swap3A_250] {strides = array<i32>} : memref<64x128xf32, #tpu.memory_space<vmem>>, vector<1x16xf32>,
        %swap3A_252 = vector.shape_cast %swap3A_251 : vector<1x16xf32> to vector<16xf32>
        %swap3A_253 = vector.shape_cast %broadcast_in_dim3A_248 : vector<16xf32> to vector<1x16xf32>
        tpu.vector_store %arg16[%swap3A_249, %swap3A_250], %swap3A_253 {strides = array<i32>} : memref<64x128xf32, #tpu.memory_space<vmem>>, vector<1x16xf32>,
        %broadcast_in_dim3A_254 = arith.constant 0.000000e+00 : f32
        %broadcast_in_dim3A_255 = vector.broadcast %broadcast_in_dim3A_254 : f32 to vector<16xf32>
        %swap3A_256 = arith.index_cast %scan3A_226 : i32 to index
        %swap3A_257 = arith.constant 64 : index
        %swap3A_258 = tpu.vector_load %arg16[%swap3A_256, %swap3A_257] {strides = array<i32>} : memref<64x128xf32, #tpu.memory_space<vmem>>, vector<1x16xf32>,
        %swap3A_259 = vector.shape_cast %swap3A_258 : vector<1x16xf32> to vector<16xf32>
        %swap3A_260 = vector.shape_cast %broadcast_in_dim3A_255 : vector<16xf32> to vector<1x16xf32>
        tpu.vector_store %arg16[%swap3A_256, %swap3A_257], %swap3A_260 {strides = array<i32>} : memref<64x128xf32, #tpu.memory_space<vmem>>, vector<1x16xf32>,
        %broadcast_in_dim3A_261 = arith.constant 0.000000e+00 : f32
        %broadcast_in_dim3A_262 = vector.broadcast %broadcast_in_dim3A_261 : f32 to vector<16xf32>
        %swap3A_263 = arith.index_cast %scan3A_226 : i32 to index
        %swap3A_264 = arith.constant 80 : index
        %swap3A_265 = tpu.vector_load %arg16[%swap3A_263, %swap3A_264] {strides = array<i32>} : memref<64x128xf32, #tpu.memory_space<vmem>>, vector<1x16xf32>,
        %swap3A_266 = vector.shape_cast %swap3A_265 : vector<1x16xf32> to vector<16xf32>
        %swap3A_267 = vector.shape_cast %broadcast_in_dim3A_262 : vector<16xf32> to vector<1x16xf32>
        tpu.vector_store %arg16[%swap3A_263, %swap3A_264], %swap3A_267 {strides = array<i32>} : memref<64x128xf32, #tpu.memory_space<vmem>>, vector<1x16xf32>,
        %broadcast_in_dim3A_268 = arith.constant 0.000000e+00 : f32
        %broadcast_in_dim3A_269 = vector.broadcast %broadcast_in_dim3A_268 : f32 to vector<16xf32>
        %swap3A_270 = arith.index_cast %scan3A_226 : i32 to index
        %swap3A_271 = arith.constant 96 : index
        %swap3A_272 = tpu.vector_load %arg16[%swap3A_270, %swap3A_271] {strides = array<i32>} : memref<64x128xf32, #tpu.memory_space<vmem>>, vector<1x16xf32>,
        %swap3A_273 = vector.shape_cast %swap3A_272 : vector<1x16xf32> to vector<16xf32>
        %swap3A_274 = vector.shape_cast %broadcast_in_dim3A_269 : vector<16xf32> to vector<1x16xf32>
        tpu.vector_store %arg16[%swap3A_270, %swap3A_271], %swap3A_274 {strides = array<i32>} : memref<64x128xf32, #tpu.memory_space<vmem>>, vector<1x16xf32>,
        %broadcast_in_dim3A_275 = arith.constant 0.000000e+00 : f32
        %broadcast_in_dim3A_276 = vector.broadcast %broadcast_in_dim3A_275 : f32 to vector<16xf32>
        %swap3A_277 = arith.index_cast %scan3A_226 : i32 to index
        %swap3A_278 = arith.constant 112 : index
        %swap3A_279 = tpu.vector_load %arg16[%swap3A_277, %swap3A_278] {strides = array<i32>} : memref<64x128xf32, #tpu.memory_space<vmem>>, vector<1x16xf32>,
        %swap3A_280 = vector.shape_cast %swap3A_279 : vector<1x16xf32> to vector<16xf32>
        %swap3A_281 = vector.shape_cast %broadcast_in_dim3A_276 : vector<16xf32> to vector<1x16xf32>
        tpu.vector_store %arg16[%swap3A_277, %swap3A_278], %swap3A_281 {strides = array<i32>} : memref<64x128xf32, #tpu.memory_space<vmem>>, vector<1x16xf32>,
        %scan3A_282 = arith.constant 0 : i32
        scf.yield %scan3A_282 : i32
      }
      %scan3A_142 = arith.constant 64 : i32
      %scan3A_143 = arith.constant 0 : i32
      %scan3A_144 = arith.constant 0 : i32
      %scan3A_145 = arith.constant 10 : i32
      %scan3A_146 = arith.addi %scan3A_144, %scan3A_145 : i32
      %scan3A_147 = arith.constant 1 : i32
      %scan3A_148 = scf.for %scan3A_226 = %scan3A_144 to %scan3A_146 step %scan3A_147 iter_args(%scan3A_227 = %scan3A_143) -> (i32)  : i32 {
        %mul3A_228 = arith.constant 640 : i32
        %mul3A_229 = arith.muli %arg1, %mul3A_228 : i32
        %mul3A_230 = arith.constant 64 : i32
        %mul3A_231 = arith.muli %scan3A_226, %mul3A_230 : i32
        %add3A_232 = arith.addi %mul3A_229, %mul3A_231 : i32
        %multiple_of3A_233 = tpu.assume_multiple %add3A_232, 64 : i32
        "tpu.region"() ({
          %run_scoped3A = tpu.sem_alloc : memref<!tpu.dma_semaphore, #tpu.memory_space<semaphore_mem>>
          %dma_start3A_235 = arith.constant 0 : i32
          %dma_start3A_236 = tpu.memref_slice %arg17[%multiple_of3A_233, %dma_start3A_235] : memref<10240x128xf32, #tpu.memory_space<vmem_shared>> -> memref<64x128xf32, #tpu.memory_space<vmem_shared>>
          %dma_start3A_237 = arith.constant 0 : i32
          %dma_start3A_238 = tpu.memref_slice %arg17[%multiple_of3A_233, %dma_start3A_237] : memref<10240x128xf32, #tpu.memory_space<vmem_shared>> -> memref<64x128xf32, #tpu.memory_space<vmem_shared>>
          tpu.enqueue_dma source(%arg16 : memref<64x128xf32, #tpu.memory_space<vmem>>) target(%dma_start3A_238 : memref<64x128xf32, #tpu.memory_space<vmem_shared>>) target_semaphore(%run_scoped3A : memref<!tpu.dma_semaphore, #tpu.memory_space<semaphore_mem>>)
          %dma_wait3A_239 = arith.constant 0 : i32
          %dma_wait3A_240 = tpu.memref_slice %arg17[%multiple_of3A_233, %dma_wait3A_239] : memref<10240x128xf32, #tpu.memory_space<vmem_shared>> -> memref<64x128xf32, #tpu.memory_space<vmem_shared>>
          %dma_wait3A_241 = arith.constant 0 : i32
          %dma_wait3A_242 = tpu.memref_slice %arg17[%multiple_of3A_233, %dma_wait3A_241] : memref<10240x128xf32, #tpu.memory_space<vmem_shared>> -> memref<64x128xf32, #tpu.memory_space<vmem_shared>>
          tpu.wait_dma2 semaphore(%run_scoped3A : memref<!tpu.dma_semaphore, #tpu.memory_space<semaphore_mem>>) src(%arg16 : memref<64x128xf32, #tpu.memory_space<vmem>>) dst(%dma_wait3A_242 : memref<64x128xf32, #tpu.memory_space<vmem_shared>>)
          tpu.yield
        }) : () -> ()
        %scan3A_234 = arith.constant 0 : i32
        scf.yield %scan3A_234 : i32
      }
      %scan3A_149 = arith.constant 10 : i32
      %barrier3A_150 = arith.constant 0 : index
      tpu.barrier barrier_id(%barrier3A_150)
      %mul3A_151 = arith.constant 64 : i32
      %mul3A_152 = arith.muli %scan3A_135, %mul3A_151 : i32
      %multiple_of3A_153 = tpu.assume_multiple %mul3A_152, 64 : i32
      %mul3A_154 = arith.constant 321536 : i32
      %mul3A_155 = arith.muli %arg0, %mul3A_154 : i32
      %mul3A_156 = arith.constant 20096 : i32
      %mul3A_157 = arith.muli %arg1, %mul3A_156 : i32
      %add3A_158 = arith.addi %mul3A_155, %mul3A_157 : i32
      %multiple_of3A_159 = tpu.assume_multiple %add3A_158, 64 : i32
      %add3A_160 = arith.constant 0 : i32
      %add3A_161 = arith.addi %multiple_of3A_159, %add3A_160 : i32
      %multiple_of3A_162 = tpu.assume_multiple %add3A_161, 64 : i32
      %dma_start3A_163 = tpu.memref_slice %arg2[%multiple_of3A_162] : memref<643200xi32, #tpu.memory_space<hbm>> -> memref<64xi32, #tpu.memory_space<hbm>>
      %dma_start3A_164 = tpu.memref_slice %arg2[%multiple_of3A_162] : memref<643200xi32, #tpu.memory_space<hbm>> -> memref<64xi32, #tpu.memory_space<hbm>>
      tpu.enqueue_dma source(%dma_start3A_164 : memref<64xi32, #tpu.memory_space<hbm>>) target(%arg10 : memref<64xi32, #tpu.memory_space<vmem>>) target_semaphore(%arg26 : memref<!tpu.dma_semaphore, #tpu.memory_space<semaphore_mem>>)
      %dma_start3A_165 = tpu.memref_slice %arg3[%multiple_of3A_162] : memref<643200xi32, #tpu.memory_space<hbm>> -> memref<64xi32, #tpu.memory_space<hbm>>
      %dma_start3A_166 = tpu.memref_slice %arg3[%multiple_of3A_162] : memref<643200xi32, #tpu.memory_space<hbm>> -> memref<64xi32, #tpu.memory_space<hbm>>
      tpu.enqueue_dma source(%dma_start3A_166 : memref<64xi32, #tpu.memory_space<hbm>>) target(%arg11 : memref<64xi32, #tpu.memory_space<vmem>>) target_semaphore(%arg27 : memref<!tpu.dma_semaphore, #tpu.memory_space<semaphore_mem>>)
      %dma_start3A_167 = tpu.memref_slice %arg4[%multiple_of3A_162] : memref<643200xi32, #tpu.memory_space<hbm>> -> memref<64xi32, #tpu.memory_space<hbm>>
      %dma_start3A_168 = tpu.memref_slice %arg4[%multiple_of3A_162] : memref<643200xi32, #tpu.memory_space<hbm>> -> memref<64xi32, #tpu.memory_space<hbm>>
      tpu.enqueue_dma source(%dma_start3A_168 : memref<64xi32, #tpu.memory_space<hbm>>) target(%arg12 : memref<64xi32, #tpu.memory_space<vmem>>) target_semaphore(%arg28 : memref<!tpu.dma_semaphore, #tpu.memory_space<semaphore_mem>>)
      %dma_wait3A_169 = tpu.memref_slice %arg2[%multiple_of3A_162] : memref<643200xi32, #tpu.memory_space<hbm>> -> memref<64xi32, #tpu.memory_space<hbm>>
      %dma_wait3A_170 = tpu.memref_slice %arg2[%multiple_of3A_162] : memref<643200xi32, #tpu.memory_space<hbm>> -> memref<64xi32, #tpu.memory_space<hbm>>
      tpu.wait_dma2 semaphore(%arg26 : memref<!tpu.dma_semaphore, #tpu.memory_space<semaphore_mem>>) src(%dma_wait3A_170 : memref<64xi32, #tpu.memory_space<hbm>>) dst(%arg10 : memref<64xi32, #tpu.memory_space<vmem>>)
      %dma_wait3A_171 = tpu.memref_slice %arg3[%multiple_of3A_162] : memref<643200xi32, #tpu.memory_space<hbm>> -> memref<64xi32, #tpu.memory_space<hbm>>
      %dma_wait3A_172 = tpu.memref_slice %arg3[%multiple_of3A_162] : memref<643200xi32, #tpu.memory_space<hbm>> -> memref<64xi32, #tpu.memory_space<hbm>>
      tpu.wait_dma2 semaphore(%arg27 : memref<!tpu.dma_semaphore, #tpu.memory_space<semaphore_mem>>) src(%dma_wait3A_172 : memref<64xi32, #tpu.memory_space<hbm>>) dst(%arg11 : memref<64xi32, #tpu.memory_space<vmem>>)
      %dma_wait3A_173 = tpu.memref_slice %arg4[%multiple_of3A_162] : memref<643200xi32, #tpu.memory_space<hbm>> -> memref<64xi32, #tpu.memory_space<hbm>>
      %dma_wait3A_174 = tpu.memref_slice %arg4[%multiple_of3A_162] : memref<643200xi32, #tpu.memory_space<hbm>> -> memref<64xi32, #tpu.memory_space<hbm>>
      tpu.wait_dma2 semaphore(%arg28 : memref<!tpu.dma_semaphore, #tpu.memory_space<semaphore_mem>>) src(%dma_wait3A_174 : memref<64xi32, #tpu.memory_space<hbm>>) dst(%arg12 : memref<64xi32, #tpu.memory_space<vmem>>)
      %dma_start3A_175 = arith.constant 0 : i32
      %dma_start3A_176 = arith.constant 0 : i32
      %dma_start3A_177 = tpu.memref_slice %arg5[%dma_start3A_175, %dma_start3A_176] : memref<20480x128xf32, #tpu.memory_space<hbm>> -> memref<20480x128xf32, #tpu.memory_space<hbm>>
      tpu.enqueue_indirect_dma source(%dma_start3A_177 : memref<20480x128xf32, #tpu.memory_space<hbm>>) target(%arg13 : memref<64x128xf32, #tpu.memory_space<vmem>>) offsets(%arg10 : memref<64xi32, #tpu.memory_space<vmem>>) semaphore(%arg24 : memref<!tpu.dma_semaphore, #tpu.memory_space<semaphore_mem>>)
      %dma_start3A_178 = arith.constant 0 : i32
      %dma_start3A_179 = arith.constant 0 : i32
      %dma_start3A_180 = tpu.memref_slice %arg7[%dma_start3A_178, %dma_start3A_179] : memref<20480x128xf32, #tpu.memory_space<hbm>> -> memref<20480x128xf32, #tpu.memory_space<hbm>>
      tpu.enqueue_indirect_dma source(%dma_start3A_180 : memref<20480x128xf32, #tpu.memory_space<hbm>>) target(%arg14 : memref<64x128xf32, #tpu.memory_space<vmem>>) offsets(%arg12 : memref<64xi32, #tpu.memory_space<vmem>>) semaphore(%arg25 : memref<!tpu.dma_semaphore, #tpu.memory_space<semaphore_mem>>)
      %add3A_181 = arith.constant 64 : i32
      %add3A_182 = arith.addi %multiple_of3A_159, %add3A_181 : i32
      %multiple_of3A_183 = tpu.assume_multiple %add3A_182, 64 : i32
      %dma_start3A_184 = tpu.memref_slice %arg2[%multiple_of3A_183] : memref<643200xi32, #tpu.memory_space<hbm>> -> memref<64xi32, #tpu.memory_space<hbm>>
      %dma_start3A_185 = tpu.memref_slice %arg2[%multiple_of3A_183] : memref<643200xi32, #tpu.memory_space<hbm>> -> memref<64xi32, #tpu.memory_space<hbm>>
      tpu.enqueue_dma source(%dma_start3A_185 : memref<64xi32, #tpu.memory_space<hbm>>) target(%arg18 : memref<64xi32, #tpu.memory_space<vmem>>) target_semaphore(%arg26 : memref<!tpu.dma_semaphore, #tpu.memory_space<semaphore_mem>>)
      %dma_start3A_186 = tpu.memref_slice %arg3[%multiple_of3A_183] : memref<643200xi32, #tpu.memory_space<hbm>> -> memref<64xi32, #tpu.memory_space<hbm>>
      %dma_start3A_187 = tpu.memref_slice %arg3[%multiple_of3A_183] : memref<643200xi32, #tpu.memory_space<hbm>> -> memref<64xi32, #tpu.memory_space<hbm>>
      tpu.enqueue_dma source(%dma_start3A_187 : memref<64xi32, #tpu.memory_space<hbm>>) target(%arg19 : memref<64xi32, #tpu.memory_space<vmem>>) target_semaphore(%arg27 : memref<!tpu.dma_semaphore, #tpu.memory_space<semaphore_mem>>)
      %dma_start3A_188 = tpu.memref_slice %arg4[%multiple_of3A_183] : memref<643200xi32, #tpu.memory_space<hbm>> -> memref<64xi32, #tpu.memory_space<hbm>>
      %dma_start3A_189 = tpu.memref_slice %arg4[%multiple_of3A_183] : memref<643200xi32, #tpu.memory_space<hbm>> -> memref<64xi32, #tpu.memory_space<hbm>>
      tpu.enqueue_dma source(%dma_start3A_189 : memref<64xi32, #tpu.memory_space<hbm>>) target(%arg20 : memref<64xi32, #tpu.memory_space<vmem>>) target_semaphore(%arg28 : memref<!tpu.dma_semaphore, #tpu.memory_space<semaphore_mem>>)
      %dma_wait3A_190 = tpu.memref_slice %arg2[%multiple_of3A_183] : memref<643200xi32, #tpu.memory_space<hbm>> -> memref<64xi32, #tpu.memory_space<hbm>>
      %dma_wait3A_191 = tpu.memref_slice %arg2[%multiple_of3A_183] : memref<643200xi32, #tpu.memory_space<hbm>> -> memref<64xi32, #tpu.memory_space<hbm>>
      tpu.wait_dma2 semaphore(%arg26 : memref<!tpu.dma_semaphore, #tpu.memory_space<semaphore_mem>>) src(%dma_wait3A_191 : memref<64xi32, #tpu.memory_space<hbm>>) dst(%arg18 : memref<64xi32, #tpu.memory_space<vmem>>)
      %dma_wait3A_192 = tpu.memref_slice %arg3[%multiple_of3A_183] : memref<643200xi32, #tpu.memory_space<hbm>> -> memref<64xi32, #tpu.memory_space<hbm>>
      %dma_wait3A_193 = tpu.memref_slice %arg3[%multiple_of3A_183] : memref<643200xi32, #tpu.memory_space<hbm>> -> memref<64xi32, #tpu.memory_space<hbm>>
      tpu.wait_dma2 semaphore(%arg27 : memref<!tpu.dma_semaphore, #tpu.memory_space<semaphore_mem>>) src(%dma_wait3A_193 : memref<64xi32, #tpu.memory_space<hbm>>) dst(%arg19 : memref<64xi32, #tpu.memory_space<vmem>>)
      %dma_wait3A_194 = tpu.memref_slice %arg4[%multiple_of3A_183] : memref<643200xi32, #tpu.memory_space<hbm>> -> memref<64xi32, #tpu.memory_space<hbm>>
      %dma_wait3A_195 = tpu.memref_slice %arg4[%multiple_of3A_183] : memref<643200xi32, #tpu.memory_space<hbm>> -> memref<64xi32, #tpu.memory_space<hbm>>
      tpu.wait_dma2 semaphore(%arg28 : memref<!tpu.dma_semaphore, #tpu.memory_space<semaphore_mem>>) src(%dma_wait3A_195 : memref<64xi32, #tpu.memory_space<hbm>>) dst(%arg20 : memref<64xi32, #tpu.memory_space<vmem>>)
      %scan3A_196 = arith.constant 0 : i32
      %scan3A_197 = arith.constant 0 : i32
      %scan3A_198 = arith.constant 157 : i32
      %scan3A_199 = arith.addi %scan3A_197, %scan3A_198 : i32
      %scan3A_200 = arith.constant 1 : i32
      %scan3A_201 = scf.for %scan3A_226 = %scan3A_197 to %scan3A_199 step %scan3A_200 iter_args(%scan3A_227 = %scan3A_196) -> (i32)  : i32 {
        %mul3A_228 = arith.constant 2 : i32
        %mul3A_229 = arith.muli %mul3A_228, %scan3A_226 : i32
        %dma_start3A_230 = arith.constant 0 : i32
        %dma_start3A_231 = arith.constant 0 : i32
        %dma_start3A_232 = tpu.memref_slice %arg5[%dma_start3A_230, %dma_start3A_231] : memref<20480x128xf32, #tpu.memory_space<hbm>> -> memref<20480x128xf32, #tpu.memory_space<hbm>>
        tpu.enqueue_indirect_dma source(%dma_start3A_232 : memref<20480x128xf32, #tpu.memory_space<hbm>>) target(%arg21 : memref<64x128xf32, #tpu.memory_space<vmem>>) offsets(%arg18 : memref<64xi32, #tpu.memory_space<vmem>>) semaphore(%arg29 : memref<!tpu.dma_semaphore, #tpu.memory_space<semaphore_mem>>)
        %dma_start3A_233 = arith.constant 0 : i32
        %dma_start3A_234 = arith.constant 0 : i32
        %dma_start3A_235 = tpu.memref_slice %arg7[%dma_start3A_233, %dma_start3A_234] : memref<20480x128xf32, #tpu.memory_space<hbm>> -> memref<20480x128xf32, #tpu.memory_space<hbm>>
        tpu.enqueue_indirect_dma source(%dma_start3A_235 : memref<20480x128xf32, #tpu.memory_space<hbm>>) target(%arg22 : memref<64x128xf32, #tpu.memory_space<vmem>>) offsets(%arg20 : memref<64xi32, #tpu.memory_space<vmem>>) semaphore(%arg30 : memref<!tpu.dma_semaphore, #tpu.memory_space<semaphore_mem>>)
        %dma_wait3A_236 = arith.constant 0 : i32
        %dma_wait3A_237 = arith.constant 0 : i32
        %dma_wait3A_238 = tpu.memref_slice %arg5[%dma_wait3A_236, %dma_wait3A_237] : memref<20480x128xf32, #tpu.memory_space<hbm>> -> memref<20480x128xf32, #tpu.memory_space<hbm>>
        tpu.wait_indirect_dma semaphore(%arg24 : memref<!tpu.dma_semaphore, #tpu.memory_space<semaphore_mem>>) src(%dma_wait3A_238 : memref<20480x128xf32, #tpu.memory_space<hbm>>) dst(%arg13 : memref<64x128xf32, #tpu.memory_space<vmem>>)
        %dma_wait3A_239 = arith.constant 0 : i32
        %dma_wait3A_240 = arith.constant 0 : i32
        %dma_wait3A_241 = tpu.memref_slice %arg7[%dma_wait3A_239, %dma_wait3A_240] : memref<20480x128xf32, #tpu.memory_space<hbm>> -> memref<20480x128xf32, #tpu.memory_space<hbm>>
        tpu.wait_indirect_dma semaphore(%arg25 : memref<!tpu.dma_semaphore, #tpu.memory_space<semaphore_mem>>) src(%dma_wait3A_241 : memref<20480x128xf32, #tpu.memory_space<hbm>>) dst(%arg14 : memref<64x128xf32, #tpu.memory_space<vmem>>)
        %parallel_loop3A = arith.constant 0 : i32
        %parallel_loop3A_242 = arith.constant 64 : i32
        %parallel_loop3A_243 = arith.constant 1 : i32
        scf.for %parallel_loop3A_296 = %parallel_loop3A to %parallel_loop3A_242 step %parallel_loop3A_243  : i32 {
          %parallel_loop3A_297 = arith.constant 0 : i32
          %parallel_loop3A_298 = arith.addi %multiple_of3A_153, %parallel_loop3A_297 : i32
          %parallel_loop3A_299 = arith.index_cast %parallel_loop3A_296 : i32 to index
          %parallel_loop3A_300 = arith.index_cast %parallel_loop3A_298 : i32 to index
          %parallel_loop3A_301 = tpu.vector_load %arg13[%parallel_loop3A_299, %parallel_loop3A_300] {strides = array<i32>} : memref<64x128xf32, #tpu.memory_space<vmem>>, vector<1x16xf32>,
          %parallel_loop3A_302 = vector.shape_cast %parallel_loop3A_301 : vector<1x16xf32> to vector<16xf32>
          %parallel_loop3A_303 = arith.constant 0 : i32
          %parallel_loop3A_304 = arith.addi %multiple_of3A_153, %parallel_loop3A_303 : i32
          %parallel_loop3A_305 = arith.index_cast %parallel_loop3A_296 : i32 to index
          %parallel_loop3A_306 = arith.index_cast %parallel_loop3A_304 : i32 to index
          %parallel_loop3A_307 = tpu.vector_load %arg14[%parallel_loop3A_305, %parallel_loop3A_306] {strides = array<i32>} : memref<64x128xf32, #tpu.memory_space<vmem>>, vector<1x16xf32>,
          %parallel_loop3A_308 = vector.shape_cast %parallel_loop3A_307 : vector<1x16xf32> to vector<16xf32>
          %parallel_loop3A_309 = arith.mulf %parallel_loop3A_302, %parallel_loop3A_308 : vector<16xf32>
          %parallel_loop3A_310 = math.exp %parallel_loop3A_309 : vector<16xf32>
          %parallel_loop3A_311 = arith.index_cast %parallel_loop3A_296 : i32 to index
          %parallel_loop3A_312 = arith.constant 0 : index
          %parallel_loop3A_313 = tpu.vector_load %arg16[%parallel_loop3A_311, %parallel_loop3A_312] {strides = array<i32>} : memref<64x128xf32, #tpu.memory_space<vmem>>, vector<1x16xf32>,
          %parallel_loop3A_314 = vector.shape_cast %parallel_loop3A_313 : vector<1x16xf32> to vector<16xf32>
          %parallel_loop3A_315 = vector.shape_cast %parallel_loop3A_310 : vector<16xf32> to vector<1x16xf32>
          tpu.vector_store %arg16[%parallel_loop3A_311, %parallel_loop3A_312], %parallel_loop3A_315 {strides = array<i32>} : memref<64x128xf32, #tpu.memory_space<vmem>>, vector<1x16xf32>,
          %parallel_loop3A_316 = arith.mulf %parallel_loop3A_308, %parallel_loop3A_310 : vector<16xf32>
          %parallel_loop3A_317 = arith.index_cast %parallel_loop3A_296 : i32 to index
          %parallel_loop3A_318 = arith.constant 64 : index
          %parallel_loop3A_319 = tpu.vector_load %arg16[%parallel_loop3A_317, %parallel_loop3A_318] {strides = array<i32>} : memref<64x128xf32, #tpu.memory_space<vmem>>, vector<1x16xf32>,
          %parallel_loop3A_320 = vector.shape_cast %parallel_loop3A_319 : vector<1x16xf32> to vector<16xf32>
          %parallel_loop3A_321 = vector.shape_cast %parallel_loop3A_316 : vector<16xf32> to vector<1x16xf32>
          tpu.vector_store %arg16[%parallel_loop3A_317, %parallel_loop3A_318], %parallel_loop3A_321 {strides = array<i32>} : memref<64x128xf32, #tpu.memory_space<vmem>>, vector<1x16xf32>,
          %parallel_loop3A_322 = arith.constant 16 : i32
          %parallel_loop3A_323 = arith.addi %multiple_of3A_153, %parallel_loop3A_322 : i32
          %parallel_loop3A_324 = arith.index_cast %parallel_loop3A_296 : i32 to index
          %parallel_loop3A_325 = arith.index_cast %parallel_loop3A_323 : i32 to index
          %parallel_loop3A_326 = tpu.vector_load %arg13[%parallel_loop3A_324, %parallel_loop3A_325] {strides = array<i32>} : memref<64x128xf32, #tpu.memory_space<vmem>>, vector<1x16xf32>,
          %parallel_loop3A_327 = vector.shape_cast %parallel_loop3A_326 : vector<1x16xf32> to vector<16xf32>
          %parallel_loop3A_328 = arith.constant 16 : i32
          %parallel_loop3A_329 = arith.addi %multiple_of3A_153, %parallel_loop3A_328 : i32
          %parallel_loop3A_330 = arith.index_cast %parallel_loop3A_296 : i32 to index
          %parallel_loop3A_331 = arith.index_cast %parallel_loop3A_329 : i32 to index
          %parallel_loop3A_332 = tpu.vector_load %arg14[%parallel_loop3A_330, %parallel_loop3A_331] {strides = array<i32>} : memref<64x128xf32, #tpu.memory_space<vmem>>, vector<1x16xf32>,
          %parallel_loop3A_333 = vector.shape_cast %parallel_loop3A_332 : vector<1x16xf32> to vector<16xf32>
          %parallel_loop3A_334 = arith.mulf %parallel_loop3A_327, %parallel_loop3A_333 : vector<16xf32>
          %parallel_loop3A_335 = math.exp %parallel_loop3A_334 : vector<16xf32>
          %parallel_loop3A_336 = arith.index_cast %parallel_loop3A_296 : i32 to index
          %parallel_loop3A_337 = arith.constant 16 : index
          %parallel_loop3A_338 = tpu.vector_load %arg16[%parallel_loop3A_336, %parallel_loop3A_337] {strides = array<i32>} : memref<64x128xf32, #tpu.memory_space<vmem>>, vector<1x16xf32>,
          %parallel_loop3A_339 = vector.shape_cast %parallel_loop3A_338 : vector<1x16xf32> to vector<16xf32>
          %parallel_loop3A_340 = vector.shape_cast %parallel_loop3A_335 : vector<16xf32> to vector<1x16xf32>
          tpu.vector_store %arg16[%parallel_loop3A_336, %parallel_loop3A_337], %parallel_loop3A_340 {strides = array<i32>} : memref<64x128xf32, #tpu.memory_space<vmem>>, vector<1x16xf32>,
          %parallel_loop3A_341 = arith.mulf %parallel_loop3A_333, %parallel_loop3A_335 : vector<16xf32>
          %parallel_loop3A_342 = arith.index_cast %parallel_loop3A_296 : i32 to index
          %parallel_loop3A_343 = arith.constant 80 : index
          %parallel_loop3A_344 = tpu.vector_load %arg16[%parallel_loop3A_342, %parallel_loop3A_343] {strides = array<i32>} : memref<64x128xf32, #tpu.memory_space<vmem>>, vector<1x16xf32>,
          %parallel_loop3A_345 = vector.shape_cast %parallel_loop3A_344 : vector<1x16xf32> to vector<16xf32>
          %parallel_loop3A_346 = vector.shape_cast %parallel_loop3A_341 : vector<16xf32> to vector<1x16xf32>
          tpu.vector_store %arg16[%parallel_loop3A_342, %parallel_loop3A_343], %parallel_loop3A_346 {strides = array<i32>} : memref<64x128xf32, #tpu.memory_space<vmem>>, vector<1x16xf32>,
          %parallel_loop3A_347 = arith.constant 32 : i32
          %parallel_loop3A_348 = arith.addi %multiple_of3A_153, %parallel_loop3A_347 : i32
          %parallel_loop3A_349 = arith.index_cast %parallel_loop3A_296 : i32 to index
          %parallel_loop3A_350 = arith.index_cast %parallel_loop3A_348 : i32 to index
          %parallel_loop3A_351 = tpu.vector_load %arg13[%parallel_loop3A_349, %parallel_loop3A_350] {strides = array<i32>} : memref<64x128xf32, #tpu.memory_space<vmem>>, vector<1x16xf32>,
          %parallel_loop3A_352 = vector.shape_cast %parallel_loop3A_351 : vector<1x16xf32> to vector<16xf32>
          %parallel_loop3A_353 = arith.constant 32 : i32
          %parallel_loop3A_354 = arith.addi %multiple_of3A_153, %parallel_loop3A_353 : i32
          %parallel_loop3A_355 = arith.index_cast %parallel_loop3A_296 : i32 to index
          %parallel_loop3A_356 = arith.index_cast %parallel_loop3A_354 : i32 to index
          %parallel_loop3A_357 = tpu.vector_load %arg14[%parallel_loop3A_355, %parallel_loop3A_356] {strides = array<i32>} : memref<64x128xf32, #tpu.memory_space<vmem>>, vector<1x16xf32>,
          %parallel_loop3A_358 = vector.shape_cast %parallel_loop3A_357 : vector<1x16xf32> to vector<16xf32>
          %parallel_loop3A_359 = arith.mulf %parallel_loop3A_352, %parallel_loop3A_358 : vector<16xf32>
          %parallel_loop3A_360 = math.exp %parallel_loop3A_359 : vector<16xf32>
          %parallel_loop3A_361 = arith.index_cast %parallel_loop3A_296 : i32 to index
          %parallel_loop3A_362 = arith.constant 32 : index
          %parallel_loop3A_363 = tpu.vector_load %arg16[%parallel_loop3A_361, %parallel_loop3A_362] {strides = array<i32>} : memref<64x128xf32, #tpu.memory_space<vmem>>, vector<1x16xf32>,
          %parallel_loop3A_364 = vector.shape_cast %parallel_loop3A_363 : vector<1x16xf32> to vector<16xf32>
          %parallel_loop3A_365 = vector.shape_cast %parallel_loop3A_360 : vector<16xf32> to vector<1x16xf32>
          tpu.vector_store %arg16[%parallel_loop3A_361, %parallel_loop3A_362], %parallel_loop3A_365 {strides = array<i32>} : memref<64x128xf32, #tpu.memory_space<vmem>>, vector<1x16xf32>,
          %parallel_loop3A_366 = arith.mulf %parallel_loop3A_358, %parallel_loop3A_360 : vector<16xf32>
          %parallel_loop3A_367 = arith.index_cast %parallel_loop3A_296 : i32 to index
          %parallel_loop3A_368 = arith.constant 96 : index
          %parallel_loop3A_369 = tpu.vector_load %arg16[%parallel_loop3A_367, %parallel_loop3A_368] {strides = array<i32>} : memref<64x128xf32, #tpu.memory_space<vmem>>, vector<1x16xf32>,
          %parallel_loop3A_370 = vector.shape_cast %parallel_loop3A_369 : vector<1x16xf32> to vector<16xf32>
          %parallel_loop3A_371 = vector.shape_cast %parallel_loop3A_366 : vector<16xf32> to vector<1x16xf32>
          tpu.vector_store %arg16[%parallel_loop3A_367, %parallel_loop3A_368], %parallel_loop3A_371 {strides = array<i32>} : memref<64x128xf32, #tpu.memory_space<vmem>>, vector<1x16xf32>,
          %parallel_loop3A_372 = arith.constant 48 : i32
          %parallel_loop3A_373 = arith.addi %multiple_of3A_153, %parallel_loop3A_372 : i32
          %parallel_loop3A_374 = arith.index_cast %parallel_loop3A_296 : i32 to index
          %parallel_loop3A_375 = arith.index_cast %parallel_loop3A_373 : i32 to index
          %parallel_loop3A_376 = tpu.vector_load %arg13[%parallel_loop3A_374, %parallel_loop3A_375] {strides = array<i32>} : memref<64x128xf32, #tpu.memory_space<vmem>>, vector<1x16xf32>,
          %parallel_loop3A_377 = vector.shape_cast %parallel_loop3A_376 : vector<1x16xf32> to vector<16xf32>
          %parallel_loop3A_378 = arith.constant 48 : i32
          %parallel_loop3A_379 = arith.addi %multiple_of3A_153, %parallel_loop3A_378 : i32
          %parallel_loop3A_380 = arith.index_cast %parallel_loop3A_296 : i32 to index
          %parallel_loop3A_381 = arith.index_cast %parallel_loop3A_379 : i32 to index
          %parallel_loop3A_382 = tpu.vector_load %arg14[%parallel_loop3A_380, %parallel_loop3A_381] {strides = array<i32>} : memref<64x128xf32, #tpu.memory_space<vmem>>, vector<1x16xf32>,
          %parallel_loop3A_383 = vector.shape_cast %parallel_loop3A_382 : vector<1x16xf32> to vector<16xf32>
          %parallel_loop3A_384 = arith.mulf %parallel_loop3A_377, %parallel_loop3A_383 : vector<16xf32>
          %parallel_loop3A_385 = math.exp %parallel_loop3A_384 : vector<16xf32>
          %parallel_loop3A_386 = arith.index_cast %parallel_loop3A_296 : i32 to index
          %parallel_loop3A_387 = arith.constant 48 : index
          %parallel_loop3A_388 = tpu.vector_load %arg16[%parallel_loop3A_386, %parallel_loop3A_387] {strides = array<i32>} : memref<64x128xf32, #tpu.memory_space<vmem>>, vector<1x16xf32>,
          %parallel_loop3A_389 = vector.shape_cast %parallel_loop3A_388 : vector<1x16xf32> to vector<16xf32>
          %parallel_loop3A_390 = vector.shape_cast %parallel_loop3A_385 : vector<16xf32> to vector<1x16xf32>
          tpu.vector_store %arg16[%parallel_loop3A_386, %parallel_loop3A_387], %parallel_loop3A_390 {strides = array<i32>} : memref<64x128xf32, #tpu.memory_space<vmem>>, vector<1x16xf32>,
          %parallel_loop3A_391 = arith.mulf %parallel_loop3A_383, %parallel_loop3A_385 : vector<16xf32>
          %parallel_loop3A_392 = arith.index_cast %parallel_loop3A_296 : i32 to index
          %parallel_loop3A_393 = arith.constant 112 : index
          %parallel_loop3A_394 = tpu.vector_load %arg16[%parallel_loop3A_392, %parallel_loop3A_393] {strides = array<i32>} : memref<64x128xf32, #tpu.memory_space<vmem>>, vector<1x16xf32>,
          %parallel_loop3A_395 = vector.shape_cast %parallel_loop3A_394 : vector<1x16xf32> to vector<16xf32>
          %parallel_loop3A_396 = vector.shape_cast %parallel_loop3A_391 : vector<16xf32> to vector<1x16xf32>
          tpu.vector_store %arg16[%parallel_loop3A_392, %parallel_loop3A_393], %parallel_loop3A_396 {strides = array<i32>} : memref<64x128xf32, #tpu.memory_space<vmem>>, vector<1x16xf32>,
        } {sc.loop_unroll_factor = 8 : i64, sc.parallel_access}
        "tpu.region"() ({
          %run_scoped3A = tpu.sem_alloc : memref<!tpu.dma_semaphore, #tpu.memory_space<semaphore_mem>>
          %dma_start3A_296 = arith.constant 0 : i32
          %dma_start3A_297 = arith.constant 0 : i32
          %dma_start3A_298 = tpu.memref_slice %arg17[%dma_start3A_296, %dma_start3A_297] : memref<10240x128xf32, #tpu.memory_space<vmem_shared>> -> memref<10240x128xf32, #tpu.memory_space<vmem_shared>>
          tpu.enqueue_indirect_dma source(%arg16 : memref<64x128xf32, #tpu.memory_space<vmem>>) target(%dma_start3A_298 : memref<10240x128xf32, #tpu.memory_space<vmem_shared>>) offsets(%arg11 : memref<64xi32, #tpu.memory_space<vmem>>) semaphore(%run_scoped3A : memref<!tpu.dma_semaphore, #tpu.memory_space<semaphore_mem>>) {add = true}
          %dma_wait3A_299 = arith.constant 0 : i32
          %dma_wait3A_300 = arith.constant 0 : i32
          %dma_wait3A_301 = tpu.memref_slice %arg17[%dma_wait3A_299, %dma_wait3A_300] : memref<10240x128xf32, #tpu.memory_space<vmem_shared>> -> memref<10240x128xf32, #tpu.memory_space<vmem_shared>>
          tpu.wait_indirect_dma semaphore(%run_scoped3A : memref<!tpu.dma_semaphore, #tpu.memory_space<semaphore_mem>>) src(%arg16 : memref<64x128xf32, #tpu.memory_space<vmem>>) dst(%dma_wait3A_301 : memref<10240x128xf32, #tpu.memory_space<vmem_shared>>)
          tpu.yield
        }) : () -> ()
        %add3A_244 = arith.constant 2 : i32
        %add3A_245 = arith.addi %mul3A_229, %add3A_244 : i32
        %mul3A_246 = arith.constant 64 : i32
        %mul3A_247 = arith.muli %add3A_245, %mul3A_246 : i32
        %add3A_248 = arith.addi %multiple_of3A_159, %mul3A_247 : i32
        %multiple_of3A_249 = tpu.assume_multiple %add3A_248, 64 : i32
        %dma_start3A_250 = tpu.memref_slice %arg2[%multiple_of3A_249] : memref<643200xi32, #tpu.memory_space<hbm>> -> memref<64xi32, #tpu.memory_space<hbm>>
        %dma_start3A_251 = tpu.memref_slice %arg2[%multiple_of3A_249] : memref<643200xi32, #tpu.memory_space<hbm>> -> memref<64xi32, #tpu.memory_space<hbm>>
        tpu.enqueue_dma source(%dma_start3A_251 : memref<64xi32, #tpu.memory_space<hbm>>) target(%arg10 : memref<64xi32, #tpu.memory_space<vmem>>) target_semaphore(%arg26 : memref<!tpu.dma_semaphore, #tpu.memory_space<semaphore_mem>>)
        %dma_start3A_252 = tpu.memref_slice %arg3[%multiple_of3A_249] : memref<643200xi32, #tpu.memory_space<hbm>> -> memref<64xi32, #tpu.memory_space<hbm>>
        %dma_start3A_253 = tpu.memref_slice %arg3[%multiple_of3A_249] : memref<643200xi32, #tpu.memory_space<hbm>> -> memref<64xi32, #tpu.memory_space<hbm>>
        tpu.enqueue_dma source(%dma_start3A_253 : memref<64xi32, #tpu.memory_space<hbm>>) target(%arg11 : memref<64xi32, #tpu.memory_space<vmem>>) target_semaphore(%arg27 : memref<!tpu.dma_semaphore, #tpu.memory_space<semaphore_mem>>)
        %dma_start3A_254 = tpu.memref_slice %arg4[%multiple_of3A_249] : memref<643200xi32, #tpu.memory_space<hbm>> -> memref<64xi32, #tpu.memory_space<hbm>>
        %dma_start3A_255 = tpu.memref_slice %arg4[%multiple_of3A_249] : memref<643200xi32, #tpu.memory_space<hbm>> -> memref<64xi32, #tpu.memory_space<hbm>>
        tpu.enqueue_dma source(%dma_start3A_255 : memref<64xi32, #tpu.memory_space<hbm>>) target(%arg12 : memref<64xi32, #tpu.memory_space<vmem>>) target_semaphore(%arg28 : memref<!tpu.dma_semaphore, #tpu.memory_space<semaphore_mem>>)
        %dma_wait3A_256 = tpu.memref_slice %arg2[%multiple_of3A_249] : memref<643200xi32, #tpu.memory_space<hbm>> -> memref<64xi32, #tpu.memory_space<hbm>>
        %dma_wait3A_257 = tpu.memref_slice %arg2[%multiple_of3A_249] : memref<643200xi32, #tpu.memory_space<hbm>> -> memref<64xi32, #tpu.memory_space<hbm>>
        tpu.wait_dma2 semaphore(%arg26 : memref<!tpu.dma_semaphore, #tpu.memory_space<semaphore_mem>>) src(%dma_wait3A_257 : memref<64xi32, #tpu.memory_space<hbm>>) dst(%arg10 : memref<64xi32, #tpu.memory_space<vmem>>)
        %dma_wait3A_258 = tpu.memref_slice %arg3[%multiple_of3A_249] : memref<643200xi32, #tpu.memory_space<hbm>> -> memref<64xi32, #tpu.memory_space<hbm>>
        %dma_wait3A_259 = tpu.memref_slice %arg3[%multiple_of3A_249] : memref<643200xi32, #tpu.memory_space<hbm>> -> memref<64xi32, #tpu.memory_space<hbm>>
        tpu.wait_dma2 semaphore(%arg27 : memref<!tpu.dma_semaphore, #tpu.memory_space<semaphore_mem>>) src(%dma_wait3A_259 : memref<64xi32, #tpu.memory_space<hbm>>) dst(%arg11 : memref<64xi32, #tpu.memory_space<vmem>>)
        %dma_wait3A_260 = tpu.memref_slice %arg4[%multiple_of3A_249] : memref<643200xi32, #tpu.memory_space<hbm>> -> memref<64xi32, #tpu.memory_space<hbm>>
        %dma_wait3A_261 = tpu.memref_slice %arg4[%multiple_of3A_249] : memref<643200xi32, #tpu.memory_space<hbm>> -> memref<64xi32, #tpu.memory_space<hbm>>
        tpu.wait_dma2 semaphore(%arg28 : memref<!tpu.dma_semaphore, #tpu.memory_space<semaphore_mem>>) src(%dma_wait3A_261 : memref<64xi32, #tpu.memory_space<hbm>>) dst(%arg12 : memref<64xi32, #tpu.memory_space<vmem>>)
        %dma_start3A_262 = arith.constant 0 : i32
        %dma_start3A_263 = arith.constant 0 : i32
        %dma_start3A_264 = tpu.memref_slice %arg5[%dma_start3A_262, %dma_start3A_263] : memref<20480x128xf32, #tpu.memory_space<hbm>> -> memref<20480x128xf32, #tpu.memory_space<hbm>>
        tpu.enqueue_indirect_dma source(%dma_start3A_264 : memref<20480x128xf32, #tpu.memory_space<hbm>>) target(%arg13 : memref<64x128xf32, #tpu.memory_space<vmem>>) offsets(%arg10 : memref<64xi32, #tpu.memory_space<vmem>>) semaphore(%arg24 : memref<!tpu.dma_semaphore, #tpu.memory_space<semaphore_mem>>)
        %dma_start3A_265 = arith.constant 0 : i32
        %dma_start3A_266 = arith.constant 0 : i32
        %dma_start3A_267 = tpu.memref_slice %arg7[%dma_start3A_265, %dma_start3A_266] : memref<20480x128xf32, #tpu.memory_space<hbm>> -> memref<20480x128xf32, #tpu.memory_space<hbm>>
        tpu.enqueue_indirect_dma source(%dma_start3A_267 : memref<20480x128xf32, #tpu.memory_space<hbm>>) target(%arg14 : memref<64x128xf32, #tpu.memory_space<vmem>>) offsets(%arg12 : memref<64xi32, #tpu.memory_space<vmem>>) semaphore(%arg25 : memref<!tpu.dma_semaphore, #tpu.memory_space<semaphore_mem>>)
        %dma_wait3A_268 = arith.constant 0 : i32
        %dma_wait3A_269 = arith.constant 0 : i32
        %dma_wait3A_270 = tpu.memref_slice %arg5[%dma_wait3A_268, %dma_wait3A_269] : memref<20480x128xf32, #tpu.memory_space<hbm>> -> memref<20480x128xf32, #tpu.memory_space<hbm>>
        tpu.wait_indirect_dma semaphore(%arg29 : memref<!tpu.dma_semaphore, #tpu.memory_space<semaphore_mem>>) src(%dma_wait3A_270 : memref<20480x128xf32, #tpu.memory_space<hbm>>) dst(%arg21 : memref<64x128xf32, #tpu.memory_space<vmem>>)
        %dma_wait3A_271 = arith.constant 0 : i32
        %dma_wait3A_272 = arith.constant 0 : i32
        %dma_wait3A_273 = tpu.memref_slice %arg7[%dma_wait3A_271, %dma_wait3A_272] : memref<20480x128xf32, #tpu.memory_space<hbm>> -> memref<20480x128xf32, #tpu.memory_space<hbm>>
        tpu.wait_indirect_dma semaphore(%arg30 : memref<!tpu.dma_semaphore, #tpu.memory_space<semaphore_mem>>) src(%dma_wait3A_273 : memref<20480x128xf32, #tpu.memory_space<hbm>>) dst(%arg22 : memref<64x128xf32, #tpu.memory_space<vmem>>)
        %parallel_loop3A_274 = arith.constant 0 : i32
        %parallel_loop3A_275 = arith.constant 64 : i32
        %parallel_loop3A_276 = arith.constant 1 : i32
        scf.for %parallel_loop3A_296 = %parallel_loop3A_274 to %parallel_loop3A_275 step %parallel_loop3A_276  : i32 {
          %parallel_loop3A_297 = arith.constant 0 : i32
          %parallel_loop3A_298 = arith.addi %multiple_of3A_153, %parallel_loop3A_297 : i32
          %parallel_loop3A_299 = arith.index_cast %parallel_loop3A_296 : i32 to index
          %parallel_loop3A_300 = arith.index_cast %parallel_loop3A_298 : i32 to index
          %parallel_loop3A_301 = tpu.vector_load %arg21[%parallel_loop3A_299, %parallel_loop3A_300] {strides = array<i32>} : memref<64x128xf32, #tpu.memory_space<vmem>>, vector<1x16xf32>,
          %parallel_loop3A_302 = vector.shape_cast %parallel_loop3A_301 : vector<1x16xf32> to vector<16xf32>
          %parallel_loop3A_303 = arith.constant 0 : i32
          %parallel_loop3A_304 = arith.addi %multiple_of3A_153, %parallel_loop3A_303 : i32
          %parallel_loop3A_305 = arith.index_cast %parallel_loop3A_296 : i32 to index
          %parallel_loop3A_306 = arith.index_cast %parallel_loop3A_304 : i32 to index
          %parallel_loop3A_307 = tpu.vector_load %arg22[%parallel_loop3A_305, %parallel_loop3A_306] {strides = array<i32>} : memref<64x128xf32, #tpu.memory_space<vmem>>, vector<1x16xf32>,
          %parallel_loop3A_308 = vector.shape_cast %parallel_loop3A_307 : vector<1x16xf32> to vector<16xf32>
          %parallel_loop3A_309 = arith.mulf %parallel_loop3A_302, %parallel_loop3A_308 : vector<16xf32>
          %parallel_loop3A_310 = math.exp %parallel_loop3A_309 : vector<16xf32>
          %parallel_loop3A_311 = arith.index_cast %parallel_loop3A_296 : i32 to index
          %parallel_loop3A_312 = arith.constant 0 : index
          %parallel_loop3A_313 = tpu.vector_load %arg16[%parallel_loop3A_311, %parallel_loop3A_312] {strides = array<i32>} : memref<64x128xf32, #tpu.memory_space<vmem>>, vector<1x16xf32>,
          %parallel_loop3A_314 = vector.shape_cast %parallel_loop3A_313 : vector<1x16xf32> to vector<16xf32>
          %parallel_loop3A_315 = vector.shape_cast %parallel_loop3A_310 : vector<16xf32> to vector<1x16xf32>
          tpu.vector_store %arg16[%parallel_loop3A_311, %parallel_loop3A_312], %parallel_loop3A_315 {strides = array<i32>} : memref<64x128xf32, #tpu.memory_space<vmem>>, vector<1x16xf32>,
          %parallel_loop3A_316 = arith.mulf %parallel_loop3A_308, %parallel_loop3A_310 : vector<16xf32>
          %parallel_loop3A_317 = arith.index_cast %parallel_loop3A_296 : i32 to index
          %parallel_loop3A_318 = arith.constant 64 : index
          %parallel_loop3A_319 = tpu.vector_load %arg16[%parallel_loop3A_317, %parallel_loop3A_318] {strides = array<i32>} : memref<64x128xf32, #tpu.memory_space<vmem>>, vector<1x16xf32>,
          %parallel_loop3A_320 = vector.shape_cast %parallel_loop3A_319 : vector<1x16xf32> to vector<16xf32>
          %parallel_loop3A_321 = vector.shape_cast %parallel_loop3A_316 : vector<16xf32> to vector<1x16xf32>
          tpu.vector_store %arg16[%parallel_loop3A_317, %parallel_loop3A_318], %parallel_loop3A_321 {strides = array<i32>} : memref<64x128xf32, #tpu.memory_space<vmem>>, vector<1x16xf32>,
          %parallel_loop3A_322 = arith.constant 16 : i32
          %parallel_loop3A_323 = arith.addi %multiple_of3A_153, %parallel_loop3A_322 : i32
          %parallel_loop3A_324 = arith.index_cast %parallel_loop3A_296 : i32 to index
          %parallel_loop3A_325 = arith.index_cast %parallel_loop3A_323 : i32 to index
          %parallel_loop3A_326 = tpu.vector_load %arg21[%parallel_loop3A_324, %parallel_loop3A_325] {strides = array<i32>} : memref<64x128xf32, #tpu.memory_space<vmem>>, vector<1x16xf32>,
          %parallel_loop3A_327 = vector.shape_cast %parallel_loop3A_326 : vector<1x16xf32> to vector<16xf32>
          %parallel_loop3A_328 = arith.constant 16 : i32
          %parallel_loop3A_329 = arith.addi %multiple_of3A_153, %parallel_loop3A_328 : i32
          %parallel_loop3A_330 = arith.index_cast %parallel_loop3A_296 : i32 to index
          %parallel_loop3A_331 = arith.index_cast %parallel_loop3A_329 : i32 to index
          %parallel_loop3A_332 = tpu.vector_load %arg22[%parallel_loop3A_330, %parallel_loop3A_331] {strides = array<i32>} : memref<64x128xf32, #tpu.memory_space<vmem>>, vector<1x16xf32>,
          %parallel_loop3A_333 = vector.shape_cast %parallel_loop3A_332 : vector<1x16xf32> to vector<16xf32>
          %parallel_loop3A_334 = arith.mulf %parallel_loop3A_327, %parallel_loop3A_333 : vector<16xf32>
          %parallel_loop3A_335 = math.exp %parallel_loop3A_334 : vector<16xf32>
          %parallel_loop3A_336 = arith.index_cast %parallel_loop3A_296 : i32 to index
          %parallel_loop3A_337 = arith.constant 16 : index
          %parallel_loop3A_338 = tpu.vector_load %arg16[%parallel_loop3A_336, %parallel_loop3A_337] {strides = array<i32>} : memref<64x128xf32, #tpu.memory_space<vmem>>, vector<1x16xf32>,
          %parallel_loop3A_339 = vector.shape_cast %parallel_loop3A_338 : vector<1x16xf32> to vector<16xf32>
          %parallel_loop3A_340 = vector.shape_cast %parallel_loop3A_335 : vector<16xf32> to vector<1x16xf32>
          tpu.vector_store %arg16[%parallel_loop3A_336, %parallel_loop3A_337], %parallel_loop3A_340 {strides = array<i32>} : memref<64x128xf32, #tpu.memory_space<vmem>>, vector<1x16xf32>,
          %parallel_loop3A_341 = arith.mulf %parallel_loop3A_333, %parallel_loop3A_335 : vector<16xf32>
          %parallel_loop3A_342 = arith.index_cast %parallel_loop3A_296 : i32 to index
          %parallel_loop3A_343 = arith.constant 80 : index
          %parallel_loop3A_344 = tpu.vector_load %arg16[%parallel_loop3A_342, %parallel_loop3A_343] {strides = array<i32>} : memref<64x128xf32, #tpu.memory_space<vmem>>, vector<1x16xf32>,
          %parallel_loop3A_345 = vector.shape_cast %parallel_loop3A_344 : vector<1x16xf32> to vector<16xf32>
          %parallel_loop3A_346 = vector.shape_cast %parallel_loop3A_341 : vector<16xf32> to vector<1x16xf32>
          tpu.vector_store %arg16[%parallel_loop3A_342, %parallel_loop3A_343], %parallel_loop3A_346 {strides = array<i32>} : memref<64x128xf32, #tpu.memory_space<vmem>>, vector<1x16xf32>,
          %parallel_loop3A_347 = arith.constant 32 : i32
          %parallel_loop3A_348 = arith.addi %multiple_of3A_153, %parallel_loop3A_347 : i32
          %parallel_loop3A_349 = arith.index_cast %parallel_loop3A_296 : i32 to index
          %parallel_loop3A_350 = arith.index_cast %parallel_loop3A_348 : i32 to index
          %parallel_loop3A_351 = tpu.vector_load %arg21[%parallel_loop3A_349, %parallel_loop3A_350] {strides = array<i32>} : memref<64x128xf32, #tpu.memory_space<vmem>>, vector<1x16xf32>,
          %parallel_loop3A_352 = vector.shape_cast %parallel_loop3A_351 : vector<1x16xf32> to vector<16xf32>
          %parallel_loop3A_353 = arith.constant 32 : i32
          %parallel_loop3A_354 = arith.addi %multiple_of3A_153, %parallel_loop3A_353 : i32
          %parallel_loop3A_355 = arith.index_cast %parallel_loop3A_296 : i32 to index
          %parallel_loop3A_356 = arith.index_cast %parallel_loop3A_354 : i32 to index
          %parallel_loop3A_357 = tpu.vector_load %arg22[%parallel_loop3A_355, %parallel_loop3A_356] {strides = array<i32>} : memref<64x128xf32, #tpu.memory_space<vmem>>, vector<1x16xf32>,
          %parallel_loop3A_358 = vector.shape_cast %parallel_loop3A_357 : vector<1x16xf32> to vector<16xf32>
          %parallel_loop3A_359 = arith.mulf %parallel_loop3A_352, %parallel_loop3A_358 : vector<16xf32>
          %parallel_loop3A_360 = math.exp %parallel_loop3A_359 : vector<16xf32>
          %parallel_loop3A_361 = arith.index_cast %parallel_loop3A_296 : i32 to index
          %parallel_loop3A_362 = arith.constant 32 : index
          %parallel_loop3A_363 = tpu.vector_load %arg16[%parallel_loop3A_361, %parallel_loop3A_362] {strides = array<i32>} : memref<64x128xf32, #tpu.memory_space<vmem>>, vector<1x16xf32>,
          %parallel_loop3A_364 = vector.shape_cast %parallel_loop3A_363 : vector<1x16xf32> to vector<16xf32>
          %parallel_loop3A_365 = vector.shape_cast %parallel_loop3A_360 : vector<16xf32> to vector<1x16xf32>
          tpu.vector_store %arg16[%parallel_loop3A_361, %parallel_loop3A_362], %parallel_loop3A_365 {strides = array<i32>} : memref<64x128xf32, #tpu.memory_space<vmem>>, vector<1x16xf32>,
          %parallel_loop3A_366 = arith.mulf %parallel_loop3A_358, %parallel_loop3A_360 : vector<16xf32>
          %parallel_loop3A_367 = arith.index_cast %parallel_loop3A_296 : i32 to index
          %parallel_loop3A_368 = arith.constant 96 : index
          %parallel_loop3A_369 = tpu.vector_load %arg16[%parallel_loop3A_367, %parallel_loop3A_368] {strides = array<i32>} : memref<64x128xf32, #tpu.memory_space<vmem>>, vector<1x16xf32>,
          %parallel_loop3A_370 = vector.shape_cast %parallel_loop3A_369 : vector<1x16xf32> to vector<16xf32>
          %parallel_loop3A_371 = vector.shape_cast %parallel_loop3A_366 : vector<16xf32> to vector<1x16xf32>
          tpu.vector_store %arg16[%parallel_loop3A_367, %parallel_loop3A_368], %parallel_loop3A_371 {strides = array<i32>} : memref<64x128xf32, #tpu.memory_space<vmem>>, vector<1x16xf32>,
          %parallel_loop3A_372 = arith.constant 48 : i32
          %parallel_loop3A_373 = arith.addi %multiple_of3A_153, %parallel_loop3A_372 : i32
          %parallel_loop3A_374 = arith.index_cast %parallel_loop3A_296 : i32 to index
          %parallel_loop3A_375 = arith.index_cast %parallel_loop3A_373 : i32 to index
          %parallel_loop3A_376 = tpu.vector_load %arg21[%parallel_loop3A_374, %parallel_loop3A_375] {strides = array<i32>} : memref<64x128xf32, #tpu.memory_space<vmem>>, vector<1x16xf32>,
          %parallel_loop3A_377 = vector.shape_cast %parallel_loop3A_376 : vector<1x16xf32> to vector<16xf32>
          %parallel_loop3A_378 = arith.constant 48 : i32
          %parallel_loop3A_379 = arith.addi %multiple_of3A_153, %parallel_loop3A_378 : i32
          %parallel_loop3A_380 = arith.index_cast %parallel_loop3A_296 : i32 to index
          %parallel_loop3A_381 = arith.index_cast %parallel_loop3A_379 : i32 to index
          %parallel_loop3A_382 = tpu.vector_load %arg22[%parallel_loop3A_380, %parallel_loop3A_381] {strides = array<i32>} : memref<64x128xf32, #tpu.memory_space<vmem>>, vector<1x16xf32>,
          %parallel_loop3A_383 = vector.shape_cast %parallel_loop3A_382 : vector<1x16xf32> to vector<16xf32>
          %parallel_loop3A_384 = arith.mulf %parallel_loop3A_377, %parallel_loop3A_383 : vector<16xf32>
          %parallel_loop3A_385 = math.exp %parallel_loop3A_384 : vector<16xf32>
          %parallel_loop3A_386 = arith.index_cast %parallel_loop3A_296 : i32 to index
          %parallel_loop3A_387 = arith.constant 48 : index
          %parallel_loop3A_388 = tpu.vector_load %arg16[%parallel_loop3A_386, %parallel_loop3A_387] {strides = array<i32>} : memref<64x128xf32, #tpu.memory_space<vmem>>, vector<1x16xf32>,
          %parallel_loop3A_389 = vector.shape_cast %parallel_loop3A_388 : vector<1x16xf32> to vector<16xf32>
          %parallel_loop3A_390 = vector.shape_cast %parallel_loop3A_385 : vector<16xf32> to vector<1x16xf32>
          tpu.vector_store %arg16[%parallel_loop3A_386, %parallel_loop3A_387], %parallel_loop3A_390 {strides = array<i32>} : memref<64x128xf32, #tpu.memory_space<vmem>>, vector<1x16xf32>,
          %parallel_loop3A_391 = arith.mulf %parallel_loop3A_383, %parallel_loop3A_385 : vector<16xf32>
          %parallel_loop3A_392 = arith.index_cast %parallel_loop3A_296 : i32 to index
          %parallel_loop3A_393 = arith.constant 112 : index
          %parallel_loop3A_394 = tpu.vector_load %arg16[%parallel_loop3A_392, %parallel_loop3A_393] {strides = array<i32>} : memref<64x128xf32, #tpu.memory_space<vmem>>, vector<1x16xf32>,
          %parallel_loop3A_395 = vector.shape_cast %parallel_loop3A_394 : vector<1x16xf32> to vector<16xf32>
          %parallel_loop3A_396 = vector.shape_cast %parallel_loop3A_391 : vector<16xf32> to vector<1x16xf32>
          tpu.vector_store %arg16[%parallel_loop3A_392, %parallel_loop3A_393], %parallel_loop3A_396 {strides = array<i32>} : memref<64x128xf32, #tpu.memory_space<vmem>>, vector<1x16xf32>,
        } {sc.loop_unroll_factor = 8 : i64, sc.parallel_access}
        "tpu.region"() ({
          %run_scoped3A = tpu.sem_alloc : memref<!tpu.dma_semaphore, #tpu.memory_space<semaphore_mem>>
          %dma_start3A_296 = arith.constant 0 : i32
          %dma_start3A_297 = arith.constant 0 : i32
          %dma_start3A_298 = tpu.memref_slice %arg17[%dma_start3A_296, %dma_start3A_297] : memref<10240x128xf32, #tpu.memory_space<vmem_shared>> -> memref<10240x128xf32, #tpu.memory_space<vmem_shared>>
          tpu.enqueue_indirect_dma source(%arg16 : memref<64x128xf32, #tpu.memory_space<vmem>>) target(%dma_start3A_298 : memref<10240x128xf32, #tpu.memory_space<vmem_shared>>) offsets(%arg19 : memref<64xi32, #tpu.memory_space<vmem>>) semaphore(%run_scoped3A : memref<!tpu.dma_semaphore, #tpu.memory_space<semaphore_mem>>) {add = true}
          %dma_wait3A_299 = arith.constant 0 : i32
          %dma_wait3A_300 = arith.constant 0 : i32
          %dma_wait3A_301 = tpu.memref_slice %arg17[%dma_wait3A_299, %dma_wait3A_300] : memref<10240x128xf32, #tpu.memory_space<vmem_shared>> -> memref<10240x128xf32, #tpu.memory_space<vmem_shared>>
          tpu.wait_indirect_dma semaphore(%run_scoped3A : memref<!tpu.dma_semaphore, #tpu.memory_space<semaphore_mem>>) src(%arg16 : memref<64x128xf32, #tpu.memory_space<vmem>>) dst(%dma_wait3A_301 : memref<10240x128xf32, #tpu.memory_space<vmem_shared>>)
          tpu.yield
        }) : () -> ()
        %add3A_277 = arith.constant 3 : i32
        %add3A_278 = arith.addi %mul3A_229, %add3A_277 : i32
        %mul3A_279 = arith.constant 64 : i32
        %mul3A_280 = arith.muli %add3A_278, %mul3A_279 : i32
        %add3A_281 = arith.addi %multiple_of3A_159, %mul3A_280 : i32
        %multiple_of3A_282 = tpu.assume_multiple %add3A_281, 64 : i32
        %dma_start3A_283 = tpu.memref_slice %arg2[%multiple_of3A_282] : memref<643200xi32, #tpu.memory_space<hbm>> -> memref<64xi32, #tpu.memory_space<hbm>>
        %dma_start3A_284 = tpu.memref_slice %arg2[%multiple_of3A_282] : memref<643200xi32, #tpu.memory_space<hbm>> -> memref<64xi32, #tpu.memory_space<hbm>>
        tpu.enqueue_dma source(%dma_start3A_284 : memref<64xi32, #tpu.memory_space<hbm>>) target(%arg18 : memref<64xi32, #tpu.memory_space<vmem>>) target_semaphore(%arg26 : memref<!tpu.dma_semaphore, #tpu.memory_space<semaphore_mem>>)
        %dma_start3A_285 = tpu.memref_slice %arg3[%multiple_of3A_282] : memref<643200xi32, #tpu.memory_space<hbm>> -> memref<64xi32, #tpu.memory_space<hbm>>
        %dma_start3A_286 = tpu.memref_slice %arg3[%multiple_of3A_282] : memref<643200xi32, #tpu.memory_space<hbm>> -> memref<64xi32, #tpu.memory_space<hbm>>
        tpu.enqueue_dma source(%dma_start3A_286 : memref<64xi32, #tpu.memory_space<hbm>>) target(%arg19 : memref<64xi32, #tpu.memory_space<vmem>>) target_semaphore(%arg27 : memref<!tpu.dma_semaphore, #tpu.memory_space<semaphore_mem>>)
        %dma_start3A_287 = tpu.memref_slice %arg4[%multiple_of3A_282] : memref<643200xi32, #tpu.memory_space<hbm>> -> memref<64xi32, #tpu.memory_space<hbm>>
        %dma_start3A_288 = tpu.memref_slice %arg4[%multiple_of3A_282] : memref<643200xi32, #tpu.memory_space<hbm>> -> memref<64xi32, #tpu.memory_space<hbm>>
        tpu.enqueue_dma source(%dma_start3A_288 : memref<64xi32, #tpu.memory_space<hbm>>) target(%arg20 : memref<64xi32, #tpu.memory_space<vmem>>) target_semaphore(%arg28 : memref<!tpu.dma_semaphore, #tpu.memory_space<semaphore_mem>>)
        %dma_wait3A_289 = tpu.memref_slice %arg2[%multiple_of3A_282] : memref<643200xi32, #tpu.memory_space<hbm>> -> memref<64xi32, #tpu.memory_space<hbm>>
        %dma_wait3A_290 = tpu.memref_slice %arg2[%multiple_of3A_282] : memref<643200xi32, #tpu.memory_space<hbm>> -> memref<64xi32, #tpu.memory_space<hbm>>
        tpu.wait_dma2 semaphore(%arg26 : memref<!tpu.dma_semaphore, #tpu.memory_space<semaphore_mem>>) src(%dma_wait3A_290 : memref<64xi32, #tpu.memory_space<hbm>>) dst(%arg18 : memref<64xi32, #tpu.memory_space<vmem>>)
        %dma_wait3A_291 = tpu.memref_slice %arg3[%multiple_of3A_282] : memref<643200xi32, #tpu.memory_space<hbm>> -> memref<64xi32, #tpu.memory_space<hbm>>
        %dma_wait3A_292 = tpu.memref_slice %arg3[%multiple_of3A_282] : memref<643200xi32, #tpu.memory_space<hbm>> -> memref<64xi32, #tpu.memory_space<hbm>>
        tpu.wait_dma2 semaphore(%arg27 : memref<!tpu.dma_semaphore, #tpu.memory_space<semaphore_mem>>) src(%dma_wait3A_292 : memref<64xi32, #tpu.memory_space<hbm>>) dst(%arg19 : memref<64xi32, #tpu.memory_space<vmem>>)
        %dma_wait3A_293 = tpu.memref_slice %arg4[%multiple_of3A_282] : memref<643200xi32, #tpu.memory_space<hbm>> -> memref<64xi32, #tpu.memory_space<hbm>>
        %dma_wait3A_294 = tpu.memref_slice %arg4[%multiple_of3A_282] : memref<643200xi32, #tpu.memory_space<hbm>> -> memref<64xi32, #tpu.memory_space<hbm>>
        tpu.wait_dma2 semaphore(%arg28 : memref<!tpu.dma_semaphore, #tpu.memory_space<semaphore_mem>>) src(%dma_wait3A_294 : memref<64xi32, #tpu.memory_space<hbm>>) dst(%arg20 : memref<64xi32, #tpu.memory_space<vmem>>)
        %scan3A_295 = arith.constant 0 : i32
        scf.yield %scan3A_295 : i32
      }
      %scan3A_202 = arith.constant 157 : i32
      %dma_wait3A_203 = arith.constant 0 : i32
      %dma_wait3A_204 = arith.constant 0 : i32
      %dma_wait3A_205 = tpu.memref_slice %arg5[%dma_wait3A_203, %dma_wait3A_204] : memref<20480x128xf32, #tpu.memory_space<hbm>> -> memref<20480x128xf32, #tpu.memory_space<hbm>>
      tpu.wait_indirect_dma semaphore(%arg24 : memref<!tpu.dma_semaphore, #tpu.memory_space<semaphore_mem>>) src(%dma_wait3A_205 : memref<20480x128xf32, #tpu.memory_space<hbm>>) dst(%arg13 : memref<64x128xf32, #tpu.memory_space<vmem>>)
      %dma_wait3A_206 = arith.constant 0 : i32
      %dma_wait3A_207 = arith.constant 0 : i32
      %dma_wait3A_208 = tpu.memref_slice %arg7[%dma_wait3A_206, %dma_wait3A_207] : memref<20480x128xf32, #tpu.memory_space<hbm>> -> memref<20480x128xf32, #tpu.memory_space<hbm>>
      tpu.wait_indirect_dma semaphore(%arg25 : memref<!tpu.dma_semaphore, #tpu.memory_space<semaphore_mem>>) src(%dma_wait3A_208 : memref<20480x128xf32, #tpu.memory_space<hbm>>) dst(%arg14 : memref<64x128xf32, #tpu.memory_space<vmem>>)
      %barrier3A_209 = arith.constant 0 : index
      tpu.barrier barrier_id(%barrier3A_209)
      %mul3A_210 = arith.constant 2 : i32
      %mul3A_211 = arith.muli %scan3A_135, %mul3A_210 : i32
      %add3A_212 = arith.addi %mul3A_211, %arg0 : i32
      %mul3A_213 = arith.constant 10240 : i32
      %mul3A_214 = arith.muli %add3A_212, %mul3A_213 : i32
      %mul3A_215 = arith.constant 640 : i32
      %mul3A_216 = arith.muli %arg1, %mul3A_215 : i32
      %add3A_217 = arith.addi %mul3A_214, %mul3A_216 : i32
      %scan3A_218 = arith.constant 0 : i32
      %scan3A_219 = arith.constant 0 : i32
      %scan3A_220 = arith.constant 10 : i32
      %scan3A_221 = arith.addi %scan3A_219, %scan3A_220 : i32
      %scan3A_222 = arith.constant 1 : i32
      %scan3A_223 = scf.for %scan3A_226 = %scan3A_219 to %scan3A_221 step %scan3A_222 iter_args(%scan3A_227 = %scan3A_218) -> (i32)  : i32 {
        %mul3A_228 = arith.constant 640 : i32
        %mul3A_229 = arith.muli %arg1, %mul3A_228 : i32
        %mul3A_230 = arith.constant 64 : i32
        %mul3A_231 = arith.muli %scan3A_226, %mul3A_230 : i32
        %add3A_232 = arith.addi %mul3A_229, %mul3A_231 : i32
        %multiple_of3A_233 = tpu.assume_multiple %add3A_232, 64 : i32
        %mul3A_234 = arith.constant 64 : i32
        %mul3A_235 = arith.muli %scan3A_226, %mul3A_234 : i32
        %add3A_236 = arith.addi %add3A_217, %mul3A_235 : i32
        %multiple_of3A_237 = tpu.assume_multiple %add3A_236, 64 : i32
        "tpu.region"() ({
          %run_scoped3A = tpu.sem_alloc : memref<!tpu.dma_semaphore, #tpu.memory_space<semaphore_mem>>
          %dma_start3A_239 = arith.constant 0 : i32
          %dma_start3A_240 = tpu.memref_slice %arg17[%multiple_of3A_233, %dma_start3A_239] : memref<10240x128xf32, #tpu.memory_space<vmem_shared>> -> memref<64x128xf32, #tpu.memory_space<vmem_shared>>
          %dma_start3A_241 = arith.constant 0 : i32
          %dma_start3A_242 = tpu.memref_slice %arg17[%multiple_of3A_233, %dma_start3A_241] : memref<10240x128xf32, #tpu.memory_space<vmem_shared>> -> memref<64x128xf32, #tpu.memory_space<vmem_shared>>
          tpu.enqueue_dma source(%dma_start3A_242 : memref<64x128xf32, #tpu.memory_space<vmem_shared>>) target(%arg16 : memref<64x128xf32, #tpu.memory_space<vmem>>) target_semaphore(%run_scoped3A : memref<!tpu.dma_semaphore, #tpu.memory_space<semaphore_mem>>)
          %dma_wait3A_243 = arith.constant 0 : i32
          %dma_wait3A_244 = tpu.memref_slice %arg17[%multiple_of3A_233, %dma_wait3A_243] : memref<10240x128xf32, #tpu.memory_space<vmem_shared>> -> memref<64x128xf32, #tpu.memory_space<vmem_shared>>
          %dma_wait3A_245 = arith.constant 0 : i32
          %dma_wait3A_246 = tpu.memref_slice %arg17[%multiple_of3A_233, %dma_wait3A_245] : memref<10240x128xf32, #tpu.memory_space<vmem_shared>> -> memref<64x128xf32, #tpu.memory_space<vmem_shared>>
          tpu.wait_dma2 semaphore(%run_scoped3A : memref<!tpu.dma_semaphore, #tpu.memory_space<semaphore_mem>>) src(%dma_wait3A_246 : memref<64x128xf32, #tpu.memory_space<vmem_shared>>) dst(%arg16 : memref<64x128xf32, #tpu.memory_space<vmem>>)
          tpu.yield
        }) : () -> ()
        "tpu.region"() ({
          %run_scoped3A = tpu.sem_alloc : memref<!tpu.dma_semaphore, #tpu.memory_space<semaphore_mem>>
          %dma_start3A_239 = arith.constant 0 : i32
          %dma_start3A_240 = tpu.memref_slice %arg9[%multiple_of3A_237, %dma_start3A_239] : memref<61440x128xf32, #tpu.memory_space<hbm>> -> memref<64x128xf32, #tpu.memory_space<hbm>>
          %dma_start3A_241 = arith.constant 0 : i32
          %dma_start3A_242 = tpu.memref_slice %arg9[%multiple_of3A_237, %dma_start3A_241] : memref<61440x128xf32, #tpu.memory_space<hbm>> -> memref<64x128xf32, #tpu.memory_space<hbm>>
          tpu.enqueue_dma source(%arg16 : memref<64x128xf32, #tpu.memory_space<vmem>>) target(%dma_start3A_242 : memref<64x128xf32, #tpu.memory_space<hbm>>) target_semaphore(%run_scoped3A : memref<!tpu.dma_semaphore, #tpu.memory_space<semaphore_mem>>)
          %dma_wait3A_243 = arith.constant 0 : i32
          %dma_wait3A_244 = tpu.memref_slice %arg9[%multiple_of3A_237, %dma_wait3A_243] : memref<61440x128xf32, #tpu.memory_space<hbm>> -> memref<64x128xf32, #tpu.memory_space<hbm>>
          %dma_wait3A_245 = arith.constant 0 : i32
          %dma_wait3A_246 = tpu.memref_slice %arg9[%multiple_of3A_237, %dma_wait3A_245] : memref<61440x128xf32, #tpu.memory_space<hbm>> -> memref<64x128xf32, #tpu.memory_space<hbm>>
          tpu.wait_dma2 semaphore(%run_scoped3A : memref<!tpu.dma_semaphore, #tpu.memory_space<semaphore_mem>>) src(%arg16 : memref<64x128xf32, #tpu.memory_space<vmem>>) dst(%dma_wait3A_246 : memref<64x128xf32, #tpu.memory_space<hbm>>)
          tpu.yield
        }) : () -> ()
        %scan3A_238 = arith.constant 0 : i32
        scf.yield %scan3A_238 : i32
      }
      %scan3A_224 = arith.constant 10 : i32
      %barrier3A_225 = arith.constant 0 : index
      tpu.barrier barrier_id(%barrier3A_225)
    }
    %scan3A_4 = arith.constant 2 : i32
    %scan3A_5 = arith.constant 0 : i32
    %scan3A_6 = arith.constant 0 : i32
    %scan3A_7 = arith.constant 64 : i32
    %scan3A_8 = arith.addi %scan3A_6, %scan3A_7 : i32
    %scan3A_9 = arith.constant 1 : i32
    %scan3A_10 = scf.for %scan3A_135 = %scan3A_6 to %scan3A_8 step %scan3A_9 iter_args(%scan3A_136 = %scan3A_5) -> (i32)  : i32 {
      %broadcast_in_dim3A = arith.constant 0.000000e+00 : f32
      %broadcast_in_dim3A_137 = vector.broadcast %broadcast_in_dim3A : f32 to vector<16xf32>
      %swap3A = arith.index_cast %scan3A_135 : i32 to index
      %swap3A_138 = arith.constant 0 : index
      %swap3A_139 = tpu.vector_load %arg16[%swap3A, %swap3A_138] {strides = array<i32>} : memref<64x128xf32, #tpu.memory_space<vmem>>, vector<1x16xf32>,
      %swap3A_140 = vector.shape_cast %swap3A_139 : vector<1x16xf32> to vector<16xf32>
      %swap3A_141 = vector.shape_cast %broadcast_in_dim3A_137 : vector<16xf32> to vector<1x16xf32>
      tpu.vector_store %arg16[%swap3A, %swap3A_138], %swap3A_141 {strides = array<i32>} : memref<64x128xf32, #tpu.memory_space<vmem>>, vector<1x16xf32>,
      %broadcast_in_dim3A_142 = arith.constant 0.000000e+00 : f32
      %broadcast_in_dim3A_143 = vector.broadcast %broadcast_in_dim3A_142 : f32 to vector<16xf32>
      %swap3A_144 = arith.index_cast %scan3A_135 : i32 to index
      %swap3A_145 = arith.constant 16 : index
      %swap3A_146 = tpu.vector_load %arg16[%swap3A_144, %swap3A_145] {strides = array<i32>} : memref<64x128xf32, #tpu.memory_space<vmem>>, vector<1x16xf32>,
      %swap3A_147 = vector.shape_cast %swap3A_146 : vector<1x16xf32> to vector<16xf32>
      %swap3A_148 = vector.shape_cast %broadcast_in_dim3A_143 : vector<16xf32> to vector<1x16xf32>
      tpu.vector_store %arg16[%swap3A_144, %swap3A_145], %swap3A_148 {strides = array<i32>} : memref<64x128xf32, #tpu.memory_space<vmem>>, vector<1x16xf32>,
      %broadcast_in_dim3A_149 = arith.constant 0.000000e+00 : f32
      %broadcast_in_dim3A_150 = vector.broadcast %broadcast_in_dim3A_149 : f32 to vector<16xf32>
      %swap3A_151 = arith.index_cast %scan3A_135 : i32 to index
      %swap3A_152 = arith.constant 32 : index
      %swap3A_153 = tpu.vector_load %arg16[%swap3A_151, %swap3A_152] {strides = array<i32>} : memref<64x128xf32, #tpu.memory_space<vmem>>, vector<1x16xf32>,
      %swap3A_154 = vector.shape_cast %swap3A_153 : vector<1x16xf32> to vector<16xf32>
      %swap3A_155 = vector.shape_cast %broadcast_in_dim3A_150 : vector<16xf32> to vector<1x16xf32>
      tpu.vector_store %arg16[%swap3A_151, %swap3A_152], %swap3A_155 {strides = array<i32>} : memref<64x128xf32, #tpu.memory_space<vmem>>, vector<1x16xf32>,
      %broadcast_in_dim3A_156 = arith.constant 0.000000e+00 : f32
      %broadcast_in_dim3A_157 = vector.broadcast %broadcast_in_dim3A_156 : f32 to vector<16xf32>
      %swap3A_158 = arith.index_cast %scan3A_135 : i32 to index
      %swap3A_159 = arith.constant 48 : index
      %swap3A_160 = tpu.vector_load %arg16[%swap3A_158, %swap3A_159] {strides = array<i32>} : memref<64x128xf32, #tpu.memory_space<vmem>>, vector<1x16xf32>,
      %swap3A_161 = vector.shape_cast %swap3A_160 : vector<1x16xf32> to vector<16xf32>
      %swap3A_162 = vector.shape_cast %broadcast_in_dim3A_157 : vector<16xf32> to vector<1x16xf32>
      tpu.vector_store %arg16[%swap3A_158, %swap3A_159], %swap3A_162 {strides = array<i32>} : memref<64x128xf32, #tpu.memory_space<vmem>>, vector<1x16xf32>,
      %broadcast_in_dim3A_163 = arith.constant 0.000000e+00 : f32
      %broadcast_in_dim3A_164 = vector.broadcast %broadcast_in_dim3A_163 : f32 to vector<16xf32>
      %swap3A_165 = arith.index_cast %scan3A_135 : i32 to index
      %swap3A_166 = arith.constant 64 : index
      %swap3A_167 = tpu.vector_load %arg16[%swap3A_165, %swap3A_166] {strides = array<i32>} : memref<64x128xf32, #tpu.memory_space<vmem>>, vector<1x16xf32>,
      %swap3A_168 = vector.shape_cast %swap3A_167 : vector<1x16xf32> to vector<16xf32>
      %swap3A_169 = vector.shape_cast %broadcast_in_dim3A_164 : vector<16xf32> to vector<1x16xf32>
      tpu.vector_store %arg16[%swap3A_165, %swap3A_166], %swap3A_169 {strides = array<i32>} : memref<64x128xf32, #tpu.memory_space<vmem>>, vector<1x16xf32>,
      %broadcast_in_dim3A_170 = arith.constant 0.000000e+00 : f32
      %broadcast_in_dim3A_171 = vector.broadcast %broadcast_in_dim3A_170 : f32 to vector<16xf32>
      %swap3A_172 = arith.index_cast %scan3A_135 : i32 to index
      %swap3A_173 = arith.constant 80 : index
      %swap3A_174 = tpu.vector_load %arg16[%swap3A_172, %swap3A_173] {strides = array<i32>} : memref<64x128xf32, #tpu.memory_space<vmem>>, vector<1x16xf32>,
      %swap3A_175 = vector.shape_cast %swap3A_174 : vector<1x16xf32> to vector<16xf32>
      %swap3A_176 = vector.shape_cast %broadcast_in_dim3A_171 : vector<16xf32> to vector<1x16xf32>
      tpu.vector_store %arg16[%swap3A_172, %swap3A_173], %swap3A_176 {strides = array<i32>} : memref<64x128xf32, #tpu.memory_space<vmem>>, vector<1x16xf32>,
      %broadcast_in_dim3A_177 = arith.constant 0.000000e+00 : f32
      %broadcast_in_dim3A_178 = vector.broadcast %broadcast_in_dim3A_177 : f32 to vector<16xf32>
      %swap3A_179 = arith.index_cast %scan3A_135 : i32 to index
      %swap3A_180 = arith.constant 96 : index
      %swap3A_181 = tpu.vector_load %arg16[%swap3A_179, %swap3A_180] {strides = array<i32>} : memref<64x128xf32, #tpu.memory_space<vmem>>, vector<1x16xf32>,
      %swap3A_182 = vector.shape_cast %swap3A_181 : vector<1x16xf32> to vector<16xf32>
      %swap3A_183 = vector.shape_cast %broadcast_in_dim3A_178 : vector<16xf32> to vector<1x16xf32>
      tpu.vector_store %arg16[%swap3A_179, %swap3A_180], %swap3A_183 {strides = array<i32>} : memref<64x128xf32, #tpu.memory_space<vmem>>, vector<1x16xf32>,
      %broadcast_in_dim3A_184 = arith.constant 0.000000e+00 : f32
      %broadcast_in_dim3A_185 = vector.broadcast %broadcast_in_dim3A_184 : f32 to vector<16xf32>
      %swap3A_186 = arith.index_cast %scan3A_135 : i32 to index
      %swap3A_187 = arith.constant 112 : index
      %swap3A_188 = tpu.vector_load %arg16[%swap3A_186, %swap3A_187] {strides = array<i32>} : memref<64x128xf32, #tpu.memory_space<vmem>>, vector<1x16xf32>,
      %swap3A_189 = vector.shape_cast %swap3A_188 : vector<1x16xf32> to vector<16xf32>
      %swap3A_190 = vector.shape_cast %broadcast_in_dim3A_185 : vector<16xf32> to vector<1x16xf32>
      tpu.vector_store %arg16[%swap3A_186, %swap3A_187], %swap3A_190 {strides = array<i32>} : memref<64x128xf32, #tpu.memory_space<vmem>>, vector<1x16xf32>,
      %scan3A_191 = arith.constant 0 : i32
      scf.yield %scan3A_191 : i32
    }
    %scan3A_11 = arith.constant 64 : i32
    %scan3A_12 = arith.constant 0 : i32
    %scan3A_13 = arith.constant 0 : i32
    %scan3A_14 = arith.constant 10 : i32
    %scan3A_15 = arith.addi %scan3A_13, %scan3A_14 : i32
    %scan3A_16 = arith.constant 1 : i32
    %scan3A_17 = scf.for %scan3A_135 = %scan3A_13 to %scan3A_15 step %scan3A_16 iter_args(%scan3A_136 = %scan3A_12) -> (i32)  : i32 {
      %mul3A_137 = arith.constant 640 : i32
      %mul3A_138 = arith.muli %arg1, %mul3A_137 : i32
      %mul3A_139 = arith.constant 64 : i32
      %mul3A_140 = arith.muli %scan3A_135, %mul3A_139 : i32
      %add3A_141 = arith.addi %mul3A_138, %mul3A_140 : i32
      %multiple_of3A_142 = tpu.assume_multiple %add3A_141, 64 : i32
      "tpu.region"() ({
        %run_scoped3A = tpu.sem_alloc : memref<!tpu.dma_semaphore, #tpu.memory_space<semaphore_mem>>
        %dma_start3A_144 = arith.constant 0 : i32
        %dma_start3A_145 = tpu.memref_slice %arg17[%multiple_of3A_142, %dma_start3A_144] : memref<10240x128xf32, #tpu.memory_space<vmem_shared>> -> memref<64x128xf32, #tpu.memory_space<vmem_shared>>
        %dma_start3A_146 = arith.constant 0 : i32
        %dma_start3A_147 = tpu.memref_slice %arg17[%multiple_of3A_142, %dma_start3A_146] : memref<10240x128xf32, #tpu.memory_space<vmem_shared>> -> memref<64x128xf32, #tpu.memory_space<vmem_shared>>
        tpu.enqueue_dma source(%arg16 : memref<64x128xf32, #tpu.memory_space<vmem>>) target(%dma_start3A_147 : memref<64x128xf32, #tpu.memory_space<vmem_shared>>) target_semaphore(%run_scoped3A : memref<!tpu.dma_semaphore, #tpu.memory_space<semaphore_mem>>)
        %dma_wait3A_148 = arith.constant 0 : i32
        %dma_wait3A_149 = tpu.memref_slice %arg17[%multiple_of3A_142, %dma_wait3A_148] : memref<10240x128xf32, #tpu.memory_space<vmem_shared>> -> memref<64x128xf32, #tpu.memory_space<vmem_shared>>
        %dma_wait3A_150 = arith.constant 0 : i32
        %dma_wait3A_151 = tpu.memref_slice %arg17[%multiple_of3A_142, %dma_wait3A_150] : memref<10240x128xf32, #tpu.memory_space<vmem_shared>> -> memref<64x128xf32, #tpu.memory_space<vmem_shared>>
        tpu.wait_dma2 semaphore(%run_scoped3A : memref<!tpu.dma_semaphore, #tpu.memory_space<semaphore_mem>>) src(%arg16 : memref<64x128xf32, #tpu.memory_space<vmem>>) dst(%dma_wait3A_151 : memref<64x128xf32, #tpu.memory_space<vmem_shared>>)
        tpu.yield
      }) : () -> ()
      %scan3A_143 = arith.constant 0 : i32
      scf.yield %scan3A_143 : i32
    }
    %scan3A_18 = arith.constant 10 : i32
    %barrier3A = arith.constant 0 : index
    tpu.barrier barrier_id(%barrier3A)
    %mul3A = arith.constant 321536 : i32
    %mul3A_19 = arith.muli %arg0, %mul3A : i32
    %mul3A_20 = arith.constant 20096 : i32
    %mul3A_21 = arith.muli %arg1, %mul3A_20 : i32
    %add3A = arith.addi %mul3A_19, %mul3A_21 : i32
    %multiple_of3A = tpu.assume_multiple %add3A, 64 : i32
    %add3A_22 = arith.constant 0 : i32
    %add3A_23 = arith.addi %multiple_of3A, %add3A_22 : i32
    %multiple_of3A_24 = tpu.assume_multiple %add3A_23, 64 : i32
    %jit3A = arith.constant 8 : i32
    %div3A = arith.divsi %multiple_of3A_24, %jit3A : i32
    %sign3A = arith.constant 0 : i32
    %sign3A_25 = arith.cmpi sgt, %multiple_of3A_24, %sign3A : i32
    %sign3A_26 = arith.extui %sign3A_25 : i1 to i32
    %sign3A_27 = arith.constant 0 : i32
    %sign3A_28 = arith.cmpi slt, %multiple_of3A_24, %sign3A_27 : i32
    %sign3A_29 = arith.extui %sign3A_28 : i1 to i32
    %sign3A_30 = arith.subi %sign3A_26, %sign3A_29 : i32
    %sign3A_31 = arith.constant 0 : i32
    %sign3A_32 = arith.cmpi sgt, %jit3A, %sign3A_31 : i32
    %sign3A_33 = arith.extui %sign3A_32 : i1 to i32
    %sign3A_34 = arith.constant 0 : i32
    %sign3A_35 = arith.cmpi slt, %jit3A, %sign3A_34 : i32
    %sign3A_36 = arith.extui %sign3A_35 : i1 to i32
    %sign3A_37 = arith.subi %sign3A_33, %sign3A_36 : i32
    %ne3A = arith.cmpi ne, %sign3A_30, %sign3A_37 : i32
    %rem3A = arith.remsi %multiple_of3A_24, %jit3A : i32
    %ne3A_38 = arith.constant 0 : i32
    %ne3A_39 = arith.cmpi ne, %rem3A, %ne3A_38 : i32
    %and3A = arith.andi %ne3A, %ne3A_39 : i1
    %sub3A = arith.constant 1 : i32
    %sub3A_40 = arith.subi %div3A, %sub3A : i32
    %select_n3A = arith.select %and3A, %sub3A_40, %div3A : i32
    %multiple_of3A_41 = tpu.assume_multiple %select_n3A, 8 : i32
    %dma_start3A = tpu.memref_slice %arg2[%multiple_of3A_24] : memref<643200xi32, #tpu.memory_space<hbm>> -> memref<64xi32, #tpu.memory_space<hbm>>
    %dma_start3A_42 = tpu.memref_slice %arg2[%multiple_of3A_24] : memref<643200xi32, #tpu.memory_space<hbm>> -> memref<64xi32, #tpu.memory_space<hbm>>
    tpu.enqueue_dma source(%dma_start3A_42 : memref<64xi32, #tpu.memory_space<hbm>>) target(%arg10 : memref<64xi32, #tpu.memory_space<vmem>>) target_semaphore(%arg26 : memref<!tpu.dma_semaphore, #tpu.memory_space<semaphore_mem>>)
    %dma_start3A_43 = tpu.memref_slice %arg3[%multiple_of3A_24] : memref<643200xi32, #tpu.memory_space<hbm>> -> memref<64xi32, #tpu.memory_space<hbm>>
    %dma_start3A_44 = tpu.memref_slice %arg3[%multiple_of3A_24] : memref<643200xi32, #tpu.memory_space<hbm>> -> memref<64xi32, #tpu.memory_space<hbm>>
    tpu.enqueue_dma source(%dma_start3A_44 : memref<64xi32, #tpu.memory_space<hbm>>) target(%arg11 : memref<64xi32, #tpu.memory_space<vmem>>) target_semaphore(%arg27 : memref<!tpu.dma_semaphore, #tpu.memory_space<semaphore_mem>>)
    %dma_start3A_45 = arith.constant 0 : i32
    %dma_start3A_46 = tpu.memref_slice %arg8[%multiple_of3A_41, %dma_start3A_45] : memref<80400x128xf32, #tpu.memory_space<hbm>> -> memref<8x128xf32, #tpu.memory_space<hbm>>
    %dma_start3A_47 = arith.constant 0 : i32
    %dma_start3A_48 = tpu.memref_slice %arg8[%multiple_of3A_41, %dma_start3A_47] : memref<80400x128xf32, #tpu.memory_space<hbm>> -> memref<8x128xf32, #tpu.memory_space<hbm>>
    tpu.enqueue_dma source(%dma_start3A_48 : memref<8x128xf32, #tpu.memory_space<hbm>>) target(%arg15 : memref<8x128xf32, #tpu.memory_space<vmem>>) target_semaphore(%arg24 : memref<!tpu.dma_semaphore, #tpu.memory_space<semaphore_mem>>)
    %dma_wait3A = tpu.memref_slice %arg2[%multiple_of3A_24] : memref<643200xi32, #tpu.memory_space<hbm>> -> memref<64xi32, #tpu.memory_space<hbm>>
    %dma_wait3A_49 = tpu.memref_slice %arg2[%multiple_of3A_24] : memref<643200xi32, #tpu.memory_space<hbm>> -> memref<64xi32, #tpu.memory_space<hbm>>
    tpu.wait_dma2 semaphore(%arg26 : memref<!tpu.dma_semaphore, #tpu.memory_space<semaphore_mem>>) src(%dma_wait3A_49 : memref<64xi32, #tpu.memory_space<hbm>>) dst(%arg10 : memref<64xi32, #tpu.memory_space<vmem>>)
    %dma_wait3A_50 = tpu.memref_slice %arg3[%multiple_of3A_24] : memref<643200xi32, #tpu.memory_space<hbm>> -> memref<64xi32, #tpu.memory_space<hbm>>
    %dma_wait3A_51 = tpu.memref_slice %arg3[%multiple_of3A_24] : memref<643200xi32, #tpu.memory_space<hbm>> -> memref<64xi32, #tpu.memory_space<hbm>>
    tpu.wait_dma2 semaphore(%arg27 : memref<!tpu.dma_semaphore, #tpu.memory_space<semaphore_mem>>) src(%dma_wait3A_51 : memref<64xi32, #tpu.memory_space<hbm>>) dst(%arg11 : memref<64xi32, #tpu.memory_space<vmem>>)
    %dma_wait3A_52 = arith.constant 0 : i32
    %dma_wait3A_53 = tpu.memref_slice %arg8[%multiple_of3A_41, %dma_wait3A_52] : memref<80400x128xf32, #tpu.memory_space<hbm>> -> memref<8x128xf32, #tpu.memory_space<hbm>>
    %dma_wait3A_54 = arith.constant 0 : i32
    %dma_wait3A_55 = tpu.memref_slice %arg8[%multiple_of3A_41, %dma_wait3A_54] : memref<80400x128xf32, #tpu.memory_space<hbm>> -> memref<8x128xf32, #tpu.memory_space<hbm>>
    tpu.wait_dma2 semaphore(%arg24 : memref<!tpu.dma_semaphore, #tpu.memory_space<semaphore_mem>>) src(%dma_wait3A_55 : memref<8x128xf32, #tpu.memory_space<hbm>>) dst(%arg15 : memref<8x128xf32, #tpu.memory_space<vmem>>)
    %dma_start3A_56 = arith.constant 0 : i32
    %dma_start3A_57 = arith.constant 0 : i32
    %dma_start3A_58 = tpu.memref_slice %arg6[%dma_start3A_56, %dma_start3A_57] : memref<20480x128xf32, #tpu.memory_space<hbm>> -> memref<20480x128xf32, #tpu.memory_space<hbm>>
    tpu.enqueue_indirect_dma source(%dma_start3A_58 : memref<20480x128xf32, #tpu.memory_space<hbm>>) target(%arg13 : memref<64x128xf32, #tpu.memory_space<vmem>>) offsets(%arg10 : memref<64xi32, #tpu.memory_space<vmem>>) semaphore(%arg24 : memref<!tpu.dma_semaphore, #tpu.memory_space<semaphore_mem>>)
    %add3A_59 = arith.constant 64 : i32
    %add3A_60 = arith.addi %multiple_of3A, %add3A_59 : i32
    %multiple_of3A_61 = tpu.assume_multiple %add3A_60, 64 : i32
    %jit3A_62 = arith.constant 8 : i32
    %div3A_63 = arith.divsi %multiple_of3A_61, %jit3A_62 : i32
    %sign3A_64 = arith.constant 0 : i32
    %sign3A_65 = arith.cmpi sgt, %multiple_of3A_61, %sign3A_64 : i32
    %sign3A_66 = arith.extui %sign3A_65 : i1 to i32
    %sign3A_67 = arith.constant 0 : i32
    %sign3A_68 = arith.cmpi slt, %multiple_of3A_61, %sign3A_67 : i32
    %sign3A_69 = arith.extui %sign3A_68 : i1 to i32
    %sign3A_70 = arith.subi %sign3A_66, %sign3A_69 : i32
    %sign3A_71 = arith.constant 0 : i32
    %sign3A_72 = arith.cmpi sgt, %jit3A_62, %sign3A_71 : i32
    %sign3A_73 = arith.extui %sign3A_72 : i1 to i32
    %sign3A_74 = arith.constant 0 : i32
    %sign3A_75 = arith.cmpi slt, %jit3A_62, %sign3A_74 : i32
    %sign3A_76 = arith.extui %sign3A_75 : i1 to i32
    %sign3A_77 = arith.subi %sign3A_73, %sign3A_76 : i32
    %ne3A_78 = arith.cmpi ne, %sign3A_70, %sign3A_77 : i32
    %rem3A_79 = arith.remsi %multiple_of3A_61, %jit3A_62 : i32
    %ne3A_80 = arith.constant 0 : i32
    %ne3A_81 = arith.cmpi ne, %rem3A_79, %ne3A_80 : i32
    %and3A_82 = arith.andi %ne3A_78, %ne3A_81 : i1
    %sub3A_83 = arith.constant 1 : i32
    %sub3A_84 = arith.subi %div3A_63, %sub3A_83 : i32
    %select_n3A_85 = arith.select %and3A_82, %sub3A_84, %div3A_63 : i32
    %multiple_of3A_86 = tpu.assume_multiple %select_n3A_85, 8 : i32
    %dma_start3A_87 = tpu.memref_slice %arg2[%multiple_of3A_61] : memref<643200xi32, #tpu.memory_space<hbm>> -> memref<64xi32, #tpu.memory_space<hbm>>
    %dma_start3A_88 = tpu.memref_slice %arg2[%multiple_of3A_61] : memref<643200xi32, #tpu.memory_space<hbm>> -> memref<64xi32, #tpu.memory_space<hbm>>
    tpu.enqueue_dma source(%dma_start3A_88 : memref<64xi32, #tpu.memory_space<hbm>>) target(%arg18 : memref<64xi32, #tpu.memory_space<vmem>>) target_semaphore(%arg28 : memref<!tpu.dma_semaphore, #tpu.memory_space<semaphore_mem>>)
    %dma_start3A_89 = tpu.memref_slice %arg3[%multiple_of3A_61] : memref<643200xi32, #tpu.memory_space<hbm>> -> memref<64xi32, #tpu.memory_space<hbm>>
    %dma_start3A_90 = tpu.memref_slice %arg3[%multiple_of3A_61] : memref<643200xi32, #tpu.memory_space<hbm>> -> memref<64xi32, #tpu.memory_space<hbm>>
    tpu.enqueue_dma source(%dma_start3A_90 : memref<64xi32, #tpu.memory_space<hbm>>) target(%arg19 : memref<64xi32, #tpu.memory_space<vmem>>) target_semaphore(%arg29 : memref<!tpu.dma_semaphore, #tpu.memory_space<semaphore_mem>>)
    %dma_start3A_91 = arith.constant 0 : i32
    %dma_start3A_92 = tpu.memref_slice %arg8[%multiple_of3A_86, %dma_start3A_91] : memref<80400x128xf32, #tpu.memory_space<hbm>> -> memref<8x128xf32, #tpu.memory_space<hbm>>
    %dma_start3A_93 = arith.constant 0 : i32
    %dma_start3A_94 = tpu.memref_slice %arg8[%multiple_of3A_86, %dma_start3A_93] : memref<80400x128xf32, #tpu.memory_space<hbm>> -> memref<8x128xf32, #tpu.memory_space<hbm>>
    tpu.enqueue_dma source(%dma_start3A_94 : memref<8x128xf32, #tpu.memory_space<hbm>>) target(%arg23 : memref<8x128xf32, #tpu.memory_space<vmem>>) target_semaphore(%arg25 : memref<!tpu.dma_semaphore, #tpu.memory_space<semaphore_mem>>)
    %dma_wait3A_95 = tpu.memref_slice %arg2[%multiple_of3A_61] : memref<643200xi32, #tpu.memory_space<hbm>> -> memref<64xi32, #tpu.memory_space<hbm>>
    %dma_wait3A_96 = tpu.memref_slice %arg2[%multiple_of3A_61] : memref<643200xi32, #tpu.memory_space<hbm>> -> memref<64xi32, #tpu.memory_space<hbm>>
    tpu.wait_dma2 semaphore(%arg28 : memref<!tpu.dma_semaphore, #tpu.memory_space<semaphore_mem>>) src(%dma_wait3A_96 : memref<64xi32, #tpu.memory_space<hbm>>) dst(%arg18 : memref<64xi32, #tpu.memory_space<vmem>>)
    %dma_wait3A_97 = tpu.memref_slice %arg3[%multiple_of3A_61] : memref<643200xi32, #tpu.memory_space<hbm>> -> memref<64xi32, #tpu.memory_space<hbm>>
    %dma_wait3A_98 = tpu.memref_slice %arg3[%multiple_of3A_61] : memref<643200xi32, #tpu.memory_space<hbm>> -> memref<64xi32, #tpu.memory_space<hbm>>
    tpu.wait_dma2 semaphore(%arg29 : memref<!tpu.dma_semaphore, #tpu.memory_space<semaphore_mem>>) src(%dma_wait3A_98 : memref<64xi32, #tpu.memory_space<hbm>>) dst(%arg19 : memref<64xi32, #tpu.memory_space<vmem>>)
    %dma_wait3A_99 = arith.constant 0 : i32
    %dma_wait3A_100 = tpu.memref_slice %arg8[%multiple_of3A_86, %dma_wait3A_99] : memref<80400x128xf32, #tpu.memory_space<hbm>> -> memref<8x128xf32, #tpu.memory_space<hbm>>
    %dma_wait3A_101 = arith.constant 0 : i32
    %dma_wait3A_102 = tpu.memref_slice %arg8[%multiple_of3A_86, %dma_wait3A_101] : memref<80400x128xf32, #tpu.memory_space<hbm>> -> memref<8x128xf32, #tpu.memory_space<hbm>>
    tpu.wait_dma2 semaphore(%arg25 : memref<!tpu.dma_semaphore, #tpu.memory_space<semaphore_mem>>) src(%dma_wait3A_102 : memref<8x128xf32, #tpu.memory_space<hbm>>) dst(%arg23 : memref<8x128xf32, #tpu.memory_space<vmem>>)
    %dma_start3A_103 = arith.constant 0 : i32
    %dma_start3A_104 = arith.constant 0 : i32
    %dma_start3A_105 = tpu.memref_slice %arg6[%dma_start3A_103, %dma_start3A_104] : memref<20480x128xf32, #tpu.memory_space<hbm>> -> memref<20480x128xf32, #tpu.memory_space<hbm>>
    tpu.enqueue_indirect_dma source(%dma_start3A_105 : memref<20480x128xf32, #tpu.memory_space<hbm>>) target(%arg21 : memref<64x128xf32, #tpu.memory_space<vmem>>) offsets(%arg18 : memref<64xi32, #tpu.memory_space<vmem>>) semaphore(%arg25 : memref<!tpu.dma_semaphore, #tpu.memory_space<semaphore_mem>>)
    %scan3A_106 = arith.constant 0 : i32
    %scan3A_107 = arith.constant 0 : i32
    %scan3A_108 = arith.constant 157 : i32
    %scan3A_109 = arith.addi %scan3A_107, %scan3A_108 : i32
    %scan3A_110 = arith.constant 1 : i32
    %scan3A_111 = scf.for %scan3A_135 = %scan3A_107 to %scan3A_109 step %scan3A_110 iter_args(%scan3A_136 = %scan3A_106) -> (i32)  : i32 {
      %mul3A_137 = arith.constant 2 : i32
      %mul3A_138 = arith.muli %mul3A_137, %scan3A_135 : i32
      %dma_wait3A_139 = arith.constant 0 : i32
      %dma_wait3A_140 = arith.constant 0 : i32
      %dma_wait3A_141 = tpu.memref_slice %arg6[%dma_wait3A_139, %dma_wait3A_140] : memref<20480x128xf32, #tpu.memory_space<hbm>> -> memref<20480x128xf32, #tpu.memory_space<hbm>>
      tpu.wait_indirect_dma semaphore(%arg24 : memref<!tpu.dma_semaphore, #tpu.memory_space<semaphore_mem>>) src(%dma_wait3A_141 : memref<20480x128xf32, #tpu.memory_space<hbm>>) dst(%arg13 : memref<64x128xf32, #tpu.memory_space<vmem>>)
      %parallel_loop3A = arith.constant 0 : i32
      %parallel_loop3A_142 = arith.constant 64 : i32
      %parallel_loop3A_143 = arith.constant 1 : i32
      scf.for %parallel_loop3A_251 = %parallel_loop3A to %parallel_loop3A_142 step %parallel_loop3A_143  : i32 {
        %parallel_loop3A_252 = arith.index_cast %parallel_loop3A_251 : i32 to index
        %parallel_loop3A_253 = arith.constant 0 : index
        %parallel_loop3A_254 = tpu.vector_load %arg13[%parallel_loop3A_252, %parallel_loop3A_253] {strides = array<i32>} : memref<64x128xf32, #tpu.memory_space<vmem>>, vector<1x16xf32>,
        %parallel_loop3A_255 = vector.shape_cast %parallel_loop3A_254 : vector<1x16xf32> to vector<16xf32>
        %parallel_loop3A_256 = arith.constant 8 : i32
        %parallel_loop3A_257 = arith.divsi %parallel_loop3A_251, %parallel_loop3A_256 : i32
        %parallel_loop3A_258 = arith.constant 0 : i32
        %parallel_loop3A_259 = arith.cmpi sgt, %parallel_loop3A_251, %parallel_loop3A_258 : i32
        %parallel_loop3A_260 = arith.extui %parallel_loop3A_259 : i1 to i32
        %parallel_loop3A_261 = arith.constant 0 : i32
        %parallel_loop3A_262 = arith.cmpi slt, %parallel_loop3A_251, %parallel_loop3A_261 : i32
        %parallel_loop3A_263 = arith.extui %parallel_loop3A_262 : i1 to i32
        %parallel_loop3A_264 = arith.subi %parallel_loop3A_260, %parallel_loop3A_263 : i32
        %parallel_loop3A_265 = arith.constant 0 : i32
        %parallel_loop3A_266 = arith.cmpi sgt, %parallel_loop3A_256, %parallel_loop3A_265 : i32
        %parallel_loop3A_267 = arith.extui %parallel_loop3A_266 : i1 to i32
        %parallel_loop3A_268 = arith.constant 0 : i32
        %parallel_loop3A_269 = arith.cmpi slt, %parallel_loop3A_256, %parallel_loop3A_268 : i32
        %parallel_loop3A_270 = arith.extui %parallel_loop3A_269 : i1 to i32
        %parallel_loop3A_271 = arith.subi %parallel_loop3A_267, %parallel_loop3A_270 : i32
        %parallel_loop3A_272 = arith.cmpi ne, %parallel_loop3A_264, %parallel_loop3A_271 : i32
        %parallel_loop3A_273 = arith.remsi %parallel_loop3A_251, %parallel_loop3A_256 : i32
        %parallel_loop3A_274 = arith.constant 0 : i32
        %parallel_loop3A_275 = arith.cmpi ne, %parallel_loop3A_273, %parallel_loop3A_274 : i32
        %parallel_loop3A_276 = arith.andi %parallel_loop3A_272, %parallel_loop3A_275 : i1
        %parallel_loop3A_277 = arith.constant 1 : i32
        %parallel_loop3A_278 = arith.subi %parallel_loop3A_257, %parallel_loop3A_277 : i32
        %parallel_loop3A_279 = arith.select %parallel_loop3A_276, %parallel_loop3A_278, %parallel_loop3A_257 : i32
        %parallel_loop3A_280 = arith.constant 8 : i32
        %parallel_loop3A_281 = arith.constant 0 : i32
        %parallel_loop3A_282 = arith.cmpi eq, %parallel_loop3A_280, %parallel_loop3A_281 : i32
        %parallel_loop3A_283 = arith.constant 1 : i32
        %parallel_loop3A_284 = arith.select %parallel_loop3A_282, %parallel_loop3A_283, %parallel_loop3A_280 : i32
        %parallel_loop3A_285 = arith.remsi %parallel_loop3A_251, %parallel_loop3A_284 : i32
        %parallel_loop3A_286 = arith.constant 0 : i32
        %parallel_loop3A_287 = arith.cmpi ne, %parallel_loop3A_285, %parallel_loop3A_286 : i32
        %parallel_loop3A_288 = arith.constant 0 : i32
        %parallel_loop3A_289 = arith.cmpi slt, %parallel_loop3A_285, %parallel_loop3A_288 : i32
        %parallel_loop3A_290 = arith.constant 0 : i32
        %parallel_loop3A_291 = arith.cmpi slt, %parallel_loop3A_284, %parallel_loop3A_290 : i32
        %parallel_loop3A_292 = arith.xori %parallel_loop3A_289, %parallel_loop3A_291 : i1
        %parallel_loop3A_293 = arith.andi %parallel_loop3A_292, %parallel_loop3A_287 : i1
        %parallel_loop3A_294 = arith.addi %parallel_loop3A_285, %parallel_loop3A_284 : i32
        %parallel_loop3A_295 = arith.select %parallel_loop3A_293, %parallel_loop3A_294, %parallel_loop3A_285 : i32
        %parallel_loop3A_296 = arith.constant 16 : i32
        %parallel_loop3A_297 = arith.muli %parallel_loop3A_295, %parallel_loop3A_296 : i32
        %parallel_loop3A_298 = arith.index_cast %parallel_loop3A_279 : i32 to index
        %parallel_loop3A_299 = arith.index_cast %parallel_loop3A_297 : i32 to index
        %parallel_loop3A_300 = tpu.vector_load %arg15[%parallel_loop3A_298, %parallel_loop3A_299] {strides = array<i32>} : memref<8x128xf32, #tpu.memory_space<vmem>>, vector<1x16xf32>,
        %parallel_loop3A_301 = vector.shape_cast %parallel_loop3A_300 : vector<1x16xf32> to vector<16xf32>
        %parallel_loop3A_302 = arith.mulf %parallel_loop3A_255, %parallel_loop3A_301 : vector<16xf32>
        %parallel_loop3A_303 = math.exp %parallel_loop3A_302 : vector<16xf32>
        %parallel_loop3A_304 = arith.index_cast %parallel_loop3A_251 : i32 to index
        %parallel_loop3A_305 = arith.constant 0 : index
        %parallel_loop3A_306 = tpu.vector_load %arg16[%parallel_loop3A_304, %parallel_loop3A_305] {strides = array<i32>} : memref<64x128xf32, #tpu.memory_space<vmem>>, vector<1x16xf32>,
        %parallel_loop3A_307 = vector.shape_cast %parallel_loop3A_306 : vector<1x16xf32> to vector<16xf32>
        %parallel_loop3A_308 = vector.shape_cast %parallel_loop3A_303 : vector<16xf32> to vector<1x16xf32>
        tpu.vector_store %arg16[%parallel_loop3A_304, %parallel_loop3A_305], %parallel_loop3A_308 {strides = array<i32>} : memref<64x128xf32, #tpu.memory_space<vmem>>, vector<1x16xf32>,
        %parallel_loop3A_309 = arith.mulf %parallel_loop3A_301, %parallel_loop3A_303 : vector<16xf32>
        %parallel_loop3A_310 = arith.index_cast %parallel_loop3A_251 : i32 to index
        %parallel_loop3A_311 = arith.constant 16 : index
        %parallel_loop3A_312 = tpu.vector_load %arg16[%parallel_loop3A_310, %parallel_loop3A_311] {strides = array<i32>} : memref<64x128xf32, #tpu.memory_space<vmem>>, vector<1x16xf32>,
        %parallel_loop3A_313 = vector.shape_cast %parallel_loop3A_312 : vector<1x16xf32> to vector<16xf32>
        %parallel_loop3A_314 = vector.shape_cast %parallel_loop3A_309 : vector<16xf32> to vector<1x16xf32>
        tpu.vector_store %arg16[%parallel_loop3A_310, %parallel_loop3A_311], %parallel_loop3A_314 {strides = array<i32>} : memref<64x128xf32, #tpu.memory_space<vmem>>, vector<1x16xf32>,
      } {sc.loop_unroll_factor = 8 : i64, sc.parallel_access}
      "tpu.region"() ({
        %run_scoped3A = tpu.sem_alloc : memref<!tpu.dma_semaphore, #tpu.memory_space<semaphore_mem>>
        %dma_start3A_251 = arith.constant 0 : i32
        %dma_start3A_252 = arith.constant 0 : i32
        %dma_start3A_253 = tpu.memref_slice %arg17[%dma_start3A_251, %dma_start3A_252] : memref<10240x128xf32, #tpu.memory_space<vmem_shared>> -> memref<10240x128xf32, #tpu.memory_space<vmem_shared>>
        tpu.enqueue_indirect_dma source(%arg16 : memref<64x128xf32, #tpu.memory_space<vmem>>) target(%dma_start3A_253 : memref<10240x128xf32, #tpu.memory_space<vmem_shared>>) offsets(%arg11 : memref<64xi32, #tpu.memory_space<vmem>>) semaphore(%run_scoped3A : memref<!tpu.dma_semaphore, #tpu.memory_space<semaphore_mem>>) {add = true}
        %dma_wait3A_254 = arith.constant 0 : i32
        %dma_wait3A_255 = arith.constant 0 : i32
        %dma_wait3A_256 = tpu.memref_slice %arg17[%dma_wait3A_254, %dma_wait3A_255] : memref<10240x128xf32, #tpu.memory_space<vmem_shared>> -> memref<10240x128xf32, #tpu.memory_space<vmem_shared>>
        tpu.wait_indirect_dma semaphore(%run_scoped3A : memref<!tpu.dma_semaphore, #tpu.memory_space<semaphore_mem>>) src(%arg16 : memref<64x128xf32, #tpu.memory_space<vmem>>) dst(%dma_wait3A_256 : memref<10240x128xf32, #tpu.memory_space<vmem_shared>>)
        tpu.yield
      }) : () -> ()
      %add3A_144 = arith.constant 2 : i32
      %add3A_145 = arith.addi %mul3A_138, %add3A_144 : i32
      %mul3A_146 = arith.constant 64 : i32
      %mul3A_147 = arith.muli %add3A_145, %mul3A_146 : i32
      %add3A_148 = arith.addi %multiple_of3A, %mul3A_147 : i32
      %multiple_of3A_149 = tpu.assume_multiple %add3A_148, 64 : i32
      %jit3A_150 = arith.constant 8 : i32
      %div3A_151 = arith.divsi %multiple_of3A_149, %jit3A_150 : i32
      %sign3A_152 = arith.constant 0 : i32
      %sign3A_153 = arith.cmpi sgt, %multiple_of3A_149, %sign3A_152 : i32
      %sign3A_154 = arith.extui %sign3A_153 : i1 to i32
      %sign3A_155 = arith.constant 0 : i32
      %sign3A_156 = arith.cmpi slt, %multiple_of3A_149, %sign3A_155 : i32
      %sign3A_157 = arith.extui %sign3A_156 : i1 to i32
      %sign3A_158 = arith.subi %sign3A_154, %sign3A_157 : i32
      %sign3A_159 = arith.constant 0 : i32
      %sign3A_160 = arith.cmpi sgt, %jit3A_150, %sign3A_159 : i32
      %sign3A_161 = arith.extui %sign3A_160 : i1 to i32
      %sign3A_162 = arith.constant 0 : i32
      %sign3A_163 = arith.cmpi slt, %jit3A_150, %sign3A_162 : i32
      %sign3A_164 = arith.extui %sign3A_163 : i1 to i32
      %sign3A_165 = arith.subi %sign3A_161, %sign3A_164 : i32
      %ne3A_166 = arith.cmpi ne, %sign3A_158, %sign3A_165 : i32
      %rem3A_167 = arith.remsi %multiple_of3A_149, %jit3A_150 : i32
      %ne3A_168 = arith.constant 0 : i32
      %ne3A_169 = arith.cmpi ne, %rem3A_167, %ne3A_168 : i32
      %and3A_170 = arith.andi %ne3A_166, %ne3A_169 : i1
      %sub3A_171 = arith.constant 1 : i32
      %sub3A_172 = arith.subi %div3A_151, %sub3A_171 : i32
      %select_n3A_173 = arith.select %and3A_170, %sub3A_172, %div3A_151 : i32
      %multiple_of3A_174 = tpu.assume_multiple %select_n3A_173, 8 : i32
      %dma_start3A_175 = tpu.memref_slice %arg2[%multiple_of3A_149] : memref<643200xi32, #tpu.memory_space<hbm>> -> memref<64xi32, #tpu.memory_space<hbm>>
      %dma_start3A_176 = tpu.memref_slice %arg2[%multiple_of3A_149] : memref<643200xi32, #tpu.memory_space<hbm>> -> memref<64xi32, #tpu.memory_space<hbm>>
      tpu.enqueue_dma source(%dma_start3A_176 : memref<64xi32, #tpu.memory_space<hbm>>) target(%arg10 : memref<64xi32, #tpu.memory_space<vmem>>) target_semaphore(%arg26 : memref<!tpu.dma_semaphore, #tpu.memory_space<semaphore_mem>>)
      %dma_start3A_177 = tpu.memref_slice %arg3[%multiple_of3A_149] : memref<643200xi32, #tpu.memory_space<hbm>> -> memref<64xi32, #tpu.memory_space<hbm>>
      %dma_start3A_178 = tpu.memref_slice %arg3[%multiple_of3A_149] : memref<643200xi32, #tpu.memory_space<hbm>> -> memref<64xi32, #tpu.memory_space<hbm>>
      tpu.enqueue_dma source(%dma_start3A_178 : memref<64xi32, #tpu.memory_space<hbm>>) target(%arg11 : memref<64xi32, #tpu.memory_space<vmem>>) target_semaphore(%arg27 : memref<!tpu.dma_semaphore, #tpu.memory_space<semaphore_mem>>)
      %dma_start3A_179 = arith.constant 0 : i32
      %dma_start3A_180 = tpu.memref_slice %arg8[%multiple_of3A_174, %dma_start3A_179] : memref<80400x128xf32, #tpu.memory_space<hbm>> -> memref<8x128xf32, #tpu.memory_space<hbm>>
      %dma_start3A_181 = arith.constant 0 : i32
      %dma_start3A_182 = tpu.memref_slice %arg8[%multiple_of3A_174, %dma_start3A_181] : memref<80400x128xf32, #tpu.memory_space<hbm>> -> memref<8x128xf32, #tpu.memory_space<hbm>>
      tpu.enqueue_dma source(%dma_start3A_182 : memref<8x128xf32, #tpu.memory_space<hbm>>) target(%arg15 : memref<8x128xf32, #tpu.memory_space<vmem>>) target_semaphore(%arg24 : memref<!tpu.dma_semaphore, #tpu.memory_space<semaphore_mem>>)
      %dma_wait3A_183 = tpu.memref_slice %arg2[%multiple_of3A_149] : memref<643200xi32, #tpu.memory_space<hbm>> -> memref<64xi32, #tpu.memory_space<hbm>>
      %dma_wait3A_184 = tpu.memref_slice %arg2[%multiple_of3A_149] : memref<643200xi32, #tpu.memory_space<hbm>> -> memref<64xi32, #tpu.memory_space<hbm>>
      tpu.wait_dma2 semaphore(%arg26 : memref<!tpu.dma_semaphore, #tpu.memory_space<semaphore_mem>>) src(%dma_wait3A_184 : memref<64xi32, #tpu.memory_space<hbm>>) dst(%arg10 : memref<64xi32, #tpu.memory_space<vmem>>)
      %dma_wait3A_185 = tpu.memref_slice %arg3[%multiple_of3A_149] : memref<643200xi32, #tpu.memory_space<hbm>> -> memref<64xi32, #tpu.memory_space<hbm>>
      %dma_wait3A_186 = tpu.memref_slice %arg3[%multiple_of3A_149] : memref<643200xi32, #tpu.memory_space<hbm>> -> memref<64xi32, #tpu.memory_space<hbm>>
      tpu.wait_dma2 semaphore(%arg27 : memref<!tpu.dma_semaphore, #tpu.memory_space<semaphore_mem>>) src(%dma_wait3A_186 : memref<64xi32, #tpu.memory_space<hbm>>) dst(%arg11 : memref<64xi32, #tpu.memory_space<vmem>>)
      %dma_wait3A_187 = arith.constant 0 : i32
      %dma_wait3A_188 = tpu.memref_slice %arg8[%multiple_of3A_174, %dma_wait3A_187] : memref<80400x128xf32, #tpu.memory_space<hbm>> -> memref<8x128xf32, #tpu.memory_space<hbm>>
      %dma_wait3A_189 = arith.constant 0 : i32
      %dma_wait3A_190 = tpu.memref_slice %arg8[%multiple_of3A_174, %dma_wait3A_189] : memref<80400x128xf32, #tpu.memory_space<hbm>> -> memref<8x128xf32, #tpu.memory_space<hbm>>
      tpu.wait_dma2 semaphore(%arg24 : memref<!tpu.dma_semaphore, #tpu.memory_space<semaphore_mem>>) src(%dma_wait3A_190 : memref<8x128xf32, #tpu.memory_space<hbm>>) dst(%arg15 : memref<8x128xf32, #tpu.memory_space<vmem>>)
      %dma_start3A_191 = arith.constant 0 : i32
      %dma_start3A_192 = arith.constant 0 : i32
      %dma_start3A_193 = tpu.memref_slice %arg6[%dma_start3A_191, %dma_start3A_192] : memref<20480x128xf32, #tpu.memory_space<hbm>> -> memref<20480x128xf32, #tpu.memory_space<hbm>>
      tpu.enqueue_indirect_dma source(%dma_start3A_193 : memref<20480x128xf32, #tpu.memory_space<hbm>>) target(%arg13 : memref<64x128xf32, #tpu.memory_space<vmem>>) offsets(%arg10 : memref<64xi32, #tpu.memory_space<vmem>>) semaphore(%arg24 : memref<!tpu.dma_semaphore, #tpu.memory_space<semaphore_mem>>)
      %dma_wait3A_194 = arith.constant 0 : i32
      %dma_wait3A_195 = arith.constant 0 : i32
      %dma_wait3A_196 = tpu.memref_slice %arg6[%dma_wait3A_194, %dma_wait3A_195] : memref<20480x128xf32, #tpu.memory_space<hbm>> -> memref<20480x128xf32, #tpu.memory_space<hbm>>
      tpu.wait_indirect_dma semaphore(%arg25 : memref<!tpu.dma_semaphore, #tpu.memory_space<semaphore_mem>>) src(%dma_wait3A_196 : memref<20480x128xf32, #tpu.memory_space<hbm>>) dst(%arg21 : memref<64x128xf32, #tpu.memory_space<vmem>>)
      %parallel_loop3A_197 = arith.constant 0 : i32
      %parallel_loop3A_198 = arith.constant 64 : i32
      %parallel_loop3A_199 = arith.constant 1 : i32
      scf.for %parallel_loop3A_251 = %parallel_loop3A_197 to %parallel_loop3A_198 step %parallel_loop3A_199  : i32 {
        %parallel_loop3A_252 = arith.index_cast %parallel_loop3A_251 : i32 to index
        %parallel_loop3A_253 = arith.constant 0 : index
        %parallel_loop3A_254 = tpu.vector_load %arg21[%parallel_loop3A_252, %parallel_loop3A_253] {strides = array<i32>} : memref<64x128xf32, #tpu.memory_space<vmem>>, vector<1x16xf32>,
        %parallel_loop3A_255 = vector.shape_cast %parallel_loop3A_254 : vector<1x16xf32> to vector<16xf32>
        %parallel_loop3A_256 = arith.constant 8 : i32
        %parallel_loop3A_257 = arith.divsi %parallel_loop3A_251, %parallel_loop3A_256 : i32
        %parallel_loop3A_258 = arith.constant 0 : i32
        %parallel_loop3A_259 = arith.cmpi sgt, %parallel_loop3A_251, %parallel_loop3A_258 : i32
        %parallel_loop3A_260 = arith.extui %parallel_loop3A_259 : i1 to i32
        %parallel_loop3A_261 = arith.constant 0 : i32
        %parallel_loop3A_262 = arith.cmpi slt, %parallel_loop3A_251, %parallel_loop3A_261 : i32
        %parallel_loop3A_263 = arith.extui %parallel_loop3A_262 : i1 to i32
        %parallel_loop3A_264 = arith.subi %parallel_loop3A_260, %parallel_loop3A_263 : i32
        %parallel_loop3A_265 = arith.constant 0 : i32
        %parallel_loop3A_266 = arith.cmpi sgt, %parallel_loop3A_256, %parallel_loop3A_265 : i32
        %parallel_loop3A_267 = arith.extui %parallel_loop3A_266 : i1 to i32
        %parallel_loop3A_268 = arith.constant 0 : i32
        %parallel_loop3A_269 = arith.cmpi slt, %parallel_loop3A_256, %parallel_loop3A_268 : i32
        %parallel_loop3A_270 = arith.extui %parallel_loop3A_269 : i1 to i32
        %parallel_loop3A_271 = arith.subi %parallel_loop3A_267, %parallel_loop3A_270 : i32
        %parallel_loop3A_272 = arith.cmpi ne, %parallel_loop3A_264, %parallel_loop3A_271 : i32
        %parallel_loop3A_273 = arith.remsi %parallel_loop3A_251, %parallel_loop3A_256 : i32
        %parallel_loop3A_274 = arith.constant 0 : i32
        %parallel_loop3A_275 = arith.cmpi ne, %parallel_loop3A_273, %parallel_loop3A_274 : i32
        %parallel_loop3A_276 = arith.andi %parallel_loop3A_272, %parallel_loop3A_275 : i1
        %parallel_loop3A_277 = arith.constant 1 : i32
        %parallel_loop3A_278 = arith.subi %parallel_loop3A_257, %parallel_loop3A_277 : i32
        %parallel_loop3A_279 = arith.select %parallel_loop3A_276, %parallel_loop3A_278, %parallel_loop3A_257 : i32
        %parallel_loop3A_280 = arith.constant 8 : i32
        %parallel_loop3A_281 = arith.constant 0 : i32
        %parallel_loop3A_282 = arith.cmpi eq, %parallel_loop3A_280, %parallel_loop3A_281 : i32
        %parallel_loop3A_283 = arith.constant 1 : i32
        %parallel_loop3A_284 = arith.select %parallel_loop3A_282, %parallel_loop3A_283, %parallel_loop3A_280 : i32
        %parallel_loop3A_285 = arith.remsi %parallel_loop3A_251, %parallel_loop3A_284 : i32
        %parallel_loop3A_286 = arith.constant 0 : i32
        %parallel_loop3A_287 = arith.cmpi ne, %parallel_loop3A_285, %parallel_loop3A_286 : i32
        %parallel_loop3A_288 = arith.constant 0 : i32
        %parallel_loop3A_289 = arith.cmpi slt, %parallel_loop3A_285, %parallel_loop3A_288 : i32
        %parallel_loop3A_290 = arith.constant 0 : i32
        %parallel_loop3A_291 = arith.cmpi slt, %parallel_loop3A_284, %parallel_loop3A_290 : i32
        %parallel_loop3A_292 = arith.xori %parallel_loop3A_289, %parallel_loop3A_291 : i1
        %parallel_loop3A_293 = arith.andi %parallel_loop3A_292, %parallel_loop3A_287 : i1
        %parallel_loop3A_294 = arith.addi %parallel_loop3A_285, %parallel_loop3A_284 : i32
        %parallel_loop3A_295 = arith.select %parallel_loop3A_293, %parallel_loop3A_294, %parallel_loop3A_285 : i32
        %parallel_loop3A_296 = arith.constant 16 : i32
        %parallel_loop3A_297 = arith.muli %parallel_loop3A_295, %parallel_loop3A_296 : i32
        %parallel_loop3A_298 = arith.index_cast %parallel_loop3A_279 : i32 to index
        %parallel_loop3A_299 = arith.index_cast %parallel_loop3A_297 : i32 to index
        %parallel_loop3A_300 = tpu.vector_load %arg23[%parallel_loop3A_298, %parallel_loop3A_299] {strides = array<i32>} : memref<8x128xf32, #tpu.memory_space<vmem>>, vector<1x16xf32>,
        %parallel_loop3A_301 = vector.shape_cast %parallel_loop3A_300 : vector<1x16xf32> to vector<16xf32>
        %parallel_loop3A_302 = arith.mulf %parallel_loop3A_255, %parallel_loop3A_301 : vector<16xf32>
        %parallel_loop3A_303 = math.exp %parallel_loop3A_302 : vector<16xf32>
        %parallel_loop3A_304 = arith.index_cast %parallel_loop3A_251 : i32 to index
        %parallel_loop3A_305 = arith.constant 0 : index
        %parallel_loop3A_306 = tpu.vector_load %arg16[%parallel_loop3A_304, %parallel_loop3A_305] {strides = array<i32>} : memref<64x128xf32, #tpu.memory_space<vmem>>, vector<1x16xf32>,
        %parallel_loop3A_307 = vector.shape_cast %parallel_loop3A_306 : vector<1x16xf32> to vector<16xf32>
        %parallel_loop3A_308 = vector.shape_cast %parallel_loop3A_303 : vector<16xf32> to vector<1x16xf32>
        tpu.vector_store %arg16[%parallel_loop3A_304, %parallel_loop3A_305], %parallel_loop3A_308 {strides = array<i32>} : memref<64x128xf32, #tpu.memory_space<vmem>>, vector<1x16xf32>,
        %parallel_loop3A_309 = arith.mulf %parallel_loop3A_301, %parallel_loop3A_303 : vector<16xf32>
        %parallel_loop3A_310 = arith.index_cast %parallel_loop3A_251 : i32 to index
        %parallel_loop3A_311 = arith.constant 16 : index
        %parallel_loop3A_312 = tpu.vector_load %arg16[%parallel_loop3A_310, %parallel_loop3A_311] {strides = array<i32>} : memref<64x128xf32, #tpu.memory_space<vmem>>, vector<1x16xf32>,
        %parallel_loop3A_313 = vector.shape_cast %parallel_loop3A_312 : vector<1x16xf32> to vector<16xf32>
        %parallel_loop3A_314 = vector.shape_cast %parallel_loop3A_309 : vector<16xf32> to vector<1x16xf32>
        tpu.vector_store %arg16[%parallel_loop3A_310, %parallel_loop3A_311], %parallel_loop3A_314 {strides = array<i32>} : memref<64x128xf32, #tpu.memory_space<vmem>>, vector<1x16xf32>,
      } {sc.loop_unroll_factor = 8 : i64, sc.parallel_access}
      "tpu.region"() ({
        %run_scoped3A = tpu.sem_alloc : memref<!tpu.dma_semaphore, #tpu.memory_space<semaphore_mem>>
        %dma_start3A_251 = arith.constant 0 : i32
        %dma_start3A_252 = arith.constant 0 : i32
        %dma_start3A_253 = tpu.memref_slice %arg17[%dma_start3A_251, %dma_start3A_252] : memref<10240x128xf32, #tpu.memory_space<vmem_shared>> -> memref<10240x128xf32, #tpu.memory_space<vmem_shared>>
        tpu.enqueue_indirect_dma source(%arg16 : memref<64x128xf32, #tpu.memory_space<vmem>>) target(%dma_start3A_253 : memref<10240x128xf32, #tpu.memory_space<vmem_shared>>) offsets(%arg19 : memref<64xi32, #tpu.memory_space<vmem>>) semaphore(%run_scoped3A : memref<!tpu.dma_semaphore, #tpu.memory_space<semaphore_mem>>) {add = true}
        %dma_wait3A_254 = arith.constant 0 : i32
        %dma_wait3A_255 = arith.constant 0 : i32
        %dma_wait3A_256 = tpu.memref_slice %arg17[%dma_wait3A_254, %dma_wait3A_255] : memref<10240x128xf32, #tpu.memory_space<vmem_shared>> -> memref<10240x128xf32, #tpu.memory_space<vmem_shared>>
        tpu.wait_indirect_dma semaphore(%run_scoped3A : memref<!tpu.dma_semaphore, #tpu.memory_space<semaphore_mem>>) src(%arg16 : memref<64x128xf32, #tpu.memory_space<vmem>>) dst(%dma_wait3A_256 : memref<10240x128xf32, #tpu.memory_space<vmem_shared>>)
        tpu.yield
      }) : () -> ()
      %add3A_200 = arith.constant 3 : i32
      %add3A_201 = arith.addi %mul3A_138, %add3A_200 : i32
      %mul3A_202 = arith.constant 64 : i32
      %mul3A_203 = arith.muli %add3A_201, %mul3A_202 : i32
      %add3A_204 = arith.addi %multiple_of3A, %mul3A_203 : i32
      %multiple_of3A_205 = tpu.assume_multiple %add3A_204, 64 : i32
      %jit3A_206 = arith.constant 8 : i32
      %div3A_207 = arith.divsi %multiple_of3A_205, %jit3A_206 : i32
      %sign3A_208 = arith.constant 0 : i32
      %sign3A_209 = arith.cmpi sgt, %multiple_of3A_205, %sign3A_208 : i32
      %sign3A_210 = arith.extui %sign3A_209 : i1 to i32
      %sign3A_211 = arith.constant 0 : i32
      %sign3A_212 = arith.cmpi slt, %multiple_of3A_205, %sign3A_211 : i32
      %sign3A_213 = arith.extui %sign3A_212 : i1 to i32
      %sign3A_214 = arith.subi %sign3A_210, %sign3A_213 : i32
      %sign3A_215 = arith.constant 0 : i32
      %sign3A_216 = arith.cmpi sgt, %jit3A_206, %sign3A_215 : i32
      %sign3A_217 = arith.extui %sign3A_216 : i1 to i32
      %sign3A_218 = arith.constant 0 : i32
      %sign3A_219 = arith.cmpi slt, %jit3A_206, %sign3A_218 : i32
      %sign3A_220 = arith.extui %sign3A_219 : i1 to i32
      %sign3A_221 = arith.subi %sign3A_217, %sign3A_220 : i32
      %ne3A_222 = arith.cmpi ne, %sign3A_214, %sign3A_221 : i32
      %rem3A_223 = arith.remsi %multiple_of3A_205, %jit3A_206 : i32
      %ne3A_224 = arith.constant 0 : i32
      %ne3A_225 = arith.cmpi ne, %rem3A_223, %ne3A_224 : i32
      %and3A_226 = arith.andi %ne3A_222, %ne3A_225 : i1
      %sub3A_227 = arith.constant 1 : i32
      %sub3A_228 = arith.subi %div3A_207, %sub3A_227 : i32
      %select_n3A_229 = arith.select %and3A_226, %sub3A_228, %div3A_207 : i32
      %multiple_of3A_230 = tpu.assume_multiple %select_n3A_229, 8 : i32
      %dma_start3A_231 = tpu.memref_slice %arg2[%multiple_of3A_205] : memref<643200xi32, #tpu.memory_space<hbm>> -> memref<64xi32, #tpu.memory_space<hbm>>
      %dma_start3A_232 = tpu.memref_slice %arg2[%multiple_of3A_205] : memref<643200xi32, #tpu.memory_space<hbm>> -> memref<64xi32, #tpu.memory_space<hbm>>
      tpu.enqueue_dma source(%dma_start3A_232 : memref<64xi32, #tpu.memory_space<hbm>>) target(%arg18 : memref<64xi32, #tpu.memory_space<vmem>>) target_semaphore(%arg28 : memref<!tpu.dma_semaphore, #tpu.memory_space<semaphore_mem>>)
      %dma_start3A_233 = tpu.memref_slice %arg3[%multiple_of3A_205] : memref<643200xi32, #tpu.memory_space<hbm>> -> memref<64xi32, #tpu.memory_space<hbm>>
      %dma_start3A_234 = tpu.memref_slice %arg3[%multiple_of3A_205] : memref<643200xi32, #tpu.memory_space<hbm>> -> memref<64xi32, #tpu.memory_space<hbm>>
      tpu.enqueue_dma source(%dma_start3A_234 : memref<64xi32, #tpu.memory_space<hbm>>) target(%arg19 : memref<64xi32, #tpu.memory_space<vmem>>) target_semaphore(%arg29 : memref<!tpu.dma_semaphore, #tpu.memory_space<semaphore_mem>>)
      %dma_start3A_235 = arith.constant 0 : i32
      %dma_start3A_236 = tpu.memref_slice %arg8[%multiple_of3A_230, %dma_start3A_235] : memref<80400x128xf32, #tpu.memory_space<hbm>> -> memref<8x128xf32, #tpu.memory_space<hbm>>
      %dma_start3A_237 = arith.constant 0 : i32
      %dma_start3A_238 = tpu.memref_slice %arg8[%multiple_of3A_230, %dma_start3A_237] : memref<80400x128xf32, #tpu.memory_space<hbm>> -> memref<8x128xf32, #tpu.memory_space<hbm>>
      tpu.enqueue_dma source(%dma_start3A_238 : memref<8x128xf32, #tpu.memory_space<hbm>>) target(%arg23 : memref<8x128xf32, #tpu.memory_space<vmem>>) target_semaphore(%arg25 : memref<!tpu.dma_semaphore, #tpu.memory_space<semaphore_mem>>)
      %dma_wait3A_239 = tpu.memref_slice %arg2[%multiple_of3A_205] : memref<643200xi32, #tpu.memory_space<hbm>> -> memref<64xi32, #tpu.memory_space<hbm>>
      %dma_wait3A_240 = tpu.memref_slice %arg2[%multiple_of3A_205] : memref<643200xi32, #tpu.memory_space<hbm>> -> memref<64xi32, #tpu.memory_space<hbm>>
      tpu.wait_dma2 semaphore(%arg28 : memref<!tpu.dma_semaphore, #tpu.memory_space<semaphore_mem>>) src(%dma_wait3A_240 : memref<64xi32, #tpu.memory_space<hbm>>) dst(%arg18 : memref<64xi32, #tpu.memory_space<vmem>>)
      %dma_wait3A_241 = tpu.memref_slice %arg3[%multiple_of3A_205] : memref<643200xi32, #tpu.memory_space<hbm>> -> memref<64xi32, #tpu.memory_space<hbm>>
      %dma_wait3A_242 = tpu.memref_slice %arg3[%multiple_of3A_205] : memref<643200xi32, #tpu.memory_space<hbm>> -> memref<64xi32, #tpu.memory_space<hbm>>
      tpu.wait_dma2 semaphore(%arg29 : memref<!tpu.dma_semaphore, #tpu.memory_space<semaphore_mem>>) src(%dma_wait3A_242 : memref<64xi32, #tpu.memory_space<hbm>>) dst(%arg19 : memref<64xi32, #tpu.memory_space<vmem>>)
      %dma_wait3A_243 = arith.constant 0 : i32
      %dma_wait3A_244 = tpu.memref_slice %arg8[%multiple_of3A_230, %dma_wait3A_243] : memref<80400x128xf32, #tpu.memory_space<hbm>> -> memref<8x128xf32, #tpu.memory_space<hbm>>
      %dma_wait3A_245 = arith.constant 0 : i32
      %dma_wait3A_246 = tpu.memref_slice %arg8[%multiple_of3A_230, %dma_wait3A_245] : memref<80400x128xf32, #tpu.memory_space<hbm>> -> memref<8x128xf32, #tpu.memory_space<hbm>>
      tpu.wait_dma2 semaphore(%arg25 : memref<!tpu.dma_semaphore, #tpu.memory_space<semaphore_mem>>) src(%dma_wait3A_246 : memref<8x128xf32, #tpu.memory_space<hbm>>) dst(%arg23 : memref<8x128xf32, #tpu.memory_space<vmem>>)
      %dma_start3A_247 = arith.constant 0 : i32
      %dma_start3A_248 = arith.constant 0 : i32
      %dma_start3A_249 = tpu.memref_slice %arg6[%dma_start3A_247, %dma_start3A_248] : memref<20480x128xf32, #tpu.memory_space<hbm>> -> memref<20480x128xf32, #tpu.memory_space<hbm>>
      tpu.enqueue_indirect_dma source(%dma_start3A_249 : memref<20480x128xf32, #tpu.memory_space<hbm>>) target(%arg21 : memref<64x128xf32, #tpu.memory_space<vmem>>) offsets(%arg18 : memref<64xi32, #tpu.memory_space<vmem>>) semaphore(%arg25 : memref<!tpu.dma_semaphore, #tpu.memory_space<semaphore_mem>>)
      %scan3A_250 = arith.constant 0 : i32
      scf.yield %scan3A_250 : i32
    }
    %scan3A_112 = arith.constant 157 : i32
    %dma_wait3A_113 = arith.constant 0 : i32
    %dma_wait3A_114 = arith.constant 0 : i32
    %dma_wait3A_115 = tpu.memref_slice %arg6[%dma_wait3A_113, %dma_wait3A_114] : memref<20480x128xf32, #tpu.memory_space<hbm>> -> memref<20480x128xf32, #tpu.memory_space<hbm>>
    tpu.wait_indirect_dma semaphore(%arg24 : memref<!tpu.dma_semaphore, #tpu.memory_space<semaphore_mem>>) src(%dma_wait3A_115 : memref<20480x128xf32, #tpu.memory_space<hbm>>) dst(%arg13 : memref<64x128xf32, #tpu.memory_space<vmem>>)
    %dma_wait3A_116 = arith.constant 0 : i32
    %dma_wait3A_117 = arith.constant 0 : i32
    %dma_wait3A_118 = tpu.memref_slice %arg6[%dma_wait3A_116, %dma_wait3A_117] : memref<20480x128xf32, #tpu.memory_space<hbm>> -> memref<20480x128xf32, #tpu.memory_space<hbm>>
    tpu.wait_indirect_dma semaphore(%arg25 : memref<!tpu.dma_semaphore, #tpu.memory_space<semaphore_mem>>) src(%dma_wait3A_118 : memref<20480x128xf32, #tpu.memory_space<hbm>>) dst(%arg21 : memref<64x128xf32, #tpu.memory_space<vmem>>)
    %barrier3A_119 = arith.constant 0 : index
    tpu.barrier barrier_id(%barrier3A_119)
    %add3A_120 = arith.constant 4 : i32
    %add3A_121 = arith.addi %add3A_120, %arg0 : i32
    %mul3A_122 = arith.constant 10240 : i32
    %mul3A_123 = arith.muli %add3A_121, %mul3A_122 : i32
    %mul3A_124 = arith.constant 640 : i32
    %mul3A_125 = arith.muli %arg1, %mul3A_124 : i32
    %add3A_126 = arith.addi %mul3A_123, %mul3A_125 : i32
    %scan3A_127 = arith.constant 0 : i32
    %scan3A_128 = arith.constant 0 : i32
    %scan3A_129 = arith.constant 10 : i32
    %scan3A_130 = arith.addi %scan3A_128, %scan3A_129 : i32
    %scan3A_131 = arith.constant 1 : i32
    %scan3A_132 = scf.for %scan3A_135 = %scan3A_128 to %scan3A_130 step %scan3A_131 iter_args(%scan3A_136 = %scan3A_127) -> (i32)  : i32 {
      %mul3A_137 = arith.constant 640 : i32
      %mul3A_138 = arith.muli %arg1, %mul3A_137 : i32
      %mul3A_139 = arith.constant 64 : i32
      %mul3A_140 = arith.muli %scan3A_135, %mul3A_139 : i32
      %add3A_141 = arith.addi %mul3A_138, %mul3A_140 : i32
      %multiple_of3A_142 = tpu.assume_multiple %add3A_141, 64 : i32
      %mul3A_143 = arith.constant 64 : i32
      %mul3A_144 = arith.muli %scan3A_135, %mul3A_143 : i32
      %add3A_145 = arith.addi %add3A_126, %mul3A_144 : i32
      %multiple_of3A_146 = tpu.assume_multiple %add3A_145, 64 : i32
      "tpu.region"() ({
        %run_scoped3A = tpu.sem_alloc : memref<!tpu.dma_semaphore, #tpu.memory_space<semaphore_mem>>
        %dma_start3A_148 = arith.constant 0 : i32
        %dma_start3A_149 = tpu.memref_slice %arg17[%multiple_of3A_142, %dma_start3A_148] : memref<10240x128xf32, #tpu.memory_space<vmem_shared>> -> memref<64x128xf32, #tpu.memory_space<vmem_shared>>
        %dma_start3A_150 = arith.constant 0 : i32
        %dma_start3A_151 = tpu.memref_slice %arg17[%multiple_of3A_142, %dma_start3A_150] : memref<10240x128xf32, #tpu.memory_space<vmem_shared>> -> memref<64x128xf32, #tpu.memory_space<vmem_shared>>
        tpu.enqueue_dma source(%dma_start3A_151 : memref<64x128xf32, #tpu.memory_space<vmem_shared>>) target(%arg16 : memref<64x128xf32, #tpu.memory_space<vmem>>) target_semaphore(%run_scoped3A : memref<!tpu.dma_semaphore, #tpu.memory_space<semaphore_mem>>)
        %dma_wait3A_152 = arith.constant 0 : i32
        %dma_wait3A_153 = tpu.memref_slice %arg17[%multiple_of3A_142, %dma_wait3A_152] : memref<10240x128xf32, #tpu.memory_space<vmem_shared>> -> memref<64x128xf32, #tpu.memory_space<vmem_shared>>
        %dma_wait3A_154 = arith.constant 0 : i32
        %dma_wait3A_155 = tpu.memref_slice %arg17[%multiple_of3A_142, %dma_wait3A_154] : memref<10240x128xf32, #tpu.memory_space<vmem_shared>> -> memref<64x128xf32, #tpu.memory_space<vmem_shared>>
        tpu.wait_dma2 semaphore(%run_scoped3A : memref<!tpu.dma_semaphore, #tpu.memory_space<semaphore_mem>>) src(%dma_wait3A_155 : memref<64x128xf32, #tpu.memory_space<vmem_shared>>) dst(%arg16 : memref<64x128xf32, #tpu.memory_space<vmem>>)
        tpu.yield
      }) : () -> ()
      "tpu.region"() ({
        %run_scoped3A = tpu.sem_alloc : memref<!tpu.dma_semaphore, #tpu.memory_space<semaphore_mem>>
        %dma_start3A_148 = arith.constant 0 : i32
        %dma_start3A_149 = tpu.memref_slice %arg9[%multiple_of3A_146, %dma_start3A_148] : memref<61440x128xf32, #tpu.memory_space<hbm>> -> memref<64x128xf32, #tpu.memory_space<hbm>>
        %dma_start3A_150 = arith.constant 0 : i32
        %dma_start3A_151 = tpu.memref_slice %arg9[%multiple_of3A_146, %dma_start3A_150] : memref<61440x128xf32, #tpu.memory_space<hbm>> -> memref<64x128xf32, #tpu.memory_space<hbm>>
        tpu.enqueue_dma source(%arg16 : memref<64x128xf32, #tpu.memory_space<vmem>>) target(%dma_start3A_151 : memref<64x128xf32, #tpu.memory_space<hbm>>) target_semaphore(%run_scoped3A : memref<!tpu.dma_semaphore, #tpu.memory_space<semaphore_mem>>)
        %dma_wait3A_152 = arith.constant 0 : i32
        %dma_wait3A_153 = tpu.memref_slice %arg9[%multiple_of3A_146, %dma_wait3A_152] : memref<61440x128xf32, #tpu.memory_space<hbm>> -> memref<64x128xf32, #tpu.memory_space<hbm>>
        %dma_wait3A_154 = arith.constant 0 : i32
        %dma_wait3A_155 = tpu.memref_slice %arg9[%multiple_of3A_146, %dma_wait3A_154] : memref<61440x128xf32, #tpu.memory_space<hbm>> -> memref<64x128xf32, #tpu.memory_space<hbm>>
        tpu.wait_dma2 semaphore(%run_scoped3A : memref<!tpu.dma_semaphore, #tpu.memory_space<semaphore_mem>>) src(%arg16 : memref<64x128xf32, #tpu.memory_space<vmem>>) dst(%dma_wait3A_155 : memref<64x128xf32, #tpu.memory_space<hbm>>)
        tpu.yield
      }) : () -> ()
      %scan3A_147 = arith.constant 0 : i32
      scf.yield %scan3A_147 : i32
    }
    %scan3A_133 = arith.constant 10 : i32
    %barrier3A_134 = arith.constant 0 : index
    tpu.barrier barrier_id(%barrier3A_134)
    return
  }
}

module attributes {stable_mosaic.version = 14 : i64} {
  func.func @_edge_mm_body(%arg0: i32, %arg1: memref<4000x16xf32, #tpu.memory_space<vmem>>, %arg2: memref<4000x16xf32, #tpu.memory_space<vmem>>, %arg3: memref<16x128xf32, #tpu.memory_space<vmem>>, %arg4: memref<1x128xf32, #tpu.memory_space<vmem>>, %arg5: memref<4000x128xf32, #tpu.memory_space<vmem>>, %arg6: memref<4000x128xf32, #tpu.memory_space<vmem>>) attributes {dimension_semantics = [#tpu.dimension_semantics<arbitrary>], iteration_bounds = array<i64: 80>, scalar_prefetch = 0 : i64, scratch_operands = 0 : i64, tpu.core_type = #tpu.core_type<tc>, window_params = [{transform_indices = @transform_0, window_bounds = array<i64: 4000, 16>}, {transform_indices = @transform_1, window_bounds = array<i64: 4000, 16>}, {pipeline_mode = #tpu.pipeline_mode<synchronous>, transform_indices = @transform_2, window_bounds = array<i64: 16, 128>}, {pipeline_mode = #tpu.pipeline_mode<synchronous>, transform_indices = @transform_3, window_bounds = array<i64: 1, 128>}, {transform_indices = @transform_4, window_bounds = array<i64: 4000, 128>}, {transform_indices = @transform_5, window_bounds = array<i64: 4000, 128>}]} {
    %get3A = arith.constant 0 : index
    %get3A_0 = arith.constant 0 : index
    %get3A_1 = vector.load %arg1[%get3A, %get3A_0] : memref<4000x16xf32, #tpu.memory_space<vmem>>, vector<4000x16xf32>
    %get3A_2 = arith.constant 0 : index
    %get3A_3 = arith.constant 0 : index
    %get3A_4 = vector.load %arg3[%get3A_2, %get3A_3] : memref<16x128xf32, #tpu.memory_space<vmem>>, vector<16x128xf32>
    %dot_general3A = arith.constant dense<0.000000e+00> : vector<4000x128xf32>
    %dot_general3A_5 = tpu.matmul %get3A_1, %get3A_4, %dot_general3A {dimension_numbers = #tpu.dot_dimension_numbers<[1], [0], [0], [1], [0, 0, 1, 1], [], []>, transpose_lhs_hint = false} : vector<4000x16xf32>, vector<16x128xf32>, vector<4000x128xf32> -> vector<4000x128xf32>
    %get3A_6 = arith.constant 0 : index
    %get3A_7 = arith.constant 0 : index
    %get3A_8 = vector.load %arg4[%get3A_6, %get3A_7] : memref<1x128xf32, #tpu.memory_space<vmem>>, vector<1x128xf32>
    %add3A = vector.broadcast %get3A_8 : vector<1x128xf32> to vector<4000x128xf32>
    %add3A_9 = arith.addf %dot_general3A_5, %add3A : vector<4000x128xf32>
    %swap3A = arith.constant 0 : index
    %swap3A_10 = arith.constant 0 : index
    %swap3A_11 = vector.load %arg5[%swap3A, %swap3A_10] : memref<4000x128xf32, #tpu.memory_space<vmem>>, vector<4000x128xf32>
    tpu.vector_store %arg5[%swap3A, %swap3A_10], %add3A_9 {strides = array<i32>} : memref<4000x128xf32, #tpu.memory_space<vmem>>, vector<4000x128xf32>,
    %get3A_12 = arith.constant 0 : index
    %get3A_13 = arith.constant 0 : index
    %get3A_14 = vector.load %arg2[%get3A_12, %get3A_13] : memref<4000x16xf32, #tpu.memory_space<vmem>>, vector<4000x16xf32>
    %get3A_15 = arith.constant 0 : index
    %get3A_16 = arith.constant 0 : index
    %get3A_17 = vector.load %arg3[%get3A_15, %get3A_16] : memref<16x128xf32, #tpu.memory_space<vmem>>, vector<16x128xf32>
    %dot_general3A_18 = arith.constant dense<0.000000e+00> : vector<4000x128xf32>
    %dot_general3A_19 = tpu.matmul %get3A_14, %get3A_17, %dot_general3A_18 {dimension_numbers = #tpu.dot_dimension_numbers<[1], [0], [0], [1], [0, 0, 1, 1], [], []>, transpose_lhs_hint = false} : vector<4000x16xf32>, vector<16x128xf32>, vector<4000x128xf32> -> vector<4000x128xf32>
    %get3A_20 = arith.constant 0 : index
    %get3A_21 = arith.constant 0 : index
    %get3A_22 = vector.load %arg4[%get3A_20, %get3A_21] : memref<1x128xf32, #tpu.memory_space<vmem>>, vector<1x128xf32>
    %add3A_23 = vector.broadcast %get3A_22 : vector<1x128xf32> to vector<4000x128xf32>
    %add3A_24 = arith.addf %dot_general3A_19, %add3A_23 : vector<4000x128xf32>
    %swap3A_25 = arith.constant 0 : index
    %swap3A_26 = arith.constant 0 : index
    %swap3A_27 = vector.load %arg6[%swap3A_25, %swap3A_26] : memref<4000x128xf32, #tpu.memory_space<vmem>>, vector<4000x128xf32>
    tpu.vector_store %arg6[%swap3A_25, %swap3A_26], %add3A_24 {strides = array<i32>} : memref<4000x128xf32, #tpu.memory_space<vmem>>, vector<4000x128xf32>,
    return
  }
  func.func @transform_0(%arg0: i32) -> (i32, i32) {
    %c0_i32 = arith.constant 0 : i32
    %c0_i32_0 = arith.constant 0 : i32
    return %arg0, %c0_i32 : i32, i32
  }
  func.func @transform_1(%arg0: i32) -> (i32, i32) {
    %c0_i32 = arith.constant 0 : i32
    %c0_i32_0 = arith.constant 0 : i32
    return %arg0, %c0_i32 : i32, i32
  }
  func.func @transform_2(%arg0: i32) -> (i32, i32) {
    %c0_i32 = arith.constant 0 : i32
    %c0_i32_0 = arith.constant 0 : i32
    %c0_i32_1 = arith.constant 0 : i32
    return %c0_i32, %c0_i32_0 : i32, i32
  }
  func.func @transform_3(%arg0: i32) -> (i32, i32) {
    %c0_i32 = arith.constant 0 : i32
    %c0_i32_0 = arith.constant 0 : i32
    %c0_i32_1 = arith.constant 0 : i32
    return %c0_i32, %c0_i32_0 : i32, i32
  }
  func.func @transform_4(%arg0: i32) -> (i32, i32) {
    %c0_i32 = arith.constant 0 : i32
    %c0_i32_0 = arith.constant 0 : i32
    return %arg0, %c0_i32 : i32, i32
  }
  func.func @transform_5(%arg0: i32) -> (i32, i32) {
    %c0_i32 = arith.constant 0 : i32
    %c0_i32_0 = arith.constant 0 : i32
    return %arg0, %c0_i32 : i32, i32
  }
}

module attributes {stable_mosaic.version = 14 : i64} {
  func.func @_node_mm_body(%arg0: i32, %arg1: memref<1000x128xf32, #tpu.memory_space<vmem>>, %arg2: memref<1000x128xf32, #tpu.memory_space<vmem>>, %arg3: memref<128x128xf32, #tpu.memory_space<vmem>>, %arg4: memref<1x128xf32, #tpu.memory_space<vmem>>, %arg5: memref<128x128xf32, #tpu.memory_space<vmem>>, %arg6: memref<1x128xf32, #tpu.memory_space<vmem>>, %arg7: memref<128x144xf32, #tpu.memory_space<vmem>>, %arg8: memref<1x144xf32, #tpu.memory_space<vmem>>, %arg9: memref<128x144xf32, #tpu.memory_space<vmem>>, %arg10: memref<1x144xf32, #tpu.memory_space<vmem>>, %arg11: memref<1000x128xf32, #tpu.memory_space<vmem>>, %arg12: memref<1000x128xf32, #tpu.memory_space<vmem>>, %arg13: memref<1000x128xf32, #tpu.memory_space<vmem>>, %arg14: memref<1000x144xf32, #tpu.memory_space<vmem>>, %arg15: memref<1000x144xf32, #tpu.memory_space<vmem>>) attributes {dimension_semantics = [#tpu.dimension_semantics<arbitrary>], iteration_bounds = array<i64: 10>, scalar_prefetch = 0 : i64, scratch_operands = 0 : i64, tpu.core_type = #tpu.core_type<tc>, window_params = [{transform_indices = @transform_0, window_bounds = array<i64: 1000, 128>}, {transform_indices = @transform_1, window_bounds = array<i64: 1000, 128>}, {pipeline_mode = #tpu.pipeline_mode<synchronous>, transform_indices = @transform_2, window_bounds = array<i64: 128, 128>}, {pipeline_mode = #tpu.pipeline_mode<synchronous>, transform_indices = @transform_3, window_bounds = array<i64: 1, 128>}, {pipeline_mode = #tpu.pipeline_mode<synchronous>, transform_indices = @transform_4, window_bounds = array<i64: 128, 128>}, {pipeline_mode = #tpu.pipeline_mode<synchronous>, transform_indices = @transform_5, window_bounds = array<i64: 1, 128>}, {pipeline_mode = #tpu.pipeline_mode<synchronous>, transform_indices = @transform_6, window_bounds = array<i64: 128, 144>}, {pipeline_mode = #tpu.pipeline_mode<synchronous>, transform_indices = @transform_7, window_bounds = array<i64: 1, 144>}, {pipeline_mode = #tpu.pipeline_mode<synchronous>, transform_indices = @transform_8, window_bounds = array<i64: 128, 144>}, {pipeline_mode = #tpu.pipeline_mode<synchronous>, transform_indices = @transform_9, window_bounds = array<i64: 1, 144>}, {transform_indices = @transform_10, window_bounds = array<i64: 1000, 128>}, {transform_indices = @transform_11, window_bounds = array<i64: 1000, 128>}, {transform_indices = @transform_12, window_bounds = array<i64: 1000, 128>}, {transform_indices = @transform_13, window_bounds = array<i64: 1000, 144>}, {transform_indices = @transform_14, window_bounds = array<i64: 1000, 144>}]} {
    %get3A = arith.constant 0 : index
    %get3A_0 = arith.constant 0 : index
    %get3A_1 = vector.load %arg1[%get3A, %get3A_0] : memref<1000x128xf32, #tpu.memory_space<vmem>>, vector<1000x128xf32>
    %get3A_2 = arith.constant 0 : index
    %get3A_3 = arith.constant 0 : index
    %get3A_4 = vector.load %arg2[%get3A_2, %get3A_3] : memref<1000x128xf32, #tpu.memory_space<vmem>>, vector<1000x128xf32>
    %get3A_5 = arith.constant 0 : index
    %get3A_6 = arith.constant 0 : index
    %get3A_7 = vector.load %arg3[%get3A_5, %get3A_6] : memref<128x128xf32, #tpu.memory_space<vmem>>, vector<128x128xf32>
    %dot_general3A = arith.constant dense<0.000000e+00> : vector<1000x128xf32>
    %dot_general3A_8 = tpu.matmul %get3A_1, %get3A_7, %dot_general3A {dimension_numbers = #tpu.dot_dimension_numbers<[1], [0], [0], [1], [0, 0, 1, 1], [], []>, transpose_lhs_hint = false} : vector<1000x128xf32>, vector<128x128xf32>, vector<1000x128xf32> -> vector<1000x128xf32>
    %get3A_9 = arith.constant 0 : index
    %get3A_10 = arith.constant 0 : index
    %get3A_11 = vector.load %arg4[%get3A_9, %get3A_10] : memref<1x128xf32, #tpu.memory_space<vmem>>, vector<1x128xf32>
    %add3A = vector.broadcast %get3A_11 : vector<1x128xf32> to vector<1000x128xf32>
    %add3A_12 = arith.addf %dot_general3A_8, %add3A : vector<1000x128xf32>
    %swap3A = arith.constant 0 : index
    %swap3A_13 = arith.constant 0 : index
    %swap3A_14 = vector.load %arg11[%swap3A, %swap3A_13] : memref<1000x128xf32, #tpu.memory_space<vmem>>, vector<1000x128xf32>
    tpu.vector_store %arg11[%swap3A, %swap3A_13], %add3A_12 {strides = array<i32>} : memref<1000x128xf32, #tpu.memory_space<vmem>>, vector<1000x128xf32>,
    %get3A_15 = arith.constant 0 : index
    %get3A_16 = arith.constant 0 : index
    %get3A_17 = vector.load %arg5[%get3A_15, %get3A_16] : memref<128x128xf32, #tpu.memory_space<vmem>>, vector<128x128xf32>
    %dot_general3A_18 = arith.constant dense<0.000000e+00> : vector<1000x128xf32>
    %dot_general3A_19 = tpu.matmul %get3A_4, %get3A_17, %dot_general3A_18 {dimension_numbers = #tpu.dot_dimension_numbers<[1], [0], [0], [1], [0, 0, 1, 1], [], []>, transpose_lhs_hint = false} : vector<1000x128xf32>, vector<128x128xf32>, vector<1000x128xf32> -> vector<1000x128xf32>
    %get3A_20 = arith.constant 0 : index
    %get3A_21 = arith.constant 0 : index
    %get3A_22 = vector.load %arg6[%get3A_20, %get3A_21] : memref<1x128xf32, #tpu.memory_space<vmem>>, vector<1x128xf32>
    %add3A_23 = vector.broadcast %get3A_22 : vector<1x128xf32> to vector<1000x128xf32>
    %add3A_24 = arith.addf %dot_general3A_19, %add3A_23 : vector<1000x128xf32>
    %swap3A_25 = arith.constant 0 : index
    %swap3A_26 = arith.constant 0 : index
    %swap3A_27 = vector.load %arg12[%swap3A_25, %swap3A_26] : memref<1000x128xf32, #tpu.memory_space<vmem>>, vector<1000x128xf32>
    tpu.vector_store %arg12[%swap3A_25, %swap3A_26], %add3A_24 {strides = array<i32>} : memref<1000x128xf32, #tpu.memory_space<vmem>>, vector<1000x128xf32>,
    %get3A_28 = arith.constant 0 : index
    %get3A_29 = arith.constant 0 : index
    %get3A_30 = vector.load %arg3[%get3A_28, %get3A_29] : memref<128x128xf32, #tpu.memory_space<vmem>>, vector<128x128xf32>
    %dot_general3A_31 = arith.constant dense<0.000000e+00> : vector<1000x128xf32>
    %dot_general3A_32 = tpu.matmul %get3A_4, %get3A_30, %dot_general3A_31 {dimension_numbers = #tpu.dot_dimension_numbers<[1], [0], [0], [1], [0, 0, 1, 1], [], []>, transpose_lhs_hint = false} : vector<1000x128xf32>, vector<128x128xf32>, vector<1000x128xf32> -> vector<1000x128xf32>
    %get3A_33 = arith.constant 0 : index
    %get3A_34 = arith.constant 0 : index
    %get3A_35 = vector.load %arg4[%get3A_33, %get3A_34] : memref<1x128xf32, #tpu.memory_space<vmem>>, vector<1x128xf32>
    %add3A_36 = vector.broadcast %get3A_35 : vector<1x128xf32> to vector<1000x128xf32>
    %add3A_37 = arith.addf %dot_general3A_32, %add3A_36 : vector<1000x128xf32>
    %swap3A_38 = arith.constant 0 : index
    %swap3A_39 = arith.constant 0 : index
    %swap3A_40 = vector.load %arg13[%swap3A_38, %swap3A_39] : memref<1000x128xf32, #tpu.memory_space<vmem>>, vector<1000x128xf32>
    tpu.vector_store %arg13[%swap3A_38, %swap3A_39], %add3A_37 {strides = array<i32>} : memref<1000x128xf32, #tpu.memory_space<vmem>>, vector<1000x128xf32>,
    %get3A_41 = arith.constant 0 : index
    %get3A_42 = arith.constant 0 : index
    %get3A_43 = vector.load %arg7[%get3A_41, %get3A_42] : memref<128x144xf32, #tpu.memory_space<vmem>>, vector<128x144xf32>
    %dot_general3A_44 = arith.constant dense<0.000000e+00> : vector<1000x144xf32>
    %dot_general3A_45 = tpu.matmul %get3A_1, %get3A_43, %dot_general3A_44 {dimension_numbers = #tpu.dot_dimension_numbers<[1], [0], [0], [1], [0, 0, 1, 1], [], []>, transpose_lhs_hint = false} : vector<1000x128xf32>, vector<128x144xf32>, vector<1000x144xf32> -> vector<1000x144xf32>
    %get3A_46 = arith.constant 0 : index
    %get3A_47 = arith.constant 0 : index
    %get3A_48 = vector.load %arg8[%get3A_46, %get3A_47] : memref<1x144xf32, #tpu.memory_space<vmem>>, vector<1x144xf32>
    %add3A_49 = vector.broadcast %get3A_48 : vector<1x144xf32> to vector<1000x144xf32>
    %add3A_50 = arith.addf %dot_general3A_45, %add3A_49 : vector<1000x144xf32>
    %swap3A_51 = arith.constant 0 : index
    %swap3A_52 = arith.constant 0 : index
    %swap3A_53 = vector.load %arg14[%swap3A_51, %swap3A_52] : memref<1000x144xf32, #tpu.memory_space<vmem>>, vector<1000x144xf32>
    tpu.vector_store %arg14[%swap3A_51, %swap3A_52], %add3A_50 {strides = array<i32>} : memref<1000x144xf32, #tpu.memory_space<vmem>>, vector<1000x144xf32>,
    %get3A_54 = arith.constant 0 : index
    %get3A_55 = arith.constant 0 : index
    %get3A_56 = vector.load %arg9[%get3A_54, %get3A_55] : memref<128x144xf32, #tpu.memory_space<vmem>>, vector<128x144xf32>
    %dot_general3A_57 = arith.constant dense<0.000000e+00> : vector<1000x144xf32>
    %dot_general3A_58 = tpu.matmul %get3A_4, %get3A_56, %dot_general3A_57 {dimension_numbers = #tpu.dot_dimension_numbers<[1], [0], [0], [1], [0, 0, 1, 1], [], []>, transpose_lhs_hint = false} : vector<1000x128xf32>, vector<128x144xf32>, vector<1000x144xf32> -> vector<1000x144xf32>
    %get3A_59 = arith.constant 0 : index
    %get3A_60 = arith.constant 0 : index
    %get3A_61 = vector.load %arg10[%get3A_59, %get3A_60] : memref<1x144xf32, #tpu.memory_space<vmem>>, vector<1x144xf32>
    %add3A_62 = vector.broadcast %get3A_61 : vector<1x144xf32> to vector<1000x144xf32>
    %add3A_63 = arith.addf %dot_general3A_58, %add3A_62 : vector<1000x144xf32>
    %swap3A_64 = arith.constant 0 : index
    %swap3A_65 = arith.constant 0 : index
    %swap3A_66 = vector.load %arg15[%swap3A_64, %swap3A_65] : memref<1000x144xf32, #tpu.memory_space<vmem>>, vector<1000x144xf32>
    tpu.vector_store %arg15[%swap3A_64, %swap3A_65], %add3A_63 {strides = array<i32>} : memref<1000x144xf32, #tpu.memory_space<vmem>>, vector<1000x144xf32>,
    return
  }
  func.func @transform_0(%arg0: i32) -> (i32, i32) {
    %c0_i32 = arith.constant 0 : i32
    %c0_i32_0 = arith.constant 0 : i32
    return %arg0, %c0_i32 : i32, i32
  }
  func.func @transform_1(%arg0: i32) -> (i32, i32) {
    %c0_i32 = arith.constant 0 : i32
    %c0_i32_0 = arith.constant 0 : i32
    return %arg0, %c0_i32 : i32, i32
  }
  func.func @transform_2(%arg0: i32) -> (i32, i32) {
    %c0_i32 = arith.constant 0 : i32
    %c0_i32_0 = arith.constant 0 : i32
    %c0_i32_1 = arith.constant 0 : i32
    return %c0_i32, %c0_i32_0 : i32, i32
  }
  func.func @transform_3(%arg0: i32) -> (i32, i32) {
    %c0_i32 = arith.constant 0 : i32
    %c0_i32_0 = arith.constant 0 : i32
    %c0_i32_1 = arith.constant 0 : i32
    return %c0_i32, %c0_i32_0 : i32, i32
  }
  func.func @transform_4(%arg0: i32) -> (i32, i32) {
    %c0_i32 = arith.constant 0 : i32
    %c0_i32_0 = arith.constant 0 : i32
    %c0_i32_1 = arith.constant 0 : i32
    return %c0_i32, %c0_i32_0 : i32, i32
  }
  func.func @transform_5(%arg0: i32) -> (i32, i32) {
    %c0_i32 = arith.constant 0 : i32
    %c0_i32_0 = arith.constant 0 : i32
    %c0_i32_1 = arith.constant 0 : i32
    return %c0_i32, %c0_i32_0 : i32, i32
  }
  func.func @transform_6(%arg0: i32) -> (i32, i32) {
    %c0_i32 = arith.constant 0 : i32
    %c0_i32_0 = arith.constant 0 : i32
    %c0_i32_1 = arith.constant 0 : i32
    return %c0_i32, %c0_i32_0 : i32, i32
  }
  func.func @transform_7(%arg0: i32) -> (i32, i32) {
    %c0_i32 = arith.constant 0 : i32
    %c0_i32_0 = arith.constant 0 : i32
    %c0_i32_1 = arith.constant 0 : i32
    return %c0_i32, %c0_i32_0 : i32, i32
  }
  func.func @transform_8(%arg0: i32) -> (i32, i32) {
    %c0_i32 = arith.constant 0 : i32
    %c0_i32_0 = arith.constant 0 : i32
    %c0_i32_1 = arith.constant 0 : i32
    return %c0_i32, %c0_i32_0 : i32, i32
  }
  func.func @transform_9(%arg0: i32) -> (i32, i32) {
    %c0_i32 = arith.constant 0 : i32
    %c0_i32_0 = arith.constant 0 : i32
    %c0_i32_1 = arith.constant 0 : i32
    return %c0_i32, %c0_i32_0 : i32, i32
  }
  func.func @transform_10(%arg0: i32) -> (i32, i32) {
    %c0_i32 = arith.constant 0 : i32
    %c0_i32_0 = arith.constant 0 : i32
    return %arg0, %c0_i32 : i32, i32
  }
  func.func @transform_11(%arg0: i32) -> (i32, i32) {
    %c0_i32 = arith.constant 0 : i32
    %c0_i32_0 = arith.constant 0 : i32
    return %arg0, %c0_i32 : i32, i32
  }
  func.func @transform_12(%arg0: i32) -> (i32, i32) {
    %c0_i32 = arith.constant 0 : i32
    %c0_i32_0 = arith.constant 0 : i32
    return %arg0, %c0_i32 : i32, i32
  }
  func.func @transform_13(%arg0: i32) -> (i32, i32) {
    %c0_i32 = arith.constant 0 : i32
    %c0_i32_0 = arith.constant 0 : i32
    return %arg0, %c0_i32 : i32, i32
  }
  func.func @transform_14(%arg0: i32) -> (i32, i32) {
    %c0_i32 = arith.constant 0 : i32
    %c0_i32_0 = arith.constant 0 : i32
    return %arg0, %c0_i32 : i32, i32
  }
}

module attributes {stable_mosaic.version = 14 : i64} {
  func.func @_final_body(%arg0: i32, %arg1: memref<1000x128xf32, #tpu.memory_space<vmem>>, %arg2: memref<1000x128xf32, #tpu.memory_space<vmem>>, %arg3: memref<1000x64xf32, #tpu.memory_space<vmem>>, %arg4: memref<1000x64xf32, #tpu.memory_space<vmem>>, %arg5: memref<1000x16xf32, #tpu.memory_space<vmem>>, %arg6: memref<1000x64xf32, #tpu.memory_space<vmem>>, %arg7: memref<1000x64xf32, #tpu.memory_space<vmem>>, %arg8: memref<1000x16xf32, #tpu.memory_space<vmem>>, %arg9: memref<1000x64xf32, #tpu.memory_space<vmem>>, %arg10: memref<1000x64xf32, #tpu.memory_space<vmem>>, %arg11: memref<1000x16xf32, #tpu.memory_space<vmem>>, %arg12: memref<1000x64xf32, #tpu.memory_space<vmem>>, %arg13: memref<1000x64xf32, #tpu.memory_space<vmem>>, %arg14: memref<1000x16xf32, #tpu.memory_space<vmem>>, %arg15: memref<128x64xf32, #tpu.memory_space<vmem>>, %arg16: memref<1x64xf32, #tpu.memory_space<vmem>>, %arg17: memref<128x64xf32, #tpu.memory_space<vmem>>, %arg18: memref<1x64xf32, #tpu.memory_space<vmem>>, %arg19: memref<64x64xf32, #tpu.memory_space<vmem>>, %arg20: memref<64x64xf32, #tpu.memory_space<vmem>>, %arg21: memref<16x64xf32, #tpu.memory_space<vmem>>, %arg22: memref<1x64xf32, #tpu.memory_space<vmem>>, %arg23: memref<64x64xf32, #tpu.memory_space<vmem>>, %arg24: memref<64x64xf32, #tpu.memory_space<vmem>>, %arg25: memref<16x64xf32, #tpu.memory_space<vmem>>, %arg26: memref<1x64xf32, #tpu.memory_space<vmem>>, %arg27: memref<1000x128xf32, #tpu.memory_space<vmem>>, %arg28: memref<1000x128xf32, #tpu.memory_space<vmem>>) attributes {dimension_semantics = [#tpu.dimension_semantics<arbitrary>], iteration_bounds = array<i64: 10>, scalar_prefetch = 0 : i64, scratch_operands = 0 : i64, tpu.core_type = #tpu.core_type<tc>, window_params = [{transform_indices = @transform_0, window_bounds = array<i64: 1000, 128>}, {transform_indices = @transform_1, window_bounds = array<i64: 1000, 128>}, {transform_indices = @transform_2, window_bounds = array<i64: 1000, 64>}, {transform_indices = @transform_3, window_bounds = array<i64: 1000, 64>}, {transform_indices = @transform_4, window_bounds = array<i64: 1000, 16>}, {transform_indices = @transform_5, window_bounds = array<i64: 1000, 64>}, {transform_indices = @transform_6, window_bounds = array<i64: 1000, 64>}, {transform_indices = @transform_7, window_bounds = array<i64: 1000, 16>}, {transform_indices = @transform_8, window_bounds = array<i64: 1000, 64>}, {transform_indices = @transform_9, window_bounds = array<i64: 1000, 64>}, {transform_indices = @transform_10, window_bounds = array<i64: 1000, 16>}, {transform_indices = @transform_11, window_bounds = array<i64: 1000, 64>}, {transform_indices = @transform_12, window_bounds = array<i64: 1000, 64>}, {transform_indices = @transform_13, window_bounds = array<i64: 1000, 16>}, {pipeline_mode = #tpu.pipeline_mode<synchronous>, transform_indices = @transform_14, window_bounds = array<i64: 128, 64>}, {pipeline_mode = #tpu.pipeline_mode<synchronous>, transform_indices = @transform_15, window_bounds = array<i64: 1, 64>}, {pipeline_mode = #tpu.pipeline_mode<synchronous>, transform_indices = @transform_16, window_bounds = array<i64: 128, 64>}, {pipeline_mode = #tpu.pipeline_mode<synchronous>, transform_indices = @transform_17, window_bounds = array<i64: 1, 64>}, {pipeline_mode = #tpu.pipeline_mode<synchronous>, transform_indices = @transform_18, window_bounds = array<i64: 64, 64>}, {pipeline_mode = #tpu.pipeline_mode<synchronous>, transform_indices = @transform_19, window_bounds = array<i64: 64, 64>}, {pipeline_mode = #tpu.pipeline_mode<synchronous>, transform_indices = @transform_20, window_bounds = array<i64: 16, 64>}, {pipeline_mode = #tpu.pipeline_mode<synchronous>, transform_indices = @transform_21, window_bounds = array<i64: 1, 64>}, {pipeline_mode = #tpu.pipeline_mode<synchronous>, transform_indices = @transform_22, window_bounds = array<i64: 64, 64>}, {pipeline_mode = #tpu.pipeline_mode<synchronous>, transform_indices = @transform_23, window_bounds = array<i64: 64, 64>}, {pipeline_mode = #tpu.pipeline_mode<synchronous>, transform_indices = @transform_24, window_bounds = array<i64: 16, 64>}, {pipeline_mode = #tpu.pipeline_mode<synchronous>, transform_indices = @transform_25, window_bounds = array<i64: 1, 64>}, {transform_indices = @transform_26, window_bounds = array<i64: 1000, 128>}, {transform_indices = @transform_27, window_bounds = array<i64: 1000, 128>}]} {
    %get3A = arith.constant 0 : index
    %get3A_0 = arith.constant 0 : index
    %get3A_1 = vector.load %arg6[%get3A, %get3A_0] : memref<1000x64xf32, #tpu.memory_space<vmem>>, vector<1000x64xf32>
    %get3A_2 = arith.constant 0 : index
    %get3A_3 = arith.constant 0 : index
    %get3A_4 = vector.load %arg3[%get3A_2, %get3A_3] : memref<1000x64xf32, #tpu.memory_space<vmem>>, vector<1000x64xf32>
    %add3A = arith.constant 1.000000e-16 : f32
    %add3A_5 = vector.broadcast %add3A : f32 to vector<1000x64xf32>
    %add3A_6 = arith.addf %get3A_4, %add3A_5 : vector<1000x64xf32>
    %div3A = arith.divf %get3A_1, %add3A_6 : vector<1000x64xf32>
    %get3A_7 = arith.constant 0 : index
    %get3A_8 = arith.constant 0 : index
    %get3A_9 = vector.load %arg19[%get3A_7, %get3A_8] : memref<64x64xf32, #tpu.memory_space<vmem>>, vector<64x64xf32>
    %dot_general3A = arith.constant dense<0.000000e+00> : vector<1000x64xf32>
    %dot_general3A_10 = tpu.matmul %div3A, %get3A_9, %dot_general3A {dimension_numbers = #tpu.dot_dimension_numbers<[1], [0], [0], [1], [0, 0, 1, 1], [], []>, transpose_lhs_hint = false} : vector<1000x64xf32>, vector<64x64xf32>, vector<1000x64xf32> -> vector<1000x64xf32>
    %get3A_11 = arith.constant 0 : index
    %get3A_12 = arith.constant 0 : index
    %get3A_13 = vector.load %arg7[%get3A_11, %get3A_12] : memref<1000x64xf32, #tpu.memory_space<vmem>>, vector<1000x64xf32>
    %get3A_14 = arith.constant 0 : index
    %get3A_15 = arith.constant 0 : index
    %get3A_16 = vector.load %arg4[%get3A_14, %get3A_15] : memref<1000x64xf32, #tpu.memory_space<vmem>>, vector<1000x64xf32>
    %add3A_17 = arith.constant 1.000000e-16 : f32
    %add3A_18 = vector.broadcast %add3A_17 : f32 to vector<1000x64xf32>
    %add3A_19 = arith.addf %get3A_16, %add3A_18 : vector<1000x64xf32>
    %div3A_20 = arith.divf %get3A_13, %add3A_19 : vector<1000x64xf32>
    %get3A_21 = arith.constant 0 : index
    %get3A_22 = arith.constant 0 : index
    %get3A_23 = vector.load %arg20[%get3A_21, %get3A_22] : memref<64x64xf32, #tpu.memory_space<vmem>>, vector<64x64xf32>
    %dot_general3A_24 = arith.constant dense<0.000000e+00> : vector<1000x64xf32>
    %dot_general3A_25 = tpu.matmul %div3A_20, %get3A_23, %dot_general3A_24 {dimension_numbers = #tpu.dot_dimension_numbers<[1], [0], [0], [1], [0, 0, 1, 1], [], []>, transpose_lhs_hint = false} : vector<1000x64xf32>, vector<64x64xf32>, vector<1000x64xf32> -> vector<1000x64xf32>
    %add3A_26 = arith.addf %dot_general3A_10, %dot_general3A_25 : vector<1000x64xf32>
    %get3A_27 = arith.constant 0 : index
    %get3A_28 = arith.constant 0 : index
    %get3A_29 = vector.load %arg8[%get3A_27, %get3A_28] : memref<1000x16xf32, #tpu.memory_space<vmem>>, vector<1000x16xf32>
    %get3A_30 = arith.constant 0 : index
    %get3A_31 = arith.constant 0 : index
    %get3A_32 = vector.load %arg5[%get3A_30, %get3A_31] : memref<1000x16xf32, #tpu.memory_space<vmem>>, vector<1000x16xf32>
    %add3A_33 = arith.constant 1.000000e-16 : f32
    %add3A_34 = vector.broadcast %add3A_33 : f32 to vector<1000x16xf32>
    %add3A_35 = arith.addf %get3A_32, %add3A_34 : vector<1000x16xf32>
    %div3A_36 = arith.divf %get3A_29, %add3A_35 : vector<1000x16xf32>
    %get3A_37 = arith.constant 0 : index
    %get3A_38 = arith.constant 0 : index
    %get3A_39 = vector.load %arg21[%get3A_37, %get3A_38] : memref<16x64xf32, #tpu.memory_space<vmem>>, vector<16x64xf32>
    %dot_general3A_40 = arith.constant dense<0.000000e+00> : vector<1000x64xf32>
    %dot_general3A_41 = tpu.matmul %div3A_36, %get3A_39, %dot_general3A_40 {dimension_numbers = #tpu.dot_dimension_numbers<[1], [0], [0], [1], [0, 0, 1, 1], [], []>, transpose_lhs_hint = false} : vector<1000x16xf32>, vector<16x64xf32>, vector<1000x64xf32> -> vector<1000x64xf32>
    %add3A_42 = arith.addf %add3A_26, %dot_general3A_41 : vector<1000x64xf32>
    %get3A_43 = arith.constant 0 : index
    %get3A_44 = arith.constant 0 : index
    %get3A_45 = vector.load %arg22[%get3A_43, %get3A_44] : memref<1x64xf32, #tpu.memory_space<vmem>>, vector<1x64xf32>
    %add3A_46 = vector.broadcast %get3A_45 : vector<1x64xf32> to vector<1000x64xf32>
    %add3A_47 = arith.addf %add3A_42, %add3A_46 : vector<1000x64xf32>
    %get3A_48 = arith.constant 0 : index
    %get3A_49 = arith.constant 0 : index
    %get3A_50 = vector.load %arg12[%get3A_48, %get3A_49] : memref<1000x64xf32, #tpu.memory_space<vmem>>, vector<1000x64xf32>
    %get3A_51 = arith.constant 0 : index
    %get3A_52 = arith.constant 0 : index
    %get3A_53 = vector.load %arg9[%get3A_51, %get3A_52] : memref<1000x64xf32, #tpu.memory_space<vmem>>, vector<1000x64xf32>
    %add3A_54 = arith.constant 1.000000e-16 : f32
    %add3A_55 = vector.broadcast %add3A_54 : f32 to vector<1000x64xf32>
    %add3A_56 = arith.addf %get3A_53, %add3A_55 : vector<1000x64xf32>
    %div3A_57 = arith.divf %get3A_50, %add3A_56 : vector<1000x64xf32>
    %get3A_58 = arith.constant 0 : index
    %get3A_59 = arith.constant 0 : index
    %get3A_60 = vector.load %arg23[%get3A_58, %get3A_59] : memref<64x64xf32, #tpu.memory_space<vmem>>, vector<64x64xf32>
    %dot_general3A_61 = arith.constant dense<0.000000e+00> : vector<1000x64xf32>
    %dot_general3A_62 = tpu.matmul %div3A_57, %get3A_60, %dot_general3A_61 {dimension_numbers = #tpu.dot_dimension_numbers<[1], [0], [0], [1], [0, 0, 1, 1], [], []>, transpose_lhs_hint = false} : vector<1000x64xf32>, vector<64x64xf32>, vector<1000x64xf32> -> vector<1000x64xf32>
    %get3A_63 = arith.constant 0 : index
    %get3A_64 = arith.constant 0 : index
    %get3A_65 = vector.load %arg13[%get3A_63, %get3A_64] : memref<1000x64xf32, #tpu.memory_space<vmem>>, vector<1000x64xf32>
    %get3A_66 = arith.constant 0 : index
    %get3A_67 = arith.constant 0 : index
    %get3A_68 = vector.load %arg10[%get3A_66, %get3A_67] : memref<1000x64xf32, #tpu.memory_space<vmem>>, vector<1000x64xf32>
    %add3A_69 = arith.constant 1.000000e-16 : f32
    %add3A_70 = vector.broadcast %add3A_69 : f32 to vector<1000x64xf32>
    %add3A_71 = arith.addf %get3A_68, %add3A_70 : vector<1000x64xf32>
    %div3A_72 = arith.divf %get3A_65, %add3A_71 : vector<1000x64xf32>
    %get3A_73 = arith.constant 0 : index
    %get3A_74 = arith.constant 0 : index
    %get3A_75 = vector.load %arg24[%get3A_73, %get3A_74] : memref<64x64xf32, #tpu.memory_space<vmem>>, vector<64x64xf32>
    %dot_general3A_76 = arith.constant dense<0.000000e+00> : vector<1000x64xf32>
    %dot_general3A_77 = tpu.matmul %div3A_72, %get3A_75, %dot_general3A_76 {dimension_numbers = #tpu.dot_dimension_numbers<[1], [0], [0], [1], [0, 0, 1, 1], [], []>, transpose_lhs_hint = false} : vector<1000x64xf32>, vector<64x64xf32>, vector<1000x64xf32> -> vector<1000x64xf32>
    %add3A_78 = arith.addf %dot_general3A_62, %dot_general3A_77 : vector<1000x64xf32>
    %get3A_79 = arith.constant 0 : index
    %get3A_80 = arith.constant 0 : index
    %get3A_81 = vector.load %arg14[%get3A_79, %get3A_80] : memref<1000x16xf32, #tpu.memory_space<vmem>>, vector<1000x16xf32>
    %get3A_82 = arith.constant 0 : index
    %get3A_83 = arith.constant 0 : index
    %get3A_84 = vector.load %arg11[%get3A_82, %get3A_83] : memref<1000x16xf32, #tpu.memory_space<vmem>>, vector<1000x16xf32>
    %add3A_85 = arith.constant 1.000000e-16 : f32
    %add3A_86 = vector.broadcast %add3A_85 : f32 to vector<1000x16xf32>
    %add3A_87 = arith.addf %get3A_84, %add3A_86 : vector<1000x16xf32>
    %div3A_88 = arith.divf %get3A_81, %add3A_87 : vector<1000x16xf32>
    %get3A_89 = arith.constant 0 : index
    %get3A_90 = arith.constant 0 : index
    %get3A_91 = vector.load %arg25[%get3A_89, %get3A_90] : memref<16x64xf32, #tpu.memory_space<vmem>>, vector<16x64xf32>
    %dot_general3A_92 = arith.constant dense<0.000000e+00> : vector<1000x64xf32>
    %dot_general3A_93 = tpu.matmul %div3A_88, %get3A_91, %dot_general3A_92 {dimension_numbers = #tpu.dot_dimension_numbers<[1], [0], [0], [1], [0, 0, 1, 1], [], []>, transpose_lhs_hint = false} : vector<1000x16xf32>, vector<16x64xf32>, vector<1000x64xf32> -> vector<1000x64xf32>
    %add3A_94 = arith.addf %add3A_78, %dot_general3A_93 : vector<1000x64xf32>
    %get3A_95 = arith.constant 0 : index
    %get3A_96 = arith.constant 0 : index
    %get3A_97 = vector.load %arg26[%get3A_95, %get3A_96] : memref<1x64xf32, #tpu.memory_space<vmem>>, vector<1x64xf32>
    %add3A_98 = vector.broadcast %get3A_97 : vector<1x64xf32> to vector<1000x64xf32>
    %add3A_99 = arith.addf %add3A_94, %add3A_98 : vector<1000x64xf32>
    %get3A_100 = arith.constant 0 : index
    %get3A_101 = arith.constant 0 : index
    %get3A_102 = vector.load %arg1[%get3A_100, %get3A_101] : memref<1000x128xf32, #tpu.memory_space<vmem>>, vector<1000x128xf32>
    %get3A_103 = arith.constant 0 : index
    %get3A_104 = arith.constant 0 : index
    %get3A_105 = vector.load %arg15[%get3A_103, %get3A_104] : memref<128x64xf32, #tpu.memory_space<vmem>>, vector<128x64xf32>
    %dot_general3A_106 = arith.constant dense<0.000000e+00> : vector<1000x64xf32>
    %dot_general3A_107 = tpu.matmul %get3A_102, %get3A_105, %dot_general3A_106 {dimension_numbers = #tpu.dot_dimension_numbers<[1], [0], [0], [1], [0, 0, 1, 1], [], []>, transpose_lhs_hint = false} : vector<1000x128xf32>, vector<128x64xf32>, vector<1000x64xf32> -> vector<1000x64xf32>
    %get3A_108 = arith.constant 0 : index
    %get3A_109 = arith.constant 0 : index
    %get3A_110 = vector.load %arg16[%get3A_108, %get3A_109] : memref<1x64xf32, #tpu.memory_space<vmem>>, vector<1x64xf32>
    %add3A_111 = vector.broadcast %get3A_110 : vector<1x64xf32> to vector<1000x64xf32>
    %add3A_112 = arith.addf %dot_general3A_107, %add3A_111 : vector<1000x64xf32>
    %get3A_113 = arith.constant 0 : index
    %get3A_114 = arith.constant 0 : index
    %get3A_115 = vector.load %arg2[%get3A_113, %get3A_114] : memref<1000x128xf32, #tpu.memory_space<vmem>>, vector<1000x128xf32>
    %get3A_116 = arith.constant 0 : index
    %get3A_117 = arith.constant 0 : index
    %get3A_118 = vector.load %arg17[%get3A_116, %get3A_117] : memref<128x64xf32, #tpu.memory_space<vmem>>, vector<128x64xf32>
    %dot_general3A_119 = arith.constant dense<0.000000e+00> : vector<1000x64xf32>
    %dot_general3A_120 = tpu.matmul %get3A_115, %get3A_118, %dot_general3A_119 {dimension_numbers = #tpu.dot_dimension_numbers<[1], [0], [0], [1], [0, 0, 1, 1], [], []>, transpose_lhs_hint = false} : vector<1000x128xf32>, vector<128x64xf32>, vector<1000x64xf32> -> vector<1000x64xf32>
    %get3A_121 = arith.constant 0 : index
    %get3A_122 = arith.constant 0 : index
    %get3A_123 = vector.load %arg18[%get3A_121, %get3A_122] : memref<1x64xf32, #tpu.memory_space<vmem>>, vector<1x64xf32>
    %add3A_124 = vector.broadcast %get3A_123 : vector<1x64xf32> to vector<1000x64xf32>
    %add3A_125 = arith.addf %dot_general3A_120, %add3A_124 : vector<1000x64xf32>
    %concatenate3A = tpu.concatenate %add3A_112, %add3A_47 in 1 : vector<1000x64xf32>, vector<1000x64xf32> -> vector<1000x128xf32>
    %swap3A = arith.constant 0 : index
    %swap3A_126 = arith.constant 0 : index
    %swap3A_127 = vector.load %arg27[%swap3A, %swap3A_126] : memref<1000x128xf32, #tpu.memory_space<vmem>>, vector<1000x128xf32>
    tpu.vector_store %arg27[%swap3A, %swap3A_126], %concatenate3A {strides = array<i32>} : memref<1000x128xf32, #tpu.memory_space<vmem>>, vector<1000x128xf32>,
    %concatenate3A_128 = tpu.concatenate %add3A_125, %add3A_99 in 1 : vector<1000x64xf32>, vector<1000x64xf32> -> vector<1000x128xf32>
    %swap3A_129 = arith.constant 0 : index
    %swap3A_130 = arith.constant 0 : index
    %swap3A_131 = vector.load %arg28[%swap3A_129, %swap3A_130] : memref<1000x128xf32, #tpu.memory_space<vmem>>, vector<1000x128xf32>
    tpu.vector_store %arg28[%swap3A_129, %swap3A_130], %concatenate3A_128 {strides = array<i32>} : memref<1000x128xf32, #tpu.memory_space<vmem>>, vector<1000x128xf32>,
    return
  }
  func.func @transform_0(%arg0: i32) -> (i32, i32) {
    %c0_i32 = arith.constant 0 : i32
    %c0_i32_0 = arith.constant 0 : i32
    return %arg0, %c0_i32 : i32, i32
  }
  func.func @transform_1(%arg0: i32) -> (i32, i32) {
    %c0_i32 = arith.constant 0 : i32
    %c0_i32_0 = arith.constant 0 : i32
    return %arg0, %c0_i32 : i32, i32
  }
  func.func @transform_2(%arg0: i32) -> (i32, i32) {
    %c0_i32 = arith.constant 0 : i32
    %c0_i32_0 = arith.constant 0 : i32
    return %arg0, %c0_i32 : i32, i32
  }
  func.func @transform_3(%arg0: i32) -> (i32, i32) {
    %c0_i32 = arith.constant 0 : i32
    %c0_i32_0 = arith.constant 0 : i32
    return %arg0, %c0_i32 : i32, i32
  }
  func.func @transform_4(%arg0: i32) -> (i32, i32) {
    %c0_i32 = arith.constant 0 : i32
    %c0_i32_0 = arith.constant 0 : i32
    return %arg0, %c0_i32 : i32, i32
  }
  func.func @transform_5(%arg0: i32) -> (i32, i32) {
    %c0_i32 = arith.constant 0 : i32
    %c0_i32_0 = arith.constant 0 : i32
    return %arg0, %c0_i32 : i32, i32
  }
  func.func @transform_6(%arg0: i32) -> (i32, i32) {
    %c0_i32 = arith.constant 0 : i32
    %c0_i32_0 = arith.constant 0 : i32
    return %arg0, %c0_i32 : i32, i32
  }
  func.func @transform_7(%arg0: i32) -> (i32, i32) {
    %c0_i32 = arith.constant 0 : i32
    %c0_i32_0 = arith.constant 0 : i32
    return %arg0, %c0_i32 : i32, i32
  }
  func.func @transform_8(%arg0: i32) -> (i32, i32) {
    %c0_i32 = arith.constant 0 : i32
    %c0_i32_0 = arith.constant 0 : i32
    return %arg0, %c0_i32 : i32, i32
  }
  func.func @transform_9(%arg0: i32) -> (i32, i32) {
    %c0_i32 = arith.constant 0 : i32
    %c0_i32_0 = arith.constant 0 : i32
    return %arg0, %c0_i32 : i32, i32
  }
  func.func @transform_10(%arg0: i32) -> (i32, i32) {
    %c0_i32 = arith.constant 0 : i32
    %c0_i32_0 = arith.constant 0 : i32
    return %arg0, %c0_i32 : i32, i32
  }
  func.func @transform_11(%arg0: i32) -> (i32, i32) {
    %c0_i32 = arith.constant 0 : i32
    %c0_i32_0 = arith.constant 0 : i32
    return %arg0, %c0_i32 : i32, i32
  }
  func.func @transform_12(%arg0: i32) -> (i32, i32) {
    %c0_i32 = arith.constant 0 : i32
    %c0_i32_0 = arith.constant 0 : i32
    return %arg0, %c0_i32 : i32, i32
  }
  func.func @transform_13(%arg0: i32) -> (i32, i32) {
    %c0_i32 = arith.constant 0 : i32
    %c0_i32_0 = arith.constant 0 : i32
    return %arg0, %c0_i32 : i32, i32
  }
  func.func @transform_14(%arg0: i32) -> (i32, i32) {
    %c0_i32 = arith.constant 0 : i32
    %c0_i32_0 = arith.constant 0 : i32
    %c0_i32_1 = arith.constant 0 : i32
    return %c0_i32, %c0_i32_0 : i32, i32
  }
  func.func @transform_15(%arg0: i32) -> (i32, i32) {
    %c0_i32 = arith.constant 0 : i32
    %c0_i32_0 = arith.constant 0 : i32
    %c0_i32_1 = arith.constant 0 : i32
    return %c0_i32, %c0_i32_0 : i32, i32
  }
  func.func @transform_16(%arg0: i32) -> (i32, i32) {
    %c0_i32 = arith.constant 0 : i32
    %c0_i32_0 = arith.constant 0 : i32
    %c0_i32_1 = arith.constant 0 : i32
    return %c0_i32, %c0_i32_0 : i32, i32
  }
  func.func @transform_17(%arg0: i32) -> (i32, i32) {
    %c0_i32 = arith.constant 0 : i32
    %c0_i32_0 = arith.constant 0 : i32
    %c0_i32_1 = arith.constant 0 : i32
    return %c0_i32, %c0_i32_0 : i32, i32
  }
  func.func @transform_18(%arg0: i32) -> (i32, i32) {
    %c0_i32 = arith.constant 0 : i32
    %c0_i32_0 = arith.constant 0 : i32
    %c0_i32_1 = arith.constant 0 : i32
    return %c0_i32, %c0_i32_0 : i32, i32
  }
  func.func @transform_19(%arg0: i32) -> (i32, i32) {
    %c0_i32 = arith.constant 0 : i32
    %c0_i32_0 = arith.constant 0 : i32
    %c0_i32_1 = arith.constant 0 : i32
    return %c0_i32, %c0_i32_0 : i32, i32
  }
  func.func @transform_20(%arg0: i32) -> (i32, i32) {
    %c0_i32 = arith.constant 0 : i32
    %c0_i32_0 = arith.constant 0 : i32
    %c0_i32_1 = arith.constant 0 : i32
    return %c0_i32, %c0_i32_0 : i32, i32
  }
  func.func @transform_21(%arg0: i32) -> (i32, i32) {
    %c0_i32 = arith.constant 0 : i32
    %c0_i32_0 = arith.constant 0 : i32
    %c0_i32_1 = arith.constant 0 : i32
    return %c0_i32, %c0_i32_0 : i32, i32
  }
  func.func @transform_22(%arg0: i32) -> (i32, i32) {
    %c0_i32 = arith.constant 0 : i32
    %c0_i32_0 = arith.constant 0 : i32
    %c0_i32_1 = arith.constant 0 : i32
    return %c0_i32, %c0_i32_0 : i32, i32
  }
  func.func @transform_23(%arg0: i32) -> (i32, i32) {
    %c0_i32 = arith.constant 0 : i32
    %c0_i32_0 = arith.constant 0 : i32
    %c0_i32_1 = arith.constant 0 : i32
    return %c0_i32, %c0_i32_0 : i32, i32
  }
  func.func @transform_24(%arg0: i32) -> (i32, i32) {
    %c0_i32 = arith.constant 0 : i32
    %c0_i32_0 = arith.constant 0 : i32
    %c0_i32_1 = arith.constant 0 : i32
    return %c0_i32, %c0_i32_0 : i32, i32
  }
  func.func @transform_25(%arg0: i32) -> (i32, i32) {
    %c0_i32 = arith.constant 0 : i32
    %c0_i32_0 = arith.constant 0 : i32
    %c0_i32_1 = arith.constant 0 : i32
    return %c0_i32, %c0_i32_0 : i32, i32
  }
  func.func @transform_26(%arg0: i32) -> (i32, i32) {
    %c0_i32 = arith.constant 0 : i32
    %c0_i32_0 = arith.constant 0 : i32
    return %arg0, %c0_i32 : i32, i32
  }
  func.func @transform_27(%arg0: i32) -> (i32, i32) {
    %c0_i32 = arith.constant 0 : i32
    %c0_i32_0 = arith.constant 0 : i32
    return %arg0, %c0_i32 : i32, i32
  }
}

</mosaic_0001>

<sc_bundles>
// kernel: kernel.10.cloned.1.call-start
scs
__scs_entry_jumppad:
0x0: {  	(pc) =	sbr.rel $0x88, $3  }
0x1: {  	(tag) =	ssettag $0x0;
	lr =	simm.s32 $0x1  }
0x2: {  	[smem:$0x3F8A] =	sst lr;
	_ =	strace $0xD0000000  }
0x3: {  	_ = 	snop  }
0x4: {  	_ = 	snop  }
0x5: {  	_ = 	snop  }
0x6: {  	_ = 	snop  }
0x7: {  	_ = 	snop  }
__scs_overlays_trampoline_lowered:
0x8: {  	[smem:$0x3F99] =	sst s0  }
0x9: {  	[smem:$0x3F9A] =	sst s1  }
0xa: {  	[smem:$0x3F9B] =	sst s2  }
0xb: {  	[smem:$0x3F9C] =	sst s3  }
0xc: {  	[smem:$0x3F9D] =	sst s4  }
0xd: {  	[smem:$0x3F9E] =	sst s5  }
0xe: {  	[smem:$0x3F9F] =	sst s6  }
0xf: {  	[smem:$0x3FA0] =	sst s7  }
0x10: {  	[smem:$0x3FA1] =	sst s8  }
0x11: {  	[smem:$0x3FA2] =	sst s9;
	s0 =	simm.s32 @!p0 $0x0  }
0x12: {  	s1 =	sld [smem:$0x3F88];
	s0 =	simm.s32 @p0 $0x1  }
0x13: {  	[smem:$0x3FA3] =	sst s0;
	s0 =	simm.s32 @!p1 $0x0  }
0x14: {  	s2 =	sld [smem:$0x3F87];
	s0 =	simm.s32 @p1 $0x1  }
0x15: {  	[smem:$0x3FA4] =	sst s0;
	s0 =	simm.s32 @!p2 $0x0  }
0x16: {  	s3 =	sld [smem:$0x3FDB];
	s0 =	simm.s32 @p2 $0x1  }
0x17: {  	s4 =	simm.s32 $0x1BF5;
	[smem:$0x3FA6] =	sst s0  }
0x18: {  	s0 =	sld [smem:$0x3F89];
	_ =	swait.ge [sflag:s4], $0x0  }
0x19: {  	s7 =	sld [smem:$0x3F8A]  }
0x1a: {  	s8 =	sadd.s32 $0xFFFFE003, lr  }
0x1b: {  	s9 =	sadd.s32 $0xFFFFFEF7, lr;
	s5 =	simm.s32 $0xFFFFFFFF;
	p2 =	slt.u32 s8, $0xFFFFF086  }
0x1c: {  	p1 =	slt.u32 s9, $0xF7A;
	s5 =	simm.s32 @!p2 $0x0  }
0x1d: {  	s5 =	simm.s32 @p1 $0x1;
	p0 =	seq.s32 s7, s2  }
0x1e: {  	s7 =	smul.u32 @!p0 $0xF7A, s2;
	p2 =	seq.s32 @!p0 s5, $0x0  }
0x1f: {  	s9 =	smul.u32 $0xF7A, s1;
	s8 =	simm.s32 @!p0 $0x1BF5;
	p2 =	por !p2, p0  }
0x20: {  	[sflag:s8] =	ssyncset.s32 @!p0 $0xFFFFF086;
	s6 =	sadd.s32 @!p0 s3, s7;
	s7 =	simm.s32 @!p0 $0x108  }
0x21: {  	s3 =	sadd.s32 s3, s9;
	s6 =	sadd.s32 @!p0 $0x88, s6;
	s7 =	simm.s32 @p2 $0x1082  }
0x22: {  	[simem:s7], [sflag:s8] =	dma.local @!p0 [hbm:s6], $0xF7A  }
0x23: {  	s9 =	sor.u32 $0xD0000000, s2;
	s6 =	simm.s32 $0x108;
	_ =	swait.ge @!p0 [sflag:s8], $0x0  }
0x24: {  	s3 =	sadd.s32 $0x88, s3;
	s6 =	simm.s32 @!p1 $0x1082;
	[sflag:s4] =	ssyncset.s32 $0xFFFFF086  }
0x25: {  	[simem:s6], [sflag:s4] =	dma.local [hbm:s3], $0xF7A  }
0x26: {  	[smem:$0x3F8A] =	sst s1;
	(tag) =	ssettag s2;
	_ =	strace s9  }
0x27: {  	s1 =	sld [smem:$0x3F9A]  }
0x28: {  	s2 =	sld [smem:$0x3F9B]  }
0x29: {  	s4 =	sld [smem:$0x3F9D]  }
0x2a: {  	p0 =	seq.s32 s5, $0x0;
	s5 =	sld [smem:$0x3F9E]  }
0x2b: {  	s6 =	sld [smem:$0x3F9F]  }
0x2c: {  	s7 =	sld [smem:$0x3FA0]  }
0x2d: {  	s3 =	simm.s32 $0x108;
	s8 =	sld [smem:$0x3FA1]  }
0x2e: {  	s3 =	simm.s32 @!p0 $0x1082;
	s9 =	sld [smem:$0x3FA2]  }
0x2f: {  	lr =	sadd.s32 s0, s3;
	s0 =	sld [smem:$0x3F99]  }
0x30: {  	s3 =	sld [smem:$0x3F9C]  }
0x31: {  	[smem:$0x3FA5] =	sst s10  }
0x32: {  	s10 =	sld [smem:$0x3FA3];
	_ =	sdelay $0x3  }
0x33: {  	p0 =	seq.s32 s10, $0x1;
	s10 =	sld [smem:$0x3FA5];
	_ =	sdelay $0x3  }
0x34: {  	[smem:$0x3FA5] =	sst s10  }
0x35: {  	s10 =	sld [smem:$0x3FA4];
	_ =	sdelay $0x3  }
0x36: {  	p1 =	seq.s32 s10, $0x1;
	s10 =	sld [smem:$0x3FA5];
	_ =	sdelay $0x3  }
0x37: {  	[smem:$0x3FA5] =	sst s10  }
0x38: {  	s10 =	sld [smem:$0x3FA6]  }
0x39: {  	_ = 	snop;
	(pc) =	sbr.ind lr, $3  }
0x3a: {  	_ = 	snop  }
0x3b: {  	_ = 	snop  }
0x3c: {  	p2 =	seq.s32 s10, $0x1;
	s10 =	sld [smem:$0x3FA5]  }
0x3d: {  	_ =	shalt  }
0x3e: {  	_ =	shalt  }
0x3f: {  	_ =	shalt  }
0x40: {  	_ =	shalt  }
0x41: {  	_ =	shalt  }
0x42: {  	_ =	shalt  }
0x43: {  	_ =	shalt  }
0x44: {  	_ =	shalt  }
0x45: {  	_ =	shalt  }
0x46: {  	_ =	shalt  }
0x47: {  	_ =	shalt  }
0x48: {  	_ =	shalt  }
0x49: {  	_ =	shalt  }
0x4a: {  	_ =	shalt  }
0x4b: {  	_ =	shalt  }
0x4c: {  	_ =	shalt  }
0x4d: {  	_ =	shalt  }
0x4e: {  	_ =	shalt  }
0x4f: {  	_ =	shalt  }
0x50: {  	_ =	shalt  }
0x51: {  	_ =	shalt  }
0x52: {  	_ =	shalt  }
0x53: {  	_ =	shalt  }
0x54: {  	_ =	shalt  }
0x55: {  	_ =	shalt  }
0x56: {  	_ =	shalt  }
0x57: {  	_ =	shalt  }
0x58: {  	_ =	shalt  }
0x59: {  	_ =	shalt  }
0x5a: {  	_ =	shalt  }
0x5b: {  	_ =	shalt  }
0x5c: {  	_ =	shalt  }
0x5d: {  	_ =	shalt  }
0x5e: {  	_ =	shalt  }
0x5f: {  	_ =	shalt  }
0x60: {  	_ =	shalt  }
0x61: {  	_ =	shalt  }
0x62: {  	_ =	shalt  }
0x63: {  	_ =	shalt  }
0x64: {  	_ =	shalt  }
0x65: {  	_ =	shalt  }
0x66: {  	_ =	shalt  }
0x67: {  	_ =	shalt  }
0x68: {  	_ =	shalt  }
0x69: {  	_ =	shalt  }
0x6a: {  	_ =	shalt  }
0x6b: {  	_ =	shalt  }
0x6c: {  	_ =	shalt  }
0x6d: {  	_ =	shalt  }
0x6e: {  	_ =	shalt  }
0x6f: {  	_ =	shalt  }
0x70: {  	_ =	shalt  }
0x71: {  	_ =	shalt  }
0x72: {  	_ =	shalt  }
0x73: {  	_ =	shalt  }
0x74: {  	_ =	shalt  }
0x75: {  	_ =	shalt  }
0x76: {  	_ =	shalt  }
0x77: {  	_ =	shalt  }
0x78: {  	_ =	shalt  }
0x79: {  	_ =	shalt  }
0x7a: {  	_ =	shalt  }
0x7b: {  	_ =	shalt  }
0x7c: {  	_ =	shalt  }
0x7d: {  	_ =	shalt  }
0x7e: {  	_ =	shalt  }
0x7f: {  	_ =	shalt  }
0x80: {  	_ =	shalt  }
0x81: {  	_ =	shalt  }
0x82: {  	_ =	shalt  }
0x83: {  	_ =	shalt  }
0x84: {  	_ =	shalt  }
0x85: {  	_ =	shalt  }
0x86: {  	_ =	shalt  }
0x87: {  	_ =	shalt  }
.Lfunc_end0:
.L_simem_size_0:
called_computation.1_lowered:
.L_overlay_start_0:
0x88: {  	s2 =	sld [smem:$0x3FD9]  }
0x89: {  	s3 =	sld [smem:$0x3FFE];
	_ =	sdelay $0x1  }
0x8a: {  	s1 =	srdreg.scid  }
0x8b: {  	s0 =	sand.u32 $0x1, s1  }
0x8c: {  	s14 =	sshll.u32 s0, $0xA;
	s2 =	sadd.s32 s3, s2  }
0x8d: {  	s2 =	sadd.s32 s2, s14  }
0x8e: {  	[smem:$0x3FB1] =	sst s2  }
0x8f: {  	_ = 	snop  }
0x90: {  	s2 =	sld [smem:$0x3FD0];
	_ =	sdelay $0x2  }
0x91: {  	s15 =	simm.s32 $0xB;
	s4 =	simm.s32 $0x10  }
0x92: {  	[smem:s4], [sflag:s15] =	dma.local [hbm:s2], $0x1  }
0x93: {  	_ =	swait.eq [sflag:s15], $0x1  }
0x94: {  	[sflag:s15] =	ssyncset.done $0x0  }
0x95: {  	s16 =	sld [smem:$0x12];
	[sflag:s15] =	ssyncadd.s32 $0xFFFFFFFF  }
0x96: {  	s17 =	sld [smem:$0x13];
	(tm) =	ssettm $0x1  }
0x97: {  	s18 =	sld [smem:$0x3FFB];
	_ =	sdelay $0x3  }
0x98: {  	_ =	strace s18  }
0x99: {  	s4 =	sld [smem:$0x3FFC];
	_ =	sdelay $0x3  }
0x9a: {  	_ =	strace s4  }
0x9b: {  	s4 =	sld [smem:$0x3FFD];
	_ =	sdelay $0x3  }
0x9c: {  	_ =	strace s4  }
0x9d: {  	_ =	strace $0x8FFFFFFF  }
0x9e: {  	s19 =	sld [smem:$0x3FDB];
	_ =	sdelay $0x1  }
0x9f: {  	s5 =	simm.s32 $_scs_section_size  }
0xa0: {  	s6 =	simm.s32 $_size__tile_overlayer_lowered;
	s7 =	simm.s32 $_tile_overlayer_lowered  }
0xa1: {  	s22 =	simm.s32 $0x1BFF;
	s21 =	sshll.u32 s7, $0x1;
	s4 =	sadd.s32 s5, s19  }
0xa2: {  	s8 =	simm.s32 $0x0;
	s20 =	sshll.u32 s6, $0x1;
	s6 =	sadd.s32 s21, s4  }
0xa3: {  	[timem:s8], [sflag:s22] =	dma.local [hbm:s6], s20  }
0xa4: {  	_ =	swait.ge [sflag:s22], s20  }
0xa5: {  	s5 =	ssub.s32 $0x0, s20;
	[sflag:s22] =	ssyncset.done $0x0  }
0xa6: {  	[sflag:s22] =	ssyncadd.s32 s5;
	_ =	sdelay $0x1  }
0xa7: {  	s23 =	simm.s32 $0x1B8B  }
0xa8: {  	_ =	swait.ge [sflag:s23], $0x1  }
0xa9: {  	[sflag:s23] =	ssyncset.done $0x0  }
0xaa: {  	s25 =	simm.s32 $0x1B8E;
	s24 =	sld [smem:$0x3FFE];
	[sflag:s23] =	ssyncadd.s32 $0xFFFFFFFF  }
0xab: {  	s26 =	simm.s32 $execute0_lowered;
	[smem:$0x3FD2] =	sst s25  }
0xac: {  	s6 =	sshll.u32 s26, $0x1;
	_ =	strace $0x80000046;
	[dreg:$0x1] =	wrdreg $0xFFFFFFFF  }
0xad: {  	s28 =	simm.s32 $_size_execute0_lowered;
	s4 =	sadd.s32 s4, s6;
	[dreg:$0x0] =	wrdreg $0x0  }
0xae: {  	s6 =	sshll.u32 s28, $0x1;
	[dreg:$0x2] =	wrdreg s4  }
0xaf: {  	[dreg:$0x3] =	wrdreg s6  }
0xb0: {  	[dreg:$0x4] =	wrdreg $0xC0  }
0xb1: {  	_ =	task [dreg:s8], $0x5FFFF  }
0xb2: {  	[dreg:$0x1] =	wrdreg $0xFFFFFFFF  }
0xb3: {  	[dreg:$0x0] =	wrdreg $0x60  }
0xb4: {  	[dreg:$0x2] =	wrdreg s24  }
0xb5: {  	[dreg:$0x3] =	wrdreg s17  }
0xb6: {  	[dreg:$0x4] =	wrdreg s16  }
0xb7: {  	[dreg:$0x5] =	wrdreg $0xA  }
0xb8: {  	_ =	task.clear_ibuf [dreg:s8], $0x6FFFF;
	_ =	strace $0x90000046  }
0xb9: {  	s29 =	simm.s32 $0xA;
	_ =	strace $0x80000048  }
0xba: {  	_ =	swait.ge [sflag:s29], $0x1  }
0xbb: {  	[sflag:s29] =	ssyncadd.s32 $0xFFFFFFFF  }
0xbc: {  	_ =	strace $0x90000048  }
0xbd: {  	_ =	sfence  }
0xbe: {  	s30 =	sld [smem:$0x0];
	_ =	sdelay $0x2  }
0xbf: {  	s31 =	sshll.u32 s1, $0xD;
	s1 =	sshrl.u32 s1, $0x2  }
0xc0: {  	s3 =	sand.u32 $0x4000, s31;
	s1 =	sadd.s32 s1, s30  }
0xc1: {  	s0 =	sor.u32 s3, s0;
	s1 =	sshll.u32 s1, $0x11  }
0xc2: {  	s0 =	sor.u32 s1, s0  }
0xc3: {  	s0 =	sadd.s32 $0x8F2B, s0  }
0xc4: {  	[sflag:s0] =	ssyncadd.remote.s32 $0x1  }
0xc5: {  	_ =	sfence.sel $0xFFFF  }
0xc6: {  	[dreg:$0x0] =	wrdreg $0xFFFFFFFF;
	(pc) =	sbr.abs _section_cstart, $3  }
0xc7: {  	[dreg:$0x1] =	wrdreg $0xFFFFFFFF  }
0xc8: {  	_ =	task.clear_ibuf [dreg:s8], $0x2FFFF;
	_ =	strace $0x9FFFFFFF  }
0xc9: {  	(tm) =	ssettm $0x7FFFFFFF  }
tec
execute0_lowered:
.L_overlay_start_1:
0x0: {  	(tag) =	ssettag $0x1  }
0x1: {  	s0 =	rddreg [dreg:$0x0]  }
0x2: {  	s1 =	rddreg [dreg:$0x1]  }
0x3: {  	s3 =	rddreg [dreg:$0x2];
	s4 =	simm.s32 $0x0;
	s2 =	srdreg.scid  }
0x4: {  	s17 =	stileid.u32;
	s28 =	simm.s32 $0x6200;
	s29 =	simm.s32 $0x5  }
0x5: {  	s30 =	simm.s32 $0x6;
	s31 =	simm.s32 $0x7;
	[smem:$0x7FF] =	sst s4  }
0x6: {  	s2 =	sand.u32 $0x1, s2;
	s6 =	sshll.u32 s17, $0x1;
	s12 =	smul.u32 $0x278000, s17  }
0x7: {  	s5 =	sadd.s32 $0x2C800, s0;
	s7 =	sadd.s32 $0xD2C00, s0;
	s25 =	smul.u32 $0x4F000, s17  }
0x8: {  	s10 =	sadd.s32 $0x9E6800, s0;
	s13 =	sadd.s32 $0xED7000, s0;
	s19 =	smul.u32 $0x4F00, s17  }
0x9: {  	s16 =	sadd.s32 $0xF9E00, s0;
	s17 =	simm.s32 $0x100;
	s15 =	smul.u32 $0x13C000, s2  }
0xa: {  	_ =	strace $0x80000047;
	s8 =	sor.u32 s2, s6;
	s26 =	smul.u32 $0x27800, s2  }
0xb: {  	s6 =	sadd.s32 $0x22800, s0;
	s11 =	ssub.s32 $0x2, s2;
	s2 =	smul.u32 $0x2780, s2  }
0xc: {  	s0 =	sadd.s32 $0x13C7800, s0;
	s9 =	smul.u32 $0x2780, s8;
	s14 =	sshrl.u32 s11, $0x1  }
0xd: {  	s8 =	smul.u32 $0x27800, s8;
	s18 =	sadd.s32 s25, s13;
	s11 =	ssub.s32 s11, s14  }
0xe: {  	s12 =	sadd.s32 s15, s12;
	s15 =	sadd.s32 s25, s10;
	s20 =	sadd.s32 s26, s18  }
0xf: {  	s2 =	sadd.s32 s2, s19;
	s18 =	simm.s32 $0x2100;
	s19 =	simm.s32 $0x1  }
0x10: {  	s9 =	sshrl.u32 s9, $0x3;
	s23 =	sadd.s32 s10, s8;
	[dreg:$0x7] =	wrdreg s20  }
0x11: {  	s22 =	sshrl.u32 s12, $0x3;
	s8 =	sadd.s32 s13, s8;
	[dreg:$0xc] =	wrdreg s23  }
0x12: {  	s20 =	simm.s32 $0x2;
	s21 =	sadd.s32 s5, s9;
	[dreg:$0xd] =	wrdreg s8  }
0x13: {  	s9 =	sadd.s32 s6, s9;
	s24 =	sadd.s32 s22, s0;
	[dreg:$0xa] =	wrdreg s21  }
0x14: {  	s8 =	sadd.s32 s26, s15;
	s0 =	sadd.s32 s25, s0;
	[dreg:$0xb] =	wrdreg s9  }
0x15: {  	s23 =	sor.u32 $0x40, s2;
	s2 =	sadd.s32 $0x80, s2;
	[dreg:$0x4] =	wrdreg s24  }
0x16: {  	s9 =	sadd.s32 s22, s16;
	[dreg:$0x6] =	wrdreg s8;
	s21 =	smax.u32 s11, $0x1  }
0x17: {  	s22 =	sadd.s32 s25, s16;
	s0 =	sadd.s32 s26, s0;
	[dreg:$0xf] =	wrdreg s2  }
0x18: {  	s24 =	sshrl.u32 s23, $0x3;
	s16 =	simm.s32 $0x80;
	[dreg:$0x5] =	wrdreg s9  }
0x19: {  	s23 =	simm.s32 $0x40;
	[dreg:$0xe] =	wrdreg s21;
	s8 =	sadd.s32 s26, s22  }
0x1a: {  	s0 =	sadd.s32 $0x400, s0;
	s25 =	sadd.s32 s24, s6;
	s26 =	sadd.s32 s24, s5  }
0x1b: {  	s21 =	simm.s32 $0x3;
	s22 =	simm.s32 $0x4;
	[dreg:$0x9] =	wrdreg s0  }
0x1c: {  	s24 =	simm.s32 $0x4100;
	s8 =	sadd.s32 $0x400, s8;
	[dreg:$0x10] =	wrdreg s25  }
0x1d: {  	[dreg:$0x11] =	wrdreg s26;
	s25 =	simm.s32 $0x4180;
	s26 =	simm.s32 $0x4200  }
0x1e: {  	s0 =	simm.s32 $0x8;
	[dreg:$0x8] =	wrdreg s8;
	s8 =	simm.s32 $0x0  }
.LBB2_1:
0x1f: {  	[dreg:$0x12] =	wrdreg s8  }
0x20: {  	s2 =	rddreg [dreg:$0xa]  }
0x21: {  	[tilespmem:s4], [sflag:$0x1] =	stream.linear.gather [hbm4b:s2+s4], $0x40, $0x38;
	[tilespmem:$0x8200] =	vst v63  }
0x22: {  	s8 =	rddreg [dreg:$0xb]  }
0x23: {  	[tilespmem:s16], [sflag:$0x2] =	stream.linear.gather [hbm4b:s8+s4], $0x40, $0x38;
	[tilespmem:$0x8200] =	vst v63  }
0x24: {  	s9 =	rddreg [dreg:$0xc]  }
0x25: {  	[tilespmem:s17], [sflag:$0x3] =	stream.linear.gather [hbm4b:s9+s4], $0x2000, $0x38;
	[tilespmem:$0x8200] =	vst v63  }
0x26: {  	s10 =	rddreg [dreg:$0xd]  }
0x27: {  	[tilespmem:s18], [sflag:$0x4] =	stream.linear.gather [hbm4b:s10+s4], $0x2000, $0x38;
	[tilespmem:$0x8200] =	vst v63  }
0x28: {  	_ =	swait.ge [sflag:s19], $0x40  }
0x29: {  	[sflag:s19] =	ssyncset.done $0x0  }
0x2a: {  	[sflag:s19] =	ssyncadd.s32 $0xFFFFFFC0  }
0x2b: {  	_ =	swait.ge [sflag:s20], $0x40  }
0x2c: {  	[sflag:s20] =	ssyncset.done $0x0  }
0x2d: {  	[sflag:s20] =	ssyncadd.s32 $0xFFFFFFC0  }
0x2e: {  	_ =	swait.ge [sflag:s21], $0x2000  }
0x2f: {  	[sflag:s21] =	ssyncset.done $0x0  }
0x30: {  	[sflag:s21] =	ssyncadd.s32 $0xFFFFE000  }
0x31: {  	_ =	swait.ge [sflag:s22], $0x2000  }
0x32: {  	[sflag:s22] =	ssyncset.done $0x0  }
0x33: {  	[sflag:s22] =	ssyncadd.s32 $0xFFFFE000  }
0x34: {  	[tilespmem:s17], [sflag:$0x1] =	stream.indirect.gather.add.f32 [hbm:s1], $0x80, s4, s23, $0xb8;
	[tilespmem:$0x8200] =	vst v63  }
0x35: {  	_ = 	snop  }
0x36: {  	[tilespmem:s17], [sflag:$0x2] =	stream.indirect.gather.add.f32 [hbm:s3], $0x80, s16, s23, $0xb8;
	[tilespmem:$0x8200] =	vst v63  }
0x37: {  	s11 =	rddreg [dreg:$0x6]  }
0x38: {  	[tilespmem:s18], [sflag:$0x3] =	stream.indirect.gather.add.f32 [hbm:s1], $0x80, s4, s23, $0xb8;
	[tilespmem:$0x8200] =	vst v63  }
0x39: {  	s9 =	rddreg [dreg:$0x7]  }
0x3a: {  	[tilespmem:s18], [sflag:$0x4] =	stream.indirect.gather.add.f32 [hbm:s7], $0x80, s16, s23, $0xb8;
	[tilespmem:$0x8200] =	vst v63  }
0x3b: {  	s2 =	rddreg [dreg:$0x11]  }
0x3c: {  	[tilespmem:s24], [sflag:$0x5] =	stream.linear.gather [hbm4b:s2+s4], $0x40, $0x38;
	[tilespmem:$0x8200] =	vst v63  }
0x3d: {  	s14 =	rddreg [dreg:$0x10];
	s8 =	sadd.s32 $0x0, s11  }
0x3e: {  	[tilespmem:s25], [sflag:$0x6] =	stream.linear.gather [hbm4b:s14+s4], $0x40, $0x38;
	[tilespmem:$0x8200] =	vst v63  }
0x3f: {  	s9 =	sadd.s32 $0x0, s9;
	s10 =	sadd.s32 $0x400, s8  }
0x40: {  	[tilespmem:s26], [sflag:$0x7] =	stream.linear.gather [hbm4b:s10+s4], $0x2000, $0x38;
	[tilespmem:$0x8200] =	vst v63  }
0x41: {  	s12 =	sadd.s32 $0x400, s9  }
0x42: {  	[tilespmem:s28], [sflag:$0x8] =	stream.linear.gather [hbm4b:s12+s4], $0x2000, $0x38;
	[tilespmem:$0x8200] =	vst v63  }
0x43: {  	_ =	swait.ge [sflag:s29], $0x40  }
0x44: {  	[sflag:s29] =	ssyncset.done $0x0  }
0x45: {  	[sflag:s29] =	ssyncadd.s32 $0xFFFFFFC0  }
0x46: {  	_ =	swait.ge [sflag:s30], $0x40  }
0x47: {  	[sflag:s30] =	ssyncset.done $0x0  }
0x48: {  	[sflag:s30] =	ssyncadd.s32 $0xFFFFFFC0  }
0x49: {  	_ =	swait.ge [sflag:s31], $0x2000  }
0x4a: {  	[sflag:s31] =	ssyncset.done $0x0  }
0x4b: {  	[sflag:s31] =	ssyncadd.s32 $0xFFFFE000  }
0x4c: {  	_ =	swait.ge [sflag:s0], $0x2000  }
0x4d: {  	[sflag:s0] =	ssyncset.done $0x0  }
0x4e: {  	[sflag:s0] =	ssyncadd.s32 $0xFFFFE000  }
0x4f: {  	[tilespmem:s26], [sflag:$0x5] =	stream.indirect.gather.add.f32 [hbm:s1], $0x80, s24, s23, $0xb8;
	[tilespmem:$0x8200] =	vst v63  }
0x50: {  	_ = 	snop  }
0x51: {  	[tilespmem:s26], [sflag:$0x6] =	stream.indirect.gather.add.f32 [hbm:s3], $0x80, s25, s23, $0xb8;
	[tilespmem:$0x8200] =	vst v63  }
0x52: {  	_ = 	snop  }
0x53: {  	[tilespmem:s28], [sflag:$0x7] =	stream.indirect.gather.add.f32 [hbm:s1], $0x80, s24, s23, $0xb8;
	[tilespmem:$0x8200] =	vst v63  }
0x54: {  	_ = 	snop  }
0x55: {  	[tilespmem:s28], [sflag:$0x8] =	stream.indirect.gather.add.f32 [hbm:s7], $0x80, s25, s23, $0xb8;
	[tilespmem:$0x8200] =	vst v63  }
0x56: {  	_ =	swait.ge [sflag:s19], $0x2000  }
0x57: {  	[sflag:s19] =	ssyncset.done $0x0  }
0x58: {  	[sflag:s19] =	ssyncadd.s32 $0xFFFFE000  }
0x59: {  	_ =	swait.ge [sflag:s20], $0x2000  }
0x5a: {  	[sflag:s20] =	ssyncset.done $0x0  }
0x5b: {  	[sflag:s20] =	ssyncadd.s32 $0xFFFFE000  }
0x5c: {  	_ =	swait.ge [sflag:s21], $0x2000  }
0x5d: {  	[sflag:s21] =	ssyncset.done $0x0  }
0x5e: {  	[sflag:s21] =	ssyncadd.s32 $0xFFFFE000  }
0x5f: {  	_ =	swait.ge [sflag:s22], $0x2000  }
0x60: {  	s13 =	rddreg [dreg:$0x5];
	[sflag:s22] =	ssyncset.done $0x0  }
0x61: {  	s12 =	rddreg [dreg:$0x4];
	[sflag:s22] =	ssyncadd.s32 $0xFFFFE000;
	s10 =	sadd.s32 $0x0, s13  }
0x62: {  	[hbm4b:s10+s4] =	stream.linear.scatter [tilespmem:s17], [sflag:$0x1], $0x2000, $0x38;
	[tilespmem:$0x8200] =	vst v63  }
0x63: {  	s15 =	sadd.s32 $0x0, s12  }
0x64: {  	[hbm4b:s15+s4] =	stream.linear.scatter [tilespmem:s18], [sflag:$0x2], $0x2000, $0x38;
	[tilespmem:$0x8200] =	vst v63  }
0x65: {  	_ =	swait.ge [sflag:s19], $0x2000  }
0x66: {  	[sflag:s19] =	ssyncset.done $0x0  }
0x67: {  	[sflag:s19] =	ssyncadd.s32 $0xFFFFE000  }
0x68: {  	_ =	swait.ge [sflag:s20], $0x2000  }
0x69: {  	s13 =	rddreg [dreg:$0xf]  }
0x6a: {  	[sflag:s20] =	ssyncset.done $0x0;
	s11 =	sshrl.u32 s13, $0x3  }
0x6b: {  	[sflag:s20] =	ssyncadd.s32 $0xFFFFE000;
	s15 =	sadd.s32 s5, s11  }
0x6c: {  	[tilespmem:s4], [sflag:$0x1] =	stream.linear.gather [hbm4b:s15+s4], $0x40, $0x38;
	[tilespmem:$0x8200] =	vst v63  }
0x6d: {  	s10 =	sadd.s32 s6, s11  }
0x6e: {  	[tilespmem:s16], [sflag:$0x2] =	stream.linear.gather [hbm4b:s10+s4], $0x40, $0x38;
	[tilespmem:$0x8200] =	vst v63  }
0x6f: {  	s8 =	sadd.s32 $0x800, s8  }
0x70: {  	[tilespmem:s17], [sflag:$0x3] =	stream.linear.gather [hbm4b:s8+s4], $0x2000, $0x38;
	[tilespmem:$0x8200] =	vst v63  }
0x71: {  	s10 =	sadd.s32 $0x800, s9  }
0x72: {  	[tilespmem:s18], [sflag:$0x4] =	stream.linear.gather [hbm4b:s10+s4], $0x2000, $0x38;
	[tilespmem:$0x8200] =	vst v63  }
0x73: {  	_ =	swait.ge [sflag:s19], $0x40  }
0x74: {  	[sflag:s19] =	ssyncset.done $0x0  }
0x75: {  	[sflag:s19] =	ssyncadd.s32 $0xFFFFFFC0  }
0x76: {  	_ =	swait.ge [sflag:s20], $0x40  }
0x77: {  	[sflag:s20] =	ssyncset.done $0x0  }
0x78: {  	[sflag:s20] =	ssyncadd.s32 $0xFFFFFFC0  }
0x79: {  	_ =	swait.ge [sflag:s21], $0x2000  }
0x7a: {  	[sflag:s21] =	ssyncset.done $0x0  }
0x7b: {  	[sflag:s21] =	ssyncadd.s32 $0xFFFFE000  }
0x7c: {  	_ =	swait.ge [sflag:s22], $0x2000  }
0x7d: {  	[sflag:s22] =	ssyncset.done $0x0  }
0x7e: {  	[sflag:s22] =	ssyncadd.s32 $0xFFFFE000  }
0x7f: {  	[tilespmem:s17], [sflag:$0x1] =	stream.indirect.gather.add.f32 [hbm:s1], $0x80, s4, s23, $0xb8;
	[tilespmem:$0x8200] =	vst v63  }
0x80: {  	_ = 	snop  }
0x81: {  	[tilespmem:s17], [sflag:$0x2] =	stream.indirect.gather.add.f32 [hbm:s3], $0x80, s16, s23, $0xb8;
	[tilespmem:$0x8200] =	vst v63  }
0x82: {  	_ = 	snop  }
0x83: {  	[tilespmem:s18], [sflag:$0x3] =	stream.indirect.gather.add.f32 [hbm:s1], $0x80, s4, s23, $0xb8;
	[tilespmem:$0x8200] =	vst v63  }
0x84: {  	_ = 	snop  }
0x85: {  	[tilespmem:s18], [sflag:$0x4] =	stream.indirect.gather.add.f32 [hbm:s7], $0x80, s16, s23, $0xb8;
	[tilespmem:$0x8200] =	vst v63  }
0x86: {  	_ =	swait.ge [sflag:s29], $0x2000  }
0x87: {  	[sflag:s29] =	ssyncset.done $0x0  }
0x88: {  	[sflag:s29] =	ssyncadd.s32 $0xFFFFE000  }
0x89: {  	_ =	swait.ge [sflag:s30], $0x2000  }
0x8a: {  	[sflag:s30] =	ssyncset.done $0x0  }
0x8b: {  	[sflag:s30] =	ssyncadd.s32 $0xFFFFE000  }
0x8c: {  	_ =	swait.ge [sflag:s31], $0x2000  }
0x8d: {  	[sflag:s31] =	ssyncset.done $0x0  }
0x8e: {  	[sflag:s31] =	ssyncadd.s32 $0xFFFFE000  }
0x8f: {  	_ =	swait.ge [sflag:s0], $0x2000  }
0x90: {  	s11 =	rddreg [dreg:$0x8];
	[sflag:s0] =	ssyncset.done $0x0  }
0x91: {  	s12 =	rddreg [dreg:$0x9];
	[sflag:s0] =	ssyncadd.s32 $0xFFFFE000;
	s8 =	sadd.s32 $0x0, s11  }
0x92: {  	[hbm4b:s8+s4] =	stream.linear.scatter [tilespmem:s26], [sflag:$0x5], $0x2000, $0x38;
	[tilespmem:$0x8200] =	vst v63  }
0x93: {  	s15 =	sadd.s32 $0x0, s12  }
0x94: {  	[hbm4b:s15+s4] =	stream.linear.scatter [tilespmem:s28], [sflag:$0x6], $0x2000, $0x38;
	[tilespmem:$0x8200] =	vst v63  }
0x95: {  	_ =	swait.ge [sflag:s29], $0x2000  }
0x96: {  	[sflag:s29] =	ssyncset.done $0x0  }
0x97: {  	s9 =	sadd.s32 $0x10, s2;
	s8 =	simm.s32 $0x800;
	[sflag:s29] =	ssyncadd.s32 $0xFFFFE000  }
.LBB2_2:
0x98: {  	_ =	swait.ge [sflag:s30], $0x2000  }
0x99: {  	[sflag:s30] =	ssyncset.done $0x0  }
0x9a: {  	s12 =	smov.u32 s8;
	s10 =	rddreg [dreg:$0x6];
	[sflag:s30] =	ssyncadd.s32 $0xFFFFE000  }
0x9b: {  	[tilespmem:s24], [sflag:$0x5] =	stream.linear.gather [hbm4b:s9+s4], $0x40, $0x38;
	[tilespmem:$0x8200] =	vst v63  }
0x9c: {  	s14 =	sadd.s32 $0x10, s14;
	s15 =	rddreg [dreg:$0x7];
	s10 =	sadd.s32 s12, s10  }
0x9d: {  	[tilespmem:s25], [sflag:$0x6] =	stream.linear.gather [hbm4b:s14+s4], $0x40, $0x38;
	[tilespmem:$0x8200] =	vst v63  }
0x9e: {  	s15 =	sadd.s32 s12, s15;
	s11 =	sadd.s32 $0x400, s10  }
0x9f: {  	[tilespmem:s26], [sflag:$0x7] =	stream.linear.gather [hbm4b:s11+s4], $0x2000, $0x38;
	[tilespmem:$0x8200] =	vst v63  }
0xa0: {  	s2 =	sadd.s32 $0x400, s15  }
0xa1: {  	[tilespmem:s28], [sflag:$0x8] =	stream.linear.gather [hbm4b:s2+s4], $0x2000, $0x38;
	[tilespmem:$0x8200] =	vst v63  }
0xa2: {  	_ =	swait.ge [sflag:s29], $0x40  }
0xa3: {  	[sflag:s29] =	ssyncset.done $0x0  }
0xa4: {  	[sflag:s29] =	ssyncadd.s32 $0xFFFFFFC0  }
0xa5: {  	_ =	swait.ge [sflag:s30], $0x40  }
0xa6: {  	[sflag:s30] =	ssyncset.done $0x0  }
0xa7: {  	[sflag:s30] =	ssyncadd.s32 $0xFFFFFFC0  }
0xa8: {  	_ =	swait.ge [sflag:s31], $0x2000  }
0xa9: {  	[sflag:s31] =	ssyncset.done $0x0  }
0xaa: {  	[sflag:s31] =	ssyncadd.s32 $0xFFFFE000  }
0xab: {  	_ =	swait.ge [sflag:s0], $0x2000  }
0xac: {  	[sflag:s0] =	ssyncset.done $0x0  }
0xad: {  	[sflag:s0] =	ssyncadd.s32 $0xFFFFE000  }
0xae: {  	[tilespmem:s26], [sflag:$0x5] =	stream.indirect.gather.add.f32 [hbm:s1], $0x80, s24, s23, $0xb8;
	[tilespmem:$0x8200] =	vst v63  }
0xaf: {  	_ = 	snop  }
0xb0: {  	[tilespmem:s26], [sflag:$0x6] =	stream.indirect.gather.add.f32 [hbm:s3], $0x80, s25, s23, $0xb8;
	[tilespmem:$0x8200] =	vst v63  }
0xb1: {  	_ = 	snop  }
0xb2: {  	[tilespmem:s28], [sflag:$0x7] =	stream.indirect.gather.add.f32 [hbm:s1], $0x80, s24, s23, $0xb8;
	[tilespmem:$0x8200] =	vst v63  }
0xb3: {  	_ = 	snop  }
0xb4: {  	[tilespmem:s28], [sflag:$0x8] =	stream.indirect.gather.add.f32 [hbm:s7], $0x80, s25, s23, $0xb8;
	[tilespmem:$0x8200] =	vst v63  }
0xb5: {  	_ =	swait.ge [sflag:s19], $0x2000  }
0xb6: {  	[sflag:s19] =	ssyncset.done $0x0  }
0xb7: {  	[sflag:s19] =	ssyncadd.s32 $0xFFFFE000  }
0xb8: {  	_ =	swait.ge [sflag:s20], $0x2000  }
0xb9: {  	[sflag:s20] =	ssyncset.done $0x0  }
0xba: {  	[sflag:s20] =	ssyncadd.s32 $0xFFFFE000  }
0xbb: {  	_ =	swait.ge [sflag:s21], $0x2000  }
0xbc: {  	[sflag:s21] =	ssyncset.done $0x0  }
0xbd: {  	[sflag:s21] =	ssyncadd.s32 $0xFFFFE000  }
0xbe: {  	_ =	swait.ge [sflag:s22], $0x2000  }
0xbf: {  	[sflag:s22] =	ssyncset.done $0x0;
	s2 =	rddreg [dreg:$0x5]  }
0xc0: {  	s11 =	rddreg [dreg:$0x4];
	[sflag:s22] =	ssyncadd.s32 $0xFFFFE000;
	s2 =	sadd.s32 s12, s2  }
0xc1: {  	[hbm4b:s2+s4] =	stream.linear.scatter [tilespmem:s17], [sflag:$0x1], $0x2000, $0x38;
	[tilespmem:$0x8200] =	vst v63  }
0xc2: {  	s11 =	sadd.s32 s12, s11  }
0xc3: {  	[hbm4b:s11+s4] =	stream.linear.scatter [tilespmem:s18], [sflag:$0x2], $0x2000, $0x38;
	[tilespmem:$0x8200] =	vst v63  }
0xc4: {  	_ =	swait.ge [sflag:s19], $0x2000  }
0xc5: {  	[sflag:s19] =	ssyncset.done $0x0  }
0xc6: {  	[sflag:s19] =	ssyncadd.s32 $0xFFFFE000  }
0xc7: {  	s13 =	sadd.s32 $0x80, s13;
	_ =	swait.ge [sflag:s20], $0x2000  }
0xc8: {  	s2 =	sshrl.u32 s13, $0x3;
	[sflag:s20] =	ssyncset.done $0x0  }
0xc9: {  	s11 =	sadd.s32 s5, s2;
	[sflag:s20] =	ssyncadd.s32 $0xFFFFE000  }
0xca: {  	[tilespmem:s4], [sflag:$0x1] =	stream.linear.gather [hbm4b:s11+s4], $0x40, $0x38;
	[tilespmem:$0x8200] =	vst v63  }
0xcb: {  	s2 =	sadd.s32 s6, s2  }
0xcc: {  	[tilespmem:s16], [sflag:$0x2] =	stream.linear.gather [hbm4b:s2+s4], $0x40, $0x38;
	[tilespmem:$0x8200] =	vst v63  }
0xcd: {  	s10 =	sadd.s32 $0x800, s10  }
0xce: {  	[tilespmem:s17], [sflag:$0x3] =	stream.linear.gather [hbm4b:s10+s4], $0x2000, $0x38;
	[tilespmem:$0x8200] =	vst v63  }
0xcf: {  	s15 =	sadd.s32 $0x800, s15  }
0xd0: {  	[tilespmem:s18], [sflag:$0x4] =	stream.linear.gather [hbm4b:s15+s4], $0x2000, $0x38;
	[tilespmem:$0x8200] =	vst v63  }
0xd1: {  	_ =	swait.ge [sflag:s19], $0x40  }
0xd2: {  	[sflag:s19] =	ssyncset.done $0x0  }
0xd3: {  	[sflag:s19] =	ssyncadd.s32 $0xFFFFFFC0  }
0xd4: {  	_ =	swait.ge [sflag:s20], $0x40  }
0xd5: {  	[sflag:s20] =	ssyncset.done $0x0  }
0xd6: {  	[sflag:s20] =	ssyncadd.s32 $0xFFFFFFC0  }
0xd7: {  	_ =	swait.ge [sflag:s21], $0x2000  }
0xd8: {  	[sflag:s21] =	ssyncset.done $0x0  }
0xd9: {  	[sflag:s21] =	ssyncadd.s32 $0xFFFFE000  }
0xda: {  	_ =	swait.ge [sflag:s22], $0x2000  }
0xdb: {  	[sflag:s22] =	ssyncset.done $0x0  }
0xdc: {  	[sflag:s22] =	ssyncadd.s32 $0xFFFFE000  }
0xdd: {  	[tilespmem:s17], [sflag:$0x1] =	stream.indirect.gather.add.f32 [hbm:s1], $0x80, s4, s23, $0xb8;
	[tilespmem:$0x8200] =	vst v63  }
0xde: {  	_ = 	snop  }
0xdf: {  	[tilespmem:s17], [sflag:$0x2] =	stream.indirect.gather.add.f32 [hbm:s3], $0x80, s16, s23, $0xb8;
	[tilespmem:$0x8200] =	vst v63  }
0xe0: {  	_ = 	snop  }
0xe1: {  	[tilespmem:s18], [sflag:$0x3] =	stream.indirect.gather.add.f32 [hbm:s1], $0x80, s4, s23, $0xb8;
	[tilespmem:$0x8200] =	vst v63  }
0xe2: {  	_ = 	snop  }
0xe3: {  	[tilespmem:s18], [sflag:$0x4] =	stream.indirect.gather.add.f32 [hbm:s7], $0x80, s16, s23, $0xb8;
	[tilespmem:$0x8200] =	vst v63  }
0xe4: {  	_ =	swait.ge [sflag:s29], $0x2000  }
0xe5: {  	[sflag:s29] =	ssyncset.done $0x0  }
0xe6: {  	[sflag:s29] =	ssyncadd.s32 $0xFFFFE000  }
0xe7: {  	_ =	swait.ge [sflag:s30], $0x2000  }
0xe8: {  	[sflag:s30] =	ssyncset.done $0x0  }
0xe9: {  	[sflag:s30] =	ssyncadd.s32 $0xFFFFE000  }
0xea: {  	_ =	swait.ge [sflag:s31], $0x2000  }
0xeb: {  	[sflag:s31] =	ssyncset.done $0x0  }
0xec: {  	[sflag:s31] =	ssyncadd.s32 $0xFFFFE000  }
0xed: {  	_ =	swait.ge [sflag:s0], $0x2000  }
0xee: {  	p0 =	sne.s32 s8, $0x27000;
	[sflag:s0] =	ssyncset.done $0x0;
	s10 =	rddreg [dreg:$0x8]  }
0xef: {  	s11 =	rddreg [dreg:$0x9];
	[sflag:s0] =	ssyncadd.s32 $0xFFFFE000;
	s2 =	sadd.s32 s12, s10  }
0xf0: {  	[hbm4b:s2+s4] =	stream.linear.scatter [tilespmem:s26], [sflag:$0x5], $0x2000, $0x38;
	[tilespmem:$0x8200] =	vst v63  }
.Ltmp0:
0xf1: {  	s15 =	sadd.s32 s12, s11;
	(pc) =	sbr.rel @p0 .LBB2_2-.Ltmp0, $4  }
0xf2: {  	[hbm4b:s15+s4] =	stream.linear.scatter [tilespmem:s28], [sflag:$0x6], $0x2000, $0x38;
	[tilespmem:$0x8200] =	vst v63  }
0xf3: {  	_ =	swait.ge [sflag:s29], $0x2000  }
0xf4: {  	[sflag:s29] =	ssyncset.done $0x0  }
0xf5: {  	s8 =	sadd.s32 $0x800, s8;
	s9 =	sadd.s32 $0x10, s9;
	[sflag:s29] =	ssyncadd.s32 $0xFFFFE000  }
0xf6: {  	_ =	swait.ge [sflag:s30], $0x2000  }
0xf7: {  	[sflag:s30] =	ssyncset.done $0x0  }
0xf8: {  	[sflag:s30] =	ssyncadd.s32 $0xFFFFE000  }
0xf9: {  	_ =	swait.ge [sflag:s19], $0x2000  }
0xfa: {  	[sflag:s19] =	ssyncset.done $0x0  }
0xfb: {  	[sflag:s19] =	ssyncadd.s32 $0xFFFFE000  }
0xfc: {  	_ =	swait.ge [sflag:s20], $0x2000  }
0xfd: {  	[sflag:s20] =	ssyncset.done $0x0  }
0xfe: {  	[sflag:s20] =	ssyncadd.s32 $0xFFFFE000  }
0xff: {  	_ =	swait.ge [sflag:s21], $0x2000  }
0x100: {  	[sflag:s21] =	ssyncset.done $0x0  }
0x101: {  	[sflag:s21] =	ssyncadd.s32 $0xFFFFE000  }
0x102: {  	_ =	swait.ge [sflag:s22], $0x2000  }
0x103: {  	s8 =	rddreg [dreg:$0x12]  }
0x104: {  	s2 =	rddreg [dreg:$0xe];
	s8 =	sadd.s32 $0x1, s8  }
0x105: {  	p0 =	sne.s32 s8, s2  }
.Ltmp1:
0x106: {  	_ = 	snop;
	(pc) =	sbr.rel @p0 .LBB2_1-.Ltmp1, $3  }
0x107: {  	_ =	sdelay $0x1  }
0x108: {  	[sflag:s22] =	ssyncset.done $0x0  }
0x109: {  	[sflag:s22] =	ssyncadd.s32 $0xFFFFE000  }
0x10a: {  	_ =	sfence.sel $0x180000  }
0x10b: {  	[bflag:$0x0] =	sbarrier.arrive $0xFFFF  }
0x10c: {  	_ =	strace $0x90000047  }
0x10d: {  	s0 =	stileid.u32;
	[bflag:$0x2] =	sbarrier.arrive $0xFFFF  }
0x10e: {  	p0 =	sne.s32 s0, $0x0;
	s0 =	rddreg [dreg:$0x3]  }
0x10f: {  	s0 =	sadd.s32 @!p0 $0x100000, s0  }
0x110: {  	[sflag:s0] =	ssyncadd.tile.s32 @!p0 $0x1;
	_ =	shalt  }
.Lfunc_end2:
_tile_overlayer_lowered:
.L_overlay_start_2:
0x111: {  	(tag) =	ssettag $0x2  }
0x112: {  	s0 =	rddreg [dreg:$0x0];
	s2 =	stileid.u32  }
0x113: {  	s1 =	rddreg [dreg:$0x1];
	p0 =	sne.s32 s2, $0x0  }
0x114: {  	s3 =	rddreg [dreg:$0x2];
	[bflag:$0x3] =	sbarrier.arrive $0xFFFF;
	s2 =	simm.s32 @!p0 $0x1C09  }
0x115: {  	[timem:s3], [sflag:s2] =	dma.local @!p0 [hbm:s0], s1  }
0x116: {  	s0 =	simm.s32 @!p0 $0x9  }
0x117: {  	_ =	swait.ge @!p0 [sflag:s0], s1  }
0x118: {  	s1 =	ssub.s32 @!p0 $0x0, s1;
	[sflag:s0] =	ssyncset.done @!p0 $0x0  }
0x119: {  	[sflag:s0] =	ssyncadd.s32 @!p0 s1  }
0x11a: {  	[bflag:$0x3] =	sbarrier.arrive $0xFFFF  }
0x11b: {  	_ =	shalt  }

// kernel: kernel.7.cloned.1.call-start
scs
__scs_entry_jumppad:
0x0: {  	(pc) =	sbr.rel $0x88, $3  }
0x1: {  	(tag) =	ssettag $0x0;
	lr =	simm.s32 $0x1  }
0x2: {  	[smem:$0x3F8A] =	sst lr;
	_ =	strace $0xD0000000  }
0x3: {  	_ = 	snop  }
0x4: {  	_ = 	snop  }
0x5: {  	_ = 	snop  }
0x6: {  	_ = 	snop  }
0x7: {  	_ = 	snop  }
__scs_overlays_trampoline_lowered:
0x8: {  	[smem:$0x3F99] =	sst s0  }
0x9: {  	[smem:$0x3F9A] =	sst s1  }
0xa: {  	[smem:$0x3F9B] =	sst s2  }
0xb: {  	[smem:$0x3F9C] =	sst s3  }
0xc: {  	[smem:$0x3F9D] =	sst s4  }
0xd: {  	[smem:$0x3F9E] =	sst s5  }
0xe: {  	[smem:$0x3F9F] =	sst s6  }
0xf: {  	[smem:$0x3FA0] =	sst s7  }
0x10: {  	[smem:$0x3FA1] =	sst s8  }
0x11: {  	[smem:$0x3FA2] =	sst s9;
	s0 =	simm.s32 @!p0 $0x0  }
0x12: {  	s1 =	sld [smem:$0x3F88];
	s0 =	simm.s32 @p0 $0x1  }
0x13: {  	[smem:$0x3FA3] =	sst s0;
	s0 =	simm.s32 @!p1 $0x0  }
0x14: {  	s2 =	sld [smem:$0x3F87];
	s0 =	simm.s32 @p1 $0x1  }
0x15: {  	[smem:$0x3FA4] =	sst s0;
	s0 =	simm.s32 @!p2 $0x0  }
0x16: {  	s3 =	sld [smem:$0x3FDB];
	s0 =	simm.s32 @p2 $0x1  }
0x17: {  	s4 =	simm.s32 $0x1BF5;
	[smem:$0x3FA6] =	sst s0  }
0x18: {  	s0 =	sld [smem:$0x3F89];
	_ =	swait.ge [sflag:s4], $0x0  }
0x19: {  	s7 =	sld [smem:$0x3F8A]  }
0x1a: {  	s8 =	sadd.s32 $0xFFFFE003, lr  }
0x1b: {  	s9 =	sadd.s32 $0xFFFFFEF7, lr;
	s5 =	simm.s32 $0xFFFFFFFF;
	p2 =	slt.u32 s8, $0xFFFFF086  }
0x1c: {  	p1 =	slt.u32 s9, $0xF7A;
	s5 =	simm.s32 @!p2 $0x0  }
0x1d: {  	s5 =	simm.s32 @p1 $0x1;
	p0 =	seq.s32 s7, s2  }
0x1e: {  	s7 =	smul.u32 @!p0 $0xF7A, s2;
	p2 =	seq.s32 @!p0 s5, $0x0  }
0x1f: {  	s9 =	smul.u32 $0xF7A, s1;
	s8 =	simm.s32 @!p0 $0x1BF5;
	p2 =	por !p2, p0  }
0x20: {  	[sflag:s8] =	ssyncset.s32 @!p0 $0xFFFFF086;
	s6 =	sadd.s32 @!p0 s3, s7;
	s7 =	simm.s32 @!p0 $0x108  }
0x21: {  	s3 =	sadd.s32 s3, s9;
	s6 =	sadd.s32 @!p0 $0x88, s6;
	s7 =	simm.s32 @p2 $0x1082  }
0x22: {  	[simem:s7], [sflag:s8] =	dma.local @!p0 [hbm:s6], $0xF7A  }
0x23: {  	s9 =	sor.u32 $0xD0000000, s2;
	s6 =	simm.s32 $0x108;
	_ =	swait.ge @!p0 [sflag:s8], $0x0  }
0x24: {  	s3 =	sadd.s32 $0x88, s3;
	s6 =	simm.s32 @!p1 $0x1082;
	[sflag:s4] =	ssyncset.s32 $0xFFFFF086  }
0x25: {  	[simem:s6], [sflag:s4] =	dma.local [hbm:s3], $0xF7A  }
0x26: {  	[smem:$0x3F8A] =	sst s1;
	(tag) =	ssettag s2;
	_ =	strace s9  }
0x27: {  	s1 =	sld [smem:$0x3F9A]  }
0x28: {  	s2 =	sld [smem:$0x3F9B]  }
0x29: {  	s4 =	sld [smem:$0x3F9D]  }
0x2a: {  	p0 =	seq.s32 s5, $0x0;
	s5 =	sld [smem:$0x3F9E]  }
0x2b: {  	s6 =	sld [smem:$0x3F9F]  }
0x2c: {  	s7 =	sld [smem:$0x3FA0]  }
0x2d: {  	s3 =	simm.s32 $0x108;
	s8 =	sld [smem:$0x3FA1]  }
0x2e: {  	s3 =	simm.s32 @!p0 $0x1082;
	s9 =	sld [smem:$0x3FA2]  }
0x2f: {  	lr =	sadd.s32 s0, s3;
	s0 =	sld [smem:$0x3F99]  }
0x30: {  	s3 =	sld [smem:$0x3F9C]  }
0x31: {  	[smem:$0x3FA5] =	sst s10  }
0x32: {  	s10 =	sld [smem:$0x3FA3];
	_ =	sdelay $0x3  }
0x33: {  	p0 =	seq.s32 s10, $0x1;
	s10 =	sld [smem:$0x3FA5];
	_ =	sdelay $0x3  }
0x34: {  	[smem:$0x3FA5] =	sst s10  }
0x35: {  	s10 =	sld [smem:$0x3FA4];
	_ =	sdelay $0x3  }
0x36: {  	p1 =	seq.s32 s10, $0x1;
	s10 =	sld [smem:$0x3FA5];
	_ =	sdelay $0x3  }
0x37: {  	[smem:$0x3FA5] =	sst s10  }
0x38: {  	s10 =	sld [smem:$0x3FA6]  }
0x39: {  	_ = 	snop;
	(pc) =	sbr.ind lr, $3  }
0x3a: {  	_ = 	snop  }
0x3b: {  	_ = 	snop  }
0x3c: {  	p2 =	seq.s32 s10, $0x1;
	s10 =	sld [smem:$0x3FA5]  }
0x3d: {  	_ =	shalt  }
0x3e: {  	_ =	shalt  }
0x3f: {  	_ =	shalt  }
0x40: {  	_ =	shalt  }
0x41: {  	_ =	shalt  }
0x42: {  	_ =	shalt  }
0x43: {  	_ =	shalt  }
0x44: {  	_ =	shalt  }
0x45: {  	_ =	shalt  }
0x46: {  	_ =	shalt  }
0x47: {  	_ =	shalt  }
0x48: {  	_ =	shalt  }
0x49: {  	_ =	shalt  }
0x4a: {  	_ =	shalt  }
0x4b: {  	_ =	shalt  }
0x4c: {  	_ =	shalt  }
0x4d: {  	_ =	shalt  }
0x4e: {  	_ =	shalt  }
0x4f: {  	_ =	shalt  }
0x50: {  	_ =	shalt  }
0x51: {  	_ =	shalt  }
0x52: {  	_ =	shalt  }
0x53: {  	_ =	shalt  }
0x54: {  	_ =	shalt  }
0x55: {  	_ =	shalt  }
0x56: {  	_ =	shalt  }
0x57: {  	_ =	shalt  }
0x58: {  	_ =	shalt  }
0x59: {  	_ =	shalt  }
0x5a: {  	_ =	shalt  }
0x5b: {  	_ =	shalt  }
0x5c: {  	_ =	shalt  }
0x5d: {  	_ =	shalt  }
0x5e: {  	_ =	shalt  }
0x5f: {  	_ =	shalt  }
0x60: {  	_ =	shalt  }
0x61: {  	_ =	shalt  }
0x62: {  	_ =	shalt  }
0x63: {  	_ =	shalt  }
0x64: {  	_ =	shalt  }
0x65: {  	_ =	shalt  }
0x66: {  	_ =	shalt  }
0x67: {  	_ =	shalt  }
0x68: {  	_ =	shalt  }
0x69: {  	_ =	shalt  }
0x6a: {  	_ =	shalt  }
0x6b: {  	_ =	shalt  }
0x6c: {  	_ =	shalt  }
0x6d: {  	_ =	shalt  }
0x6e: {  	_ =	shalt  }
0x6f: {  	_ =	shalt  }
0x70: {  	_ =	shalt  }
0x71: {  	_ =	shalt  }
0x72: {  	_ =	shalt  }
0x73: {  	_ =	shalt  }
0x74: {  	_ =	shalt  }
0x75: {  	_ =	shalt  }
0x76: {  	_ =	shalt  }
0x77: {  	_ =	shalt  }
0x78: {  	_ =	shalt  }
0x79: {  	_ =	shalt  }
0x7a: {  	_ =	shalt  }
0x7b: {  	_ =	shalt  }
0x7c: {  	_ =	shalt  }
0x7d: {  	_ =	shalt  }
0x7e: {  	_ =	shalt  }
0x7f: {  	_ =	shalt  }
0x80: {  	_ =	shalt  }
0x81: {  	_ =	shalt  }
0x82: {  	_ =	shalt  }
0x83: {  	_ =	shalt  }
0x84: {  	_ =	shalt  }
0x85: {  	_ =	shalt  }
0x86: {  	_ =	shalt  }
0x87: {  	_ =	shalt  }
.Lfunc_end0:
.L_simem_size_0:
called_computation_lowered:
.L_overlay_start_0:
0x88: {  	s2 =	sld [smem:$0x3FD9]  }
0x89: {  	s3 =	sld [smem:$0x3FFE];
	_ =	sdelay $0x1  }
0x8a: {  	s1 =	srdreg.scid  }
0x8b: {  	s0 =	sand.u32 $0x1, s1  }
0x8c: {  	s17 =	sshll.u32 s0, $0xA;
	s2 =	sadd.s32 s3, s2  }
0x8d: {  	s2 =	sadd.s32 s2, s17  }
0x8e: {  	[smem:$0x3FB1] =	sst s2  }
0x8f: {  	_ = 	snop  }
0x90: {  	(tm) =	ssettm $0x1  }
0x91: {  	s18 =	sld [smem:$0x3FFB];
	_ =	sdelay $0x3  }
0x92: {  	_ =	strace s18  }
0x93: {  	s2 =	sld [smem:$0x3FFC];
	_ =	sdelay $0x3  }
0x94: {  	_ =	strace s2  }
0x95: {  	s2 =	sld [smem:$0x3FFD];
	_ =	sdelay $0x3  }
0x96: {  	_ =	strace s2  }
0x97: {  	_ =	strace $0x8FFFFFFF  }
0x98: {  	s19 =	sld [smem:$0x3FDB];
	_ =	sdelay $0x1  }
0x99: {  	s20 =	simm.s32 $_scs_section_size  }
0x9a: {  	s4 =	simm.s32 $_size__tile_overlayer_lowered;
	s5 =	simm.s32 $_tile_overlayer_lowered  }
0x9b: {  	s6 =	simm.s32 $0x1BFF;
	s21 =	sshll.u32 s5, $0x1;
	s3 =	sadd.s32 s20, s19  }
0x9c: {  	s22 =	simm.s32 $0x0;
	s4 =	sshll.u32 s4, $0x1;
	s5 =	sadd.s32 s21, s3  }
0x9d: {  	[timem:s22], [sflag:s6] =	dma.local [hbm:s5], s4  }
0x9e: {  	_ =	swait.ge [sflag:s6], s4  }
0x9f: {  	s4 =	ssub.s32 $0x0, s4;
	[sflag:s6] =	ssyncset.done $0x0  }
0xa0: {  	[sflag:s6] =	ssyncadd.s32 s4;
	_ =	sdelay $0x1  }
0xa1: {  	s23 =	simm.s32 $0x1B8B  }
0xa2: {  	_ =	swait.ge [sflag:s23], $0x1  }
0xa3: {  	[sflag:s23] =	ssyncset.done $0x0  }
0xa4: {  	[sflag:s23] =	ssyncadd.s32 $0xFFFFFFFF  }
0xa5: {  	s4 =	sld [smem:$0x0]  }
0xa6: {  	s5 =	sand.u32 $0xFFFFFFFE, s1  }
0xa7: {  	p0 =	sne.s32 s1, s5  }
0xa8: {  	s5 =	sshll.u32 @p0 s5, $0xE  }
0xa9: {  	s5 =	sadd.s32 @p0 $0x11B8D, s5;
	s6 =	sshll.u32 @p0 s4, $0x11  }
0xaa: {  	s5 =	sor.u32 @p0 s6, s5  }
0xab: {  	[sflag:s5] =	ssyncadd.remote.s32 @p0 $0x1;
	_ =	sdelay $0x1  }
0xac: {  	s5 =	simm.s32 @p0 $0x1B8D  }
0xad: {  	_ =	swait.eq @p0 [sflag:s5], $0x1  }
0xae: {  	[sflag:s5] =	ssyncadd.s32 @p0 $0xFFFFFFFF  }
0xaf: {  	s6 =	sshll.u32 @!p0 s1, $0xE  }
0xb0: {  	s6 =	sor.u32 @!p0 $0x4000, s6;
	s5 =	simm.s32 @!p0 $0x1B8D  }
0xb1: {  	s4 =	sshll.u32 @!p0 s4, $0x11;
	s6 =	sadd.s32 @!p0 $0x11B8D, s6;
	_ =	swait.eq @!p0 [sflag:s5], $0x1  }
0xb2: {  	s4 =	sor.u32 @!p0 s4, s6;
	[sflag:s5] =	ssyncadd.s32 @!p0 $0xFFFFFFFF  }
0xb3: {  	s25 =	simm.s32 $0x1B8E;
	s24 =	sld [smem:$0x3FFE];
	[sflag:s4] =	ssyncadd.remote.s32 @!p0 $0x1  }
0xb4: {  	s26 =	simm.s32 $execute0_lowered;
	[smem:$0x3FD2] =	sst s25  }
0xb5: {  	s5 =	sshll.u32 s26, $0x1;
	_ =	strace $0x80000049;
	[dreg:$0x1] =	wrdreg $0xFFFFFFFF  }
0xb6: {  	s28 =	simm.s32 $_size_execute0_lowered;
	s3 =	sadd.s32 s3, s5;
	[dreg:$0x0] =	wrdreg $0x0  }
0xb7: {  	s5 =	sshll.u32 s28, $0x1;
	[dreg:$0x2] =	wrdreg s3  }
0xb8: {  	[dreg:$0x3] =	wrdreg s5  }
0xb9: {  	[dreg:$0x4] =	wrdreg $0xC0  }
0xba: {  	_ =	task [dreg:s22], $0x5FFFF  }
0xbb: {  	[dreg:$0x1] =	wrdreg $0xFFFFFFFF  }
0xbc: {  	[dreg:$0x0] =	wrdreg $0x60  }
0xbd: {  	[dreg:$0x2] =	wrdreg s24  }
0xbe: {  	[dreg:$0x3] =	wrdreg $0x65800  }
0xbf: {  	[dreg:$0x4] =	wrdreg $0x9  }
0xc0: {  	_ =	task.clear_ibuf [dreg:s22], $0x5FFFF;
	_ =	strace $0x90000049  }
0xc1: {  	s29 =	simm.s32 $0x9;
	_ =	strace $0x8000004B  }
0xc2: {  	_ =	swait.ge [sflag:s29], $0x1  }
0xc3: {  	[sflag:s29] =	ssyncadd.s32 $0xFFFFFFFF  }
0xc4: {  	_ =	strace $0x9000004B  }
0xc5: {  	_ =	sfence  }
0xc6: {  	s30 =	sld [smem:$0x0];
	_ =	sdelay $0x2  }
0xc7: {  	s31 =	sshll.u32 s1, $0xD;
	s1 =	sshrl.u32 s1, $0x2  }
0xc8: {  	s4 =	sand.u32 $0x4000, s31;
	s1 =	sadd.s32 s1, s30  }
0xc9: {  	s0 =	sor.u32 s4, s0;
	s1 =	sshll.u32 s1, $0x11  }
0xca: {  	s0 =	sor.u32 s1, s0  }
0xcb: {  	s0 =	sadd.s32 $0x8F2B, s0  }
0xcc: {  	[sflag:s0] =	ssyncadd.remote.s32 $0x1  }
0xcd: {  	_ =	sfence.sel $0xFFFF  }
0xce: {  	[dreg:$0x0] =	wrdreg $0xFFFFFFFF;
	(pc) =	sbr.abs _section_cstart, $3  }
0xcf: {  	[dreg:$0x1] =	wrdreg $0xFFFFFFFF  }
0xd0: {  	_ =	task.clear_ibuf [dreg:s22], $0x2FFFF;
	_ =	strace $0x9FFFFFFF  }
0xd1: {  	(tm) =	ssettm $0x7FFFFFFF  }
tec
execute0_lowered:
.L_overlay_start_1:
0x0: {  	(tag) =	ssettag $0x1  }
0x1: {  	s0 =	rddreg [dreg:$0x0]  }
0x2: {  	s10 =	rddreg [dreg:$0x1]  }
0x3: {  	s2 =	simm.s32 $0x0;
	s1 =	srdreg.scid;
	s11 =	stileid.u32  }
0x4: {  	[smem:$0x7FF] =	sst s2;
	s3 =	smul.u32 $0x4E80, s11  }
0x5: {  	s12 =	sand.u32 $0x1, s1;
	s4 =	smul.u32 $0x50000, s11;
	s13 =	sadd.s32 $0x6B2600, s0  }
0x6: {  	s15 =	smul.u32 $0x280, s11;
	_ =	strace $0x8000004A;
	[dreg:$0x3] =	wrdreg s12  }
0x7: {  	s11 =	sadd.s32 $0x7EE800, s0;
	s1 =	smul.u32 $0x4E800, s12;
	[dreg:$0x4] =	wrdreg s13  }
0x8: {  	s8 =	ssub.s32 $0x2, s12;
	s17 =	smul.u32 $0x2800, s12;
	[dreg:$0x1c] =	wrdreg s11  }
0x9: {  	s20 =	sshrl.u32 s8, $0x1;
	s4 =	sshrl.u32 s4, $0x2;
	[dreg:$0xe] =	wrdreg s15  }
0xa: {  	s1 =	sadd.s32 s3, s1;
	s3 =	ssub.s32 s8, s20;
	s8 =	sadd.s32 $0x7EDC00, s0  }
0xb: {  	s18 =	sadd.s32 s4, s10;
	[dreg:$0x19] =	wrdreg s8  }
0xc: {  	s20 =	sadd.s32 s15, s17;
	s17 =	sadd.s32 $0x36800, s0;
	[dreg:$0x5] =	wrdreg s18  }
0xd: {  	s10 =	sadd.s32 $0xC0, s1;
	[dreg:$0x13] =	wrdreg s17  }
0xe: {  	s3 =	smax.u32 s3, $0x1;
	[dreg:$0xd] =	wrdreg s10  }
0xf: {  	s28 =	sadd.s32 $0x4000, s18;
	[dreg:$0x15] =	wrdreg s3  }
0x10: {  	s29 =	sadd.s32 $0x6000, s18;
	[smem:$0x7F7] =	sst s28  }
0x11: {  	s5 =	sadd.s32 $0x5FE200, s0;
	s31 =	sadd.s32 $0x8000, s18;
	[smem:$0x7F8] =	sst s29  }
0x12: {  	s9 =	sshrl.u32 s1, $0x3;
	s11 =	sadd.s32 $0xC000, s18;
	[smem:$0x7F9] =	sst s31  }
0x13: {  	s6 =	sadd.s32 $0xDC00, s0;
	s21 =	sadd.s32 s5, s9;
	[smem:$0x7FB] =	sst s11  }
0x14: {  	s7 =	sadd.s32 $0x5EA600, s0;
	s22 =	sadd.s32 s6, s9;
	[dreg:$0x6] =	wrdreg s21  }
0x15: {  	s23 =	sadd.s32 s7, s9;
	[dreg:$0x7] =	wrdreg s22  }
0x16: {  	s24 =	sor.u32 $0x8, s9;
	s9 =	sadd.s32 $0x80, s1;
	[dreg:$0x8] =	wrdreg s23  }
0x17: {  	s10 =	sadd.s32 $0x7EE400, s0;
	[dreg:$0xc] =	wrdreg s9  }
0x18: {  	s25 =	sadd.s32 s5, s24;
	[dreg:$0x1b] =	wrdreg s10  }
0x19: {  	s26 =	sadd.s32 s6, s24;
	[dreg:$0x9] =	wrdreg s25  }
0x1a: {  	s4 =	sadd.s32 s7, s24;
	[dreg:$0xa] =	wrdreg s26  }
0x1b: {  	s22 =	sadd.s32 $0x7ED400, s0;
	[dreg:$0xb] =	wrdreg s4  }
0x1c: {  	s24 =	sadd.s32 $0x7ED800, s0;
	[dreg:$0x16] =	wrdreg s22  }
0x1d: {  	s9 =	sadd.s32 $0x7EE000, s0;
	[dreg:$0x17] =	wrdreg s24  }
0x1e: {  	s14 =	sshll.u32 s1, $0x1;
	s21 =	sadd.s32 $0x7EC800, s0;
	[dreg:$0x1a] =	wrdreg s9  }
0x1f: {  	s1 =	sor.u32 $0x40, s1;
	s10 =	sadd.s32 $0xA000, s18;
	[dreg:$0x14] =	wrdreg s21  }
0x20: {  	s16 =	sshrl.u32 s1, $0x3;
	s4 =	sadd.s32 s13, s14;
	[smem:$0x7FA] =	sst s10  }
0x21: {  	s1 =	sshll.u32 s1, $0x1;
	s19 =	sadd.s32 s5, s16;
	[dreg:$0xf] =	wrdreg s4  }
0x22: {  	s1 =	sadd.s32 s13, s1;
	[dreg:$0x10] =	wrdreg s19  }
0x23: {  	s23 =	sadd.s32 $0x662600, s0;
	s26 =	sadd.s32 $0x7ED000, s0;
	[dreg:$0x12] =	wrdreg s1  }
0x24: {  	s25 =	sadd.s32 $0x612600, s0;
	s0 =	sadd.s32 $0x7EEC00, s0;
	[dreg:$0x18] =	wrdreg s26  }
0x25: {  	s4 =	sadd.s32 s6, s16;
	s1 =	sshll.u32 s20, $0x4;
	[dreg:$0x1d] =	wrdreg s0  }
0x26: {  	s26 =	sadd.s32 $0x12000, s18;
	[dreg:$0x11] =	wrdreg s4;
	s1 =	sadd.s32 s21, s1  }
0x27: {  	[smem:$0x7F5] =	sst s26;
	s12 =	sadd.s32 $0xA0000, s1  }
0x28: {  	s13 =	sadd.s32 $0xA0400, s1;
	[dreg:$0x1e] =	wrdreg s12  }
0x29: {  	s14 =	sadd.s32 $0xA0800, s1;
	[dreg:$0x1f] =	wrdreg s13  }
0x2a: {  	s15 =	sadd.s32 $0xA0C00, s1;
	[smem:$0x7ED] =	sst s14  }
0x2b: {  	s16 =	sadd.s32 $0xA1000, s1;
	[smem:$0x7EE] =	sst s15  }
0x2c: {  	s30 =	simm.s32 $0x4580;
	s19 =	sadd.s32 $0xA1400, s1;
	[smem:$0x7EF] =	sst s16  }
0x2d: {  	s8 =	simm.s32 $0x80;
	s20 =	sadd.s32 $0xA1800, s1;
	[smem:$0x7F0] =	sst s19  }
0x2e: {  	s3 =	simm.s32 $0x3;
	s21 =	sadd.s32 $0xA1C00, s1;
	[smem:$0x7F1] =	sst s20  }
0x2f: {  	s26 =	simm.s32 $0x8;
	s22 =	sadd.s32 $0xA2000, s1;
	[smem:$0x7F2] =	sst s21  }
0x30: {  	s4 =	simm.s32 $0x1;
	s24 =	sadd.s32 $0xA2400, s1;
	[smem:$0x7F3] =	sst s22  }
0x31: {  	s1 =	simm.s32 $0x0;
	[smem:$0x7F4] =	sst s24;
	s24 =	sadd.s32 $0x2000, s18  }
0x32: {  	s15 =	sadd.s32 $0xE000, s18;
	s16 =	sadd.s32 $0x10000, s18;
	s19 =	simm.s32 $0x4  }
0x33: {  	s20 =	simm.s32 $0x5;
	s21 =	simm.s32 $0x40;
	[smem:$0x7F6] =	sst s24  }
0x34: {  	s22 =	simm.s32 $0x1A600;
	s12 =	simm.s32 $0x2;
	[smem:$0x7FC] =	sst s15  }
0x35: {  	v0 =	vimm.f32 $0.0e+00;
	s13 =	simm.s32 $0x6;
	s14 =	simm.s32 $0x7;
	[smem:$0x7FD] =	sst s16  }
.LBB2_1:
0x36: {  	[smem:$0x7EC] =	sst s1  }
0x37: {  	p1 =	por $0x1, $0x1;
	s9 =	simm.s32 $0x0;
	s17 =	simm.s32 $0x1A580  }
.LBB2_2:
0x38: {  	p0 =	por p1, p1;
	s0 =	simm.s32 $0x0;
	s1 =	simm.s32 $0x200  }
.LBB2_3:
0x39: {  	p1 =	sne.s32 s1, $0x7E00;
	[tilespmem:s0+$0x45F0] =	vst v0  }
0x3a: {  	[tilespmem:s0+$0x4580] =	vst v0  }
0x3b: {  	[tilespmem:s0+$0x4590] =	vst v0  }
.Ltmp0:
0x3c: {  	[tilespmem:s0+$0x45A0] =	vst v0;
	(pc) =	sbr.rel @p1 .LBB2_3-.Ltmp0, $4  }
0x3d: {  	[tilespmem:s0+$0x45B0] =	vst v0  }
0x3e: {  	[tilespmem:s0+$0x45C0] =	vst v0  }
0x3f: {  	[tilespmem:s0+$0x45D0] =	vst v0  }
0x40: {  	[tilespmem:s0+$0x45E0] =	vst v0;
	s0 =	sshra.s32 s1, $0x2;
	s1 =	sadd.s32 $0x200, s1  }
0x41: {  	[tilespmem:s0+$0x45F0] =	vst v0  }
0x42: {  	[tilespmem:s0+$0x4580] =	vst v0  }
0x43: {  	[tilespmem:s0+$0x4590] =	vst v0  }
0x44: {  	[tilespmem:s0+$0x45A0] =	vst v0  }
0x45: {  	[tilespmem:s0+$0x45B0] =	vst v0  }
0x46: {  	[tilespmem:s0+$0x45C0] =	vst v0  }
0x47: {  	[tilespmem:s0+$0x45D0] =	vst v0  }
0x48: {  	[tilespmem:s0+$0x45E0] =	vst v0  }
0x49: {  	[spmem:s18] =	stream.linear.scatter [tilespmem:s30], [sflag:$0x8], $0x2000, $0x38;
	[tilespmem:$0x1EB00] =	vst v63  }
0x4a: {  	_ =	swait.ge [sflag:s26], $0x2000  }
0x4b: {  	[sflag:s26] =	ssyncset.done $0x0  }
0x4c: {  	[sflag:s26] =	ssyncadd.s32 $0xFFFFE000  }
0x4d: {  	[spmem:s24] =	stream.linear.scatter [tilespmem:s30], [sflag:$0x8], $0x2000, $0x38;
	[tilespmem:$0x1EB00] =	vst v63  }
0x4e: {  	_ =	swait.ge [sflag:s26], $0x2000  }
0x4f: {  	[sflag:s26] =	ssyncset.done $0x0  }
0x50: {  	[sflag:s26] =	ssyncadd.s32 $0xFFFFE000  }
0x51: {  	[spmem:s28] =	stream.linear.scatter [tilespmem:s30], [sflag:$0x8], $0x2000, $0x38;
	[tilespmem:$0x1EB00] =	vst v63  }
0x52: {  	_ =	swait.ge [sflag:s26], $0x2000  }
0x53: {  	[sflag:s26] =	ssyncset.done $0x0  }
0x54: {  	[sflag:s26] =	ssyncadd.s32 $0xFFFFE000  }
0x55: {  	[spmem:s29] =	stream.linear.scatter [tilespmem:s30], [sflag:$0x8], $0x2000, $0x38;
	[tilespmem:$0x1EB00] =	vst v63  }
0x56: {  	_ =	swait.ge [sflag:s26], $0x2000  }
0x57: {  	[sflag:s26] =	ssyncset.done $0x0  }
0x58: {  	[sflag:s26] =	ssyncadd.s32 $0xFFFFE000  }
0x59: {  	[spmem:s31] =	stream.linear.scatter [tilespmem:s30], [sflag:$0x8], $0x2000, $0x38;
	[tilespmem:$0x1EB00] =	vst v63  }
0x5a: {  	_ =	swait.ge [sflag:s26], $0x2000  }
0x5b: {  	[sflag:s26] =	ssyncset.done $0x0  }
0x5c: {  	[sflag:s26] =	ssyncadd.s32 $0xFFFFE000  }
0x5d: {  	[spmem:s10] =	stream.linear.scatter [tilespmem:s30], [sflag:$0x8], $0x2000, $0x38;
	[tilespmem:$0x1EB00] =	vst v63  }
0x5e: {  	_ =	swait.ge [sflag:s26], $0x2000  }
0x5f: {  	[sflag:s26] =	ssyncset.done $0x0  }
0x60: {  	[sflag:s26] =	ssyncadd.s32 $0xFFFFE000  }
0x61: {  	[spmem:s11] =	stream.linear.scatter [tilespmem:s30], [sflag:$0x8], $0x2000, $0x38;
	[tilespmem:$0x1EB00] =	vst v63  }
0x62: {  	_ =	swait.ge [sflag:s26], $0x2000  }
0x63: {  	[sflag:s26] =	ssyncset.done $0x0  }
0x64: {  	[sflag:s26] =	ssyncadd.s32 $0xFFFFE000  }
0x65: {  	[spmem:s15] =	stream.linear.scatter [tilespmem:s30], [sflag:$0x8], $0x2000, $0x38;
	[tilespmem:$0x1EB00] =	vst v63  }
0x66: {  	_ =	swait.ge [sflag:s26], $0x2000  }
0x67: {  	[sflag:s26] =	ssyncset.done $0x0  }
0x68: {  	[sflag:s26] =	ssyncadd.s32 $0xFFFFE000  }
0x69: {  	[spmem:s16] =	stream.linear.scatter [tilespmem:s30], [sflag:$0x8], $0x2000, $0x38;
	[tilespmem:$0x1EB00] =	vst v63  }
0x6a: {  	_ =	swait.ge [sflag:s26], $0x2000  }
0x6b: {  	s24 =	sld [smem:$0x7F5]  }
0x6c: {  	[sflag:s26] =	ssyncset.done $0x0  }
0x6d: {  	[sflag:s26] =	ssyncadd.s32 $0xFFFFE000  }
0x6e: {  	[spmem:s24] =	stream.linear.scatter [tilespmem:s30], [sflag:$0x8], $0x2000, $0x38;
	[tilespmem:$0x1EB00] =	vst v63  }
0x6f: {  	_ =	swait.ge [sflag:s26], $0x2000  }
0x70: {  	[sflag:s26] =	ssyncset.done $0x0  }
0x71: {  	[sflag:s26] =	ssyncadd.s32 $0xFFFFE000  }
0x72: {  	[bflag:$0x0] =	sbarrier.arrive $0xFFFF  }
0x73: {  	s18 =	simm.s32 $0x0;
	s31 =	rddreg [dreg:$0x6]  }
0x74: {  	[tilespmem:s18], [sflag:$0x3] =	stream.linear.gather [hbm4b:s31+s18], $0x40, $0x38;
	[tilespmem:$0x1EB00] =	vst v63  }
0x75: {  	s1 =	rddreg [dreg:$0x7]  }
0x76: {  	[tilespmem:s8], [sflag:$0x4] =	stream.linear.gather [hbm4b:s1+s18], $0x40, $0x38;
	[tilespmem:$0x1EB00] =	vst v63  }
0x77: {  	s8 =	rddreg [dreg:$0x8];
	s1 =	simm.s32 $0x100  }
0x78: {  	[tilespmem:s1], [sflag:$0x5] =	stream.linear.gather [hbm4b:s8+s18], $0x40, $0x38;
	[tilespmem:$0x1EB00] =	vst v63  }
0x79: {  	_ =	swait.ge [sflag:s3], $0x40  }
0x7a: {  	[sflag:s3] =	ssyncset.done $0x0  }
0x7b: {  	[sflag:s3] =	ssyncadd.s32 $0xFFFFFFC0  }
0x7c: {  	_ =	swait.ge [sflag:s19], $0x40  }
0x7d: {  	[sflag:s19] =	ssyncset.done $0x0  }
0x7e: {  	[sflag:s19] =	ssyncadd.s32 $0xFFFFFFC0  }
0x7f: {  	_ =	swait.ge [sflag:s20], $0x40  }
0x80: {  	[sflag:s20] =	ssyncset.done $0x0  }
0x81: {  	s10 =	simm.s32 $0x180;
	[sflag:s20] =	ssyncadd.s32 $0xFFFFFFC0  }
0x82: {  	[tilespmem:s10], [sflag:$0x1] =	stream.indirect.gather [hbm4b:s23+s21], $0x80, s18, s21, $0xb8;
	[tilespmem:$0x1EB00] =	vst v63  }
0x83: {  	s11 =	simm.s32 $0x2180  }
0x84: {  	[tilespmem:s11], [sflag:$0x2] =	stream.indirect.gather [hbm4b:s25+s21], $0x80, s1, s21, $0xb8;
	[tilespmem:$0x1EB00] =	vst v63  }
0x85: {  	s15 =	rddreg [dreg:$0x9]  }
0x86: {  	[tilespmem:s17], [sflag:$0x3] =	stream.linear.gather [hbm4b:s15+s18], $0x40, $0x38;
	[tilespmem:$0x1EB00] =	vst v63  }
0x87: {  	s16 =	rddreg [dreg:$0xa]  }
0x88: {  	[tilespmem:s22], [sflag:$0x4] =	stream.linear.gather [hbm4b:s16+s18], $0x40, $0x38;
	[tilespmem:$0x1EB00] =	vst v63  }
0x89: {  	s24 =	rddreg [dreg:$0xb];
	s1 =	simm.s32 $0x1A680  }
0x8a: {  	[tilespmem:s1], [sflag:$0x5] =	stream.linear.gather [hbm4b:s24+s18], $0x40, $0x38;
	[tilespmem:$0x1EB00] =	vst v63  }
0x8b: {  	_ =	swait.ge [sflag:s3], $0x40  }
0x8c: {  	[sflag:s3] =	ssyncset.done $0x0  }
0x8d: {  	[sflag:s3] =	ssyncadd.s32 $0xFFFFFFC0  }
0x8e: {  	_ =	swait.ge [sflag:s19], $0x40  }
0x8f: {  	s31 =	sshll.u32 s9, $0x8;
	[sflag:s19] =	ssyncset.done $0x0  }
0x90: {  	s0 =	sshra.s32 s31, $0x2;
	[sflag:s19] =	ssyncadd.s32 $0xFFFFFFC0  }
0x91: {  	s29 =	sadd.s32 $0x2380, s0;
	_ =	swait.ge [sflag:s20], $0x40  }
0x92: {  	s28 =	sadd.s32 $0x1C900, s0;
	s11 =	sadd.s32 $0x1A900, s0;
	[sflag:s20] =	ssyncset.done $0x0  }
0x93: {  	s15 =	sadd.s32 $0x380, s0;
	[smem:$0x7EB] =	sst s9;
	[sflag:s20] =	ssyncadd.s32 $0xFFFFFFC0  }
.LBB2_5:
0x94: {  	s0 =	simm.s32 $0x1A700  }
0x95: {  	[tilespmem:s0], [sflag:$0x6] =	stream.indirect.gather [hbm4b:s23+s21], $0x80, s17, s21, $0xb8;
	[tilespmem:$0x1EB00] =	vst v63  }
0x96: {  	s8 =	simm.s32 $0x1C700  }
0x97: {  	[tilespmem:s8], [sflag:$0x7] =	stream.indirect.gather [hbm4b:s25+s21], $0x80, s1, s21, $0xb8;
	[tilespmem:$0x1EB00] =	vst v63  }
0x98: {  	_ =	swait.ge [sflag:s4], $0x2000  }
0x99: {  	[sflag:s4] =	ssyncset.done $0x0  }
0x9a: {  	[sflag:s4] =	ssyncadd.s32 $0xFFFFE000  }
0x9b: {  	_ =	swait.ge [sflag:s12], $0x2000  }
0x9c: {  	[sflag:s12] =	ssyncset.done $0x0  }
0x9d: {  	[sflag:s12] =	ssyncadd.s32 $0xFFFFE000  }
0x9e: {  	v1 =	vld [tilespmem:s15+$0x180]  }
0x9f: {  	v2 =	vld [tilespmem:s29+$0x180];
	_ =	sdelay $0x2  }
0xa0: {  	v4 =	vld [tilespmem:s15+$0xFFFFFE80]  }
0xa1: {  	v5 =	vld [tilespmem:s29+$0xFFFFFE80]  }
0xa2: {  	v6 =	vld [tilespmem:s15+$0xFFFFFF00];
	v1 =	vmul.f32 v2, v1  }
0xa3: {  	v7 =	vld [tilespmem:s29+$0xFFFFFF00]  }
0xa4: {  	v8 =	vld [tilespmem:s15+$0xFFFFFF80];
	v1 =	vmul.f32 $1.442695020e+00, v1  }
0xa5: {  	v9 =	vld [tilespmem:s15+$0x0]  }
0xa6: {  	v4 =	vmul.f32 v5, v4;
	(erf) = vpow2.f32 v1;
	v1 =	vld [tilespmem:s29+$0xFFFFFF80]  }
0xa7: {  	v10 =	vld [tilespmem:s29+$0x0]  }
0xa8: {  	v11 =	vld [tilespmem:s15+$0x80];
	v4 =	vmul.f32 $1.442695020e+00, v4  }
0xa9: {  	v13 =	vld [tilespmem:s15+$0x100];
	v6 =	vmul.f32 v7, v6  }
0xaa: {  	v14 =	vld [tilespmem:s29+$0x100];
	(erf) = vpow2.f32 v4  }
0xab: {  	v12 =	vld [tilespmem:s29+$0x80];
	v4 =	vmul.f32 $1.442695020e+00, v6;
	v8 =	vmul.f32 v1, v8  }
0xac: {  	v3 =	vld [tilespmem:s29+$0xFFFFFE00];
	v9 =	vmul.f32 v10, v9  }
0xad: {  	v6 =	vld [tilespmem:s15+$0xFFFFFE00];
	(erf) = vpow2.f32 v4;
	v8 =	vmul.f32 $1.442695020e+00, v8  }
0xae: {  	v4 =	vmul.f32 $1.442695020e+00, v9  }
0xaf: {  	v15 =	vpop (erf);
	(erf) = vpow2.f32 v8;
	v8 =	vmul.f32 v14, v13  }
0xb0: {  	s10 =	simm.s32 $0x4780;
	v9 =	vmul.f32 v12, v11;
	v2 =	vmul.f32 v15, v2  }
0xb1: {  	[tilespmem:s10+$0x180] =	vst v15;
	(erf) = vpow2.f32 v4;
	v4 =	vmul.f32 $1.442695020e+00, v8  }
0xb2: {  	v6 =	vmul.f32 v3, v6;
	[tilespmem:s10+$0x1C0] =	vst v2;
	v2 =	vmul.f32 $1.442695020e+00, v9  }
0xb3: {  	v9 =	vld [tilespmem:s15+$0x190]  }
0xb4: {  	v8 =	vld [tilespmem:s29+$0x190];
	(erf) = vpow2.f32 v2;
	v2 =	vmul.f32 $1.442695020e+00, v6  }
0xb5: {  	(erf) = vpow2.f32 v4;
	v4 =	vpop (erf)  }
0xb6: {  	(erf) = vpow2.f32 v2;
	v2 =	vmul.f32 v4, v5;
	[tilespmem:s10+$0xFFFFFE80] =	vst v4;
	v4 =	vpop (erf)  }
0xb7: {  	[tilespmem:s10+$0xFFFFFF00] =	vst v4  }
0xb8: {  	[tilespmem:s10+$0xFFFFFEC0] =	vst v2;
	v2 =	vmul.f32 v4, v7;
	v4 =	vpop (erf)  }
0xb9: {  	v5 =	vmul.f32 v8, v9;
	v1 =	vmul.f32 v4, v1;
	[tilespmem:s10+$0xFFFFFF80] =	vst v4  }
0xba: {  	v6 =	vld [tilespmem:s15+$0xFFFFFE90];
	v4 =	vpop (erf);
	[tilespmem:s10+$0xFFFFFF40] =	vst v2  }
0xbb: {  	v7 =	vld [tilespmem:s29+$0xFFFFFE90];
	v5 =	vmul.f32 $1.442695020e+00, v5;
	[tilespmem:s10+$0xFFFFFFC0] =	vst v1;
	v1 =	vmul.f32 v4, v10  }
0xbc: {  	v2 =	vld [tilespmem:s15+$0xFFFFFF10]  }
0xbd: {  	(erf) = vpow2.f32 v5;
	v5 =	vld [tilespmem:s29+$0xFFFFFF10];
	v9 =	vpop (erf)  }
0xbe: {  	[tilespmem:s10+$0x0] =	vst v4;
	v10 =	vld [tilespmem:s15+$0xFFFFFF90];
	v4 =	vpop (erf)  }
0xbf: {  	v11 =	vld [tilespmem:s29+$0xFFFFFF90];
	[tilespmem:s10+$0x40] =	vst v1;
	v1 =	vpop (erf)  }
0xc0: {  	v6 =	vmul.f32 v7, v6;
	v13 =	vld [tilespmem:s15+$0x10];
	v3 =	vmul.f32 v1, v3  }
0xc1: {  	v12 =	vmul.f32 v9, v12;
	[tilespmem:s10+$0xFFFFFE00] =	vst v1;
	v1 =	vld [tilespmem:s29+$0x10]  }
0xc2: {  	v6 =	vmul.f32 $1.442695020e+00, v6;
	[tilespmem:s10+$0xFFFFFE40] =	vst v3  }
0xc3: {  	[tilespmem:s10+$0xC0] =	vst v12;
	v2 =	vmul.f32 v5, v2;
	v3 =	vmul.f32 v4, v14;
	v12 =	vld [tilespmem:s15+$0xFFFFFE10]  }
0xc4: {  	[tilespmem:s10+$0x80] =	vst v9;
	(erf) = vpow2.f32 v6;
	v6 =	vld [tilespmem:s29+$0xFFFFFE10]  }
0xc5: {  	v2 =	vmul.f32 $1.442695020e+00, v2;
	[tilespmem:s10+$0x140] =	vst v3;
	v3 =	vmul.f32 v11, v10  }
0xc6: {  	[tilespmem:s10+$0x100] =	vst v4;
	v9 =	vld [tilespmem:s15+$0x90];
	v4 =	vmul.f32 v1, v13  }
0xc7: {  	v10 =	vpop (erf);
	v13 =	vld [tilespmem:s29+$0x90];
	(erf) = vpow2.f32 v2;
	v3 =	vmul.f32 $1.442695020e+00, v3  }
0xc8: {  	v2 =	vld [tilespmem:s15+$0x110];
	v8 =	vmul.f32 v10, v8;
	v4 =	vmul.f32 $1.442695020e+00, v4  }
0xc9: {  	[tilespmem:s10+$0x190] =	vst v10;
	v10 =	vld [tilespmem:s29+$0x110];
	(erf) = vpow2.f32 v3;
	v3 =	vmul.f32 v6, v12  }
0xca: {  	[tilespmem:s10+$0x1D0] =	vst v8;
	(erf) = vpow2.f32 v4  }
0xcb: {  	v8 =	vld [tilespmem:s15+$0x1A0];
	v3 =	vmul.f32 $1.442695020e+00, v3  }
0xcc: {  	v4 =	vld [tilespmem:s29+$0x1A0]  }
0xcd: {  	v9 =	vmul.f32 v13, v9  }
0xce: {  	v2 =	vmul.f32 v10, v2  }
0xcf: {  	(erf) = vpow2.f32 v3;
	v9 =	vmul.f32 $1.442695020e+00, v9;
	v3 =	vpop (erf)  }
0xd0: {  	v7 =	vmul.f32 v3, v7;
	[tilespmem:s10+$0xFFFFFE90] =	vst v3;
	v3 =	vpop (erf)  }
0xd1: {  	v2 =	vmul.f32 $1.442695020e+00, v2;
	v8 =	vmul.f32 v4, v8;
	[tilespmem:s10+$0xFFFFFF10] =	vst v3  }
0xd2: {  	(erf) = vpow2.f32 v9;
	v5 =	vmul.f32 v3, v5;
	[tilespmem:s10+$0xFFFFFED0] =	vst v7;
	v3 =	vpop (erf)  }
0xd3: {  	v7 =	vmul.f32 $1.442695020e+00, v8;
	(erf) = vpow2.f32 v2;
	v8 =	vld [tilespmem:s15+$0xFFFFFEA0];
	v9 =	vpop (erf)  }
0xd4: {  	v2 =	vld [tilespmem:s29+$0xFFFFFEA0];
	[tilespmem:s10+$0xFFFFFF50] =	vst v5;
	v5 =	vmul.f32 v3, v11;
	v1 =	vmul.f32 v9, v1  }
0xd5: {  	[tilespmem:s10+$0xFFFFFF90] =	vst v3;
	(erf) = vpow2.f32 v7;
	v7 =	vld [tilespmem:s15+$0xFFFFFF20]  }
0xd6: {  	v3 =	vld [tilespmem:s29+$0xFFFFFF20];
	[tilespmem:s10+$0xFFFFFFD0] =	vst v5  }
0xd7: {  	v5 =	vld [tilespmem:s15+$0xFFFFFFA0]  }
0xd8: {  	[tilespmem:s10+$0x50] =	vst v1;
	v11 =	vld [tilespmem:s29+$0xFFFFFFA0];
	v1 =	vpop (erf)  }
0xd9: {  	s24 =	sadd.s32 $0x400, s29;
	v6 =	vmul.f32 v1, v6  }
0xda: {  	s9 =	sadd.s32 $0x400, s15;
	v17 =	vld [tilespmem:s24+$0x180];
	[tilespmem:s10+$0x10] =	vst v9  }
0xdb: {  	v19 =	vld [tilespmem:s9+$0xFFFFFF00];
	[tilespmem:s10+$0xFFFFFE10] =	vst v1;
	v1 =	vmul.f32 v2, v8  }
0xdc: {  	v9 =	vld [tilespmem:s15+$0x20];
	v7 =	vmul.f32 v3, v7  }
0xdd: {  	v12 =	vld [tilespmem:s29+$0x20];
	[tilespmem:s10+$0xFFFFFE50] =	vst v6;
	v16 =	vmul.f32 $1.442695020e+00, v1;
	v5 =	vmul.f32 v11, v5;
	v6 =	vpop (erf)  }
0xde: {  	v15 =	vld [tilespmem:s9+$0x180];
	v7 =	vmul.f32 $1.442695020e+00, v7;
	v14 =	vpop (erf)  }
0xdf: {  	(erf) = vpow2.f32 v16;
	v16 =	vld [tilespmem:s9+$0xFFFFFE80];
	v5 =	vmul.f32 $1.442695020e+00, v5;
	v18 =	vpop (erf)  }
0xe0: {  	(erf) = vpow2.f32 v7;
	v4 =	vmul.f32 v18, v4;
	[tilespmem:s10+$0x1A0] =	vst v18;
	v18 =	vld [tilespmem:s24+$0xFFFFFE80]  }
0xe1: {  	v20 =	vld [tilespmem:s24+$0xFFFFFF00]  }
0xe2: {  	v22 =	vld [tilespmem:s24+$0x0];
	(erf) = vpow2.f32 v5;
	[tilespmem:s10+$0x1E0] =	vst v4;
	v4 =	vmul.f32 v12, v9  }
0xe3: {  	v9 =	vmul.f32 v17, v15;
	v7 =	vld [tilespmem:s15+$0x1B0]  }
0xe4: {  	v15 =	vld [tilespmem:s29+$0x1B0];
	v4 =	vmul.f32 $1.442695020e+00, v4  }
0xe5: {  	v23 =	vld [tilespmem:s9+$0x80];
	v5 =	vmul.f32 $1.442695020e+00, v9;
	v9 =	vmul.f32 v18, v16  }
0xe6: {  	v10 =	vmul.f32 v14, v10;
	v16 =	vld [tilespmem:s24+$0xFFFFFF80];
	(erf) = vpow2.f32 v4  }
0xe7: {  	v4 =	vld [tilespmem:s9+$0xFFFFFF80];
	(erf) = vpow2.f32 v5;
	v9 =	vmul.f32 $1.442695020e+00, v9  }
0xe8: {  	v19 =	vmul.f32 v20, v19;
	[tilespmem:s10+$0x90] =	vst v6;
	v21 =	vpop (erf);
	v5 =	vmul.f32 v6, v13;
	v13 =	vld [tilespmem:s9+$0x0]  }
0xe9: {  	v24 =	vld [tilespmem:s24+$0x80];
	[tilespmem:s10+$0x110] =	vst v14;
	v6 =	vpop (erf);
	v7 =	vmul.f32 v15, v7;
	(erf) = vpow2.f32 v9  }
0xea: {  	v14 =	vld [tilespmem:s24+$0x100];
	[tilespmem:s10+$0x150] =	vst v10;
	v2 =	vmul.f32 v21, v2;
	v3 =	vmul.f32 v6, v3  }
0xeb: {  	v10 =	vpop (erf);
	[tilespmem:s10+$0xD0] =	vst v5;
	v9 =	vmul.f32 $1.442695020e+00, v19;
	v5 =	vmul.f32 $1.442695020e+00, v7;
	v7 =	vld [tilespmem:s9+$0x100]  }
0xec: {  	v1 =	vld [tilespmem:s24+$0xFFFFFE00];
	[tilespmem:s10+$0xFFFFFFA0] =	vst v10;
	v10 =	vmul.f32 v10, v11;
	v4 =	vmul.f32 v16, v4  }
0xed: {  	(erf) = vpow2.f32 v5;
	v5 =	vld [tilespmem:s9+$0xFFFFFE00];
	v13 =	vmul.f32 v22, v13  }
0xee: {  	v8 =	vld [tilespmem:s15+$0xFFFFFE20];
	[tilespmem:s10+$0xFFFFFEA0] =	vst v21;
	v4 =	vmul.f32 $1.442695020e+00, v4;
	(erf) = vpow2.f32 v9  }
0xef: {  	[tilespmem:s10+$0xFFFFFEE0] =	vst v2;
	v9 =	vld [tilespmem:s29+$0xFFFFFE20];
	v2 =	vmul.f32 $1.442695020e+00, v13;
	v13 =	vmul.f32 v24, v23;
	v19 =	vpop (erf)  }
0xf0: {  	[tilespmem:s10+$0xFFFFFF20] =	vst v6;
	v23 =	vld [tilespmem:s15+$0xA0];
	(erf) = vpow2.f32 v4;
	v7 =	vmul.f32 v14, v7;
	v21 =	vpop (erf)  }
0xf1: {  	s22 =	simm.s32 $0x4B80;
	[tilespmem:s10+$0xFFFFFF60] =	vst v3;
	v4 =	vmul.f32 $1.442695020e+00, v13;
	v13 =	vld [tilespmem:s15+$0x120];
	v6 =	vmul.f32 v21, v17  }
0xf2: {  	(erf) = vpow2.f32 v2;
	v17 =	vld [tilespmem:s29+$0xA0];
	[tilespmem:s22+$0x180] =	vst v21;
	v5 =	vmul.f32 v1, v5;
	v21 =	vpop (erf)  }
0xf3: {  	(erf) = vpow2.f32 v4;
	[tilespmem:s22+$0x1C0] =	vst v6;
	v6 =	vld [tilespmem:s29+$0x120];
	v4 =	vmul.f32 v21, v18  }
0xf4: {  	[tilespmem:s10+$0xFFFFFFE0] =	vst v10;
	v2 =	vmul.f32 $1.442695020e+00, v7;
	v7 =	vld [tilespmem:s9+$0x190]  }
0xf5: {  	[tilespmem:s10+$0x20] =	vst v19;
	v3 =	vmul.f32 $1.442695020e+00, v5;
	v18 =	vld [tilespmem:s24+$0x190]  }
0xf6: {  	v12 =	vmul.f32 v19, v12;
	[tilespmem:s22+$0xFFFFFE80] =	vst v21;
	(erf) = vpow2.f32 v2;
	v21 =	vpop (erf)  }
0xf7: {  	v11 =	vld [tilespmem:s15+$0xFFFFFEB0];
	v2 =	vmul.f32 v9, v8;
	[tilespmem:s22+$0xFFFFFEC0] =	vst v4;
	(erf) = vpow2.f32 v3;
	v4 =	vpop (erf)  }
0xf8: {  	[tilespmem:s10+$0x60] =	vst v12;
	v5 =	vld [tilespmem:s29+$0xFFFFFEB0];
	v8 =	vmul.f32 v17, v23;
	v19 =	vmul.f32 v4, v20  }
0xf9: {  	v3 =	vld [tilespmem:s9+$0xFFFFFE90];
	v10 =	vmul.f32 v6, v13;
	[tilespmem:s22+$0xFFFFFF00] =	vst v4;
	v4 =	vmul.f32 $1.442695020e+00, v2  }
0xfa: {  	v13 =	vld [tilespmem:s24+$0xFFFFFE90];
	v20 =	vpop (erf);
	v8 =	vmul.f32 $1.442695020e+00, v8;
	v7 =	vmul.f32 v18, v7;
	[tilespmem:s22+$0xFFFFFF40] =	vst v19  }
0xfb: {  	v16 =	vmul.f32 v20, v16;
	[tilespmem:s22+$0xFFFFFF80] =	vst v20;
	v20 =	vpop (erf);
	(erf) = vpow2.f32 v4;
	v19 =	vld [tilespmem:s9+$0xFFFFFF10]  }
0xfc: {  	v4 =	vmul.f32 v20, v22;
	[tilespmem:s22+$0x0] =	vst v20;
	v7 =	vmul.f32 $1.442695020e+00, v7;
	v25 =	vld [tilespmem:s24+$0xFFFFFF10]  }
0xfd: {  	v11 =	vmul.f32 v5, v11;
	[tilespmem:s22+$0xFFFFFFC0] =	vst v16;
	(erf) = vpow2.f32 v8  }
0xfe: {  	v8 =	vmul.f32 $1.442695020e+00, v10;
	v10 =	vpop (erf);
	v16 =	vld [tilespmem:s9+$0xFFFFFF90];
	[tilespmem:s22+$0x40] =	vst v4;
	(erf) = vpow2.f32 v7  }
0xff: {  	v7 =	vmul.f32 v21, v15;
	v3 =	vmul.f32 v13, v3;
	v15 =	vld [tilespmem:s24+$0xFFFFFF90];
	v20 =	vpop (erf);
	[tilespmem:s22+$0x80] =	vst v10  }
0x100: {  	v12 =	vmul.f32 v10, v24;
	(erf) = vpow2.f32 v8;
	v8 =	vld [tilespmem:s9+$0x10];
	[tilespmem:s22+$0x100] =	vst v20  }
0x101: {  	v4 =	vpop (erf);
	[tilespmem:s10+$0x1F0] =	vst v7;
	v3 =	vmul.f32 $1.442695020e+00, v3;
	v7 =	vld [tilespmem:s24+$0x10];
	v19 =	vmul.f32 v25, v19  }
0x102: {  	v23 =	vld [tilespmem:s15+$0xFFFFFF30];
	v14 =	vmul.f32 v20, v14;
	v1 =	vmul.f32 v4, v1;
	[tilespmem:s22+$0xFFFFFE00] =	vst v4  }
0x103: {  	v2 =	vld [tilespmem:s29+$0xFFFFFF30];
	[tilespmem:s22+$0xC0] =	vst v12;
	(erf) = vpow2.f32 v3;
	v12 =	vmul.f32 $1.442695020e+00, v19  }
0x104: {  	v20 =	vld [tilespmem:s24+$0x90];
	[tilespmem:s22+$0xFFFFFE40] =	vst v1;
	v3 =	vmul.f32 $1.442695020e+00, v11  }
0x105: {  	v11 =	vld [tilespmem:s9+$0xFFFFFE10];
	v16 =	vmul.f32 v15, v16;
	v19 =	vpop (erf)  }
0x106: {  	[tilespmem:s22+$0x140] =	vst v14;
	v10 =	vld [tilespmem:s24+$0xFFFFFE10];
	(erf) = vpow2.f32 v3;
	v3 =	vmul.f32 v7, v8;
	v14 =	vpop (erf)  }
0x107: {  	v8 =	vld [tilespmem:s9+$0x90];
	v16 =	vmul.f32 $1.442695020e+00, v16;
	(erf) = vpow2.f32 v12;
	v12 =	vpop (erf)  }
0x108: {  	v22 =	vld [tilespmem:s15+$0xFFFFFFB0];
	v18 =	vmul.f32 v12, v18  }
0x109: {  	[tilespmem:s10+$0x1B0] =	vst v21;
	v1 =	vmul.f32 v2, v23;
	v23 =	vld [tilespmem:s9+$0x110];
	v3 =	vmul.f32 $1.442695020e+00, v3  }
0x10a: {  	v24 =	vld [tilespmem:s24+$0x110];
	[tilespmem:s10+$0xFFFFFE20] =	vst v19;
	v9 =	vmul.f32 v19, v9;
	(erf) = vpow2.f32 v16  }
0x10b: {  	v4 =	vld [tilespmem:s29+$0xFFFFFFB0];
	[tilespmem:s22+$0x190] =	vst v12;
	v11 =	vmul.f32 v10, v11;
	(erf) = vpow2.f32 v3;
	v16 =	vpop (erf)  }
0x10c: {  	v12 =	vld [tilespmem:s15+$0x30];
	v3 =	vmul.f32 v14, v17;
	[tilespmem:s22+$0x1D0] =	vst v18;
	v8 =	vmul.f32 v20, v8;
	v18 =	vpop (erf)  }
0x10d: {  	[tilespmem:s10+$0xA0] =	vst v14;
	v11 =	vmul.f32 $1.442695020e+00, v11;
	v14 =	vld [tilespmem:s9+$0x1A0];
	v13 =	vmul.f32 v18, v13  }
0x10e: {  	[tilespmem:s10+$0xFFFFFE60] =	vst v9;
	v17 =	vld [tilespmem:s24+$0x1A0];
	v8 =	vmul.f32 $1.442695020e+00, v8  }
0x10f: {  	v19 =	vld [tilespmem:s15+$0xFFFFFE30];
	(erf) = vpow2.f32 v11;
	[tilespmem:s22+$0xFFFFFE90] =	vst v18;
	v18 =	vmul.f32 v24, v23  }
0x110: {  	v9 =	vmul.f32 v4, v22;
	v21 =	vld [tilespmem:s29+$0xFFFFFE30];
	v22 =	vmul.f32 v16, v6;
	[tilespmem:s10+$0xE0] =	vst v3;
	v23 =	vpop (erf)  }
0x111: {  	v6 =	vld [tilespmem:s29+$0x30];
	(erf) = vpow2.f32 v8;
	[tilespmem:s22+$0xFFFFFED0] =	vst v13;
	v3 =	vmul.f32 $1.442695020e+00, v18;
	v13 =	vpop (erf)  }
0x112: {  	[tilespmem:s10+$0x160] =	vst v22;
	v5 =	vmul.f32 v23, v5;
	v11 =	vld [tilespmem:s9+$0xFFFFFEA0];
	v18 =	vmul.f32 v13, v25  }
0x113: {  	v8 =	vld [tilespmem:s24+$0xFFFFFEA0];
	v14 =	vmul.f32 v17, v14;
	[tilespmem:s22+$0xFFFFFF10] =	vst v13;
	v13 =	vpop (erf)  }
0x114: {  	v22 =	vld [tilespmem:s15+$0xB0];
	(erf) = vpow2.f32 v3;
	[tilespmem:s10+$0xFFFFFEF0] =	vst v5;
	v15 =	vmul.f32 v13, v15  }
0x115: {  	v1 =	vmul.f32 $1.442695020e+00, v1;
	v3 =	vld [tilespmem:s29+$0xB0];
	[tilespmem:s22+$0xFFFFFF50] =	vst v18  }
0x116: {  	v12 =	vmul.f32 v6, v12;
	v14 =	vmul.f32 $1.442695020e+00, v14;
	[tilespmem:s22+$0xFFFFFF90] =	vst v13;
	v25 =	vld [tilespmem:s9+$0xFFFFFF20];
	v18 =	vpop (erf)  }
0x117: {  	v13 =	vmul.f32 v21, v19;
	v19 =	vld [tilespmem:s24+$0xFFFFFF20];
	[tilespmem:s22+$0xFFFFFFD0] =	vst v15;
	v7 =	vmul.f32 v18, v7  }
0x118: {  	v11 =	vmul.f32 v8, v11;
	(erf) = vpow2.f32 v14;
	v14 =	vld [tilespmem:s9+$0xFFFFFFA0];
	[tilespmem:s22+$0x10] =	vst v18;
	v15 =	vpop (erf)  }
0x119: {  	v5 =	vmul.f32 v15, v10;
	[tilespmem:s22+$0x50] =	vst v7;
	v7 =	vmul.f32 $1.442695020e+00, v13;
	v13 =	vld [tilespmem:s24+$0xFFFFFFA0]  }
0x11a: {  	(erf) = vpow2.f32 v1;
	v1 =	vmul.f32 $1.442695020e+00, v11;
	v11 =	vld [tilespmem:s9+$0x20]  }
0x11b: {  	v9 =	vmul.f32 $1.442695020e+00, v9;
	v12 =	vmul.f32 $1.442695020e+00, v12;
	[tilespmem:s22+$0xFFFFFE10] =	vst v15;
	v15 =	vpop (erf);
	v10 =	vld [tilespmem:s24+$0x20]  }
0x11c: {  	[tilespmem:s10+$0x120] =	vst v16;
	v16 =	vmul.f32 v3, v22;
	v20 =	vmul.f32 v15, v20  }
0x11d: {  	[tilespmem:s22+$0xFFFFFE50] =	vst v5;
	(erf) = vpow2.f32 v7;
	v7 =	vmul.f32 v19, v25;
	v5 =	vpop (erf)  }
0x11e: {  	s1 =	sadd.s32 $0x400, s9;
	v18 =	vld [tilespmem:s15+$0x130];
	(erf) = vpow2.f32 v1;
	v22 =	vmul.f32 v5, v24  }
0x11f: {  	[tilespmem:s22+$0xD0] =	vst v20;
	v20 =	vld [tilespmem:s1+$0x180];
	v7 =	vmul.f32 $1.442695020e+00, v7;
	v14 =	vmul.f32 v13, v14  }
0x120: {  	s17 =	sadd.s32 $0x400, s24;
	[tilespmem:s10+$0xFFFFFEB0] =	vst v23;
	v1 =	vld [tilespmem:s29+$0x130];
	(erf) = vpow2.f32 v9;
	v11 =	vmul.f32 v10, v11  }
0x121: {  	[tilespmem:s22+$0x90] =	vst v15;
	v9 =	vld [tilespmem:s17+$0x180];
	v24 =	vpop (erf);
	(erf) = vpow2.f32 v7;
	v14 =	vmul.f32 $1.442695020e+00, v14  }
0x122: {  	v15 =	vld [tilespmem:s9+$0xFFFFFE20];
	[tilespmem:s22+$0x110] =	vst v5;
	v17 =	vmul.f32 v24, v17;
	v11 =	vmul.f32 $1.442695020e+00, v11  }
0x123: {  	v7 =	vld [tilespmem:s1+$0xFFFFFE80];
	[tilespmem:s22+$0x1A0] =	vst v24;
	(erf) = vpow2.f32 v14  }
0x124: {  	v14 =	vmul.f32 $1.442695020e+00, v16;
	v16 =	vld [tilespmem:s17+$0xFFFFFE80];
	[tilespmem:s22+$0x1E0] =	vst v17;
	(erf) = vpow2.f32 v12  }
0x125: {  	[tilespmem:s22+$0x150] =	vst v22;
	v17 =	vmul.f32 v1, v18;
	v12 =	vpop (erf);
	v18 =	vld [tilespmem:s9+$0x1B0];
	(erf) = vpow2.f32 v11  }
0x126: {  	[tilespmem:s10+$0xFFFFFF30] =	vst v12;
	v2 =	vmul.f32 v12, v2;
	v12 =	vmul.f32 v9, v20;
	v20 =	vld [tilespmem:s24+$0x1B0];
	v11 =	vpop (erf)  }
0x127: {  	v22 =	vld [tilespmem:s1+$0xFFFFFF00];
	[tilespmem:s10+$0xFFFFFE30] =	vst v11;
	v11 =	vmul.f32 v11, v21  }
0x128: {  	v17 =	vmul.f32 $1.442695020e+00, v17;
	(erf) = vpow2.f32 v14;
	v14 =	vld [tilespmem:s17+$0xFFFFFF00];
	v21 =	vpop (erf);
	[tilespmem:s10+$0xFFFFFF70] =	vst v2  }
0x129: {  	v2 =	vmul.f32 $1.442695020e+00, v12;
	v12 =	vld [tilespmem:s1+$0xFFFFFF80];
	[tilespmem:s22+$0xFFFFFEA0] =	vst v21;
	v8 =	vmul.f32 v21, v8  }
0x12a: {  	(erf) = vpow2.f32 v17;
	v17 =	vld [tilespmem:s17+$0xFFFFFF80];
	v7 =	vmul.f32 v16, v7;
	[tilespmem:s10+$0xFFFFFE70] =	vst v11  }
0x12b: {  	v24 =	vld [tilespmem:s17+$0x80];
	[tilespmem:s22+$0xFFFFFEE0] =	vst v8;
	v8 =	vmul.f32 v20, v18;
	v11 =	vpop (erf);
	(erf) = vpow2.f32 v2  }
0x12c: {  	v7 =	vmul.f32 $1.442695020e+00, v7;
	v2 =	vmul.f32 v11, v4;
	v4 =	vld [tilespmem:s1+$0x0];
	v18 =	vpop (erf);
	[tilespmem:s10+$0xFFFFFFB0] =	vst v11  }
0x12d: {  	v21 =	vmul.f32 v14, v22;
	v11 =	vld [tilespmem:s17+$0x0];
	v19 =	vmul.f32 v18, v19;
	[tilespmem:s22+$0xFFFFFF20] =	vst v18;
	v18 =	vpop (erf)  }
0x12e: {  	v22 =	vld [tilespmem:s1+$0x80];
	v8 =	vmul.f32 $1.442695020e+00, v8;
	(erf) = vpow2.f32 v7;
	[tilespmem:s22+$0xFFFFFFA0] =	vst v18  }
0x12f: {  	v5 =	vld [tilespmem:s17+$0xFFFFFE00];
	v12 =	vmul.f32 v17, v12;
	v23 =	vpop (erf);
	v7 =	vmul.f32 v18, v13;
	[tilespmem:s10+$0xFFFFFFF0] =	vst v2  }
0x130: {  	v18 =	vld [tilespmem:s1+$0x100];
	(erf) = vpow2.f32 v8;
	[tilespmem:s22+$0xFFFFFF60] =	vst v19;
	v13 =	vpop (erf);
	v19 =	vmul.f32 $1.442695020e+00, v21  }
0x131: {  	v12 =	vmul.f32 $1.442695020e+00, v12;
	v21 =	vld [tilespmem:s17+$0x100];
	[tilespmem:s10+$0x30] =	vst v23;
	v10 =	vmul.f32 v13, v10  }
0x132: {  	[tilespmem:s22+$0xFFFFFFE0] =	vst v7;
	v8 =	vpop (erf);
	v7 =	vld [tilespmem:s1+$0xFFFFFE00];
	v4 =	vmul.f32 v11, v4;
	(erf) = vpow2.f32 v19  }
0x133: {  	v6 =	vmul.f32 v23, v6;
	v23 =	vld [tilespmem:s9+$0xFFFFFEB0];
	v2 =	vpop (erf);
	[tilespmem:s22+$0x60] =	vst v10;
	v10 =	vmul.f32 v24, v22  }
0x134: {  	[tilespmem:s22+$0x20] =	vst v13;
	v13 =	vld [tilespmem:s24+$0xFFFFFE20];
	v4 =	vmul.f32 $1.442695020e+00, v4;
	v19 =	vpop (erf);
	(erf) = vpow2.f32 v12  }
0x135: {  	s16 =	simm.s32 $0x4F80;
	[tilespmem:s10+$0x70] =	vst v6;
	v22 =	vld [tilespmem:s9+$0xA0];
	v6 =	vmul.f32 $1.442695020e+00, v10;
	v9 =	vmul.f32 v19, v9  }
0x136: {  	v12 =	vld [tilespmem:s24+$0xA0];
	v10 =	vmul.f32 v21, v18;
	[tilespmem:s16+$0x180] =	vst v19;
	(erf) = vpow2.f32 v4  }
0x137: {  	v18 =	vld [tilespmem:s9+$0x120];
	v7 =	vmul.f32 v5, v7;
	[tilespmem:s16+$0x1C0] =	vst v9  }
0x138: {  	v19 =	vpop (erf);
	v4 =	vmul.f32 $1.442695020e+00, v10;
	(erf) = vpow2.f32 v6;
	v10 =	vld [tilespmem:s1+$0x190]  }
0x139: {  	[tilespmem:s16+$0xFFFFFE80] =	vst v19;
	v6 =	vmul.f32 $1.442695020e+00, v7;
	v7 =	vmul.f32 v19, v16;
	v19 =	vpop (erf);
	v16 =	vld [tilespmem:s17+$0x190]  }
0x13a: {  	v9 =	vld [tilespmem:s24+$0x120];
	(erf) = vpow2.f32 v4;
	v4 =	vmul.f32 v19, v20  }
0x13b: {  	v20 =	vld [tilespmem:s24+$0xFFFFFEB0];
	[tilespmem:s16+$0xFFFFFEC0] =	vst v7;
	(erf) = vpow2.f32 v6;
	v6 =	vmul.f32 v13, v15;
	v15 =	vpop (erf)  }
0x13c: {  	v22 =	vmul.f32 v12, v22;
	v7 =	vld [tilespmem:s1+$0xFFFFFE90];
	[tilespmem:s22+$0x1F0] =	vst v4;
	v4 =	vmul.f32 v15, v14  }
0x13d: {  	v25 =	vld [tilespmem:s17+$0xFFFFFE90];
	[tilespmem:s16+$0xFFFFFF00] =	vst v15;
	v6 =	vmul.f32 $1.442695020e+00, v6  }
0x13e: {  	v15 =	vld [tilespmem:s9+$0xFFFFFF30];
	v22 =	vmul.f32 $1.442695020e+00, v22;
	v10 =	vmul.f32 v16, v10;
	v14 =	vpop (erf);
	[tilespmem:s16+$0xFFFFFF40] =	vst v4  }
0x13f: {  	v4 =	vld [tilespmem:s24+$0xFFFFFF30];
	(erf) = vpow2.f32 v6;
	v17 =	vmul.f32 v14, v17;
	[tilespmem:s16+$0xFFFFFF80] =	vst v14;
	v14 =	vpop (erf)  }
0x140: {  	v18 =	vmul.f32 v9, v18;
	v26 =	vld [tilespmem:s1+$0xFFFFFF10];
	v6 =	vmul.f32 v14, v11  }
0x141: {  	v27 =	vld [tilespmem:s17+$0xFFFFFF10];
	(erf) = vpow2.f32 v22;
	v10 =	vmul.f32 $1.442695020e+00, v10;
	v11 =	vpop (erf);
	[tilespmem:s16+$0xFFFFFFC0] =	vst v17  }
0x142: {  	[tilespmem:s16+$0x0] =	vst v14;
	v7 =	vmul.f32 v25, v7;
	v14 =	vmul.f32 v11, v24;
	v17 =	vld [tilespmem:s1+$0xFFFFFF90]  }
0x143: {  	v18 =	vmul.f32 $1.442695020e+00, v18;
	(erf) = vpow2.f32 v10;
	v10 =	vld [tilespmem:s17+$0xFFFFFF90];
	[tilespmem:s16+$0x40] =	vst v6  }
0x144: {  	v22 =	vmul.f32 v20, v23;
	v7 =	vmul.f32 $1.442695020e+00, v7;
	[tilespmem:s16+$0xC0] =	vst v14;
	v6 =	vpop (erf)  }
0x145: {  	(erf) = vpow2.f32 v18;
	v18 =	vld [tilespmem:s1+$0x10];
	v14 =	vmul.f32 v6, v21;
	v21 =	vpop (erf);
	[tilespmem:s16+$0x100] =	vst v6  }
0x146: {  	v23 =	vmul.f32 v27, v26;
	[tilespmem:s16+$0xFFFFFE00] =	vst v21;
	v5 =	vmul.f32 v21, v5;
	v21 =	vld [tilespmem:s17+$0x10]  }
0x147: {  	(erf) = vpow2.f32 v7;
	[tilespmem:s16+$0x140] =	vst v14;
	v14 =	vmul.f32 v4, v15;
	v15 =	vld [tilespmem:s9+$0xFFFFFFB0]  }
0x148: {  	v7 =	vmul.f32 $1.442695020e+00, v22;
	v17 =	vmul.f32 v10, v17;
	v6 =	vpop (erf);
	[tilespmem:s16+$0xFFFFFE40] =	vst v5;
	v5 =	vld [tilespmem:s24+$0xFFFFFFB0]  }
0x149: {  	v23 =	vmul.f32 $1.442695020e+00, v23;
	[tilespmem:s22+$0xFFFFFE20] =	vst v6;
	v6 =	vmul.f32 v6, v13;
	v13 =	vld [tilespmem:s1+$0x110]  }
0x14a: {  	v22 =	vld [tilespmem:s1+$0xFFFFFE10]  }
0x14b: {  	[tilespmem:s16+$0x80] =	vst v11;
	(erf) = vpow2.f32 v7;
	v24 =	vld [tilespmem:s17+$0xFFFFFE10]  }
0x14c: {  	[tilespmem:s10+$0xB0] =	vst v8;
	v26 =	vmul.f32 $1.442695020e+00, v14;
	v7 =	vmul.f32 $1.442695020e+00, v17;
	v14 =	vld [tilespmem:s1+$0x90];
	v17 =	vpop (erf)  }
0x14d: {  	[tilespmem:s22+$0xFFFFFE60] =	vst v6;
	v11 =	vmul.f32 v21, v18;
	v18 =	vld [tilespmem:s17+$0x90];
	(erf) = vpow2.f32 v23;
	v23 =	vpop (erf)  }
0x14e: {  	v28 =	vld [tilespmem:s17+$0x110];
	[tilespmem:s22+$0xA0] =	vst v17;
	(erf) = vpow2.f32 v7;
	v16 =	vmul.f32 v23, v16  }
0x14f: {  	v7 =	vmul.f32 v17, v12;
	v11 =	vmul.f32 $1.442695020e+00, v11;
	[tilespmem:s16+$0x190] =	vst v23  }
0x150: {  	v12 =	vpop (erf);
	v6 =	vmul.f32 v5, v15;
	v17 =	vmul.f32 v24, v22;
	[tilespmem:s16+$0x1D0] =	vst v16  }
0x151: {  	[tilespmem:s22+$0x1B0] =	vst v19;
	v9 =	vmul.f32 v12, v9;
	(erf) = vpow2.f32 v11;
	v19 =	vld [tilespmem:s1+$0x1A0]  }
0x152: {  	[tilespmem:s10+$0x130] =	vst v2;
	v11 =	vmul.f32 $1.442695020e+00, v17;
	v17 =	vmul.f32 v18, v14;
	v15 =	vld [tilespmem:s17+$0x1A0];
	v14 =	vpop (erf)  }
0x153: {  	v23 =	vld [tilespmem:s9+$0xFFFFFE30];
	[tilespmem:s22+$0xE0] =	vst v7;
	v22 =	vmul.f32 v14, v25;
	v25 =	vmul.f32 v28, v13  }
0x154: {  	v8 =	vmul.f32 v8, v3;
	v7 =	vld [tilespmem:s24+$0xFFFFFE30];
	[tilespmem:s16+$0xFFFFFE90] =	vst v14;
	v14 =	vmul.f32 $1.442695020e+00, v6  }
0x155: {  	v16 =	vld [tilespmem:s9+$0x30];
	[tilespmem:s22+$0x160] =	vst v9;
	v13 =	vpop (erf);
	v17 =	vmul.f32 $1.442695020e+00, v17;
	(erf) = vpow2.f32 v11  }
0x156: {  	v6 =	vld [tilespmem:s24+$0x30];
	v9 =	vmul.f32 v13, v20;
	[tilespmem:s16+$0xFFFFFED0] =	vst v22;
	v22 =	vmul.f32 $1.442695020e+00, v25  }
0x157: {  	[tilespmem:s22+$0x120] =	vst v12;
	v20 =	vld [tilespmem:s1+$0xFFFFFEA0];
	v25 =	vpop (erf);
	(erf) = vpow2.f32 v17;
	v17 =	vmul.f32 v15, v19  }
0x158: {  	v11 =	vld [tilespmem:s17+$0xFFFFFEA0];
	[tilespmem:s22+$0xFFFFFEF0] =	vst v9;
	v12 =	vmul.f32 v25, v27;
	v19 =	vpop (erf);
	(erf) = vpow2.f32 v22  }
0x159: {  	v3 =	vld [tilespmem:s24+$0xB0];
	[tilespmem:s16+$0xFFFFFF10] =	vst v25;
	v9 =	vmul.f32 v19, v10;
	v10 =	vmul.f32 $1.442695020e+00, v17  }
0x15a: {  	v22 =	vld [tilespmem:s9+$0xB0];
	[tilespmem:s16+$0xFFFFFF50] =	vst v12  }
0x15b: {  	[tilespmem:s16+$0xFFFFFF90] =	vst v19;
	v17 =	vpop (erf);
	v25 =	vld [tilespmem:s1+$0xFFFFFF20];
	(erf) = vpow2.f32 v10;
	v10 =	vmul.f32 v6, v16  }
0x15c: {  	v12 =	vld [tilespmem:s17+$0xFFFFFF20];
	[tilespmem:s16+$0xFFFFFFD0] =	vst v9;
	v19 =	vmul.f32 v17, v21;
	v21 =	vmul.f32 v7, v23  }
0x15d: {  	v16 =	vmul.f32 v11, v20;
	v27 =	vld [tilespmem:s1+$0xFFFFFFA0];
	[tilespmem:s16+$0x10] =	vst v17;
	(erf) = vpow2.f32 v26  }
0x15e: {  	v9 =	vld [tilespmem:s17+$0xFFFFFFA0];
	v17 =	vmul.f32 $1.442695020e+00, v10;
	[tilespmem:s16+$0x50] =	vst v19;
	v20 =	vmul.f32 $1.442695020e+00, v21  }
0x15f: {  	[tilespmem:s10+$0xF0] =	vst v8;
	v16 =	vmul.f32 $1.442695020e+00, v16;
	v22 =	vmul.f32 v3, v22;
	v19 =	vld [tilespmem:s1+$0x20];
	v10 =	vpop (erf)  }
0x160: {  	[tilespmem:s16+$0xFFFFFE10] =	vst v10;
	v8 =	vmul.f32 v10, v24;
	v10 =	vld [tilespmem:s17+$0x20];
	v21 =	vpop (erf);
	(erf) = vpow2.f32 v20  }
0x161: {  	v23 =	vmul.f32 v12, v25;
	v20 =	vld [tilespmem:s9+$0x130];
	[tilespmem:s16+$0x90] =	vst v21;
	v25 =	vmul.f32 v21, v18  }
0x162: {  	(erf) = vpow2.f32 v16;
	v21 =	vpop (erf);
	v18 =	vmul.f32 $1.442695020e+00, v22;
	[tilespmem:s16+$0xFFFFFE50] =	vst v8;
	v8 =	vld [tilespmem:s24+$0x130]  }
0x163: {  	s0 =	smov.u32 s17;
	s31 =	sadd.s32 $0x400, s1;
	v24 =	vmul.f32 v9, v27;
	s24 =	simm.s32 $0x10;
	v22 =	vmul.f32 v21, v28;
	v16 =	vld [tilespmem:s1+$0xFFFFFE20];
	[tilespmem:s16+$0xD0] =	vst v25  }
.LBB2_6:
0x164: {  	v25 =	vld [tilespmem:s31+$0x180];
	v23 =	vmul.f32 $1.442695020e+00, v23;
	[tilespmem:s16+$0x110] =	vst v21;
	s17 =	sadd.s32 $0x400, s17;
	(erf) = vpow2.f32 v14  }
0x165: {  	v21 =	vld [tilespmem:s17+$0x180];
	v24 =	vmul.f32 $1.442695020e+00, v24;
	v19 =	vmul.f32 v10, v19;
	[tilespmem:s16+$0x150] =	vst v22;
	v22 =	vpop (erf)  }
0x166: {  	v14 =	vld [tilespmem:s17+$0xFFFFFE00];
	v15 =	vmul.f32 v22, v15;
	(erf) = vpow2.f32 v23;
	[tilespmem:s22+$0xFFFFFEB0] =	vst v13  }
0x167: {  	v13 =	vld [tilespmem:s31+$0xFFFFFE80];
	v26 =	vmul.f32 $1.442695020e+00, v19;
	[tilespmem:s16+$0x1A0] =	vst v22;
	(erf) = vpow2.f32 v24;
	v22 =	vpop (erf)  }
0x168: {  	s24 =	sadd.s32 $0x8, s24;
	v23 =	vld [tilespmem:s17+$0xFFFFFE80];
	[tilespmem:s16+$0x1E0] =	vst v15;
	v15 =	vmul.f32 v8, v20;
	(erf) = vpow2.f32 v17  }
0x169: {  	p1 =	slt.u32 s24, $0x38;
	v4 =	vmul.f32 v22, v4;
	v17 =	vld [tilespmem:s1+$0x1B0];
	(erf) = vpow2.f32 v26;
	[tilespmem:s22+$0xFFFFFF30] =	vst v22;
	v19 =	vpop (erf)  }
0x16a: {  	v20 =	vmul.f32 v21, v25;
	v22 =	vld [tilespmem:s0+$0x1B0];
	[tilespmem:s22+$0xFFFFFE30] =	vst v19;
	v15 =	vmul.f32 $1.442695020e+00, v15  }
0x16b: {  	v26 =	vmul.f32 v19, v7;
	v24 =	vld [tilespmem:s31+$0xFFFFFF00];
	v25 =	vpop (erf);
	[tilespmem:s22+$0xFFFFFF70] =	vst v4;
	(erf) = vpow2.f32 v18  }
0x16c: {  	v4 =	vld [tilespmem:s17+$0xFFFFFF00];
	v20 =	vmul.f32 $1.442695020e+00, v20;
	[tilespmem:s16+$0xFFFFFEA0] =	vst v25;
	v11 =	vmul.f32 v25, v11  }
0x16d: {  	v13 =	vmul.f32 v23, v13;
	v19 =	vld [tilespmem:s31+$0xFFFFFF80];
	[tilespmem:s22+$0xFFFFFE70] =	vst v26;
	v7 =	vpop (erf);
	(erf) = vpow2.f32 v15  }
0x16e: {  	v15 =	vld [tilespmem:s17+$0xFFFFFF80];
	(erf) = vpow2.f32 v20;
	[tilespmem:s16+$0xFFFFFEE0] =	vst v11;
	v5 =	vmul.f32 v7, v5  }
0x16f: {  	v11 =	vmul.f32 $1.442695020e+00, v13;
	v13 =	vld [tilespmem:s31+$0x0];
	v25 =	vmul.f32 v22, v17;
	v18 =	vpop (erf);
	[tilespmem:s22+$0xFFFFFFB0] =	vst v7  }
0x170: {  	v20 =	vld [tilespmem:s17+$0x0];
	[tilespmem:s16+$0xFFFFFF20] =	vst v18;
	v7 =	vmul.f32 v18, v12;
	v12 =	vpop (erf);
	v18 =	vmul.f32 v2, v1;
	v1 =	vmov v8  }
0x171: {  	v2 =	vmul.f32 v4, v24;
	v24 =	vld [tilespmem:s31+$0x80];
	[tilespmem:s16+$0xFFFFFFA0] =	vst v12;
	v26 =	vmul.f32 $1.442695020e+00, v25;
	v17 =	vpop (erf)  }
0x172: {  	v25 =	vld [tilespmem:s17+$0x80];
	(erf) = vpow2.f32 v11;
	[tilespmem:s16+$0xFFFFFF60] =	vst v7;
	v7 =	vmul.f32 v12, v9;
	v9 =	vpop (erf)  }
0x173: {  	v11 =	vmul.f32 v15, v19;
	v12 =	vld [tilespmem:s31+$0x100];
	[tilespmem:s16+$0x20] =	vst v9;
	(erf) = vpow2.f32 v26  }
0x174: {  	v26 =	vmul.f32 $1.442695020e+00, v2;
	v9 =	vmul.f32 v9, v10;
	v19 =	vld [tilespmem:s17+$0x100];
	[tilespmem:s16+$0xFFFFFFE0] =	vst v7;
	v8 =	vpop (erf)  }
0x175: {  	v10 =	vld [tilespmem:s31+$0xFFFFFE00];
	v11 =	vmul.f32 $1.442695020e+00, v11;
	v13 =	vmul.f32 v20, v13;
	[tilespmem:s22+$0xFFFFFFF0] =	vst v5  }
0x176: {  	v5 =	vmul.f32 v17, v6;
	(erf) = vpow2.f32 v26;
	v7 =	vld [tilespmem:s0+$0xFFFFFE20];
	[tilespmem:s16+$0x60] =	vst v9;
	v2 =	vpop (erf)  }
0x177: {  	v9 =	vmul.f32 $1.442695020e+00, v13;
	v13 =	vmul.f32 v25, v24;
	v24 =	vpop (erf);
	v26 =	vld [tilespmem:s1+$0xA0];
	[tilespmem:s10+$0x170] =	vst v18;
	s10 =	smov.u32 s22;
	s22 =	smov.u32 s16  }
0x178: {  	s16 =	sadd.s32 $0x400, s16;
	v21 =	vmul.f32 v24, v21;
	(erf) = vpow2.f32 v11;
	v6 =	vld [tilespmem:s0+$0xA0];
	[tilespmem:s10+$0x70] =	vst v5  }
0x179: {  	v5 =	vmul.f32 $1.442695020e+00, v13;
	v11 =	vmul.f32 v19, v12;
	[tilespmem:s16+$0x180] =	vst v24;
	v12 =	vld [tilespmem:s1+$0x120]  }
0x17a: {  	v10 =	vmul.f32 v14, v10;
	[tilespmem:s16+$0x1C0] =	vst v21;
	(erf) = vpow2.f32 v9;
	v9 =	vld [tilespmem:s0+$0x120]  }
0x17b: {  	v11 =	vmul.f32 $1.442695020e+00, v11;
	v13 =	vld [tilespmem:s31+$0x190];
	v18 =	vpop (erf);
	(erf) = vpow2.f32 v5;
	[tilespmem:s10+$0x30] =	vst v17  }
0x17c: {  	v5 =	vmul.f32 $1.442695020e+00, v10;
	[tilespmem:s16+$0xFFFFFE80] =	vst v18;
	v10 =	vmul.f32 v18, v23;
	v17 =	vld [tilespmem:s17+$0x190];
	v18 =	vpop (erf)  }
0x17d: {  	(erf) = vpow2.f32 v11;
	v11 =	vld [tilespmem:s1+$0xFFFFFEB0];
	v21 =	vmul.f32 v18, v22;
	[tilespmem:s10+$0xB0] =	vst v8  }
0x17e: {  	[tilespmem:s16+$0xFFFFFEC0] =	vst v10;
	(erf) = vpow2.f32 v5;
	v5 =	vmul.f32 v7, v16;
	v10 =	vld [tilespmem:s0+$0xFFFFFEB0]  }
0x17f: {  	v23 =	vmul.f32 v6, v26;
	v16 =	vld [tilespmem:s31+$0xFFFFFE90];
	v22 =	vpop (erf);
	v12 =	vmul.f32 v9, v12;
	[tilespmem:s22+$0x1F0] =	vst v21  }
0x180: {  	v21 =	vld [tilespmem:s17+$0xFFFFFE90];
	[tilespmem:s16+$0xFFFFFF00] =	vst v22;
	v4 =	vmul.f32 v22, v4;
	v5 =	vmul.f32 $1.442695020e+00, v5  }
0x181: {  	v23 =	vmul.f32 $1.442695020e+00, v23;
	v13 =	vmul.f32 v17, v13;
	v22 =	vpop (erf);
	v24 =	vld [tilespmem:s1+$0xFFFFFF30];
	[tilespmem:s10+$0x130] =	vst v2  }
0x182: {  	v12 =	vmul.f32 $1.442695020e+00, v12;
	[tilespmem:s16+$0xFFFFFF40] =	vst v4;
	v28 =	vmul.f32 v22, v15;
	v4 =	vld [tilespmem:s0+$0xFFFFFF30]  }
0x183: {  	v26 =	vld [tilespmem:s31+$0xFFFFFF10];
	[tilespmem:s16+$0xFFFFFF80] =	vst v22;
	v13 =	vmul.f32 $1.442695020e+00, v13;
	v22 =	vpop (erf);
	(erf) = vpow2.f32 v5  }
0x184: {  	v27 =	vld [tilespmem:s17+$0xFFFFFF10];
	[tilespmem:s16+$0xFFFFFFC0] =	vst v28;
	v5 =	vmul.f32 v22, v20;
	v15 =	vpop (erf);
	(erf) = vpow2.f32 v23  }
0x185: {  	v20 =	vld [tilespmem:s31+$0xFFFFFF90];
	[tilespmem:s16+$0x0] =	vst v22;
	v22 =	vmul.f32 v15, v25;
	(erf) = vpow2.f32 v13  }
0x186: {  	v13 =	vmul.f32 v21, v16;
	v16 =	vld [tilespmem:s17+$0xFFFFFF90];
	[tilespmem:s16+$0x40] =	vst v5;
	v23 =	vpop (erf);
	(erf) = vpow2.f32 v12  }
0x187: {  	v11 =	vmul.f32 v10, v11;
	v12 =	vld [tilespmem:s31+$0x10];
	[tilespmem:s16+$0xC0] =	vst v22;
	v5 =	vmul.f32 v23, v19;
	v19 =	vpop (erf)  }
0x188: {  	v13 =	vmul.f32 $1.442695020e+00, v13;
	[tilespmem:s16+$0xFFFFFE00] =	vst v19;
	v14 =	vmul.f32 v19, v14;
	v19 =	vld [tilespmem:s17+$0x10]  }
0x189: {  	v24 =	vmul.f32 v4, v24;
	v22 =	vmul.f32 v27, v26;
	[tilespmem:s16+$0x140] =	vst v5;
	v25 =	vld [tilespmem:s1+$0xFFFFFFB0]  }
0x18a: {  	v11 =	vmul.f32 $1.442695020e+00, v11;
	[tilespmem:s16+$0xFFFFFE40] =	vst v14;
	(erf) = vpow2.f32 v13;
	v5 =	vld [tilespmem:s0+$0xFFFFFFB0]  }
0x18b: {  	v13 =	vld [tilespmem:s31+$0xFFFFFE10];
	v28 =	vmul.f32 $1.442695020e+00, v22;
	v20 =	vmul.f32 v16, v20;
	[tilespmem:s16+$0x80] =	vst v15  }
0x18c: {  	v22 =	vld [tilespmem:s17+$0xFFFFFE10];
	[tilespmem:s16+$0x100] =	vst v23;
	v23 =	vmul.f32 $1.442695020e+00, v24;
	v15 =	vpop (erf);
	(erf) = vpow2.f32 v11  }
0x18d: {  	v11 =	vmul.f32 $1.442695020e+00, v20;
	v12 =	vmul.f32 v19, v12;
	v20 =	vld [tilespmem:s31+$0x90];
	[tilespmem:s22+$0xFFFFFE20] =	vst v15;
	v24 =	vpop (erf)  }
0x18e: {  	v7 =	vmul.f32 v15, v7;
	v26 =	vld [tilespmem:s17+$0x90];
	(erf) = vpow2.f32 v28;
	v14 =	vpop (erf);
	[tilespmem:s22+$0xA0] =	vst v24  }
0x18f: {  	v12 =	vmul.f32 $1.442695020e+00, v12;
	v28 =	vld [tilespmem:s31+$0x110];
	v15 =	vmul.f32 v14, v17;
	[tilespmem:s22+$0x1B0] =	vst v18;
	v17 =	vpop (erf)  }
0x190: {  	v6 =	vmul.f32 v24, v6;
	v29 =	vld [tilespmem:s17+$0x110];
	[tilespmem:s16+$0x190] =	vst v14;
	(erf) = vpow2.f32 v11  }
0x191: {  	v11 =	vmul.f32 v22, v13;
	[tilespmem:s16+$0x1D0] =	vst v15;
	(erf) = vpow2.f32 v12;
	v18 =	vld [tilespmem:s1+$0x30]  }
0x192: {  	v9 =	vmul.f32 v17, v9;
	v12 =	vld [tilespmem:s31+$0x1A0];
	[tilespmem:s22+$0xFFFFFE60] =	vst v7;
	v7 =	vmul.f32 v5, v25  }
0x193: {  	v11 =	vmul.f32 $1.442695020e+00, v11;
	v25 =	vmul.f32 v26, v20;
	v15 =	vld [tilespmem:s17+$0x1A0];
	v14 =	vpop (erf);
	[tilespmem:s22+$0xE0] =	vst v6  }
0x194: {  	[tilespmem:s16+$0xFFFFFE90] =	vst v14;
	v6 =	vmul.f32 v14, v21;
	v20 =	vld [tilespmem:s1+$0xFFFFFE30];
	v14 =	vmul.f32 $1.442695020e+00, v7  }
0x195: {  	v21 =	vmul.f32 $1.442695020e+00, v25;
	v24 =	vmul.f32 v29, v28;
	v7 =	vld [tilespmem:s0+$0xFFFFFE30];
	[tilespmem:s22+$0x160] =	vst v9;
	v13 =	vpop (erf)  }
0x196: {  	[tilespmem:s16+$0xFFFFFED0] =	vst v6;
	(erf) = vpow2.f32 v11;
	v9 =	vmul.f32 v13, v10;
	v6 =	vld [tilespmem:s0+$0x30]  }
0x197: {  	v10 =	vld [tilespmem:s31+$0xFFFFFEA0];
	v24 =	vmul.f32 $1.442695020e+00, v24;
	v25 =	vpop (erf);
	(erf) = vpow2.f32 v21;
	[tilespmem:s22+$0x120] =	vst v17  }
0x198: {  	v11 =	vld [tilespmem:s17+$0xFFFFFEA0];
	[tilespmem:s16+$0xFFFFFF10] =	vst v25;
	v25 =	vmul.f32 v25, v27;
	v12 =	vmul.f32 v15, v12  }
0x199: {  	v8 =	vmul.f32 v8, v3;
	v21 =	vpop (erf);
	(erf) = vpow2.f32 v24;
	[tilespmem:s22+$0xFFFFFEF0] =	vst v9;
	v24 =	vld [tilespmem:s1+$0xB0]  }
0x19a: {  	[tilespmem:s16+$0xFFFFFF50] =	vst v25;
	v9 =	vmul.f32 v21, v16;
	v16 =	vmul.f32 $1.442695020e+00, v12;
	v17 =	vpop (erf);
	v3 =	vld [tilespmem:s0+$0xB0]  }
0x19b: {  	v20 =	vmul.f32 v7, v20;
	v25 =	vld [tilespmem:s31+$0xFFFFFF20];
	[tilespmem:s16+$0xFFFFFF90] =	vst v21;
	v19 =	vmul.f32 v17, v19  }
0x19c: {  	v12 =	vld [tilespmem:s17+$0xFFFFFF20];
	[tilespmem:s16+$0xFFFFFFD0] =	vst v9;
	(erf) = vpow2.f32 v16;
	v16 =	vmul.f32 v6, v18  }
0x19d: {  	v18 =	vmul.f32 $1.442695020e+00, v20;
	v21 =	vmul.f32 v11, v10;
	v27 =	vld [tilespmem:s31+$0xFFFFFFA0];
	[tilespmem:s16+$0x50] =	vst v19  }
0x19e: {  	v9 =	vld [tilespmem:s17+$0xFFFFFFA0];
	[tilespmem:s16+$0x10] =	vst v17;
	v17 =	vmul.f32 $1.442695020e+00, v16;
	(erf) = vpow2.f32 v23  }
.Ltmp1:
0x19f: {  	v16 =	vmul.f32 $1.442695020e+00, v21;
	v19 =	vld [tilespmem:s31+$0x20];
	v10 =	vpop (erf);
	v24 =	vmul.f32 v3, v24;
	[tilespmem:s10+$0xF0] =	vst v8;
	(pc) =	sbr.rel @p1 .LBB2_6-.Ltmp1, $4  }
0x1a0: {  	[tilespmem:s16+$0xFFFFFE10] =	vst v10;
	v8 =	vmul.f32 v10, v22;
	v10 =	vld [tilespmem:s17+$0x20];
	v20 =	vpop (erf);
	(erf) = vpow2.f32 v18  }
0x1a1: {  	v23 =	vmul.f32 v12, v25;
	[tilespmem:s16+$0x90] =	vst v20;
	v22 =	vmul.f32 v20, v26;
	v20 =	vld [tilespmem:s1+$0x130];
	s1 =	smov.u32 s31  }
0x1a2: {  	v18 =	vmul.f32 $1.442695020e+00, v24;
	[tilespmem:s16+$0xFFFFFE50] =	vst v8;
	(erf) = vpow2.f32 v16;
	v21 =	vpop (erf);
	v8 =	vld [tilespmem:s0+$0x130];
	s0 =	smov.u32 s17  }
0x1a3: {  	s31 =	sadd.s32 $0x400, s31;
	v16 =	vld [tilespmem:s1+$0xFFFFFE20];
	v24 =	vmul.f32 v9, v27;
	[tilespmem:s16+$0xD0] =	vst v22;
	v22 =	vmul.f32 v21, v29  }
0x1a4: {  	_ = 	snop  }
0x1a5: {  	v25 =	vpop (erf)  }
0x1a6: {  	v15 =	vmul.f32 v25, v15  }
0x1a7: {  	[tilespmem:s16+$0x1A0] =	vst v25  }
0x1a8: {  	v25 =	vld [tilespmem:s0+$0xFFFFFE20];
	[tilespmem:s16+$0x1E0] =	vst v15  }
0x1a9: {  	v23 =	vmul.f32 $1.442695020e+00, v23;
	v19 =	vmul.f32 v10, v19;
	v15 =	vld [tilespmem:s1+$0x1B0]  }
0x1aa: {  	(erf) = vpow2.f32 v14;
	v24 =	vmul.f32 $1.442695020e+00, v24;
	v14 =	vld [tilespmem:s0+$0x1B0]  }
0x1ab: {  	(erf) = vpow2.f32 v23;
	v19 =	vmul.f32 $1.442695020e+00, v19  }
0x1ac: {  	(erf) = vpow2.f32 v24;
	v20 =	vmul.f32 v8, v20  }
0x1ad: {  	(erf) = vpow2.f32 v17  }
0x1ae: {  	(erf) = vpow2.f32 v19;
	v17 =	vmul.f32 $1.442695020e+00, v20  }
0x1af: {  	v16 =	vmul.f32 v25, v16;
	v15 =	vmul.f32 v14, v15  }
0x1b0: {  	(erf) = vpow2.f32 v18  }
0x1b1: {  	v16 =	vmul.f32 $1.442695020e+00, v16;
	v15 =	vmul.f32 $1.442695020e+00, v15  }
0x1b2: {  	[tilespmem:s16+$0x110] =	vst v21;
	v18 =	vpop (erf);
	(erf) = vpow2.f32 v17  }
0x1b3: {  	[tilespmem:s22+$0xFFFFFEB0] =	vst v13;
	v20 =	vld [tilespmem:s0+$0xA0];
	v17 =	vpop (erf);
	(erf) = vpow2.f32 v15  }
0x1b4: {  	[tilespmem:s16+$0x150] =	vst v22;
	v4 =	vmul.f32 v18, v4;
	v19 =	vpop (erf);
	v15 =	vld [tilespmem:s1+$0xA0];
	(erf) = vpow2.f32 v16  }
0x1b5: {  	v1 =	vmul.f32 v2, v1;
	v13 =	vld [tilespmem:s1+$0x120];
	[tilespmem:s22+$0xFFFFFF30] =	vst v18;
	v16 =	vpop (erf)  }
0x1b6: {  	v18 =	vld [tilespmem:s0+$0x120];
	[tilespmem:s22+$0xFFFFFF70] =	vst v4;
	v4 =	vmul.f32 v19, v11;
	v21 =	vpop (erf)  }
0x1b7: {  	[tilespmem:s10+$0x170] =	vst v1;
	v7 =	vmul.f32 v17, v7;
	v22 =	vpop (erf)  }
0x1b8: {  	[tilespmem:s22+$0xFFFFFE30] =	vst v17;
	v11 =	vpop (erf)  }
0x1b9: {  	[tilespmem:s16+$0xFFFFFEA0] =	vst v19;
	v17 =	vpop (erf);
	v15 =	vmul.f32 v20, v15  }
0x1ba: {  	[tilespmem:s16+$0xFFFFFEE0] =	vst v4;
	v4 =	vpop (erf)  }
0x1bb: {  	[tilespmem:s22+$0xFFFFFE70] =	vst v7;
	v13 =	vmul.f32 v18, v13;
	v7 =	vpop (erf);
	v15 =	vmul.f32 $1.442695020e+00, v15  }
0x1bc: {  	v19 =	vld [tilespmem:s1+$0xFFFFFEB0];
	[tilespmem:s22+$0xFFFFFFB0] =	vst v16;
	v12 =	vmul.f32 v21, v12;
	v23 =	vpop (erf)  }
0x1bd: {  	v24 =	vld [tilespmem:s0+$0xFFFFFEB0];
	v13 =	vmul.f32 $1.442695020e+00, v13;
	[tilespmem:s16+$0xFFFFFF20] =	vst v21;
	(erf) = vpow2.f32 v15;
	v21 =	vpop (erf)  }
0x1be: {  	[tilespmem:s16+$0xFFFFFF60] =	vst v12;
	v12 =	vmul.f32 v21, v25  }
0x1bf: {  	v15 =	vld [tilespmem:s1+$0xFFFFFF30];
	(erf) = vpow2.f32 v13;
	[tilespmem:s16+$0xFFFFFE20] =	vst v21  }
0x1c0: {  	v5 =	vmul.f32 v16, v5;
	v21 =	vld [tilespmem:s0+$0xFFFFFF30];
	[tilespmem:s16+$0xFFFFFE60] =	vst v12  }
0x1c1: {  	[tilespmem:s16+$0xFFFFFFA0] =	vst v22;
	v9 =	vmul.f32 v22, v9;
	v13 =	vld [tilespmem:s1+$0xFFFFFE30]  }
0x1c2: {  	[tilespmem:s22+$0xFFFFFFF0] =	vst v5;
	v12 =	vmul.f32 v24, v19;
	v16 =	vld [tilespmem:s0+$0xFFFFFE30]  }
0x1c3: {  	v2 =	vmul.f32 v11, v6;
	[tilespmem:s16+$0xFFFFFFE0] =	vst v9  }
0x1c4: {  	[tilespmem:s16+$0x20] =	vst v17;
	v9 =	vmul.f32 v17, v10;
	v5 =	vld [tilespmem:s1+$0xFFFFFFB0];
	v10 =	vmul.f32 $1.442695020e+00, v12  }
0x1c5: {  	[tilespmem:s22+$0x70] =	vst v2;
	v2 =	vld [tilespmem:s0+$0xFFFFFFB0]  }
0x1c6: {  	[tilespmem:s16+$0x60] =	vst v9;
	v1 =	vmul.f32 v21, v15;
	(erf) = vpow2.f32 v10;
	v6 =	vpop (erf)  }
0x1c7: {  	[tilespmem:s22+$0x30] =	vst v11;
	v11 =	vld [tilespmem:s1+$0x30];
	v9 =	vmul.f32 v16, v13;
	v10 =	vmul.f32 v6, v20  }
0x1c8: {  	v12 =	vld [tilespmem:s0+$0x30];
	v1 =	vmul.f32 $1.442695020e+00, v1;
	[tilespmem:s16+$0xA0] =	vst v6;
	v6 =	vpop (erf)  }
0x1c9: {  	v13 =	vmul.f32 v6, v18;
	v9 =	vmul.f32 $1.442695020e+00, v9;
	[tilespmem:s16+$0xE0] =	vst v10  }
0x1ca: {  	v5 =	vmul.f32 v2, v5;
	(erf) = vpow2.f32 v1;
	[tilespmem:s16+$0x120] =	vst v6;
	v1 =	vld [tilespmem:s1+$0xB0]  }
0x1cb: {  	[tilespmem:s16+$0x160] =	vst v13;
	v10 =	vld [tilespmem:s0+$0xB0];
	(erf) = vpow2.f32 v9;
	v9 =	vmul.f32 v23, v14  }
0x1cc: {  	v14 =	vld [tilespmem:s0+$0x130]  }
0x1cd: {  	v5 =	vmul.f32 $1.442695020e+00, v5;
	[tilespmem:s16+$0x1F0] =	vst v9;
	v9 =	vmul.f32 v12, v11;
	v11 =	vld [tilespmem:s1+$0x130]  }
0x1ce: {  	[tilespmem:s22+$0xB0] =	vst v4;
	v3 =	vmul.f32 v4, v3  }
0x1cf: {  	[tilespmem:s22+$0x130] =	vst v7;
	(erf) = vpow2.f32 v5;
	v6 =	vpop (erf);
	v4 =	vmul.f32 $1.442695020e+00, v9  }
0x1d0: {  	[tilespmem:s22+$0xF0] =	vst v3;
	v13 =	vmul.f32 v6, v24  }
0x1d1: {  	[tilespmem:s16+$0x1B0] =	vst v23;
	v1 =	vmul.f32 v10, v1;
	(erf) = vpow2.f32 v4  }
0x1d2: {  	[tilespmem:s16+$0xFFFFFEB0] =	vst v6;
	v4 =	vmul.f32 v14, v11  }
0x1d3: {  	[tilespmem:s16+$0xFFFFFEF0] =	vst v13;
	v1 =	vmul.f32 $1.442695020e+00, v1;
	v3 =	vpop (erf)  }
0x1d4: {  	[tilespmem:s16+$0xFFFFFF30] =	vst v3;
	v3 =	vmul.f32 v3, v21;
	v5 =	vpop (erf);
	v4 =	vmul.f32 $1.442695020e+00, v4  }
0x1d5: {  	(erf) = vpow2.f32 v1;
	[tilespmem:s16+$0xFFFFFE30] =	vst v5;
	v5 =	vmul.f32 v5, v16  }
0x1d6: {  	[tilespmem:s16+$0xFFFFFF70] =	vst v3;
	(erf) = vpow2.f32 v4  }
0x1d7: {  	[tilespmem:s16+$0xFFFFFE70] =	vst v5  }
0x1d8: {  	v1 =	vpop (erf)  }
0x1d9: {  	v2 =	vmul.f32 v1, v2  }
0x1da: {  	[tilespmem:s16+$0xFFFFFFB0] =	vst v1;
	v1 =	vmul.f32 v7, v8;
	v3 =	vpop (erf)  }
0x1db: {  	[tilespmem:s16+$0xFFFFFFF0] =	vst v2;
	v2 =	vmul.f32 v3, v12  }
0x1dc: {  	[tilespmem:s22+$0x170] =	vst v1  }
0x1dd: {  	[tilespmem:s16+$0x30] =	vst v3  }
0x1de: {  	[tilespmem:s16+$0x70] =	vst v2;
	v1 =	vpop (erf)  }
0x1df: {  	[tilespmem:s16+$0xB0] =	vst v1;
	v1 =	vmul.f32 v1, v10;
	v2 =	vpop (erf)  }
0x1e0: {  	[tilespmem:s16+$0x130] =	vst v2;
	v2 =	vmul.f32 v2, v14  }
0x1e1: {  	[tilespmem:s16+$0xF0] =	vst v1  }
0x1e2: {  	s9 =	simm.s32 $0x80;
	s24 =	rddreg [dreg:$0x1];
	[tilespmem:s16+$0x170] =	vst v2  }
0x1e3: {  	[spmem:s24] =	stream.indirect.scatter.add.f32 [tilespmem:s30], [sflag:$0x8], $0x80, s9, s21, $0xb8;
	[tilespmem:$0x1EB00] =	vst v63  }
0x1e4: {  	_ =	swait.ge [sflag:s26], $0x2000  }
0x1e5: {  	s22 =	sshll.u32 s18, $0x7;
	s1 =	rddreg [dreg:$0xc]  }
0x1e6: {  	s0 =	sadd.s32 s22, s1  }
0x1e7: {  	[sflag:s26] =	ssyncset.done $0x0;
	s0 =	sshrl.u32 s0, $0x3  }
0x1e8: {  	[sflag:s26] =	ssyncadd.s32 $0xFFFFE000;
	s8 =	sadd.s32 s5, s0  }
0x1e9: {  	[tilespmem:s2], [sflag:$0x3] =	stream.linear.gather [hbm4b:s8+s2], $0x40, $0x38;
	[tilespmem:$0x1EB00] =	vst v63  }
0x1ea: {  	s10 =	sadd.s32 s6, s0  }
0x1eb: {  	[tilespmem:s9], [sflag:$0x4] =	stream.linear.gather [hbm4b:s10+s2], $0x40, $0x38;
	[tilespmem:$0x1EB00] =	vst v63  }
0x1ec: {  	s16 =	simm.s32 $0x100;
	s0 =	sadd.s32 s7, s0  }
0x1ed: {  	[tilespmem:s16], [sflag:$0x5] =	stream.linear.gather [hbm4b:s0+s2], $0x40, $0x38;
	[tilespmem:$0x1EB00] =	vst v63  }
0x1ee: {  	_ =	swait.ge [sflag:s3], $0x40  }
0x1ef: {  	[sflag:s3] =	ssyncset.done $0x0  }
0x1f0: {  	[sflag:s3] =	ssyncadd.s32 $0xFFFFFFC0  }
0x1f1: {  	_ =	swait.ge [sflag:s19], $0x40  }
0x1f2: {  	[sflag:s19] =	ssyncset.done $0x0  }
0x1f3: {  	[sflag:s19] =	ssyncadd.s32 $0xFFFFFFC0  }
0x1f4: {  	_ =	swait.ge [sflag:s20], $0x40  }
0x1f5: {  	[sflag:s20] =	ssyncset.done $0x0  }
0x1f6: {  	s17 =	simm.s32 $0x180;
	[sflag:s20] =	ssyncadd.s32 $0xFFFFFFC0  }
0x1f7: {  	[tilespmem:s17], [sflag:$0x1] =	stream.indirect.gather [hbm4b:s23+s21], $0x80, s2, s21, $0xb8;
	[tilespmem:$0x1EB00] =	vst v63  }
0x1f8: {  	s24 =	simm.s32 $0x2180  }
0x1f9: {  	[tilespmem:s24], [sflag:$0x2] =	stream.indirect.gather [hbm4b:s25+s21], $0x80, s16, s21, $0xb8;
	[tilespmem:$0x1EB00] =	vst v63  }
0x1fa: {  	_ =	swait.ge [sflag:s13], $0x2000  }
0x1fb: {  	[sflag:s13] =	ssyncset.done $0x0  }
0x1fc: {  	[sflag:s13] =	ssyncadd.s32 $0xFFFFE000  }
0x1fd: {  	_ =	swait.ge [sflag:s14], $0x2000  }
0x1fe: {  	[sflag:s14] =	ssyncset.done $0x0  }
0x1ff: {  	[sflag:s14] =	ssyncadd.s32 $0xFFFFE000  }
0x200: {  	v1 =	vld [tilespmem:s11+$0x180]  }
0x201: {  	v2 =	vld [tilespmem:s28+$0x180];
	_ =	sdelay $0x2  }
0x202: {  	v4 =	vld [tilespmem:s11+$0xFFFFFE80]  }
0x203: {  	v5 =	vld [tilespmem:s28+$0xFFFFFE80]  }
0x204: {  	v6 =	vld [tilespmem:s11+$0xFFFFFF00];
	v1 =	vmul.f32 v2, v1  }
0x205: {  	v7 =	vld [tilespmem:s28+$0xFFFFFF00]  }
0x206: {  	v8 =	vld [tilespmem:s11+$0xFFFFFF80];
	v1 =	vmul.f32 $1.442695020e+00, v1  }
0x207: {  	v9 =	vld [tilespmem:s11+$0x0]  }
0x208: {  	v4 =	vmul.f32 v5, v4;
	(erf) = vpow2.f32 v1;
	v1 =	vld [tilespmem:s28+$0xFFFFFF80]  }
0x209: {  	v10 =	vld [tilespmem:s28+$0x0]  }
0x20a: {  	v11 =	vld [tilespmem:s11+$0x80];
	v4 =	vmul.f32 $1.442695020e+00, v4  }
0x20b: {  	v13 =	vld [tilespmem:s11+$0x100];
	v6 =	vmul.f32 v7, v6  }
0x20c: {  	v14 =	vld [tilespmem:s28+$0x100];
	(erf) = vpow2.f32 v4  }
0x20d: {  	v12 =	vld [tilespmem:s28+$0x80];
	v4 =	vmul.f32 $1.442695020e+00, v6;
	v8 =	vmul.f32 v1, v8  }
0x20e: {  	v3 =	vld [tilespmem:s28+$0xFFFFFE00];
	v9 =	vmul.f32 v10, v9  }
0x20f: {  	v6 =	vld [tilespmem:s11+$0xFFFFFE00];
	(erf) = vpow2.f32 v4;
	v8 =	vmul.f32 $1.442695020e+00, v8  }
0x210: {  	v4 =	vmul.f32 $1.442695020e+00, v9  }
0x211: {  	v15 =	vpop (erf);
	(erf) = vpow2.f32 v8;
	v8 =	vmul.f32 v14, v13  }
0x212: {  	s10 =	simm.s32 $0x4780;
	v9 =	vmul.f32 v12, v11;
	v2 =	vmul.f32 v15, v2  }
0x213: {  	[tilespmem:s10+$0x180] =	vst v15;
	(erf) = vpow2.f32 v4;
	v4 =	vmul.f32 $1.442695020e+00, v8  }
0x214: {  	v6 =	vmul.f32 v3, v6;
	[tilespmem:s10+$0x1C0] =	vst v2;
	v2 =	vmul.f32 $1.442695020e+00, v9  }
0x215: {  	v9 =	vld [tilespmem:s11+$0x190]  }
0x216: {  	v8 =	vld [tilespmem:s28+$0x190];
	(erf) = vpow2.f32 v2;
	v2 =	vmul.f32 $1.442695020e+00, v6  }
0x217: {  	(erf) = vpow2.f32 v4;
	v4 =	vpop (erf)  }
0x218: {  	(erf) = vpow2.f32 v2;
	v2 =	vmul.f32 v4, v5;
	[tilespmem:s10+$0xFFFFFE80] =	vst v4;
	v4 =	vpop (erf)  }
0x219: {  	[tilespmem:s10+$0xFFFFFF00] =	vst v4  }
0x21a: {  	[tilespmem:s10+$0xFFFFFEC0] =	vst v2;
	v2 =	vmul.f32 v4, v7;
	v4 =	vpop (erf)  }
0x21b: {  	v5 =	vmul.f32 v8, v9;
	v1 =	vmul.f32 v4, v1;
	[tilespmem:s10+$0xFFFFFF80] =	vst v4  }
0x21c: {  	v6 =	vld [tilespmem:s11+$0xFFFFFE90];
	v4 =	vpop (erf);
	[tilespmem:s10+$0xFFFFFF40] =	vst v2  }
0x21d: {  	v7 =	vld [tilespmem:s28+$0xFFFFFE90];
	v5 =	vmul.f32 $1.442695020e+00, v5;
	[tilespmem:s10+$0xFFFFFFC0] =	vst v1;
	v1 =	vmul.f32 v4, v10  }
0x21e: {  	v2 =	vld [tilespmem:s11+$0xFFFFFF10]  }
0x21f: {  	(erf) = vpow2.f32 v5;
	v5 =	vld [tilespmem:s28+$0xFFFFFF10];
	v9 =	vpop (erf)  }
0x220: {  	[tilespmem:s10+$0x0] =	vst v4;
	v10 =	vld [tilespmem:s11+$0xFFFFFF90];
	v4 =	vpop (erf)  }
0x221: {  	v11 =	vld [tilespmem:s28+$0xFFFFFF90];
	[tilespmem:s10+$0x40] =	vst v1;
	v1 =	vpop (erf)  }
0x222: {  	v6 =	vmul.f32 v7, v6;
	v13 =	vld [tilespmem:s11+$0x10];
	v3 =	vmul.f32 v1, v3  }
0x223: {  	v12 =	vmul.f32 v9, v12;
	[tilespmem:s10+$0xFFFFFE00] =	vst v1;
	v1 =	vld [tilespmem:s28+$0x10]  }
0x224: {  	v6 =	vmul.f32 $1.442695020e+00, v6;
	[tilespmem:s10+$0xFFFFFE40] =	vst v3  }
0x225: {  	[tilespmem:s10+$0xC0] =	vst v12;
	v2 =	vmul.f32 v5, v2;
	v3 =	vmul.f32 v4, v14;
	v12 =	vld [tilespmem:s11+$0xFFFFFE10]  }
0x226: {  	[tilespmem:s10+$0x80] =	vst v9;
	(erf) = vpow2.f32 v6;
	v6 =	vld [tilespmem:s28+$0xFFFFFE10]  }
0x227: {  	v2 =	vmul.f32 $1.442695020e+00, v2;
	[tilespmem:s10+$0x140] =	vst v3;
	v3 =	vmul.f32 v11, v10  }
0x228: {  	[tilespmem:s10+$0x100] =	vst v4;
	v9 =	vld [tilespmem:s11+$0x90];
	v4 =	vmul.f32 v1, v13  }
0x229: {  	v10 =	vpop (erf);
	v13 =	vld [tilespmem:s28+$0x90];
	(erf) = vpow2.f32 v2;
	v3 =	vmul.f32 $1.442695020e+00, v3  }
0x22a: {  	v2 =	vld [tilespmem:s11+$0x110];
	v8 =	vmul.f32 v10, v8;
	v4 =	vmul.f32 $1.442695020e+00, v4  }
0x22b: {  	[tilespmem:s10+$0x190] =	vst v10;
	v10 =	vld [tilespmem:s28+$0x110];
	(erf) = vpow2.f32 v3;
	v3 =	vmul.f32 v6, v12  }
0x22c: {  	[tilespmem:s10+$0x1D0] =	vst v8;
	(erf) = vpow2.f32 v4  }
0x22d: {  	v8 =	vld [tilespmem:s11+$0x1A0];
	v3 =	vmul.f32 $1.442695020e+00, v3  }
0x22e: {  	v4 =	vld [tilespmem:s28+$0x1A0]  }
0x22f: {  	v9 =	vmul.f32 v13, v9  }
0x230: {  	v2 =	vmul.f32 v10, v2  }
0x231: {  	(erf) = vpow2.f32 v3;
	v9 =	vmul.f32 $1.442695020e+00, v9;
	v3 =	vpop (erf)  }
0x232: {  	v7 =	vmul.f32 v3, v7;
	[tilespmem:s10+$0xFFFFFE90] =	vst v3;
	v3 =	vpop (erf)  }
0x233: {  	v2 =	vmul.f32 $1.442695020e+00, v2;
	v8 =	vmul.f32 v4, v8;
	[tilespmem:s10+$0xFFFFFF10] =	vst v3  }
0x234: {  	(erf) = vpow2.f32 v9;
	v5 =	vmul.f32 v3, v5;
	[tilespmem:s10+$0xFFFFFED0] =	vst v7;
	v3 =	vpop (erf)  }
0x235: {  	v7 =	vmul.f32 $1.442695020e+00, v8;
	(erf) = vpow2.f32 v2;
	v8 =	vld [tilespmem:s11+$0xFFFFFEA0];
	v9 =	vpop (erf)  }
0x236: {  	v2 =	vld [tilespmem:s28+$0xFFFFFEA0];
	[tilespmem:s10+$0xFFFFFF50] =	vst v5;
	v5 =	vmul.f32 v3, v11;
	v1 =	vmul.f32 v9, v1  }
0x237: {  	[tilespmem:s10+$0xFFFFFF90] =	vst v3;
	(erf) = vpow2.f32 v7;
	v7 =	vld [tilespmem:s11+$0xFFFFFF20]  }
0x238: {  	v3 =	vld [tilespmem:s28+$0xFFFFFF20];
	[tilespmem:s10+$0xFFFFFFD0] =	vst v5  }
0x239: {  	v5 =	vld [tilespmem:s11+$0xFFFFFFA0]  }
0x23a: {  	[tilespmem:s10+$0x50] =	vst v1;
	v11 =	vld [tilespmem:s28+$0xFFFFFFA0];
	v1 =	vpop (erf)  }
0x23b: {  	s9 =	sadd.s32 $0x400, s28;
	v6 =	vmul.f32 v1, v6  }
0x23c: {  	s31 =	sadd.s32 $0x400, s11;
	v17 =	vld [tilespmem:s9+$0x180];
	[tilespmem:s10+$0x10] =	vst v9  }
0x23d: {  	v19 =	vld [tilespmem:s31+$0xFFFFFF00];
	[tilespmem:s10+$0xFFFFFE10] =	vst v1;
	v1 =	vmul.f32 v2, v8  }
0x23e: {  	v9 =	vld [tilespmem:s11+$0x20];
	v7 =	vmul.f32 v3, v7  }
0x23f: {  	v12 =	vld [tilespmem:s28+$0x20];
	[tilespmem:s10+$0xFFFFFE50] =	vst v6;
	v16 =	vmul.f32 $1.442695020e+00, v1;
	v5 =	vmul.f32 v11, v5;
	v6 =	vpop (erf)  }
0x240: {  	v15 =	vld [tilespmem:s31+$0x180];
	v7 =	vmul.f32 $1.442695020e+00, v7;
	v14 =	vpop (erf)  }
0x241: {  	(erf) = vpow2.f32 v16;
	v16 =	vld [tilespmem:s31+$0xFFFFFE80];
	v5 =	vmul.f32 $1.442695020e+00, v5;
	v18 =	vpop (erf)  }
0x242: {  	(erf) = vpow2.f32 v7;
	v4 =	vmul.f32 v18, v4;
	[tilespmem:s10+$0x1A0] =	vst v18;
	v18 =	vld [tilespmem:s9+$0xFFFFFE80]  }
0x243: {  	v20 =	vld [tilespmem:s9+$0xFFFFFF00]  }
0x244: {  	v22 =	vld [tilespmem:s9+$0x0];
	(erf) = vpow2.f32 v5;
	[tilespmem:s10+$0x1E0] =	vst v4;
	v4 =	vmul.f32 v12, v9  }
0x245: {  	v9 =	vmul.f32 v17, v15;
	v7 =	vld [tilespmem:s11+$0x1B0]  }
0x246: {  	v15 =	vld [tilespmem:s28+$0x1B0];
	v4 =	vmul.f32 $1.442695020e+00, v4  }
0x247: {  	v23 =	vld [tilespmem:s31+$0x80];
	v5 =	vmul.f32 $1.442695020e+00, v9;
	v9 =	vmul.f32 v18, v16  }
0x248: {  	v10 =	vmul.f32 v14, v10;
	v16 =	vld [tilespmem:s9+$0xFFFFFF80];
	(erf) = vpow2.f32 v4  }
0x249: {  	v4 =	vld [tilespmem:s31+$0xFFFFFF80];
	(erf) = vpow2.f32 v5;
	v9 =	vmul.f32 $1.442695020e+00, v9  }
0x24a: {  	v19 =	vmul.f32 v20, v19;
	[tilespmem:s10+$0x90] =	vst v6;
	v21 =	vpop (erf);
	v5 =	vmul.f32 v6, v13;
	v13 =	vld [tilespmem:s31+$0x0]  }
0x24b: {  	v24 =	vld [tilespmem:s9+$0x80];
	[tilespmem:s10+$0x110] =	vst v14;
	v6 =	vpop (erf);
	v7 =	vmul.f32 v15, v7;
	(erf) = vpow2.f32 v9  }
0x24c: {  	v14 =	vld [tilespmem:s9+$0x100];
	[tilespmem:s10+$0x150] =	vst v10;
	v2 =	vmul.f32 v21, v2;
	v3 =	vmul.f32 v6, v3  }
0x24d: {  	v10 =	vpop (erf);
	[tilespmem:s10+$0xD0] =	vst v5;
	v9 =	vmul.f32 $1.442695020e+00, v19;
	v5 =	vmul.f32 $1.442695020e+00, v7;
	v7 =	vld [tilespmem:s31+$0x100]  }
0x24e: {  	v1 =	vld [tilespmem:s9+$0xFFFFFE00];
	[tilespmem:s10+$0xFFFFFFA0] =	vst v10;
	v10 =	vmul.f32 v10, v11;
	v4 =	vmul.f32 v16, v4  }
0x24f: {  	(erf) = vpow2.f32 v5;
	v5 =	vld [tilespmem:s31+$0xFFFFFE00];
	v13 =	vmul.f32 v22, v13  }
0x250: {  	v8 =	vld [tilespmem:s11+$0xFFFFFE20];
	[tilespmem:s10+$0xFFFFFEA0] =	vst v21;
	v4 =	vmul.f32 $1.442695020e+00, v4;
	(erf) = vpow2.f32 v9  }
0x251: {  	[tilespmem:s10+$0xFFFFFEE0] =	vst v2;
	v9 =	vld [tilespmem:s28+$0xFFFFFE20];
	v2 =	vmul.f32 $1.442695020e+00, v13;
	v13 =	vmul.f32 v24, v23;
	v19 =	vpop (erf)  }
0x252: {  	[tilespmem:s10+$0xFFFFFF20] =	vst v6;
	v23 =	vld [tilespmem:s11+$0xA0];
	(erf) = vpow2.f32 v4;
	v7 =	vmul.f32 v14, v7;
	v21 =	vpop (erf)  }
0x253: {  	s1 =	simm.s32 $0x4B80;
	[tilespmem:s10+$0xFFFFFF60] =	vst v3;
	v4 =	vmul.f32 $1.442695020e+00, v13;
	v13 =	vld [tilespmem:s11+$0x120];
	v6 =	vmul.f32 v21, v17  }
0x254: {  	(erf) = vpow2.f32 v2;
	v17 =	vld [tilespmem:s28+$0xA0];
	[tilespmem:s1+$0x180] =	vst v21;
	v5 =	vmul.f32 v1, v5;
	v21 =	vpop (erf)  }
0x255: {  	(erf) = vpow2.f32 v4;
	[tilespmem:s1+$0x1C0] =	vst v6;
	v6 =	vld [tilespmem:s28+$0x120];
	v4 =	vmul.f32 v21, v18  }
0x256: {  	[tilespmem:s10+$0xFFFFFFE0] =	vst v10;
	v2 =	vmul.f32 $1.442695020e+00, v7;
	v7 =	vld [tilespmem:s31+$0x190]  }
0x257: {  	[tilespmem:s10+$0x20] =	vst v19;
	v3 =	vmul.f32 $1.442695020e+00, v5;
	v18 =	vld [tilespmem:s9+$0x190]  }
0x258: {  	v12 =	vmul.f32 v19, v12;
	[tilespmem:s1+$0xFFFFFE80] =	vst v21;
	(erf) = vpow2.f32 v2;
	v21 =	vpop (erf)  }
0x259: {  	v11 =	vld [tilespmem:s11+$0xFFFFFEB0];
	v2 =	vmul.f32 v9, v8;
	[tilespmem:s1+$0xFFFFFEC0] =	vst v4;
	(erf) = vpow2.f32 v3;
	v4 =	vpop (erf)  }
0x25a: {  	[tilespmem:s10+$0x60] =	vst v12;
	v5 =	vld [tilespmem:s28+$0xFFFFFEB0];
	v8 =	vmul.f32 v17, v23;
	v19 =	vmul.f32 v4, v20  }
0x25b: {  	v3 =	vld [tilespmem:s31+$0xFFFFFE90];
	v10 =	vmul.f32 v6, v13;
	[tilespmem:s1+$0xFFFFFF00] =	vst v4;
	v4 =	vmul.f32 $1.442695020e+00, v2  }
0x25c: {  	v13 =	vld [tilespmem:s9+$0xFFFFFE90];
	v20 =	vpop (erf);
	v8 =	vmul.f32 $1.442695020e+00, v8;
	v7 =	vmul.f32 v18, v7;
	[tilespmem:s1+$0xFFFFFF40] =	vst v19  }
0x25d: {  	v16 =	vmul.f32 v20, v16;
	[tilespmem:s1+$0xFFFFFF80] =	vst v20;
	v20 =	vpop (erf);
	(erf) = vpow2.f32 v4;
	v19 =	vld [tilespmem:s31+$0xFFFFFF10]  }
0x25e: {  	v4 =	vmul.f32 v20, v22;
	[tilespmem:s1+$0x0] =	vst v20;
	v7 =	vmul.f32 $1.442695020e+00, v7;
	v25 =	vld [tilespmem:s9+$0xFFFFFF10]  }
0x25f: {  	v11 =	vmul.f32 v5, v11;
	[tilespmem:s1+$0xFFFFFFC0] =	vst v16;
	(erf) = vpow2.f32 v8  }
0x260: {  	v8 =	vmul.f32 $1.442695020e+00, v10;
	v10 =	vpop (erf);
	v16 =	vld [tilespmem:s31+$0xFFFFFF90];
	[tilespmem:s1+$0x40] =	vst v4;
	(erf) = vpow2.f32 v7  }
0x261: {  	v7 =	vmul.f32 v21, v15;
	v3 =	vmul.f32 v13, v3;
	v15 =	vld [tilespmem:s9+$0xFFFFFF90];
	v20 =	vpop (erf);
	[tilespmem:s1+$0x80] =	vst v10  }
0x262: {  	v12 =	vmul.f32 v10, v24;
	(erf) = vpow2.f32 v8;
	v8 =	vld [tilespmem:s31+$0x10];
	[tilespmem:s1+$0x100] =	vst v20  }
0x263: {  	v4 =	vpop (erf);
	[tilespmem:s10+$0x1F0] =	vst v7;
	v3 =	vmul.f32 $1.442695020e+00, v3;
	v7 =	vld [tilespmem:s9+$0x10];
	v19 =	vmul.f32 v25, v19  }
0x264: {  	v23 =	vld [tilespmem:s11+$0xFFFFFF30];
	v14 =	vmul.f32 v20, v14;
	v1 =	vmul.f32 v4, v1;
	[tilespmem:s1+$0xFFFFFE00] =	vst v4  }
0x265: {  	v2 =	vld [tilespmem:s28+$0xFFFFFF30];
	[tilespmem:s1+$0xC0] =	vst v12;
	(erf) = vpow2.f32 v3;
	v12 =	vmul.f32 $1.442695020e+00, v19  }
0x266: {  	v20 =	vld [tilespmem:s9+$0x90];
	[tilespmem:s1+$0xFFFFFE40] =	vst v1;
	v3 =	vmul.f32 $1.442695020e+00, v11  }
0x267: {  	v11 =	vld [tilespmem:s31+$0xFFFFFE10];
	v16 =	vmul.f32 v15, v16;
	v19 =	vpop (erf)  }
0x268: {  	[tilespmem:s1+$0x140] =	vst v14;
	v10 =	vld [tilespmem:s9+$0xFFFFFE10];
	(erf) = vpow2.f32 v3;
	v3 =	vmul.f32 v7, v8;
	v14 =	vpop (erf)  }
0x269: {  	v8 =	vld [tilespmem:s31+$0x90];
	v16 =	vmul.f32 $1.442695020e+00, v16;
	(erf) = vpow2.f32 v12;
	v12 =	vpop (erf)  }
0x26a: {  	v22 =	vld [tilespmem:s11+$0xFFFFFFB0];
	v18 =	vmul.f32 v12, v18  }
0x26b: {  	[tilespmem:s10+$0x1B0] =	vst v21;
	v1 =	vmul.f32 v2, v23;
	v23 =	vld [tilespmem:s31+$0x110];
	v3 =	vmul.f32 $1.442695020e+00, v3  }
0x26c: {  	v24 =	vld [tilespmem:s9+$0x110];
	[tilespmem:s10+$0xFFFFFE20] =	vst v19;
	v9 =	vmul.f32 v19, v9;
	(erf) = vpow2.f32 v16  }
0x26d: {  	v4 =	vld [tilespmem:s28+$0xFFFFFFB0];
	[tilespmem:s1+$0x190] =	vst v12;
	v11 =	vmul.f32 v10, v11;
	(erf) = vpow2.f32 v3;
	v16 =	vpop (erf)  }
0x26e: {  	v12 =	vld [tilespmem:s11+$0x30];
	v3 =	vmul.f32 v14, v17;
	[tilespmem:s1+$0x1D0] =	vst v18;
	v8 =	vmul.f32 v20, v8;
	v18 =	vpop (erf)  }
0x26f: {  	[tilespmem:s10+$0xA0] =	vst v14;
	v11 =	vmul.f32 $1.442695020e+00, v11;
	v14 =	vld [tilespmem:s31+$0x1A0];
	v13 =	vmul.f32 v18, v13  }
0x270: {  	[tilespmem:s10+$0xFFFFFE60] =	vst v9;
	v17 =	vld [tilespmem:s9+$0x1A0];
	v8 =	vmul.f32 $1.442695020e+00, v8  }
0x271: {  	v19 =	vld [tilespmem:s11+$0xFFFFFE30];
	(erf) = vpow2.f32 v11;
	[tilespmem:s1+$0xFFFFFE90] =	vst v18;
	v18 =	vmul.f32 v24, v23  }
0x272: {  	v9 =	vmul.f32 v4, v22;
	v21 =	vld [tilespmem:s28+$0xFFFFFE30];
	v22 =	vmul.f32 v16, v6;
	[tilespmem:s10+$0xE0] =	vst v3;
	v23 =	vpop (erf)  }
0x273: {  	v6 =	vld [tilespmem:s28+$0x30];
	(erf) = vpow2.f32 v8;
	[tilespmem:s1+$0xFFFFFED0] =	vst v13;
	v3 =	vmul.f32 $1.442695020e+00, v18;
	v13 =	vpop (erf)  }
0x274: {  	[tilespmem:s10+$0x160] =	vst v22;
	v5 =	vmul.f32 v23, v5;
	v11 =	vld [tilespmem:s31+$0xFFFFFEA0];
	v18 =	vmul.f32 v13, v25  }
0x275: {  	v8 =	vld [tilespmem:s9+$0xFFFFFEA0];
	v14 =	vmul.f32 v17, v14;
	[tilespmem:s1+$0xFFFFFF10] =	vst v13;
	v13 =	vpop (erf)  }
0x276: {  	v22 =	vld [tilespmem:s11+$0xB0];
	(erf) = vpow2.f32 v3;
	[tilespmem:s10+$0xFFFFFEF0] =	vst v5;
	v15 =	vmul.f32 v13, v15  }
0x277: {  	v1 =	vmul.f32 $1.442695020e+00, v1;
	v3 =	vld [tilespmem:s28+$0xB0];
	[tilespmem:s1+$0xFFFFFF50] =	vst v18  }
0x278: {  	v12 =	vmul.f32 v6, v12;
	v14 =	vmul.f32 $1.442695020e+00, v14;
	[tilespmem:s1+$0xFFFFFF90] =	vst v13;
	v25 =	vld [tilespmem:s31+$0xFFFFFF20];
	v18 =	vpop (erf)  }
0x279: {  	v13 =	vmul.f32 v21, v19;
	v19 =	vld [tilespmem:s9+$0xFFFFFF20];
	[tilespmem:s1+$0xFFFFFFD0] =	vst v15;
	v7 =	vmul.f32 v18, v7  }
0x27a: {  	v11 =	vmul.f32 v8, v11;
	(erf) = vpow2.f32 v14;
	v14 =	vld [tilespmem:s31+$0xFFFFFFA0];
	[tilespmem:s1+$0x10] =	vst v18;
	v15 =	vpop (erf)  }
0x27b: {  	v5 =	vmul.f32 v15, v10;
	[tilespmem:s1+$0x50] =	vst v7;
	v7 =	vmul.f32 $1.442695020e+00, v13;
	v13 =	vld [tilespmem:s9+$0xFFFFFFA0]  }
0x27c: {  	(erf) = vpow2.f32 v1;
	v1 =	vmul.f32 $1.442695020e+00, v11;
	v11 =	vld [tilespmem:s31+$0x20]  }
0x27d: {  	v9 =	vmul.f32 $1.442695020e+00, v9;
	v12 =	vmul.f32 $1.442695020e+00, v12;
	[tilespmem:s1+$0xFFFFFE10] =	vst v15;
	v15 =	vpop (erf);
	v10 =	vld [tilespmem:s9+$0x20]  }
0x27e: {  	[tilespmem:s10+$0x120] =	vst v16;
	v16 =	vmul.f32 v3, v22;
	v20 =	vmul.f32 v15, v20  }
0x27f: {  	[tilespmem:s1+$0xFFFFFE50] =	vst v5;
	(erf) = vpow2.f32 v7;
	v7 =	vmul.f32 v19, v25;
	v5 =	vpop (erf)  }
0x280: {  	s16 =	sadd.s32 $0x400, s31;
	v18 =	vld [tilespmem:s11+$0x130];
	(erf) = vpow2.f32 v1;
	v22 =	vmul.f32 v5, v24  }
0x281: {  	[tilespmem:s1+$0xD0] =	vst v20;
	v20 =	vld [tilespmem:s16+$0x180];
	v7 =	vmul.f32 $1.442695020e+00, v7;
	v14 =	vmul.f32 v13, v14  }
0x282: {  	s24 =	sadd.s32 $0x400, s9;
	v1 =	vld [tilespmem:s28+$0x130];
	(erf) = vpow2.f32 v9;
	v11 =	vmul.f32 v10, v11  }
0x283: {  	v9 =	vld [tilespmem:s24+$0x180];
	v24 =	vpop (erf);
	(erf) = vpow2.f32 v7;
	v14 =	vmul.f32 $1.442695020e+00, v14  }
0x284: {  	[tilespmem:s10+$0xFFFFFEB0] =	vst v23;
	v17 =	vmul.f32 v24, v17;
	v11 =	vmul.f32 $1.442695020e+00, v11  }
0x285: {  	v7 =	vld [tilespmem:s16+$0xFFFFFE80];
	[tilespmem:s1+$0x1A0] =	vst v24;
	(erf) = vpow2.f32 v14  }
0x286: {  	v14 =	vmul.f32 $1.442695020e+00, v16;
	v16 =	vld [tilespmem:s24+$0xFFFFFE80];
	[tilespmem:s1+$0x1E0] =	vst v17;
	(erf) = vpow2.f32 v12  }
0x287: {  	[tilespmem:s1+$0x90] =	vst v15;
	v17 =	vmul.f32 v1, v18;
	v12 =	vpop (erf);
	v18 =	vld [tilespmem:s31+$0x1B0];
	(erf) = vpow2.f32 v11  }
0x288: {  	[tilespmem:s10+$0xFFFFFF30] =	vst v12;
	v2 =	vmul.f32 v12, v2;
	v12 =	vmul.f32 v9, v20;
	v20 =	vld [tilespmem:s9+$0x1B0];
	v11 =	vpop (erf)  }
0x289: {  	v15 =	vld [tilespmem:s31+$0xFFFFFE20];
	[tilespmem:s10+$0xFFFFFE30] =	vst v11;
	v11 =	vmul.f32 v11, v21  }
0x28a: {  	[tilespmem:s1+$0x150] =	vst v22;
	v22 =	vld [tilespmem:s16+$0xFFFFFF00];
	v17 =	vmul.f32 $1.442695020e+00, v17;
	v21 =	vpop (erf)  }
0x28b: {  	(erf) = vpow2.f32 v14;
	v14 =	vld [tilespmem:s24+$0xFFFFFF00];
	[tilespmem:s10+$0xFFFFFF70] =	vst v2;
	v8 =	vmul.f32 v21, v8  }
0x28c: {  	v2 =	vmul.f32 $1.442695020e+00, v12;
	v12 =	vld [tilespmem:s16+$0xFFFFFF80];
	(erf) = vpow2.f32 v17;
	[tilespmem:s10+$0xFFFFFE70] =	vst v11  }
0x28d: {  	v17 =	vld [tilespmem:s24+$0xFFFFFF80];
	v7 =	vmul.f32 v16, v7;
	[tilespmem:s1+$0xFFFFFEE0] =	vst v8;
	v8 =	vmul.f32 v20, v18;
	v11 =	vpop (erf)  }
0x28e: {  	[tilespmem:s1+$0x110] =	vst v5;
	(erf) = vpow2.f32 v2;
	v2 =	vmul.f32 v11, v4;
	v4 =	vld [tilespmem:s16+$0x0]  }
0x28f: {  	v7 =	vmul.f32 $1.442695020e+00, v7;
	[tilespmem:s10+$0xFFFFFFB0] =	vst v11;
	v11 =	vld [tilespmem:s24+$0x0]  }
0x290: {  	v5 =	vld [tilespmem:s24+$0xFFFFFE00];
	[tilespmem:s1+$0xFFFFFEA0] =	vst v21;
	v21 =	vmul.f32 v14, v22;
	v18 =	vpop (erf);
	v8 =	vmul.f32 $1.442695020e+00, v8  }
0x291: {  	v24 =	vld [tilespmem:s24+$0x80];
	(erf) = vpow2.f32 v7;
	v19 =	vmul.f32 v18, v19;
	[tilespmem:s1+$0xFFFFFF20] =	vst v18;
	v18 =	vpop (erf)  }
0x292: {  	v22 =	vld [tilespmem:s16+$0x80];
	v12 =	vmul.f32 v17, v12;
	[tilespmem:s1+$0xFFFFFFA0] =	vst v18;
	v7 =	vmul.f32 v18, v13  }
0x293: {  	v23 =	vpop (erf);
	v18 =	vld [tilespmem:s16+$0x100];
	(erf) = vpow2.f32 v8;
	[tilespmem:s1+$0xFFFFFF60] =	vst v19;
	v19 =	vmul.f32 $1.442695020e+00, v21  }
0x294: {  	v12 =	vmul.f32 $1.442695020e+00, v12;
	[tilespmem:s10+$0xFFFFFFF0] =	vst v2;
	v13 =	vpop (erf);
	v21 =	vld [tilespmem:s24+$0x100];
	v4 =	vmul.f32 v11, v4  }
0x295: {  	v10 =	vmul.f32 v13, v10;
	[tilespmem:s1+$0xFFFFFFE0] =	vst v7;
	v8 =	vpop (erf);
	v7 =	vld [tilespmem:s16+$0xFFFFFE00];
	(erf) = vpow2.f32 v19  }
0x296: {  	v6 =	vmul.f32 v23, v6;
	[tilespmem:s1+$0x20] =	vst v13;
	v13 =	vld [tilespmem:s9+$0xFFFFFE20];
	v2 =	vpop (erf);
	v4 =	vmul.f32 $1.442695020e+00, v4  }
0x297: {  	[tilespmem:s1+$0x60] =	vst v10;
	v10 =	vmul.f32 v24, v22;
	v22 =	vld [tilespmem:s31+$0xA0];
	v19 =	vpop (erf);
	(erf) = vpow2.f32 v12  }
0x298: {  	s17 =	simm.s32 $0x4F80;
	[tilespmem:s10+$0x70] =	vst v6;
	v12 =	vld [tilespmem:s9+$0xA0];
	v9 =	vmul.f32 v19, v9;
	(erf) = vpow2.f32 v4  }
0x299: {  	v6 =	vmul.f32 $1.442695020e+00, v10;
	v10 =	vmul.f32 v21, v18;
	v18 =	vld [tilespmem:s31+$0x120];
	[tilespmem:s17+$0x180] =	vst v19  }
0x29a: {  	v7 =	vmul.f32 v5, v7;
	[tilespmem:s17+$0x1C0] =	vst v9;
	v9 =	vld [tilespmem:s9+$0x120]  }
0x29b: {  	v19 =	vpop (erf);
	v4 =	vmul.f32 $1.442695020e+00, v10;
	(erf) = vpow2.f32 v6;
	v10 =	vld [tilespmem:s16+$0x190]  }
0x29c: {  	[tilespmem:s17+$0xFFFFFE80] =	vst v19;
	v6 =	vmul.f32 $1.442695020e+00, v7;
	v7 =	vmul.f32 v19, v16;
	v19 =	vpop (erf);
	v16 =	vld [tilespmem:s24+$0x190]  }
0x29d: {  	[tilespmem:s10+$0x30] =	vst v23;
	(erf) = vpow2.f32 v4;
	v4 =	vmul.f32 v19, v20  }
0x29e: {  	v23 =	vld [tilespmem:s31+$0xFFFFFEB0];
	[tilespmem:s17+$0xFFFFFEC0] =	vst v7;
	(erf) = vpow2.f32 v6;
	v6 =	vmul.f32 v13, v15;
	v20 =	vpop (erf)  }
0x29f: {  	v22 =	vmul.f32 v12, v22;
	v7 =	vld [tilespmem:s16+$0xFFFFFE90];
	[tilespmem:s1+$0x1F0] =	vst v4;
	v4 =	vmul.f32 v20, v14  }
0x2a0: {  	v25 =	vld [tilespmem:s24+$0xFFFFFE90];
	v6 =	vmul.f32 $1.442695020e+00, v6;
	v18 =	vmul.f32 v9, v18;
	v14 =	vpop (erf)  }
0x2a1: {  	v15 =	vld [tilespmem:s9+$0xFFFFFEB0];
	v10 =	vmul.f32 v16, v10;
	v17 =	vmul.f32 v14, v17;
	[tilespmem:s17+$0xFFFFFF80] =	vst v14;
	v14 =	vpop (erf)  }
0x2a2: {  	[tilespmem:s17+$0xFFFFFF00] =	vst v20;
	v20 =	vld [tilespmem:s31+$0xFFFFFF30];
	(erf) = vpow2.f32 v6;
	v6 =	vmul.f32 v14, v11  }
0x2a3: {  	v22 =	vmul.f32 $1.442695020e+00, v22;
	[tilespmem:s17+$0xFFFFFF40] =	vst v4;
	v4 =	vld [tilespmem:s9+$0xFFFFFF30];
	v18 =	vmul.f32 $1.442695020e+00, v18  }
0x2a4: {  	v26 =	vld [tilespmem:s16+$0xFFFFFF10];
	v10 =	vmul.f32 $1.442695020e+00, v10;
	[tilespmem:s17+$0x0] =	vst v14  }
0x2a5: {  	v27 =	vld [tilespmem:s24+$0xFFFFFF10];
	(erf) = vpow2.f32 v22;
	v11 =	vpop (erf);
	v7 =	vmul.f32 v25, v7;
	[tilespmem:s17+$0xFFFFFFC0] =	vst v17  }
0x2a6: {  	v14 =	vmul.f32 v11, v24;
	v17 =	vld [tilespmem:s16+$0xFFFFFF90];
	(erf) = vpow2.f32 v10;
	[tilespmem:s17+$0x40] =	vst v6;
	v6 =	vpop (erf)  }
0x2a7: {  	[tilespmem:s17+$0x80] =	vst v11;
	v22 =	vld [tilespmem:s24+$0xFFFFFF90];
	(erf) = vpow2.f32 v18;
	v18 =	vpop (erf)  }
0x2a8: {  	v7 =	vmul.f32 $1.442695020e+00, v7;
	v10 =	vld [tilespmem:s16+$0x10];
	[tilespmem:s17+$0xC0] =	vst v14;
	v5 =	vmul.f32 v18, v5  }
0x2a9: {  	v11 =	vld [tilespmem:s16+$0x90];
	v14 =	vmul.f32 v6, v21;
	v21 =	vmul.f32 v15, v23;
	[tilespmem:s17+$0xFFFFFE00] =	vst v18  }
0x2aa: {  	(erf) = vpow2.f32 v7;
	v23 =	vmul.f32 v27, v26;
	v18 =	vld [tilespmem:s24+$0x10];
	[tilespmem:s17+$0xFFFFFE40] =	vst v5  }
0x2ab: {  	[tilespmem:s17+$0x140] =	vst v14;
	v14 =	vmul.f32 v4, v20;
	v7 =	vmul.f32 $1.442695020e+00, v21;
	v21 =	vld [tilespmem:s16+$0xFFFFFE10]  }
0x2ac: {  	[tilespmem:s17+$0x100] =	vst v6;
	v17 =	vmul.f32 v22, v17;
	v6 =	vpop (erf);
	v24 =	vld [tilespmem:s24+$0xFFFFFE10]  }
0x2ad: {  	v28 =	vld [tilespmem:s24+$0x90];
	v23 =	vmul.f32 $1.442695020e+00, v23;
	[tilespmem:s1+$0xFFFFFE20] =	vst v6;
	v6 =	vmul.f32 v6, v13  }
0x2ae: {  	v20 =	vld [tilespmem:s31+$0xFFFFFFB0];
	(erf) = vpow2.f32 v7;
	v7 =	vmul.f32 $1.442695020e+00, v17  }
0x2af: {  	[tilespmem:s10+$0xB0] =	vst v8;
	v5 =	vld [tilespmem:s9+$0xFFFFFFB0];
	v26 =	vmul.f32 $1.442695020e+00, v14;
	v14 =	vpop (erf);
	(erf) = vpow2.f32 v23  }
0x2b0: {  	[tilespmem:s10+$0x130] =	vst v2;
	v13 =	vld [tilespmem:s16+$0x110];
	v10 =	vmul.f32 v18, v10;
	(erf) = vpow2.f32 v7  }
0x2b1: {  	v23 =	vld [tilespmem:s24+$0x110];
	v17 =	vpop (erf);
	[tilespmem:s1+$0xA0] =	vst v14;
	v7 =	vmul.f32 v14, v12;
	v14 =	vmul.f32 v24, v21  }
0x2b2: {  	[tilespmem:s1+$0xFFFFFE60] =	vst v6;
	v16 =	vmul.f32 v17, v16  }
0x2b3: {  	v11 =	vmul.f32 v28, v11;
	v10 =	vmul.f32 $1.442695020e+00, v10;
	[tilespmem:s17+$0x190] =	vst v17;
	v12 =	vpop (erf)  }
0x2b4: {  	v17 =	vld [tilespmem:s31+$0x30];
	v6 =	vmul.f32 v5, v20;
	v9 =	vmul.f32 v12, v9;
	[tilespmem:s17+$0x1D0] =	vst v16  }
0x2b5: {  	[tilespmem:s1+$0x1B0] =	vst v19;
	(erf) = vpow2.f32 v10;
	v19 =	vld [tilespmem:s16+$0x1A0];
	v10 =	vmul.f32 $1.442695020e+00, v14;
	v14 =	vpop (erf)  }
0x2b6: {  	[tilespmem:s1+$0xE0] =	vst v7;
	v16 =	vld [tilespmem:s24+$0x1A0];
	v20 =	vmul.f32 v14, v25;
	v25 =	vmul.f32 v23, v13  }
0x2b7: {  	v21 =	vld [tilespmem:s31+$0xFFFFFE30];
	[tilespmem:s1+$0x160] =	vst v9  }
0x2b8: {  	v11 =	vmul.f32 $1.442695020e+00, v11;
	v7 =	vld [tilespmem:s9+$0xFFFFFE30];
	(erf) = vpow2.f32 v10;
	[tilespmem:s17+$0xFFFFFE90] =	vst v14;
	v13 =	vpop (erf)  }
0x2b9: {  	v14 =	vmul.f32 $1.442695020e+00, v6;
	v6 =	vld [tilespmem:s9+$0x30];
	v9 =	vmul.f32 v13, v15;
	[tilespmem:s17+$0xFFFFFED0] =	vst v20  }
0x2ba: {  	[tilespmem:s1+$0x120] =	vst v12;
	v20 =	vmul.f32 $1.442695020e+00, v25;
	v15 =	vld [tilespmem:s16+$0xFFFFFEA0];
	v25 =	vpop (erf);
	(erf) = vpow2.f32 v11  }
0x2bb: {  	v12 =	vmul.f32 v16, v19;
	v10 =	vld [tilespmem:s24+$0xFFFFFEA0];
	[tilespmem:s1+$0xFFFFFEF0] =	vst v9;
	v11 =	vmul.f32 v25, v27  }
0x2bc: {  	v8 =	vmul.f32 v8, v3;
	v3 =	vld [tilespmem:s9+$0xB0];
	[tilespmem:s17+$0xFFFFFF10] =	vst v25;
	v19 =	vpop (erf);
	(erf) = vpow2.f32 v20  }
0x2bd: {  	v9 =	vld [tilespmem:s31+$0xB0];
	v20 =	vmul.f32 $1.442695020e+00, v12;
	[tilespmem:s17+$0xFFFFFF50] =	vst v11;
	v11 =	vmul.f32 v19, v22  }
0x2be: {  	v17 =	vmul.f32 v6, v17;
	[tilespmem:s17+$0xFFFFFF90] =	vst v19;
	v22 =	vpop (erf);
	v19 =	vmul.f32 v7, v21;
	v25 =	vld [tilespmem:s16+$0xFFFFFF20]  }
0x2bf: {  	(erf) = vpow2.f32 v20;
	v18 =	vmul.f32 v22, v18;
	v12 =	vld [tilespmem:s24+$0xFFFFFF20];
	[tilespmem:s17+$0xFFFFFFD0] =	vst v11  }
0x2c0: {  	v17 =	vmul.f32 $1.442695020e+00, v17;
	v15 =	vmul.f32 v10, v15;
	[tilespmem:s17+$0x10] =	vst v22;
	v27 =	vld [tilespmem:s16+$0xFFFFFFA0]  }
0x2c1: {  	(erf) = vpow2.f32 v26;
	v20 =	vpop (erf);
	[tilespmem:s17+$0x50] =	vst v18;
	v18 =	vmul.f32 $1.442695020e+00, v19;
	v11 =	vld [tilespmem:s24+$0xFFFFFFA0]  }
0x2c2: {  	[tilespmem:s10+$0xF0] =	vst v8;
	v26 =	vmul.f32 v3, v9;
	v8 =	vmul.f32 v20, v24;
	v19 =	vld [tilespmem:s16+$0x20]  }
0x2c3: {  	v15 =	vmul.f32 $1.442695020e+00, v15;
	[tilespmem:s17+$0xFFFFFE10] =	vst v20;
	v9 =	vld [tilespmem:s24+$0x20];
	v20 =	vpop (erf);
	(erf) = vpow2.f32 v18  }
0x2c4: {  	[tilespmem:s17+$0xFFFFFE50] =	vst v8;
	v8 =	vld [tilespmem:s9+$0x130];
	v21 =	vmul.f32 v12, v25;
	v25 =	vmul.f32 v20, v28  }
0x2c5: {  	s8 =	simm.s32 $0x80;
	v18 =	vmul.f32 $1.442695020e+00, v26;
	[tilespmem:s17+$0x90] =	vst v20;
	v20 =	vld [tilespmem:s31+$0x130];
	(erf) = vpow2.f32 v15;
	v22 =	vpop (erf)  }
0x2c6: {  	s0 =	smov.u32 s24;
	s9 =	sadd.s32 $0x400, s16;
	s31 =	simm.s32 $0x10;
	v15 =	vld [tilespmem:s16+$0xFFFFFE20];
	v24 =	vmul.f32 v11, v27;
	v23 =	vmul.f32 v22, v23;
	[tilespmem:s17+$0xD0] =	vst v25  }
.LBB2_8:
0x2c7: {  	v25 =	vld [tilespmem:s9+$0x180];
	v26 =	vmul.f32 $1.442695020e+00, v21;
	[tilespmem:s17+$0x110] =	vst v22;
	s24 =	sadd.s32 $0x400, s24;
	(erf) = vpow2.f32 v14  }
0x2c8: {  	v22 =	vld [tilespmem:s24+$0x180];
	v24 =	vmul.f32 $1.442695020e+00, v24;
	v19 =	vmul.f32 v9, v19;
	[tilespmem:s17+$0x150] =	vst v23;
	v23 =	vpop (erf)  }
0x2c9: {  	v14 =	vld [tilespmem:s24+$0xFFFFFE00];
	v16 =	vmul.f32 v23, v16;
	(erf) = vpow2.f32 v26;
	[tilespmem:s1+$0xFFFFFEB0] =	vst v13  }
0x2ca: {  	v13 =	vld [tilespmem:s9+$0xFFFFFE80];
	v26 =	vmul.f32 $1.442695020e+00, v19;
	[tilespmem:s17+$0x1A0] =	vst v23;
	(erf) = vpow2.f32 v24;
	v21 =	vpop (erf)  }
0x2cb: {  	s31 =	sadd.s32 $0x8, s31;
	v23 =	vld [tilespmem:s24+$0xFFFFFE80];
	[tilespmem:s17+$0x1E0] =	vst v16;
	v16 =	vmul.f32 v8, v20;
	(erf) = vpow2.f32 v17  }
0x2cc: {  	p1 =	slt.u32 s31, $0x38;
	v4 =	vmul.f32 v21, v4;
	v17 =	vld [tilespmem:s16+$0x1B0];
	(erf) = vpow2.f32 v26;
	[tilespmem:s1+$0xFFFFFF30] =	vst v21;
	v19 =	vpop (erf)  }
0x2cd: {  	v20 =	vmul.f32 v22, v25;
	v21 =	vld [tilespmem:s0+$0x1B0];
	[tilespmem:s1+$0xFFFFFE30] =	vst v19;
	v16 =	vmul.f32 $1.442695020e+00, v16  }
0x2ce: {  	v26 =	vmul.f32 v19, v7;
	v24 =	vld [tilespmem:s9+$0xFFFFFF00];
	v25 =	vpop (erf);
	[tilespmem:s1+$0xFFFFFF70] =	vst v4;
	(erf) = vpow2.f32 v18  }
0x2cf: {  	v4 =	vld [tilespmem:s24+$0xFFFFFF00];
	v20 =	vmul.f32 $1.442695020e+00, v20;
	[tilespmem:s17+$0xFFFFFEA0] =	vst v25;
	v10 =	vmul.f32 v25, v10  }
0x2d0: {  	v13 =	vmul.f32 v23, v13;
	v19 =	vld [tilespmem:s9+$0xFFFFFF80];
	[tilespmem:s1+$0xFFFFFE70] =	vst v26;
	v7 =	vpop (erf);
	(erf) = vpow2.f32 v16  }
0x2d1: {  	v16 =	vld [tilespmem:s24+$0xFFFFFF80];
	(erf) = vpow2.f32 v20;
	[tilespmem:s17+$0xFFFFFEE0] =	vst v10;
	v5 =	vmul.f32 v7, v5  }
0x2d2: {  	v26 =	vmul.f32 $1.442695020e+00, v13;
	v13 =	vld [tilespmem:s9+$0x0];
	v25 =	vmul.f32 v21, v17;
	v18 =	vpop (erf);
	[tilespmem:s1+$0xFFFFFFB0] =	vst v7  }
0x2d3: {  	v20 =	vld [tilespmem:s24+$0x0];
	[tilespmem:s17+$0xFFFFFF20] =	vst v18;
	v7 =	vmul.f32 v18, v12;
	v12 =	vpop (erf);
	v18 =	vmul.f32 v2, v1;
	v1 =	vmov v8  }
0x2d4: {  	v2 =	vmul.f32 v4, v24;
	v24 =	vld [tilespmem:s9+$0x80];
	[tilespmem:s17+$0xFFFFFFA0] =	vst v12;
	v27 =	vmul.f32 $1.442695020e+00, v25;
	v17 =	vpop (erf)  }
0x2d5: {  	v25 =	vld [tilespmem:s24+$0x80];
	(erf) = vpow2.f32 v26;
	[tilespmem:s17+$0xFFFFFF60] =	vst v7;
	v7 =	vmul.f32 v12, v11;
	v10 =	vpop (erf)  }
0x2d6: {  	v11 =	vmul.f32 v16, v19;
	v12 =	vld [tilespmem:s9+$0x100];
	[tilespmem:s17+$0x20] =	vst v10;
	(erf) = vpow2.f32 v27  }
0x2d7: {  	v26 =	vmul.f32 $1.442695020e+00, v2;
	v9 =	vmul.f32 v10, v9;
	v19 =	vld [tilespmem:s24+$0x100];
	[tilespmem:s17+$0xFFFFFFE0] =	vst v7;
	v8 =	vpop (erf)  }
0x2d8: {  	v10 =	vld [tilespmem:s9+$0xFFFFFE00];
	v11 =	vmul.f32 $1.442695020e+00, v11;
	v13 =	vmul.f32 v20, v13;
	[tilespmem:s1+$0xFFFFFFF0] =	vst v5  }
0x2d9: {  	v5 =	vmul.f32 v17, v6;
	(erf) = vpow2.f32 v26;
	v7 =	vld [tilespmem:s0+$0xFFFFFE20];
	[tilespmem:s17+$0x60] =	vst v9;
	v2 =	vpop (erf)  }
0x2da: {  	v9 =	vmul.f32 $1.442695020e+00, v13;
	v13 =	vmul.f32 v25, v24;
	v24 =	vpop (erf);
	v26 =	vld [tilespmem:s16+$0xA0];
	[tilespmem:s10+$0x170] =	vst v18;
	s10 =	smov.u32 s1;
	s1 =	smov.u32 s17  }
0x2db: {  	s17 =	sadd.s32 $0x400, s17;
	v22 =	vmul.f32 v24, v22;
	(erf) = vpow2.f32 v11;
	v6 =	vld [tilespmem:s0+$0xA0];
	[tilespmem:s10+$0x70] =	vst v5  }
0x2dc: {  	v5 =	vmul.f32 $1.442695020e+00, v13;
	v11 =	vmul.f32 v19, v12;
	[tilespmem:s17+$0x180] =	vst v24;
	v12 =	vld [tilespmem:s16+$0x120]  }
0x2dd: {  	v10 =	vmul.f32 v14, v10;
	[tilespmem:s17+$0x1C0] =	vst v22;
	(erf) = vpow2.f32 v9;
	v9 =	vld [tilespmem:s0+$0x120]  }
0x2de: {  	v11 =	vmul.f32 $1.442695020e+00, v11;
	v13 =	vld [tilespmem:s9+$0x190];
	v18 =	vpop (erf);
	(erf) = vpow2.f32 v5;
	[tilespmem:s10+$0x30] =	vst v17  }
0x2df: {  	v5 =	vmul.f32 $1.442695020e+00, v10;
	[tilespmem:s17+$0xFFFFFE80] =	vst v18;
	v10 =	vmul.f32 v18, v23;
	v17 =	vld [tilespmem:s24+$0x190];
	v18 =	vpop (erf)  }
0x2e0: {  	(erf) = vpow2.f32 v11;
	v11 =	vld [tilespmem:s16+$0xFFFFFEB0];
	v21 =	vmul.f32 v18, v21;
	[tilespmem:s10+$0xB0] =	vst v8  }
0x2e1: {  	[tilespmem:s17+$0xFFFFFEC0] =	vst v10;
	(erf) = vpow2.f32 v5;
	v5 =	vmul.f32 v7, v15;
	v10 =	vld [tilespmem:s0+$0xFFFFFEB0]  }
0x2e2: {  	v23 =	vmul.f32 v6, v26;
	v15 =	vld [tilespmem:s9+$0xFFFFFE90];
	v22 =	vpop (erf);
	v12 =	vmul.f32 v9, v12;
	[tilespmem:s1+$0x1F0] =	vst v21  }
0x2e3: {  	v21 =	vld [tilespmem:s24+$0xFFFFFE90];
	[tilespmem:s17+$0xFFFFFF00] =	vst v22;
	v4 =	vmul.f32 v22, v4;
	v5 =	vmul.f32 $1.442695020e+00, v5  }
0x2e4: {  	v23 =	vmul.f32 $1.442695020e+00, v23;
	v13 =	vmul.f32 v17, v13;
	v22 =	vpop (erf);
	v24 =	vld [tilespmem:s16+$0xFFFFFF30];
	[tilespmem:s10+$0x130] =	vst v2  }
0x2e5: {  	v12 =	vmul.f32 $1.442695020e+00, v12;
	[tilespmem:s17+$0xFFFFFF40] =	vst v4;
	v28 =	vmul.f32 v22, v16;
	v4 =	vld [tilespmem:s0+$0xFFFFFF30]  }
0x2e6: {  	v26 =	vld [tilespmem:s9+$0xFFFFFF10];
	[tilespmem:s17+$0xFFFFFF80] =	vst v22;
	v13 =	vmul.f32 $1.442695020e+00, v13;
	v22 =	vpop (erf);
	(erf) = vpow2.f32 v5  }
0x2e7: {  	v27 =	vld [tilespmem:s24+$0xFFFFFF10];
	[tilespmem:s17+$0xFFFFFFC0] =	vst v28;
	v5 =	vmul.f32 v22, v20;
	v16 =	vpop (erf);
	(erf) = vpow2.f32 v23  }
0x2e8: {  	v20 =	vld [tilespmem:s9+$0xFFFFFF90];
	[tilespmem:s17+$0x0] =	vst v22;
	v22 =	vmul.f32 v16, v25;
	(erf) = vpow2.f32 v13  }
0x2e9: {  	v13 =	vmul.f32 v21, v15;
	v15 =	vld [tilespmem:s24+$0xFFFFFF90];
	[tilespmem:s17+$0x40] =	vst v5;
	v23 =	vpop (erf);
	(erf) = vpow2.f32 v12  }
0x2ea: {  	v11 =	vmul.f32 v10, v11;
	v12 =	vld [tilespmem:s9+$0x10];
	[tilespmem:s17+$0xC0] =	vst v22;
	v5 =	vmul.f32 v23, v19;
	v19 =	vpop (erf)  }
0x2eb: {  	v13 =	vmul.f32 $1.442695020e+00, v13;
	[tilespmem:s17+$0xFFFFFE00] =	vst v19;
	v14 =	vmul.f32 v19, v14;
	v19 =	vld [tilespmem:s24+$0x10]  }
0x2ec: {  	v24 =	vmul.f32 v4, v24;
	v22 =	vmul.f32 v27, v26;
	[tilespmem:s17+$0x140] =	vst v5;
	v25 =	vld [tilespmem:s16+$0xFFFFFFB0]  }
0x2ed: {  	v11 =	vmul.f32 $1.442695020e+00, v11;
	[tilespmem:s17+$0xFFFFFE40] =	vst v14;
	(erf) = vpow2.f32 v13;
	v5 =	vld [tilespmem:s0+$0xFFFFFFB0]  }
0x2ee: {  	v13 =	vld [tilespmem:s9+$0xFFFFFE10];
	v28 =	vmul.f32 $1.442695020e+00, v22;
	v20 =	vmul.f32 v15, v20;
	[tilespmem:s17+$0x80] =	vst v16  }
0x2ef: {  	v22 =	vld [tilespmem:s24+$0xFFFFFE10];
	[tilespmem:s17+$0x100] =	vst v23;
	v23 =	vmul.f32 $1.442695020e+00, v24;
	v16 =	vpop (erf);
	(erf) = vpow2.f32 v11  }
0x2f0: {  	v11 =	vmul.f32 $1.442695020e+00, v20;
	v12 =	vmul.f32 v19, v12;
	v20 =	vld [tilespmem:s9+$0x90];
	[tilespmem:s1+$0xFFFFFE20] =	vst v16;
	v24 =	vpop (erf)  }
0x2f1: {  	v7 =	vmul.f32 v16, v7;
	v26 =	vld [tilespmem:s24+$0x90];
	(erf) = vpow2.f32 v28;
	v14 =	vpop (erf);
	[tilespmem:s1+$0xA0] =	vst v24  }
0x2f2: {  	v12 =	vmul.f32 $1.442695020e+00, v12;
	v28 =	vld [tilespmem:s9+$0x110];
	v16 =	vmul.f32 v14, v17;
	[tilespmem:s1+$0x1B0] =	vst v18;
	v17 =	vpop (erf)  }
0x2f3: {  	v6 =	vmul.f32 v24, v6;
	v29 =	vld [tilespmem:s24+$0x110];
	[tilespmem:s17+$0x190] =	vst v14;
	(erf) = vpow2.f32 v11  }
0x2f4: {  	v11 =	vmul.f32 v22, v13;
	[tilespmem:s17+$0x1D0] =	vst v16;
	(erf) = vpow2.f32 v12;
	v18 =	vld [tilespmem:s16+$0x30]  }
0x2f5: {  	v9 =	vmul.f32 v17, v9;
	v12 =	vld [tilespmem:s9+$0x1A0];
	[tilespmem:s1+$0xFFFFFE60] =	vst v7;
	v7 =	vmul.f32 v5, v25  }
0x2f6: {  	v11 =	vmul.f32 $1.442695020e+00, v11;
	v25 =	vmul.f32 v26, v20;
	v16 =	vld [tilespmem:s24+$0x1A0];
	v14 =	vpop (erf);
	[tilespmem:s1+$0xE0] =	vst v6  }
0x2f7: {  	[tilespmem:s17+$0xFFFFFE90] =	vst v14;
	v6 =	vmul.f32 v14, v21;
	v20 =	vld [tilespmem:s16+$0xFFFFFE30];
	v14 =	vmul.f32 $1.442695020e+00, v7  }
0x2f8: {  	v21 =	vmul.f32 $1.442695020e+00, v25;
	v24 =	vmul.f32 v29, v28;
	v7 =	vld [tilespmem:s0+$0xFFFFFE30];
	[tilespmem:s1+$0x160] =	vst v9;
	v13 =	vpop (erf)  }
0x2f9: {  	[tilespmem:s17+$0xFFFFFED0] =	vst v6;
	(erf) = vpow2.f32 v11;
	v9 =	vmul.f32 v13, v10;
	v6 =	vld [tilespmem:s0+$0x30]  }
0x2fa: {  	v11 =	vld [tilespmem:s9+$0xFFFFFEA0];
	v28 =	vmul.f32 $1.442695020e+00, v24;
	v25 =	vpop (erf);
	(erf) = vpow2.f32 v21;
	[tilespmem:s1+$0x120] =	vst v17  }
0x2fb: {  	v10 =	vld [tilespmem:s24+$0xFFFFFEA0];
	[tilespmem:s17+$0xFFFFFF10] =	vst v25;
	v17 =	vmul.f32 v25, v27;
	v12 =	vmul.f32 v16, v12  }
0x2fc: {  	v8 =	vmul.f32 v8, v3;
	v21 =	vpop (erf);
	(erf) = vpow2.f32 v28;
	[tilespmem:s1+$0xFFFFFEF0] =	vst v9;
	v9 =	vld [tilespmem:s16+$0xB0]  }
0x2fd: {  	[tilespmem:s17+$0xFFFFFF50] =	vst v17;
	v15 =	vmul.f32 v21, v15;
	v17 =	vmul.f32 $1.442695020e+00, v12;
	v24 =	vpop (erf);
	v3 =	vld [tilespmem:s0+$0xB0]  }
0x2fe: {  	v20 =	vmul.f32 v7, v20;
	v25 =	vld [tilespmem:s9+$0xFFFFFF20];
	[tilespmem:s17+$0xFFFFFF90] =	vst v21;
	v19 =	vmul.f32 v24, v19  }
0x2ff: {  	v12 =	vld [tilespmem:s24+$0xFFFFFF20];
	[tilespmem:s17+$0xFFFFFFD0] =	vst v15;
	(erf) = vpow2.f32 v17;
	v15 =	vmul.f32 v6, v18  }
0x300: {  	v20 =	vmul.f32 $1.442695020e+00, v20;
	v21 =	vmul.f32 v10, v11;
	v27 =	vld [tilespmem:s9+$0xFFFFFFA0];
	[tilespmem:s17+$0x50] =	vst v19  }
0x301: {  	v11 =	vld [tilespmem:s24+$0xFFFFFFA0];
	[tilespmem:s17+$0x10] =	vst v24;
	v17 =	vmul.f32 $1.442695020e+00, v15;
	(erf) = vpow2.f32 v23  }
.Ltmp2:
0x302: {  	v15 =	vmul.f32 $1.442695020e+00, v21;
	v19 =	vld [tilespmem:s9+$0x20];
	v18 =	vpop (erf);
	v23 =	vmul.f32 v3, v9;
	[tilespmem:s10+$0xF0] =	vst v8;
	(pc) =	sbr.rel @p1 .LBB2_8-.Ltmp2, $4  }
0x303: {  	[tilespmem:s17+$0xFFFFFE10] =	vst v18;
	v8 =	vmul.f32 v18, v22;
	v9 =	vld [tilespmem:s24+$0x20];
	v18 =	vpop (erf);
	(erf) = vpow2.f32 v20  }
0x304: {  	v21 =	vmul.f32 v12, v25;
	[tilespmem:s17+$0x90] =	vst v18;
	v25 =	vmul.f32 v18, v26;
	v20 =	vld [tilespmem:s16+$0x130];
	s16 =	smov.u32 s9  }
0x305: {  	v18 =	vmul.f32 $1.442695020e+00, v23;
	[tilespmem:s17+$0xFFFFFE50] =	vst v8;
	(erf) = vpow2.f32 v15;
	v22 =	vpop (erf);
	v8 =	vld [tilespmem:s0+$0x130];
	s0 =	smov.u32 s24  }
0x306: {  	s9 =	sadd.s32 $0x400, s9;
	v15 =	vld [tilespmem:s16+$0xFFFFFE20];
	v24 =	vmul.f32 v11, v27;
	[tilespmem:s17+$0xD0] =	vst v25;
	v23 =	vmul.f32 v22, v29  }
0x307: {  	_ = 	snop  }
0x308: {  	v25 =	vpop (erf)  }
0x309: {  	v16 =	vmul.f32 v25, v16  }
0x30a: {  	[tilespmem:s17+$0x1A0] =	vst v25  }
0x30b: {  	[tilespmem:s17+$0x1E0] =	vst v16  }
0x30c: {  	v21 =	vmul.f32 $1.442695020e+00, v21;
	v19 =	vmul.f32 v9, v19;
	v16 =	vld [tilespmem:s16+$0x1B0]  }
0x30d: {  	(erf) = vpow2.f32 v14;
	v24 =	vmul.f32 $1.442695020e+00, v24;
	v14 =	vld [tilespmem:s0+$0x1B0]  }
0x30e: {  	v58 =	vld [tilespmem:s0+$0xFFFFFE20];
	(erf) = vpow2.f32 v21;
	v19 =	vmul.f32 $1.442695020e+00, v19  }
0x30f: {  	(erf) = vpow2.f32 v24;
	v20 =	vmul.f32 v8, v20  }
0x310: {  	(erf) = vpow2.f32 v17  }
0x311: {  	(erf) = vpow2.f32 v19;
	v59 =	vmul.f32 $1.442695020e+00, v20  }
0x312: {  	v60 =	vld [tilespmem:s16+$0xA0];
	(erf) = vpow2.f32 v18;
	v16 =	vmul.f32 v14, v16  }
0x313: {  	v61 =	vld [tilespmem:s0+$0xA0];
	v62 =	vpop (erf);
	v15 =	vmul.f32 v58, v15;
	(erf) = vpow2.f32 v59  }
0x314: {  	[tilespmem:s17+$0x110] =	vst v22;
	v24 =	vpop (erf);
	v16 =	vmul.f32 $1.442695020e+00, v16  }
0x315: {  	[tilespmem:s17+$0x150] =	vst v23;
	v15 =	vmul.f32 $1.442695020e+00, v15;
	v27 =	vpop (erf)  }
0x316: {  	v63 =	vld [tilespmem:s16+$0x120];
	v28 =	vpop (erf);
	(erf) = vpow2.f32 v16  }
0x317: {  	v1 =	vmul.f32 v2, v1;
	v26 =	vld [tilespmem:s0+$0x120];
	v29 =	vpop (erf);
	(erf) = vpow2.f32 v15  }
0x318: {  	[tilespmem:s1+$0xFFFFFEB0] =	vst v13;
	v19 =	vmul.f32 v61, v60;
	v30 =	vpop (erf)  }
0x319: {  	[tilespmem:s10+$0x170] =	vst v1;
	v10 =	vmul.f32 v27, v10;
	v31 =	vpop (erf)  }
0x31a: {  	v19 =	vmul.f32 $1.442695020e+00, v19;
	[tilespmem:s17+$0xFFFFFEA0] =	vst v27;
	v32 =	vpop (erf)  }
0x31b: {  	[tilespmem:s17+$0xFFFFFEE0] =	vst v10;
	v33 =	vpop (erf)  }
0x31c: {  	[tilespmem:s1+$0xFFFFFF30] =	vst v62;
	v17 =	vmul.f32 v26, v63;
	v22 =	vld [tilespmem:s16+$0xFFFFFEB0];
	v34 =	vpop (erf);
	(erf) = vpow2.f32 v19  }
0x31d: {  	[tilespmem:s1+$0xFFFFFE30] =	vst v24;
	v35 =	vld [tilespmem:s0+$0xFFFFFEB0]  }
0x31e: {  	v17 =	vmul.f32 $1.442695020e+00, v17;
	[tilespmem:s17+$0xFFFFFF20] =	vst v29;
	v12 =	vmul.f32 v29, v12  }
0x31f: {  	[tilespmem:s17+$0xFFFFFFA0] =	vst v30;
	v11 =	vmul.f32 v30, v11;
	v36 =	vpop (erf)  }
0x320: {  	[tilespmem:s17+$0xFFFFFF60] =	vst v12;
	(erf) = vpow2.f32 v17;
	v37 =	vpop (erf)  }
0x321: {  	[tilespmem:s17+$0xFFFFFFE0] =	vst v11;
	v38 =	vld [tilespmem:s16+$0xFFFFFF30];
	v39 =	vmul.f32 v37, v58  }
0x322: {  	v4 =	vmul.f32 v62, v4;
	v40 =	vld [tilespmem:s0+$0xFFFFFF30];
	v41 =	vmul.f32 v35, v22;
	[tilespmem:s17+$0xFFFFFE20] =	vst v37  }
0x323: {  	v42 =	vld [tilespmem:s16+$0xFFFFFFB0];
	[tilespmem:s17+$0xFFFFFE60] =	vst v39  }
0x324: {  	[tilespmem:s1+$0xFFFFFF70] =	vst v4;
	v44 =	vmul.f32 v32, v9;
	v12 =	vmul.f32 $1.442695020e+00, v41;
	v43 =	vld [tilespmem:s16+$0xFFFFFE30]  }
0x325: {  	[tilespmem:s17+$0x20] =	vst v32;
	v46 =	vpop (erf);
	v17 =	vld [tilespmem:s0+$0xFFFFFE30]  }
0x326: {  	v45 =	vld [tilespmem:s0+$0xFFFFFFB0];
	[tilespmem:s17+$0x60] =	vst v44;
	(erf) = vpow2.f32 v12;
	v48 =	vmul.f32 v46, v61  }
0x327: {  	v7 =	vmul.f32 v24, v7;
	v49 =	vld [tilespmem:s16+$0x30];
	v11 =	vmul.f32 v40, v38;
	[tilespmem:s17+$0xA0] =	vst v46  }
0x328: {  	v51 =	vld [tilespmem:s0+$0x30];
	[tilespmem:s17+$0xE0] =	vst v48  }
0x329: {  	[tilespmem:s1+$0xFFFFFE70] =	vst v7;
	v52 =	vmul.f32 $1.442695020e+00, v11;
	v54 =	vld [tilespmem:s16+$0xB0];
	v47 =	vpop (erf)  }
0x32a: {  	[tilespmem:s1+$0xFFFFFFB0] =	vst v28;
	v55 =	vld [tilespmem:s0+$0xB0];
	v50 =	vmul.f32 v47, v26;
	v2 =	vmul.f32 v17, v43  }
0x32b: {  	v5 =	vmul.f32 v28, v5;
	(erf) = vpow2.f32 v52;
	[tilespmem:s17+$0x120] =	vst v47  }
0x32c: {  	v53 =	vmul.f32 v45, v42;
	[tilespmem:s17+$0x160] =	vst v50;
	v2 =	vmul.f32 $1.442695020e+00, v2  }
0x32d: {  	[tilespmem:s1+$0xFFFFFFF0] =	vst v5;
	v6 =	vmul.f32 v31, v6;
	v57 =	vmul.f32 v51, v49;
	v56 =	vld [tilespmem:s16+$0x130]  }
0x32e: {  	[tilespmem:s1+$0x30] =	vst v31;
	v1 =	vmul.f32 $1.442695020e+00, v53;
	(erf) = vpow2.f32 v2;
	v2 =	vld [tilespmem:s0+$0x130]  }
0x32f: {  	[tilespmem:s1+$0x70] =	vst v6;
	v6 =	vmul.f32 $1.442695020e+00, v57;
	v59 =	vpop (erf);
	v9 =	vmul.f32 v55, v54  }
0x330: {  	[tilespmem:s1+$0xB0] =	vst v33;
	(erf) = vpow2.f32 v1;
	v1 =	vmul.f32 v59, v35  }
0x331: {  	v3 =	vmul.f32 v33, v3;
	[tilespmem:s1+$0x130] =	vst v34  }
0x332: {  	(erf) = vpow2.f32 v6;
	[tilespmem:s17+$0xFFFFFEF0] =	vst v1;
	v1 =	vmul.f32 $1.442695020e+00, v9  }
0x333: {  	[tilespmem:s1+$0xF0] =	vst v3;
	v58 =	vmul.f32 v36, v14;
	v60 =	vmul.f32 v2, v56  }
0x334: {  	[tilespmem:s17+$0x1B0] =	vst v36;
	v61 =	vpop (erf);
	(erf) = vpow2.f32 v1  }
0x335: {  	[tilespmem:s17+$0x1F0] =	vst v58;
	v1 =	vmul.f32 v61, v40;
	v3 =	vmul.f32 $1.442695020e+00, v60  }
0x336: {  	[tilespmem:s17+$0xFFFFFEB0] =	vst v59  }
0x337: {  	[tilespmem:s17+$0xFFFFFF30] =	vst v61;
	v62 =	vpop (erf);
	(erf) = vpow2.f32 v3  }
0x338: {  	[tilespmem:s17+$0xFFFFFF70] =	vst v1;
	v3 =	vmul.f32 v62, v17  }
0x339: {  	[tilespmem:s17+$0xFFFFFE30] =	vst v62;
	v1 =	vpop (erf)  }
0x33a: {  	[tilespmem:s17+$0xFFFFFE70] =	vst v3;
	v3 =	vmul.f32 v1, v45  }
0x33b: {  	[tilespmem:s17+$0xFFFFFFB0] =	vst v1;
	v63 =	vpop (erf);
	v1 =	vmul.f32 v34, v8  }
0x33c: {  	[tilespmem:s17+$0xFFFFFFF0] =	vst v3;
	v3 =	vmul.f32 v63, v51  }
0x33d: {  	[tilespmem:s17+$0x30] =	vst v63  }
0x33e: {  	[tilespmem:s1+$0x170] =	vst v1  }
0x33f: {  	[tilespmem:s17+$0x70] =	vst v3;
	v1 =	vpop (erf)  }
0x340: {  	[tilespmem:s17+$0xB0] =	vst v1;
	v1 =	vmul.f32 v1, v55;
	v3 =	vpop (erf)  }
0x341: {  	[tilespmem:s17+$0x130] =	vst v3;
	v2 =	vmul.f32 v3, v2  }
0x342: {  	[tilespmem:s17+$0xF0] =	vst v1  }
0x343: {  	s9 =	simm.s32 $0x1A600;
	s16 =	rddreg [dreg:$0x1];
	[tilespmem:s17+$0x170] =	vst v2  }
0x344: {  	[spmem:s16] =	stream.indirect.scatter.add.f32 [tilespmem:s30], [sflag:$0x8], $0x80, s9, s21, $0xb8;
	[tilespmem:$0x1EB00] =	vst v63  }
0x345: {  	_ =	swait.ge [sflag:s26], $0x2000  }
0x346: {  	s17 =	rddreg [dreg:$0xd]  }
0x347: {  	s0 =	sadd.s32 s22, s17  }
0x348: {  	[sflag:s26] =	ssyncset.done $0x0;
	s0 =	sshrl.u32 s0, $0x3  }
0x349: {  	[sflag:s26] =	ssyncadd.s32 $0xFFFFE000;
	s17 =	simm.s32 $0x1A580;
	s24 =	sadd.s32 s5, s0  }
0x34a: {  	[tilespmem:s17], [sflag:$0x3] =	stream.linear.gather [hbm4b:s24+s2], $0x40, $0x38;
	[tilespmem:$0x1EB00] =	vst v63  }
0x34b: {  	s31 =	sadd.s32 s6, s0  }
0x34c: {  	[tilespmem:s9], [sflag:$0x4] =	stream.linear.gather [hbm4b:s31+s2], $0x40, $0x38;
	[tilespmem:$0x1EB00] =	vst v63  }
0x34d: {  	s1 =	simm.s32 $0x1A680;
	s0 =	sadd.s32 s7, s0  }
0x34e: {  	[tilespmem:s1], [sflag:$0x5] =	stream.linear.gather [hbm4b:s0+s2], $0x40, $0x38;
	[tilespmem:$0x1EB00] =	vst v63  }
0x34f: {  	_ =	swait.ge [sflag:s3], $0x40  }
0x350: {  	[sflag:s3] =	ssyncset.done $0x0  }
0x351: {  	s18 =	sadd.s32 $0x1, s18;
	[sflag:s3] =	ssyncadd.s32 $0xFFFFFFC0  }
0x352: {  	p1 =	sne.s32 s18, $0x9D;
	_ =	swait.ge [sflag:s19], $0x40  }
.Ltmp3:
0x353: {  	[sflag:s19] =	ssyncset.done $0x0;
	(pc) =	sbr.rel @p1 .LBB2_5-.Ltmp3, $4  }
0x354: {  	[sflag:s19] =	ssyncadd.s32 $0xFFFFFFC0  }
0x355: {  	_ =	swait.ge [sflag:s20], $0x40  }
0x356: {  	[sflag:s20] =	ssyncset.done $0x0  }
0x357: {  	s22 =	simm.s32 $0x1A600;
	[sflag:s20] =	ssyncadd.s32 $0xFFFFFFC0  }
0x358: {  	s0 =	simm.s32 $0x1  }
0x359: {  	_ =	swait.ge [sflag:s0], $0x2000  }
0x35a: {  	[sflag:s0] =	ssyncset.done $0x0  }
0x35b: {  	[sflag:s0] =	ssyncadd.s32 $0xFFFFE000  }
0x35c: {  	_ =	swait.ge [sflag:s12], $0x2000  }
0x35d: {  	s9 =	sld [smem:$0x7EB]  }
0x35e: {  	[sflag:s12] =	ssyncset.done $0x0  }
0x35f: {  	[sflag:s12] =	ssyncadd.s32 $0xFFFFE000  }
0x360: {  	s1 =	rddreg [dreg:$0x3];
	[bflag:$0x0] =	sbarrier.arrive $0xFFFF;
	s0 =	sshll.u32 s9, $0x1  }
0x361: {  	s18 =	rddreg [dreg:$0x5];
	s0 =	sor.u32 s1, s0  }
0x362: {  	s10 =	rddreg [dreg:$0xe];
	s0 =	smul.u32 $0x2800, s0  }
0x363: {  	[tilespmem:s30], [sflag:$0x8] =	stream.linear.gather [spmem:s18], $0x2000, $0x38;
	[tilespmem:$0x1EB00] =	vst v63  }
0x364: {  	_ =	swait.ge [sflag:s26], $0x2000;
	s0 =	sadd.s32 s10, s0  }
0x365: {  	[sflag:s26] =	ssyncset.done $0x0;
	s11 =	rddreg [dreg:$0x14];
	s1 =	sshll.u32 s0, $0x4  }
0x366: {  	[sflag:s26] =	ssyncadd.s32 $0xFFFFE000;
	s0 =	simm.s32 $0x0;
	s9 =	sadd.s32 s11, s1  }
0x367: {  	[hbm4b:s9+s0] =	stream.linear.scatter [tilespmem:s30], [sflag:$0x8], $0x2000, $0x38;
	[tilespmem:$0x1EB00] =	vst v63  }
0x368: {  	_ =	swait.ge [sflag:s26], $0x2000  }
0x369: {  	s24 =	sld [smem:$0x7F6]  }
0x36a: {  	[sflag:s26] =	ssyncset.done $0x0  }
0x36b: {  	[sflag:s26] =	ssyncadd.s32 $0xFFFFE000  }
0x36c: {  	[tilespmem:s30], [sflag:$0x8] =	stream.linear.gather [spmem:s24], $0x2000, $0x38;
	[tilespmem:$0x1EB00] =	vst v63  }
0x36d: {  	_ =	swait.ge [sflag:s26], $0x2000  }
0x36e: {  	[sflag:s26] =	ssyncset.done $0x0  }
0x36f: {  	s9 =	sadd.s32 $0x400, s9;
	[sflag:s26] =	ssyncadd.s32 $0xFFFFE000  }
0x370: {  	[hbm4b:s9+s0] =	stream.linear.scatter [tilespmem:s30], [sflag:$0x8], $0x2000, $0x38;
	[tilespmem:$0x1EB00] =	vst v63  }
0x371: {  	_ =	swait.ge [sflag:s26], $0x2000  }
0x372: {  	s28 =	sld [smem:$0x7F7]  }
0x373: {  	[sflag:s26] =	ssyncset.done $0x0  }
0x374: {  	[sflag:s26] =	ssyncadd.s32 $0xFFFFE000  }
0x375: {  	[tilespmem:s30], [sflag:$0x8] =	stream.linear.gather [spmem:s28], $0x2000, $0x38;
	[tilespmem:$0x1EB00] =	vst v63  }
0x376: {  	_ =	swait.ge [sflag:s26], $0x2000  }
0x377: {  	[sflag:s26] =	ssyncset.done $0x0;
	s15 =	rddreg [dreg:$0x18]  }
0x378: {  	[sflag:s26] =	ssyncadd.s32 $0xFFFFE000;
	s9 =	sadd.s32 s15, s1  }
0x379: {  	[hbm4b:s9+s0] =	stream.linear.scatter [tilespmem:s30], [sflag:$0x8], $0x2000, $0x38;
	[tilespmem:$0x1EB00] =	vst v63  }
0x37a: {  	_ =	swait.ge [sflag:s26], $0x2000  }
0x37b: {  	s29 =	sld [smem:$0x7F8]  }
0x37c: {  	[sflag:s26] =	ssyncset.done $0x0  }
0x37d: {  	[sflag:s26] =	ssyncadd.s32 $0xFFFFE000  }
0x37e: {  	[tilespmem:s30], [sflag:$0x8] =	stream.linear.gather [spmem:s29], $0x2000, $0x38;
	[tilespmem:$0x1EB00] =	vst v63  }
0x37f: {  	_ =	swait.ge [sflag:s26], $0x2000  }
0x380: {  	[sflag:s26] =	ssyncset.done $0x0;
	s16 =	rddreg [dreg:$0x16]  }
0x381: {  	[sflag:s26] =	ssyncadd.s32 $0xFFFFE000;
	s9 =	sadd.s32 s16, s1  }
0x382: {  	[hbm4b:s9+s0] =	stream.linear.scatter [tilespmem:s30], [sflag:$0x8], $0x2000, $0x38;
	[tilespmem:$0x1EB00] =	vst v63  }
0x383: {  	_ =	swait.ge [sflag:s26], $0x2000  }
0x384: {  	s31 =	sld [smem:$0x7F9]  }
0x385: {  	[sflag:s26] =	ssyncset.done $0x0  }
0x386: {  	[sflag:s26] =	ssyncadd.s32 $0xFFFFE000  }
0x387: {  	[tilespmem:s30], [sflag:$0x8] =	stream.linear.gather [spmem:s31], $0x2000, $0x38;
	[tilespmem:$0x1EB00] =	vst v63  }
0x388: {  	_ =	swait.ge [sflag:s26], $0x2000  }
0x389: {  	[sflag:s26] =	ssyncset.done $0x0;
	s10 =	rddreg [dreg:$0x17]  }
0x38a: {  	[sflag:s26] =	ssyncadd.s32 $0xFFFFE000;
	s9 =	sadd.s32 s10, s1  }
0x38b: {  	[hbm4b:s9+s0] =	stream.linear.scatter [tilespmem:s30], [sflag:$0x8], $0x2000, $0x38;
	[tilespmem:$0x1EB00] =	vst v63  }
0x38c: {  	_ =	swait.ge [sflag:s26], $0x2000  }
0x38d: {  	s10 =	sld [smem:$0x7FA]  }
0x38e: {  	[sflag:s26] =	ssyncset.done $0x0  }
0x38f: {  	[sflag:s26] =	ssyncadd.s32 $0xFFFFE000  }
0x390: {  	[tilespmem:s30], [sflag:$0x8] =	stream.linear.gather [spmem:s10], $0x2000, $0x38;
	[tilespmem:$0x1EB00] =	vst v63  }
0x391: {  	_ =	swait.ge [sflag:s26], $0x2000  }
0x392: {  	[sflag:s26] =	ssyncset.done $0x0;
	s11 =	rddreg [dreg:$0x19]  }
0x393: {  	[sflag:s26] =	ssyncadd.s32 $0xFFFFE000;
	s9 =	sadd.s32 s11, s1  }
0x394: {  	[hbm4b:s9+s0] =	stream.linear.scatter [tilespmem:s30], [sflag:$0x8], $0x2000, $0x38;
	[tilespmem:$0x1EB00] =	vst v63  }
0x395: {  	_ =	swait.ge [sflag:s26], $0x2000  }
0x396: {  	s11 =	sld [smem:$0x7FB]  }
0x397: {  	[sflag:s26] =	ssyncset.done $0x0  }
0x398: {  	[sflag:s26] =	ssyncadd.s32 $0xFFFFE000  }
0x399: {  	[tilespmem:s30], [sflag:$0x8] =	stream.linear.gather [spmem:s11], $0x2000, $0x38;
	[tilespmem:$0x1EB00] =	vst v63  }
0x39a: {  	_ =	swait.ge [sflag:s26], $0x2000  }
0x39b: {  	[sflag:s26] =	ssyncset.done $0x0;
	s15 =	rddreg [dreg:$0x1a]  }
0x39c: {  	[sflag:s26] =	ssyncadd.s32 $0xFFFFE000;
	s9 =	sadd.s32 s15, s1  }
0x39d: {  	[hbm4b:s9+s0] =	stream.linear.scatter [tilespmem:s30], [sflag:$0x8], $0x2000, $0x38;
	[tilespmem:$0x1EB00] =	vst v63  }
0x39e: {  	_ =	swait.ge [sflag:s26], $0x2000  }
0x39f: {  	s15 =	sld [smem:$0x7FC]  }
0x3a0: {  	[sflag:s26] =	ssyncset.done $0x0  }
0x3a1: {  	[sflag:s26] =	ssyncadd.s32 $0xFFFFE000  }
0x3a2: {  	[tilespmem:s30], [sflag:$0x8] =	stream.linear.gather [spmem:s15], $0x2000, $0x38;
	[tilespmem:$0x1EB00] =	vst v63  }
0x3a3: {  	_ =	swait.ge [sflag:s26], $0x2000  }
0x3a4: {  	[sflag:s26] =	ssyncset.done $0x0;
	s16 =	rddreg [dreg:$0x1b]  }
0x3a5: {  	[sflag:s26] =	ssyncadd.s32 $0xFFFFE000;
	s9 =	sadd.s32 s16, s1  }
0x3a6: {  	[hbm4b:s9+s0] =	stream.linear.scatter [tilespmem:s30], [sflag:$0x8], $0x2000, $0x38;
	[tilespmem:$0x1EB00] =	vst v63  }
0x3a7: {  	_ =	swait.ge [sflag:s26], $0x2000  }
0x3a8: {  	s16 =	sld [smem:$0x7FD]  }
0x3a9: {  	[sflag:s26] =	ssyncset.done $0x0  }
0x3aa: {  	[sflag:s26] =	ssyncadd.s32 $0xFFFFE000  }
0x3ab: {  	[tilespmem:s30], [sflag:$0x8] =	stream.linear.gather [spmem:s16], $0x2000, $0x38;
	[tilespmem:$0x1EB00] =	vst v63  }
0x3ac: {  	_ =	swait.ge [sflag:s26], $0x2000  }
0x3ad: {  	[sflag:s26] =	ssyncset.done $0x0;
	s9 =	rddreg [dreg:$0x1c]  }
0x3ae: {  	[sflag:s26] =	ssyncadd.s32 $0xFFFFE000;
	s9 =	sadd.s32 s9, s1  }
0x3af: {  	[hbm4b:s9+s0] =	stream.linear.scatter [tilespmem:s30], [sflag:$0x8], $0x2000, $0x38;
	[tilespmem:$0x1EB00] =	vst v63  }
0x3b0: {  	_ =	swait.ge [sflag:s26], $0x2000  }
0x3b1: {  	s9 =	sld [smem:$0x7F5]  }
0x3b2: {  	[sflag:s26] =	ssyncset.done $0x0  }
0x3b3: {  	[sflag:s26] =	ssyncadd.s32 $0xFFFFE000  }
0x3b4: {  	[tilespmem:s30], [sflag:$0x8] =	stream.linear.gather [spmem:s9], $0x2000, $0x38;
	[tilespmem:$0x1EB00] =	vst v63  }
0x3b5: {  	_ =	swait.ge [sflag:s26], $0x2000  }
0x3b6: {  	[sflag:s26] =	ssyncset.done $0x0;
	s9 =	rddreg [dreg:$0x1d]  }
0x3b7: {  	[sflag:s26] =	ssyncadd.s32 $0xFFFFE000;
	s1 =	sadd.s32 s9, s1  }
0x3b8: {  	[hbm4b:s1+s0] =	stream.linear.scatter [tilespmem:s30], [sflag:$0x8], $0x2000, $0x38;
	[tilespmem:$0x1EB00] =	vst v63  }
.Ltmp4:
0x3b9: {  	_ =	swait.ge [sflag:s26], $0x2000;
	(pc) =	sbr.rel @p0 .LBB2_2-.Ltmp4, $4  }
0x3ba: {  	[sflag:s26] =	ssyncset.done $0x0  }
0x3bb: {  	[sflag:s26] =	ssyncadd.s32 $0xFFFFE000  }
0x3bc: {  	[bflag:$0x0] =	sbarrier.arrive $0xFFFF  }
0x3bd: {  	p1 =	por $0x0, $0x0;
	s9 =	simm.s32 $0x1  }
0x3be: {  	s1 =	sshra.s32 s0, $0x2;
	s0 =	sadd.s32 $0x200, s0  }
.LBB2_12:
0x3bf: {  	p0 =	seq.s32 s0, $0x7E00;
	[tilespmem:s1+$0x45F0] =	vst v0  }
0x3c0: {  	[tilespmem:s1+$0x4580] =	vst v0  }
0x3c1: {  	[tilespmem:s1+$0x4590] =	vst v0  }
.Ltmp5:
0x3c2: {  	[tilespmem:s1+$0x45A0] =	vst v0;
	(pc) =	sbr.rel @!p0 .LBB2_12-.Ltmp5, $4  }
0x3c3: {  	[tilespmem:s1+$0x45B0] =	vst v0  }
0x3c4: {  	[tilespmem:s1+$0x45C0] =	vst v0  }
0x3c5: {  	[tilespmem:s1+$0x45D0] =	vst v0  }
0x3c6: {  	[tilespmem:s1+$0x45E0] =	vst v0;
	s1 =	sshra.s32 s0, $0x2;
	s0 =	sadd.s32 $0x200, s0  }
0x3c7: {  	[tilespmem:s1+$0x45F0] =	vst v0  }
0x3c8: {  	[tilespmem:s1+$0x4580] =	vst v0  }
0x3c9: {  	[tilespmem:s1+$0x4590] =	vst v0  }
0x3ca: {  	[tilespmem:s1+$0x45A0] =	vst v0  }
0x3cb: {  	[tilespmem:s1+$0x45B0] =	vst v0  }
0x3cc: {  	[tilespmem:s1+$0x45C0] =	vst v0  }
0x3cd: {  	[tilespmem:s1+$0x45D0] =	vst v0  }
0x3ce: {  	[tilespmem:s1+$0x45E0] =	vst v0  }
0x3cf: {  	[spmem:s18] =	stream.linear.scatter [tilespmem:s30], [sflag:$0x8], $0x2000, $0x38;
	[tilespmem:$0x1EB00] =	vst v63  }
0x3d0: {  	s17 =	rddreg [dreg:$0x13];
	_ =	swait.ge [sflag:s26], $0x2000  }
0x3d1: {  	[sflag:s26] =	ssyncset.done $0x0  }
0x3d2: {  	[sflag:s26] =	ssyncadd.s32 $0xFFFFE000  }
0x3d3: {  	[spmem:s24] =	stream.linear.scatter [tilespmem:s30], [sflag:$0x8], $0x2000, $0x38;
	[tilespmem:$0x1EB00] =	vst v63  }
0x3d4: {  	_ =	swait.ge [sflag:s26], $0x2000  }
0x3d5: {  	[sflag:s26] =	ssyncset.done $0x0  }
0x3d6: {  	[sflag:s26] =	ssyncadd.s32 $0xFFFFE000  }
0x3d7: {  	[spmem:s28] =	stream.linear.scatter [tilespmem:s30], [sflag:$0x8], $0x2000, $0x38;
	[tilespmem:$0x1EB00] =	vst v63  }
0x3d8: {  	_ =	swait.ge [sflag:s26], $0x2000  }
0x3d9: {  	[sflag:s26] =	ssyncset.done $0x0  }
0x3da: {  	[sflag:s26] =	ssyncadd.s32 $0xFFFFE000  }
0x3db: {  	[spmem:s29] =	stream.linear.scatter [tilespmem:s30], [sflag:$0x8], $0x2000, $0x38;
	[tilespmem:$0x1EB00] =	vst v63  }
0x3dc: {  	_ =	swait.ge [sflag:s26], $0x2000  }
0x3dd: {  	[sflag:s26] =	ssyncset.done $0x0  }
0x3de: {  	[sflag:s26] =	ssyncadd.s32 $0xFFFFE000  }
0x3df: {  	[spmem:s31] =	stream.linear.scatter [tilespmem:s30], [sflag:$0x8], $0x2000, $0x38;
	[tilespmem:$0x1EB00] =	vst v63  }
0x3e0: {  	_ =	swait.ge [sflag:s26], $0x2000  }
0x3e1: {  	[sflag:s26] =	ssyncset.done $0x0  }
0x3e2: {  	[sflag:s26] =	ssyncadd.s32 $0xFFFFE000  }
0x3e3: {  	[spmem:s10] =	stream.linear.scatter [tilespmem:s30], [sflag:$0x8], $0x2000, $0x38;
	[tilespmem:$0x1EB00] =	vst v63  }
0x3e4: {  	_ =	swait.ge [sflag:s26], $0x2000  }
0x3e5: {  	[sflag:s26] =	ssyncset.done $0x0  }
0x3e6: {  	[sflag:s26] =	ssyncadd.s32 $0xFFFFE000  }
0x3e7: {  	[spmem:s11] =	stream.linear.scatter [tilespmem:s30], [sflag:$0x8], $0x2000, $0x38;
	[tilespmem:$0x1EB00] =	vst v63  }
0x3e8: {  	_ =	swait.ge [sflag:s26], $0x2000  }
0x3e9: {  	[sflag:s26] =	ssyncset.done $0x0  }
0x3ea: {  	[sflag:s26] =	ssyncadd.s32 $0xFFFFE000  }
0x3eb: {  	[spmem:s15] =	stream.linear.scatter [tilespmem:s30], [sflag:$0x8], $0x2000, $0x38;
	[tilespmem:$0x1EB00] =	vst v63  }
0x3ec: {  	_ =	swait.ge [sflag:s26], $0x2000  }
0x3ed: {  	[sflag:s26] =	ssyncset.done $0x0  }
0x3ee: {  	[sflag:s26] =	ssyncadd.s32 $0xFFFFE000  }
0x3ef: {  	[spmem:s16] =	stream.linear.scatter [tilespmem:s30], [sflag:$0x8], $0x2000, $0x38;
	[tilespmem:$0x1EB00] =	vst v63  }
0x3f0: {  	_ =	swait.ge [sflag:s26], $0x2000  }
0x3f1: {  	s0 =	sld [smem:$0x7F5]  }
0x3f2: {  	[sflag:s26] =	ssyncset.done $0x0  }
0x3f3: {  	[sflag:s26] =	ssyncadd.s32 $0xFFFFE000  }
0x3f4: {  	[spmem:s0] =	stream.linear.scatter [tilespmem:s30], [sflag:$0x8], $0x2000, $0x38;
	[tilespmem:$0x1EB00] =	vst v63  }
0x3f5: {  	_ =	swait.ge [sflag:s26], $0x2000  }
0x3f6: {  	[sflag:s26] =	ssyncset.done $0x0  }
0x3f7: {  	[sflag:s26] =	ssyncadd.s32 $0xFFFFE000  }
0x3f8: {  	[bflag:$0x0] =	sbarrier.arrive $0xFFFF  }
0x3f9: {  	s1 =	simm.s32 $0x0;
	s10 =	rddreg [dreg:$0x6]  }
0x3fa: {  	[tilespmem:s1], [sflag:$0x3] =	stream.linear.gather [hbm4b:s10+s1], $0x40, $0x38;
	[tilespmem:$0x1EB00] =	vst v63  }
0x3fb: {  	s11 =	rddreg [dreg:$0x7]  }
0x3fc: {  	[tilespmem:s8], [sflag:$0x4] =	stream.linear.gather [hbm4b:s11+s1], $0x40, $0x38;
	[tilespmem:$0x1EB00] =	vst v63  }
0x3fd: {  	s16 =	simm.s32 $0x4180;
	s15 =	rddreg [dreg:$0xf]  }
0x3fe: {  	[tilespmem:s16], [sflag:$0x1] =	stream.linear.gather [hbm4b:s15+s1], $0x400, $0x38;
	[tilespmem:$0x1EB00] =	vst v63  }
0x3ff: {  	_ =	swait.ge [sflag:s3], $0x40  }
0x400: {  	[sflag:s3] =	ssyncset.done $0x0  }
0x401: {  	[sflag:s3] =	ssyncadd.s32 $0xFFFFFFC0  }
0x402: {  	_ =	swait.ge [sflag:s19], $0x40  }
0x403: {  	[sflag:s19] =	ssyncset.done $0x0  }
0x404: {  	[sflag:s19] =	ssyncadd.s32 $0xFFFFFFC0  }
0x405: {  	_ =	swait.ge [sflag:s4], $0x400  }
0x406: {  	[sflag:s4] =	ssyncset.done $0x0  }
0x407: {  	s9 =	simm.s32 $0x180;
	[sflag:s4] =	ssyncadd.s32 $0xFFFFFC00  }
0x408: {  	[tilespmem:s9], [sflag:$0x1] =	stream.indirect.gather [hbm4b:s17+s21], $0x80, s1, s21, $0xb8;
	[tilespmem:$0x1EB00] =	vst v63  }
0x409: {  	s11 =	simm.s32 $0x1A580;
	s10 =	rddreg [dreg:$0x10]  }
0x40a: {  	[tilespmem:s11], [sflag:$0x5] =	stream.linear.gather [hbm4b:s10+s1], $0x40, $0x38;
	[tilespmem:$0x1EB00] =	vst v63  }
0x40b: {  	s15 =	rddreg [dreg:$0x11]  }
0x40c: {  	[tilespmem:s22], [sflag:$0x6] =	stream.linear.gather [hbm4b:s15+s1], $0x40, $0x38;
	[tilespmem:$0x1EB00] =	vst v63  }
0x40d: {  	s16 =	rddreg [dreg:$0x12];
	s9 =	simm.s32 $0x1E700  }
0x40e: {  	[tilespmem:s9], [sflag:$0x2] =	stream.linear.gather [hbm4b:s16+s1], $0x400, $0x38;
	[tilespmem:$0x1EB00] =	vst v63  }
0x40f: {  	_ =	swait.ge [sflag:s20], $0x40  }
0x410: {  	[sflag:s20] =	ssyncset.done $0x0  }
0x411: {  	[sflag:s20] =	ssyncadd.s32 $0xFFFFFFC0  }
0x412: {  	_ =	swait.ge [sflag:s13], $0x40  }
0x413: {  	[sflag:s13] =	ssyncset.done $0x0  }
0x414: {  	[sflag:s13] =	ssyncadd.s32 $0xFFFFFFC0  }
0x415: {  	_ =	swait.ge [sflag:s12], $0x400  }
0x416: {  	[sflag:s12] =	ssyncset.done $0x0  }
0x417: {  	s22 =	simm.s32 $0x1A700;
	[sflag:s12] =	ssyncadd.s32 $0xFFFFFC00  }
0x418: {  	[tilespmem:s22], [sflag:$0x2] =	stream.indirect.gather [hbm4b:s17+s21], $0x80, s11, s21, $0xb8;
	[tilespmem:$0x1EB00] =	vst v63  }
.LBB2_14:
0x419: {  	_ =	swait.ge [sflag:s4], $0x2000  }
0x41a: {  	[sflag:s4] =	ssyncset.done $0x0  }
0x41b: {  	s0 =	simm.s32 $0x380;
	[sflag:s4] =	ssyncadd.s32 $0xFFFFE000  }
0x41c: {  	s9 =	simm.s32 $0x41C0;
	v1 =	vld [tilespmem:s0+$0x180]  }
0x41d: {  	v2 =	vld [tilespmem:s9+$0x30]  }
0x41e: {  	v6 =	vld [tilespmem:s9+$0xFFFFFFC0]  }
0x41f: {  	v3 =	vld [tilespmem:s0+$0xFFFFFE80]  }
0x420: {  	v4 =	vld [tilespmem:s9+$0xFFFFFFD0]  }
0x421: {  	v5 =	vld [tilespmem:s0+$0xFFFFFF00]  }
0x422: {  	v7 =	vld [tilespmem:s9+$0xFFFFFFE0]  }
0x423: {  	v8 =	vld [tilespmem:s0+$0xFFFFFF80]  }
0x424: {  	v9 =	vld [tilespmem:s9+$0xFFFFFFF0]  }
0x425: {  	v10 =	vld [tilespmem:s0+$0x0];
	v1 =	vmul.f32 v2, v1  }
0x426: {  	v11 =	vld [tilespmem:s9+$0x0]  }
0x427: {  	v13 =	vld [tilespmem:s9+$0x10];
	v1 =	vmul.f32 $1.442695020e+00, v1  }
0x428: {  	v14 =	vld [tilespmem:s0+$0x100]  }
0x429: {  	s22 =	simm.s32 $0x780;
	v12 =	vld [tilespmem:s9+$0x20];
	v3 =	vmul.f32 v4, v3;
	(erf) = vpow2.f32 v1  }
0x42a: {  	s10 =	simm.s32 $0x4240;
	v15 =	vld [tilespmem:s22+$0x180]  }
0x42b: {  	v16 =	vld [tilespmem:s10+$0x30];
	v5 =	vmul.f32 v7, v5;
	v3 =	vmul.f32 $1.442695020e+00, v3  }
0x42c: {  	v8 =	vmul.f32 v9, v8;
	v1 =	vld [tilespmem:s0+$0x80]  }
0x42d: {  	v5 =	vmul.f32 $1.442695020e+00, v5;
	(erf) = vpow2.f32 v3;
	v3 =	vld [tilespmem:s0+$0xFFFFFE00]  }
0x42e: {  	v10 =	vmul.f32 v11, v10;
	v14 =	vmul.f32 v12, v14  }
0x42f: {  	v18 =	vld [tilespmem:s10+$0xFFFFFFD0];
	v8 =	vmul.f32 $1.442695020e+00, v8;
	(erf) = vpow2.f32 v5  }
0x430: {  	v19 =	vld [tilespmem:s22+$0xFFFFFF00];
	v15 =	vmul.f32 v16, v15;
	v10 =	vmul.f32 $1.442695020e+00, v10  }
0x431: {  	v20 =	vld [tilespmem:s22+$0xFFFFFF80];
	(erf) = vpow2.f32 v8;
	v5 =	vmul.f32 v13, v1  }
0x432: {  	v14 =	vmul.f32 $1.442695020e+00, v14;
	v8 =	vld [tilespmem:s22+$0xFFFFFE80];
	v3 =	vmul.f32 v6, v3;
	v17 =	vpop (erf)  }
0x433: {  	v21 =	vld [tilespmem:s10+$0xFFFFFFF0];
	v5 =	vmul.f32 $1.442695020e+00, v5;
	v2 =	vmul.f32 v17, v2  }
0x434: {  	v3 =	vmul.f32 $1.442695020e+00, v3;
	(erf) = vpow2.f32 v10;
	v10 =	vld [tilespmem:s10+$0xFFFFFFE0]  }
0x435: {  	s0 =	simm.s32 $0x4780;
	v1 =	vld [tilespmem:s10+$0xFFFFFFC0];
	(erf) = vpow2.f32 v5  }
0x436: {  	v15 =	vmul.f32 $1.442695020e+00, v15;
	v5 =	vld [tilespmem:s10+$0x0];
	[tilespmem:s0+$0x180] =	vst v17;
	(erf) = vpow2.f32 v3  }
0x437: {  	v3 =	vmul.f32 v18, v8;
	v8 =	vld [tilespmem:s22+$0x0];
	[tilespmem:s0+$0x190] =	vst v2;
	v2 =	vpop (erf);
	(erf) = vpow2.f32 v14  }
0x438: {  	[tilespmem:s0+$0xFFFFFE80] =	vst v2;
	v14 =	vpop (erf);
	(erf) = vpow2.f32 v15;
	v2 =	vmul.f32 v2, v4;
	v15 =	vld [tilespmem:s22+$0x80]  }
0x439: {  	v19 =	vmul.f32 v10, v19;
	v4 =	vmul.f32 $1.442695020e+00, v3;
	v3 =	vld [tilespmem:s10+$0x10];
	[tilespmem:s0+$0xFFFFFF00] =	vst v14  }
0x43a: {  	v17 =	vpop (erf);
	v7 =	vmul.f32 v14, v7;
	v14 =	vmul.f32 v21, v20;
	v20 =	vld [tilespmem:s22+$0x100];
	[tilespmem:s0+$0xFFFFFE90] =	vst v2  }
0x43b: {  	v19 =	vmul.f32 $1.442695020e+00, v19;
	[tilespmem:s0+$0xFFFFFF80] =	vst v17;
	v2 =	vld [tilespmem:s10+$0x20]  }
0x43c: {  	v9 =	vmul.f32 v17, v9;
	v17 =	vmul.f32 v5, v8;
	s10 =	simm.s32 $0x42C0;
	[tilespmem:s0+$0xFFFFFF10] =	vst v7;
	v7 =	vld [tilespmem:s22+$0xFFFFFE00]  }
0x43d: {  	s15 =	simm.s32 $0xB80;
	(erf) = vpow2.f32 v4;
	v14 =	vmul.f32 $1.442695020e+00, v14;
	v8 =	vld [tilespmem:s10+$0x30]  }
0x43e: {  	v4 =	vpop (erf);
	[tilespmem:s0+$0xFFFFFF90] =	vst v9;
	v9 =	vld [tilespmem:s15+$0x180];
	(erf) = vpow2.f32 v19;
	v17 =	vmul.f32 $1.442695020e+00, v17  }
0x43f: {  	v11 =	vmul.f32 v4, v11;
	v19 =	vpop (erf);
	[tilespmem:s0+$0x0] =	vst v4;
	(erf) = vpow2.f32 v14  }
0x440: {  	v15 =	vmul.f32 v3, v15;
	v4 =	vld [tilespmem:s10+$0xFFFFFFC0];
	v22 =	vpop (erf);
	(erf) = vpow2.f32 v17;
	[tilespmem:s0+$0x80] =	vst v19  }
0x441: {  	v13 =	vmul.f32 v19, v13;
	v14 =	vmul.f32 v22, v6;
	[tilespmem:s0+$0x10] =	vst v11;
	v11 =	vld [tilespmem:s15+$0xFFFFFE80]  }
0x442: {  	v15 =	vmul.f32 $1.442695020e+00, v15;
	[tilespmem:s0+$0xFFFFFE00] =	vst v22;
	v6 =	vld [tilespmem:s10+$0xFFFFFFD0];
	v23 =	vpop (erf);
	v22 =	vmul.f32 v1, v7  }
0x443: {  	v20 =	vmul.f32 v2, v20;
	v7 =	vld [tilespmem:s10+$0xFFFFFFE0];
	[tilespmem:s0+$0x90] =	vst v13;
	v24 =	vpop (erf);
	v17 =	vmul.f32 v8, v9  }
0x444: {  	[tilespmem:s0+$0xFFFFFE10] =	vst v14;
	v14 =	vld [tilespmem:s15+$0xFFFFFF00];
	v16 =	vmul.f32 v24, v16;
	v22 =	vmul.f32 $1.442695020e+00, v22  }
0x445: {  	s9 =	simm.s32 $0x4B80;
	v20 =	vmul.f32 $1.442695020e+00, v20;
	(erf) = vpow2.f32 v15;
	[tilespmem:s0+$0x100] =	vst v23;
	v9 =	vld [tilespmem:s10+$0xFFFFFFF0]  }
0x446: {  	v25 =	vpop (erf);
	v15 =	vmul.f32 $1.442695020e+00, v17;
	[tilespmem:s9+$0x190] =	vst v16;
	v16 =	vld [tilespmem:s15+$0xFFFFFF80];
	(erf) = vpow2.f32 v22  }
0x447: {  	v13 =	vld [tilespmem:s10+$0x0];
	[tilespmem:s9+$0x180] =	vst v24;
	v18 =	vmul.f32 v25, v18;
	(erf) = vpow2.f32 v20  }
0x448: {  	[tilespmem:s9+$0xFFFFFE80] =	vst v25;
	v11 =	vmul.f32 v6, v11;
	v22 =	vld [tilespmem:s15+$0x0];
	v17 =	vpop (erf);
	(erf) = vpow2.f32 v15  }
0x449: {  	v14 =	vmul.f32 v7, v14;
	v15 =	vld [tilespmem:s15+$0x80];
	v20 =	vpop (erf);
	[tilespmem:s9+$0xFFFFFE90] =	vst v18;
	v18 =	vmul.f32 v17, v10  }
0x44a: {  	[tilespmem:s9+$0xFFFFFF00] =	vst v17;
	v19 =	vmul.f32 $1.442695020e+00, v11;
	v11 =	vld [tilespmem:s10+$0x10];
	v21 =	vmul.f32 v20, v21  }
0x44b: {  	v10 =	vld [tilespmem:s10+$0x20];
	[tilespmem:s9+$0xFFFFFF80] =	vst v20;
	v17 =	vmul.f32 $1.442695020e+00, v14;
	v16 =	vmul.f32 v9, v16  }
0x44c: {  	v14 =	vld [tilespmem:s15+$0x100];
	(erf) = vpow2.f32 v19;
	[tilespmem:s9+$0xFFFFFF10] =	vst v18;
	v19 =	vmul.f32 v23, v12  }
0x44d: {  	s11 =	simm.s32 $0x10;
	v12 =	vld [tilespmem:s15+$0xFFFFFE00];
	s15 =	simm.s32 $0xF80;
	v20 =	vmul.f32 v13, v22;
	[tilespmem:s9+$0xFFFFFF90] =	vst v21;
	v18 =	vpop (erf);
	v16 =	vmul.f32 $1.442695020e+00, v16  }
.LBB2_15:
0x44e: {  	v21 =	vld [tilespmem:s15+$0x180];
	s10 =	sadd.s32 $0x80, s10;
	(erf) = vpow2.f32 v17;
	v17 =	vmul.f32 v18, v5;
	v22 =	vpop (erf);
	[tilespmem:s0+$0x110] =	vst v19;
	v5 =	vmov v13;
	s0 =	smov.u32 s9  }
0x44f: {  	s11 =	sadd.s32 $0x8, s11;
	v13 =	vld [tilespmem:s10+$0x30];
	v19 =	vmul.f32 $1.442695020e+00, v20;
	v15 =	vmul.f32 v11, v15;
	[tilespmem:s9+$0x0] =	vst v18;
	v18 =	vpop (erf)  }
0x450: {  	p0 =	slt.u32 s11, $0x38;
	(erf) = vpow2.f32 v16;
	v16 =	vmul.f32 v18, v1;
	[tilespmem:s9+$0x10] =	vst v17;
	v20 =	vpop (erf);
	v1 =	vmov v4;
	v4 =	vld [tilespmem:s10+$0xFFFFFFC0]  }
0x451: {  	v17 =	vld [tilespmem:s15+$0xFFFFFE80];
	v15 =	vmul.f32 $1.442695020e+00, v15;
	v14 =	vmul.f32 v10, v14;
	v23 =	vpop (erf);
	[tilespmem:s9+$0xFFFFFE00] =	vst v18  }
0x452: {  	v18 =	vld [tilespmem:s10+$0xFFFFFFD0];
	v12 =	vmul.f32 v1, v12;
	v24 =	vmul.f32 v23, v8;
	[tilespmem:s9+$0xFFFFFE10] =	vst v16  }
0x453: {  	s9 =	sadd.s32 $0x400, s9;
	v16 =	vld [tilespmem:s15+$0xFFFFFF00];
	v14 =	vmul.f32 $1.442695020e+00, v14;
	(erf) = vpow2.f32 v19;
	[tilespmem:s0+$0x80] =	vst v22  }
0x454: {  	v19 =	vld [tilespmem:s10+$0xFFFFFFE0];
	v21 =	vmul.f32 v13, v21;
	v12 =	vmul.f32 $1.442695020e+00, v12;
	[tilespmem:s9+$0x190] =	vst v24;
	v8 =	vmov v13  }
0x455: {  	v13 =	vmul.f32 v22, v3;
	v3 =	vmov v11;
	v24 =	vld [tilespmem:s15+$0xFFFFFF80];
	v25 =	vpop (erf);
	(erf) = vpow2.f32 v15;
	[tilespmem:s0+$0x100] =	vst v20  }
0x456: {  	v22 =	vld [tilespmem:s10+$0xFFFFFFF0];
	v11 =	vmul.f32 $1.442695020e+00, v21;
	[tilespmem:s9+$0xFFFFFE80] =	vst v25;
	(erf) = vpow2.f32 v12  }
0x457: {  	v12 =	vmul.f32 v18, v17;
	v21 =	vld [tilespmem:s15+$0x0];
	v17 =	vpop (erf);
	(erf) = vpow2.f32 v14;
	[tilespmem:s0+$0x90] =	vst v13  }
0x458: {  	v14 =	vmul.f32 v25, v6;
	v6 =	vmov v18;
	v13 =	vld [tilespmem:s10+$0x0];
	(erf) = vpow2.f32 v11;
	[tilespmem:s9+$0xFFFFFF00] =	vst v17  }
.Ltmp6:
0x459: {  	v12 =	vmul.f32 $1.442695020e+00, v12;
	v16 =	vmul.f32 v19, v16;
	v15 =	vld [tilespmem:s15+$0x80];
	[tilespmem:s9+$0x180] =	vst v23;
	v18 =	vpop (erf);
	(pc) =	sbr.rel @p0 .LBB2_15-.Ltmp6, $4  }
0x45a: {  	v23 =	vmul.f32 v17, v7;
	v7 =	vmov v19;
	v11 =	vld [tilespmem:s10+$0x10];
	[tilespmem:s9+$0xFFFFFE90] =	vst v14;
	v25 =	vmul.f32 v18, v9  }
0x45b: {  	v17 =	vmul.f32 $1.442695020e+00, v16;
	v16 =	vmul.f32 v22, v24;
	v14 =	vld [tilespmem:s15+$0x100];
	[tilespmem:s9+$0xFFFFFF80] =	vst v18;
	v9 =	vmov v22  }
0x45c: {  	v19 =	vmul.f32 v20, v2;
	v2 =	vmov v10;
	(erf) = vpow2.f32 v12;
	[tilespmem:s9+$0xFFFFFF10] =	vst v23;
	v18 =	vpop (erf);
	v10 =	vld [tilespmem:s10+$0x20]  }
0x45d: {  	v12 =	vld [tilespmem:s15+$0xFFFFFE00];
	v16 =	vmul.f32 $1.442695020e+00, v16;
	v20 =	vmul.f32 v13, v21;
	s15 =	sadd.s32 $0x400, s15;
	[tilespmem:s9+$0xFFFFFF90] =	vst v25  }
0x45e: {  	v5 =	vmul.f32 v18, v5  }
0x45f: {  	(erf) = vpow2.f32 v17;
	v17 =	vpop (erf)  }
0x460: {  	[tilespmem:s9+$0x0] =	vst v18;
	v18 =	vpop (erf)  }
0x461: {  	[tilespmem:s0+$0x110] =	vst v19;
	v15 =	vmul.f32 v11, v15;
	v1 =	vmul.f32 v18, v1  }
0x462: {  	v19 =	vmul.f32 $1.442695020e+00, v20;
	(erf) = vpow2.f32 v16;
	[tilespmem:s9+$0x10] =	vst v5;
	v5 =	vpop (erf)  }
0x463: {  	v12 =	vmul.f32 v4, v12;
	[tilespmem:s9+$0xFFFFFE10] =	vst v1;
	v1 =	vmul.f32 $1.442695020e+00, v15;
	v16 =	vpop (erf)  }
0x464: {  	[tilespmem:s9+$0x80] =	vst v17;
	(erf) = vpow2.f32 v19;
	v8 =	vmul.f32 v16, v8  }
0x465: {  	[tilespmem:s9+$0xFFFFFE00] =	vst v18;
	v12 =	vmul.f32 $1.442695020e+00, v12;
	(erf) = vpow2.f32 v1  }
0x466: {  	s8 =	sadd.s32 $0x400, s9;
	[tilespmem:s9+$0x100] =	vst v5;
	v1 =	vmul.f32 v17, v3;
	v3 =	vmul.f32 v10, v14  }
0x467: {  	[tilespmem:s8+$0x180] =	vst v16  }
0x468: {  	[tilespmem:s9+$0x90] =	vst v1;
	v1 =	vmul.f32 $1.442695020e+00, v3  }
0x469: {  	[tilespmem:s8+$0x190] =	vst v8;
	v8 =	vpop (erf)  }
0x46a: {  	(erf) = vpow2.f32 v12;
	[tilespmem:s8+$0xFFFFFE80] =	vst v8;
	v12 =	vpop (erf);
	v3 =	vmul.f32 v8, v6  }
0x46b: {  	(erf) = vpow2.f32 v1;
	[tilespmem:s8+$0xFFFFFF00] =	vst v12  }
0x46c: {  	v1 =	vpop (erf);
	[tilespmem:s8+$0xFFFFFE90] =	vst v3;
	v3 =	vmul.f32 v12, v7  }
0x46d: {  	v6 =	vmul.f32 v1, v9;
	[tilespmem:s8+$0xFFFFFF80] =	vst v1;
	v1 =	vmul.f32 v5, v2;
	v2 =	vpop (erf)  }
0x46e: {  	[tilespmem:s8+$0x0] =	vst v2  }
0x46f: {  	[tilespmem:s8+$0xFFFFFF10] =	vst v3  }
0x470: {  	[tilespmem:s8+$0xFFFFFF90] =	vst v6  }
0x471: {  	v3 =	vmul.f32 v2, v13;
	v5 =	vpop (erf);
	[tilespmem:s9+$0x110] =	vst v1  }
0x472: {  	[tilespmem:s8+$0x80] =	vst v5  }
0x473: {  	[tilespmem:s8+$0x10] =	vst v3;
	v1 =	vpop (erf)  }
0x474: {  	v2 =	vmul.f32 v1, v4;
	[tilespmem:s8+$0xFFFFFE00] =	vst v1;
	v1 =	vpop (erf)  }
0x475: {  	[tilespmem:s8+$0x100] =	vst v1;
	v1 =	vmul.f32 v1, v10  }
0x476: {  	[tilespmem:s8+$0xFFFFFE10] =	vst v2;
	v2 =	vmul.f32 v5, v11  }
0x477: {  	[tilespmem:s8+$0x110] =	vst v1  }
0x478: {  	s10 =	rddreg [dreg:$0x1];
	s15 =	simm.s32 $0x80;
	[tilespmem:s8+$0x90] =	vst v2  }
0x479: {  	[spmem:s10] =	stream.indirect.scatter.add.f32 [tilespmem:s30], [sflag:$0x8], $0x80, s15, s21, $0xb8;
	[tilespmem:$0x1EB00] =	vst v63  }
0x47a: {  	_ =	swait.ge [sflag:s26], $0x2000  }
0x47b: {  	s0 =	sshll.u32 s1, $0x7;
	s11 =	rddreg [dreg:$0xc]  }
0x47c: {  	s9 =	sadd.s32 s0, s11  }
0x47d: {  	[sflag:s26] =	ssyncset.done $0x0;
	s10 =	sshrl.u32 s9, $0x3  }
0x47e: {  	[sflag:s26] =	ssyncadd.s32 $0xFFFFE000;
	s11 =	sadd.s32 s5, s10  }
0x47f: {  	[tilespmem:s2], [sflag:$0x3] =	stream.linear.gather [hbm4b:s11+s2], $0x40, $0x38;
	[tilespmem:$0x1EB00] =	vst v63  }
0x480: {  	s16 =	rddreg [dreg:$0x4];
	s9 =	sshll.u32 s9, $0x1;
	s10 =	sadd.s32 s6, s10  }
0x481: {  	[tilespmem:s15], [sflag:$0x4] =	stream.linear.gather [hbm4b:s10+s2], $0x40, $0x38;
	[tilespmem:$0x1EB00] =	vst v63  }
0x482: {  	s22 =	simm.s32 $0x4180;
	s9 =	sadd.s32 s16, s9  }
0x483: {  	[tilespmem:s22], [sflag:$0x1] =	stream.linear.gather [hbm4b:s9+s2], $0x400, $0x38;
	[tilespmem:$0x1EB00] =	vst v63  }
0x484: {  	_ =	swait.ge [sflag:s3], $0x40  }
0x485: {  	[sflag:s3] =	ssyncset.done $0x0  }
0x486: {  	[sflag:s3] =	ssyncadd.s32 $0xFFFFFFC0  }
0x487: {  	_ =	swait.ge [sflag:s19], $0x40  }
0x488: {  	[sflag:s19] =	ssyncset.done $0x0  }
0x489: {  	[sflag:s19] =	ssyncadd.s32 $0xFFFFFFC0  }
0x48a: {  	_ =	swait.ge [sflag:s4], $0x400  }
0x48b: {  	[sflag:s4] =	ssyncset.done $0x0  }
0x48c: {  	s10 =	simm.s32 $0x180;
	[sflag:s4] =	ssyncadd.s32 $0xFFFFFC00  }
0x48d: {  	[tilespmem:s10], [sflag:$0x1] =	stream.indirect.gather [hbm4b:s17+s21], $0x80, s2, s21, $0xb8;
	[tilespmem:$0x1EB00] =	vst v63  }
0x48e: {  	_ =	swait.ge [sflag:s12], $0x2000  }
0x48f: {  	[sflag:s12] =	ssyncset.done $0x0  }
0x490: {  	s11 =	simm.s32 $0x1A900;
	[sflag:s12] =	ssyncadd.s32 $0xFFFFE000  }
0x491: {  	s15 =	simm.s32 $0x1E740;
	v1 =	vld [tilespmem:s11+$0x180]  }
0x492: {  	v2 =	vld [tilespmem:s15+$0x30]  }
0x493: {  	v6 =	vld [tilespmem:s15+$0xFFFFFFC0]  }
0x494: {  	v3 =	vld [tilespmem:s11+$0xFFFFFE80]  }
0x495: {  	v4 =	vld [tilespmem:s15+$0xFFFFFFD0]  }
0x496: {  	v5 =	vld [tilespmem:s11+$0xFFFFFF00]  }
0x497: {  	v7 =	vld [tilespmem:s15+$0xFFFFFFE0]  }
0x498: {  	v8 =	vld [tilespmem:s11+$0xFFFFFF80]  }
0x499: {  	v9 =	vld [tilespmem:s15+$0xFFFFFFF0]  }
0x49a: {  	v10 =	vld [tilespmem:s11+$0x0];
	v1 =	vmul.f32 v2, v1  }
0x49b: {  	v11 =	vld [tilespmem:s15+$0x0]  }
0x49c: {  	v13 =	vld [tilespmem:s15+$0x10];
	v1 =	vmul.f32 $1.442695020e+00, v1  }
0x49d: {  	v14 =	vld [tilespmem:s11+$0x100]  }
0x49e: {  	s16 =	simm.s32 $0x1AD00;
	v12 =	vld [tilespmem:s15+$0x20];
	v3 =	vmul.f32 v4, v3;
	(erf) = vpow2.f32 v1  }
0x49f: {  	s22 =	simm.s32 $0x1E7C0;
	v15 =	vld [tilespmem:s16+$0x180]  }
0x4a0: {  	v16 =	vld [tilespmem:s22+$0x30];
	v5 =	vmul.f32 v7, v5;
	v3 =	vmul.f32 $1.442695020e+00, v3  }
0x4a1: {  	v8 =	vmul.f32 v9, v8;
	v1 =	vld [tilespmem:s11+$0x80]  }
0x4a2: {  	v5 =	vmul.f32 $1.442695020e+00, v5;
	(erf) = vpow2.f32 v3;
	v3 =	vld [tilespmem:s11+$0xFFFFFE00]  }
0x4a3: {  	v10 =	vmul.f32 v11, v10;
	v14 =	vmul.f32 v12, v14  }
0x4a4: {  	v18 =	vld [tilespmem:s22+$0xFFFFFFD0];
	v8 =	vmul.f32 $1.442695020e+00, v8;
	(erf) = vpow2.f32 v5  }
0x4a5: {  	v19 =	vld [tilespmem:s16+$0xFFFFFF00];
	v15 =	vmul.f32 v16, v15;
	v10 =	vmul.f32 $1.442695020e+00, v10  }
0x4a6: {  	v20 =	vld [tilespmem:s16+$0xFFFFFF80];
	(erf) = vpow2.f32 v8;
	v5 =	vmul.f32 v13, v1  }
0x4a7: {  	v8 =	vld [tilespmem:s16+$0xFFFFFE80];
	(erf) = vpow2.f32 v10;
	v3 =	vmul.f32 v6, v3;
	v17 =	vpop (erf)  }
0x4a8: {  	v10 =	vld [tilespmem:s22+$0xFFFFFFE0];
	v5 =	vmul.f32 $1.442695020e+00, v5;
	v2 =	vmul.f32 v17, v2  }
0x4a9: {  	v21 =	vld [tilespmem:s22+$0xFFFFFFF0];
	v14 =	vmul.f32 $1.442695020e+00, v14;
	v3 =	vmul.f32 $1.442695020e+00, v3  }
0x4aa: {  	v1 =	vld [tilespmem:s22+$0xFFFFFFC0];
	(erf) = vpow2.f32 v5  }
0x4ab: {  	s9 =	simm.s32 $0x4780;
	v15 =	vmul.f32 $1.442695020e+00, v15;
	v5 =	vld [tilespmem:s22+$0x0];
	(erf) = vpow2.f32 v3  }
0x4ac: {  	v3 =	vmul.f32 v18, v8;
	v8 =	vld [tilespmem:s16+$0x0];
	[tilespmem:s9+$0x190] =	vst v2;
	v2 =	vpop (erf);
	(erf) = vpow2.f32 v14  }
0x4ad: {  	v19 =	vmul.f32 v10, v19;
	[tilespmem:s9+$0x180] =	vst v17;
	v14 =	vpop (erf);
	(erf) = vpow2.f32 v15;
	v15 =	vld [tilespmem:s16+$0x80]  }
0x4ae: {  	[tilespmem:s9+$0xFFFFFE80] =	vst v2;
	v2 =	vmul.f32 v2, v4;
	v4 =	vmul.f32 $1.442695020e+00, v3;
	v3 =	vld [tilespmem:s22+$0x10]  }
0x4af: {  	[tilespmem:s9+$0xFFFFFF00] =	vst v14;
	v7 =	vmul.f32 v14, v7;
	v14 =	vmul.f32 v21, v20;
	v20 =	vld [tilespmem:s16+$0x100]  }
0x4b0: {  	s11 =	simm.s32 $0x1E840;
	v19 =	vmul.f32 $1.442695020e+00, v19;
	v17 =	vpop (erf);
	[tilespmem:s9+$0xFFFFFE90] =	vst v2;
	v2 =	vld [tilespmem:s22+$0x20]  }
0x4b1: {  	v9 =	vmul.f32 v17, v9;
	[tilespmem:s9+$0xFFFFFF80] =	vst v17;
	v17 =	vmul.f32 v5, v8;
	v8 =	vld [tilespmem:s11+$0x30]  }
0x4b2: {  	(erf) = vpow2.f32 v4;
	[tilespmem:s9+$0xFFFFFF10] =	vst v7;
	v7 =	vld [tilespmem:s16+$0xFFFFFE00];
	v14 =	vmul.f32 $1.442695020e+00, v14;
	s16 =	simm.s32 $0x1B100  }
0x4b3: {  	v4 =	vpop (erf);
	[tilespmem:s9+$0xFFFFFF90] =	vst v9;
	v9 =	vld [tilespmem:s16+$0x180];
	(erf) = vpow2.f32 v19;
	v17 =	vmul.f32 $1.442695020e+00, v17  }
0x4b4: {  	v11 =	vmul.f32 v4, v11;
	v19 =	vpop (erf);
	[tilespmem:s9+$0x0] =	vst v4;
	(erf) = vpow2.f32 v14  }
0x4b5: {  	v15 =	vmul.f32 v3, v15;
	v4 =	vld [tilespmem:s11+$0xFFFFFFC0];
	v22 =	vpop (erf);
	(erf) = vpow2.f32 v17;
	[tilespmem:s9+$0x80] =	vst v19  }
0x4b6: {  	v13 =	vmul.f32 v19, v13;
	v14 =	vmul.f32 v22, v6;
	[tilespmem:s9+$0x10] =	vst v11;
	v11 =	vld [tilespmem:s16+$0xFFFFFE80]  }
0x4b7: {  	v15 =	vmul.f32 $1.442695020e+00, v15;
	[tilespmem:s9+$0xFFFFFE00] =	vst v22;
	v6 =	vld [tilespmem:s11+$0xFFFFFFD0];
	v23 =	vpop (erf);
	v22 =	vmul.f32 v1, v7  }
0x4b8: {  	v20 =	vmul.f32 v2, v20;
	v7 =	vld [tilespmem:s11+$0xFFFFFFE0];
	[tilespmem:s9+$0x90] =	vst v13;
	v24 =	vpop (erf);
	v17 =	vmul.f32 v8, v9  }
0x4b9: {  	[tilespmem:s9+$0xFFFFFE10] =	vst v14;
	v14 =	vld [tilespmem:s16+$0xFFFFFF00];
	v16 =	vmul.f32 v24, v16;
	v22 =	vmul.f32 $1.442695020e+00, v22  }
0x4ba: {  	s10 =	simm.s32 $0x4B80;
	v20 =	vmul.f32 $1.442695020e+00, v20;
	(erf) = vpow2.f32 v15;
	[tilespmem:s9+$0x100] =	vst v23;
	v9 =	vld [tilespmem:s11+$0xFFFFFFF0]  }
0x4bb: {  	v25 =	vpop (erf);
	v15 =	vmul.f32 $1.442695020e+00, v17;
	[tilespmem:s10+$0x190] =	vst v16;
	v16 =	vld [tilespmem:s16+$0xFFFFFF80];
	(erf) = vpow2.f32 v22  }
0x4bc: {  	v13 =	vld [tilespmem:s11+$0x0];
	[tilespmem:s10+$0x180] =	vst v24;
	v18 =	vmul.f32 v25, v18;
	(erf) = vpow2.f32 v20  }
0x4bd: {  	[tilespmem:s10+$0xFFFFFE80] =	vst v25;
	v11 =	vmul.f32 v6, v11;
	v22 =	vld [tilespmem:s16+$0x0];
	v17 =	vpop (erf);
	(erf) = vpow2.f32 v15  }
0x4be: {  	v14 =	vmul.f32 v7, v14;
	v15 =	vld [tilespmem:s16+$0x80];
	v20 =	vpop (erf);
	[tilespmem:s10+$0xFFFFFE90] =	vst v18;
	v18 =	vmul.f32 v17, v10  }
0x4bf: {  	[tilespmem:s10+$0xFFFFFF00] =	vst v17;
	v19 =	vmul.f32 $1.442695020e+00, v11;
	v11 =	vld [tilespmem:s11+$0x10];
	v21 =	vmul.f32 v20, v21  }
0x4c0: {  	v10 =	vld [tilespmem:s11+$0x20];
	[tilespmem:s10+$0xFFFFFF80] =	vst v20;
	v17 =	vmul.f32 $1.442695020e+00, v14;
	v16 =	vmul.f32 v9, v16  }
0x4c1: {  	v14 =	vld [tilespmem:s16+$0x100];
	(erf) = vpow2.f32 v19;
	[tilespmem:s10+$0xFFFFFF10] =	vst v18;
	v19 =	vmul.f32 v23, v12  }
0x4c2: {  	s8 =	simm.s32 $0x80;
	s15 =	simm.s32 $0x10;
	v12 =	vld [tilespmem:s16+$0xFFFFFE00];
	s16 =	simm.s32 $0x1B500;
	v20 =	vmul.f32 v13, v22;
	[tilespmem:s10+$0xFFFFFF90] =	vst v21;
	v18 =	vpop (erf);
	v16 =	vmul.f32 $1.442695020e+00, v16  }
.LBB2_17:
0x4c3: {  	v21 =	vld [tilespmem:s16+$0x180];
	s11 =	sadd.s32 $0x80, s11;
	(erf) = vpow2.f32 v17;
	v17 =	vmul.f32 v18, v5;
	v22 =	vpop (erf);
	[tilespmem:s9+$0x110] =	vst v19;
	v5 =	vmov v13;
	s9 =	smov.u32 s10  }
0x4c4: {  	s15 =	sadd.s32 $0x8, s15;
	v13 =	vld [tilespmem:s11+$0x30];
	v19 =	vmul.f32 $1.442695020e+00, v20;
	v15 =	vmul.f32 v11, v15;
	[tilespmem:s10+$0x0] =	vst v18;
	v18 =	vpop (erf)  }
0x4c5: {  	p0 =	slt.u32 s15, $0x38;
	(erf) = vpow2.f32 v16;
	v16 =	vmul.f32 v18, v1;
	[tilespmem:s10+$0x10] =	vst v17;
	v20 =	vpop (erf);
	v1 =	vmov v4;
	v4 =	vld [tilespmem:s11+$0xFFFFFFC0]  }
0x4c6: {  	v17 =	vld [tilespmem:s16+$0xFFFFFE80];
	v15 =	vmul.f32 $1.442695020e+00, v15;
	v14 =	vmul.f32 v10, v14;
	v23 =	vpop (erf);
	[tilespmem:s10+$0xFFFFFE00] =	vst v18  }
0x4c7: {  	v18 =	vld [tilespmem:s11+$0xFFFFFFD0];
	v12 =	vmul.f32 v1, v12;
	v24 =	vmul.f32 v23, v8;
	[tilespmem:s10+$0xFFFFFE10] =	vst v16  }
0x4c8: {  	s10 =	sadd.s32 $0x400, s10;
	v16 =	vld [tilespmem:s16+$0xFFFFFF00];
	v14 =	vmul.f32 $1.442695020e+00, v14;
	(erf) = vpow2.f32 v19;
	[tilespmem:s9+$0x80] =	vst v22  }
0x4c9: {  	v19 =	vld [tilespmem:s11+$0xFFFFFFE0];
	v21 =	vmul.f32 v13, v21;
	v12 =	vmul.f32 $1.442695020e+00, v12;
	[tilespmem:s10+$0x190] =	vst v24;
	v8 =	vmov v13  }
0x4ca: {  	v13 =	vmul.f32 v22, v3;
	v3 =	vmov v11;
	v24 =	vld [tilespmem:s16+$0xFFFFFF80];
	v25 =	vpop (erf);
	(erf) = vpow2.f32 v15;
	[tilespmem:s9+$0x100] =	vst v20  }
0x4cb: {  	v22 =	vld [tilespmem:s11+$0xFFFFFFF0];
	v11 =	vmul.f32 $1.442695020e+00, v21;
	[tilespmem:s10+$0xFFFFFE80] =	vst v25;
	(erf) = vpow2.f32 v12  }
0x4cc: {  	v12 =	vmul.f32 v18, v17;
	v21 =	vld [tilespmem:s16+$0x0];
	v17 =	vpop (erf);
	(erf) = vpow2.f32 v14;
	[tilespmem:s9+$0x90] =	vst v13  }
0x4cd: {  	v14 =	vmul.f32 v25, v6;
	v6 =	vmov v18;
	v13 =	vld [tilespmem:s11+$0x0];
	(erf) = vpow2.f32 v11;
	[tilespmem:s10+$0xFFFFFF00] =	vst v17  }
.Ltmp7:
0x4ce: {  	v12 =	vmul.f32 $1.442695020e+00, v12;
	v16 =	vmul.f32 v19, v16;
	v15 =	vld [tilespmem:s16+$0x80];
	[tilespmem:s10+$0x180] =	vst v23;
	v18 =	vpop (erf);
	(pc) =	sbr.rel @p0 .LBB2_17-.Ltmp7, $4  }
0x4cf: {  	v23 =	vmul.f32 v17, v7;
	v7 =	vmov v19;
	v11 =	vld [tilespmem:s11+$0x10];
	[tilespmem:s10+$0xFFFFFE90] =	vst v14;
	v25 =	vmul.f32 v18, v9  }
0x4d0: {  	v17 =	vmul.f32 $1.442695020e+00, v16;
	v16 =	vmul.f32 v22, v24;
	v14 =	vld [tilespmem:s16+$0x100];
	[tilespmem:s10+$0xFFFFFF80] =	vst v18;
	v9 =	vmov v22  }
0x4d1: {  	v19 =	vmul.f32 v20, v2;
	v2 =	vmov v10;
	(erf) = vpow2.f32 v12;
	[tilespmem:s10+$0xFFFFFF10] =	vst v23;
	v18 =	vpop (erf);
	v10 =	vld [tilespmem:s11+$0x20]  }
0x4d2: {  	v12 =	vld [tilespmem:s16+$0xFFFFFE00];
	v16 =	vmul.f32 $1.442695020e+00, v16;
	v20 =	vmul.f32 v13, v21;
	s16 =	sadd.s32 $0x400, s16;
	[tilespmem:s10+$0xFFFFFF90] =	vst v25  }
0x4d3: {  	v55 =	vpop (erf);
	[tilespmem:s9+$0x110] =	vst v19  }
0x4d4: {  	(erf) = vpow2.f32 v17;
	v5 =	vmul.f32 v18, v5;
	[tilespmem:s10+$0x0] =	vst v18;
	v56 =	vpop (erf)  }
0x4d5: {  	v15 =	vmul.f32 v11, v15;
	[tilespmem:s10+$0x80] =	vst v55;
	v1 =	vmul.f32 v56, v1  }
0x4d6: {  	v57 =	vmul.f32 $1.442695020e+00, v20;
	(erf) = vpow2.f32 v16;
	[tilespmem:s10+$0x10] =	vst v5;
	v58 =	vpop (erf)  }
0x4d7: {  	v59 =	vpop (erf);
	v12 =	vmul.f32 v4, v12;
	[tilespmem:s10+$0xFFFFFE10] =	vst v1;
	v1 =	vmul.f32 $1.442695020e+00, v15  }
0x4d8: {  	[tilespmem:s10+$0xFFFFFE00] =	vst v56;
	(erf) = vpow2.f32 v57;
	v8 =	vmul.f32 v59, v8  }
0x4d9: {  	s22 =	sadd.s32 $0x400, s10;
	[tilespmem:s10+$0x100] =	vst v58;
	v12 =	vmul.f32 $1.442695020e+00, v12;
	(erf) = vpow2.f32 v1  }
0x4da: {  	[tilespmem:s22+$0x180] =	vst v59;
	v1 =	vmul.f32 v55, v3;
	v3 =	vmul.f32 v10, v14  }
0x4db: {  	[tilespmem:s22+$0x190] =	vst v8;
	v60 =	vpop (erf);
	(erf) = vpow2.f32 v12  }
0x4dc: {  	[tilespmem:s10+$0x90] =	vst v1;
	v1 =	vmul.f32 $1.442695020e+00, v3;
	v3 =	vmul.f32 v60, v6  }
0x4dd: {  	[tilespmem:s22+$0xFFFFFE80] =	vst v60;
	v61 =	vpop (erf)  }
0x4de: {  	[tilespmem:s22+$0xFFFFFE90] =	vst v3;
	v3 =	vmul.f32 v61, v7  }
0x4df: {  	[tilespmem:s22+$0xFFFFFF00] =	vst v61;
	(erf) = vpow2.f32 v1  }
0x4e0: {  	v1 =	vpop (erf);
	[tilespmem:s22+$0xFFFFFF10] =	vst v3  }
0x4e1: {  	v62 =	vmul.f32 v1, v9;
	[tilespmem:s22+$0xFFFFFF80] =	vst v1;
	v1 =	vmul.f32 v58, v2;
	v2 =	vpop (erf)  }
0x4e2: {  	[tilespmem:s22+$0x0] =	vst v2  }
0x4e3: {  	v3 =	vmul.f32 v2, v13;
	[tilespmem:s22+$0xFFFFFF90] =	vst v62  }
0x4e4: {  	v63 =	vpop (erf);
	[tilespmem:s10+$0x110] =	vst v1  }
0x4e5: {  	[tilespmem:s22+$0x10] =	vst v3;
	v1 =	vpop (erf)  }
0x4e6: {  	[tilespmem:s22+$0x80] =	vst v63;
	v2 =	vmul.f32 v1, v4  }
0x4e7: {  	[tilespmem:s22+$0xFFFFFE00] =	vst v1  }
0x4e8: {  	v1 =	vpop (erf);
	[tilespmem:s22+$0xFFFFFE10] =	vst v2;
	v2 =	vmul.f32 v63, v11  }
0x4e9: {  	[tilespmem:s22+$0x100] =	vst v1;
	v1 =	vmul.f32 v1, v10  }
0x4ea: {  	[tilespmem:s22+$0x90] =	vst v2  }
0x4eb: {  	s11 =	rddreg [dreg:$0x1];
	s15 =	simm.s32 $0x1A600;
	[tilespmem:s22+$0x110] =	vst v1  }
0x4ec: {  	[spmem:s11] =	stream.indirect.scatter.add.f32 [tilespmem:s30], [sflag:$0x8], $0x80, s15, s21, $0xb8;
	[tilespmem:$0x1EB00] =	vst v63  }
0x4ed: {  	_ =	swait.ge [sflag:s26], $0x2000  }
0x4ee: {  	s16 =	rddreg [dreg:$0xd]  }
0x4ef: {  	s0 =	sadd.s32 s0, s16  }
0x4f0: {  	[sflag:s26] =	ssyncset.done $0x0;
	s9 =	sshrl.u32 s0, $0x3  }
0x4f1: {  	s11 =	simm.s32 $0x1A580;
	[sflag:s26] =	ssyncadd.s32 $0xFFFFE000;
	s22 =	sadd.s32 s5, s9  }
0x4f2: {  	[tilespmem:s11], [sflag:$0x5] =	stream.linear.gather [hbm4b:s22+s2], $0x40, $0x38;
	[tilespmem:$0x1EB00] =	vst v63  }
0x4f3: {  	s10 =	rddreg [dreg:$0x4];
	s0 =	sshll.u32 s0, $0x1;
	s9 =	sadd.s32 s6, s9  }
0x4f4: {  	[tilespmem:s15], [sflag:$0x6] =	stream.linear.gather [hbm4b:s9+s2], $0x40, $0x38;
	[tilespmem:$0x1EB00] =	vst v63  }
0x4f5: {  	s0 =	sadd.s32 s10, s0;
	s15 =	simm.s32 $0x1E700  }
0x4f6: {  	[tilespmem:s15], [sflag:$0x2] =	stream.linear.gather [hbm4b:s0+s2], $0x400, $0x38;
	[tilespmem:$0x1EB00] =	vst v63  }
0x4f7: {  	_ =	swait.ge [sflag:s20], $0x40  }
0x4f8: {  	[sflag:s20] =	ssyncset.done $0x0  }
0x4f9: {  	[sflag:s20] =	ssyncadd.s32 $0xFFFFFFC0  }
0x4fa: {  	s1 =	sadd.s32 $0x1, s1;
	_ =	swait.ge [sflag:s13], $0x40  }
0x4fb: {  	p0 =	sne.s32 s1, $0x9D;
	[sflag:s13] =	ssyncset.done $0x0  }
.Ltmp8:
0x4fc: {  	[sflag:s13] =	ssyncadd.s32 $0xFFFFFFC0;
	(pc) =	sbr.rel @p0 .LBB2_14-.Ltmp8, $4  }
0x4fd: {  	_ =	swait.ge [sflag:s12], $0x400  }
0x4fe: {  	[sflag:s12] =	ssyncset.done $0x0  }
0x4ff: {  	s16 =	simm.s32 $0x1A700;
	s22 =	simm.s32 $0x1A600;
	[sflag:s12] =	ssyncadd.s32 $0xFFFFFC00  }
0x500: {  	[tilespmem:s16], [sflag:$0x2] =	stream.indirect.gather [hbm4b:s17+s21], $0x80, s11, s21, $0xb8;
	[tilespmem:$0x1EB00] =	vst v63  }
0x501: {  	_ =	swait.ge [sflag:s4], $0x2000  }
0x502: {  	[sflag:s4] =	ssyncset.done $0x0  }
0x503: {  	[sflag:s4] =	ssyncadd.s32 $0xFFFFE000  }
0x504: {  	_ =	swait.ge [sflag:s12], $0x2000  }
0x505: {  	[sflag:s12] =	ssyncset.done $0x0  }
0x506: {  	[sflag:s12] =	ssyncadd.s32 $0xFFFFE000  }
0x507: {  	[bflag:$0x0] =	sbarrier.arrive $0xFFFF  }
0x508: {  	[tilespmem:s30], [sflag:$0x8] =	stream.linear.gather [spmem:s18], $0x2000, $0x38;
	[tilespmem:$0x1EB00] =	vst v63  }
0x509: {  	_ =	swait.ge [sflag:s26], $0x2000  }
0x50a: {  	[sflag:s26] =	ssyncset.done $0x0  }
0x50b: {  	s0 =	rddreg [dreg:$0x1e];
	[sflag:s26] =	ssyncadd.s32 $0xFFFFE000  }
0x50c: {  	[hbm4b:s0+s2] =	stream.linear.scatter [tilespmem:s30], [sflag:$0x8], $0x2000, $0x38;
	[tilespmem:$0x1EB00] =	vst v63  }
0x50d: {  	_ =	swait.ge [sflag:s26], $0x2000  }
0x50e: {  	[sflag:s26] =	ssyncset.done $0x0  }
0x50f: {  	[sflag:s26] =	ssyncadd.s32 $0xFFFFE000  }
0x510: {  	[tilespmem:s30], [sflag:$0x8] =	stream.linear.gather [spmem:s24], $0x2000, $0x38;
	[tilespmem:$0x1EB00] =	vst v63  }
0x511: {  	_ =	swait.ge [sflag:s26], $0x2000  }
0x512: {  	[sflag:s26] =	ssyncset.done $0x0  }
0x513: {  	s17 =	rddreg [dreg:$0x1f];
	[sflag:s26] =	ssyncadd.s32 $0xFFFFE000  }
0x514: {  	[hbm4b:s17+s2] =	stream.linear.scatter [tilespmem:s30], [sflag:$0x8], $0x2000, $0x38;
	[tilespmem:$0x1EB00] =	vst v63  }
0x515: {  	_ =	swait.ge [sflag:s26], $0x2000  }
0x516: {  	[sflag:s26] =	ssyncset.done $0x0  }
0x517: {  	[sflag:s26] =	ssyncadd.s32 $0xFFFFE000  }
0x518: {  	[tilespmem:s30], [sflag:$0x8] =	stream.linear.gather [spmem:s28], $0x2000, $0x38;
	[tilespmem:$0x1EB00] =	vst v63  }
0x519: {  	_ =	swait.ge [sflag:s26], $0x2000  }
0x51a: {  	s1 =	sld [smem:$0x7ED]  }
0x51b: {  	[sflag:s26] =	ssyncset.done $0x0  }
0x51c: {  	[sflag:s26] =	ssyncadd.s32 $0xFFFFE000  }
0x51d: {  	[hbm4b:s1+s2] =	stream.linear.scatter [tilespmem:s30], [sflag:$0x8], $0x2000, $0x38;
	[tilespmem:$0x1EB00] =	vst v63  }
0x51e: {  	_ =	swait.ge [sflag:s26], $0x2000  }
0x51f: {  	[sflag:s26] =	ssyncset.done $0x0  }
0x520: {  	[sflag:s26] =	ssyncadd.s32 $0xFFFFE000  }
0x521: {  	[tilespmem:s30], [sflag:$0x8] =	stream.linear.gather [spmem:s29], $0x2000, $0x38;
	[tilespmem:$0x1EB00] =	vst v63  }
0x522: {  	_ =	swait.ge [sflag:s26], $0x2000  }
0x523: {  	s9 =	sld [smem:$0x7EE]  }
0x524: {  	[sflag:s26] =	ssyncset.done $0x0  }
0x525: {  	[sflag:s26] =	ssyncadd.s32 $0xFFFFE000  }
0x526: {  	[hbm4b:s9+s2] =	stream.linear.scatter [tilespmem:s30], [sflag:$0x8], $0x2000, $0x38;
	[tilespmem:$0x1EB00] =	vst v63  }
0x527: {  	_ =	swait.ge [sflag:s26], $0x2000  }
0x528: {  	[sflag:s26] =	ssyncset.done $0x0  }
0x529: {  	[sflag:s26] =	ssyncadd.s32 $0xFFFFE000  }
0x52a: {  	[tilespmem:s30], [sflag:$0x8] =	stream.linear.gather [spmem:s31], $0x2000, $0x38;
	[tilespmem:$0x1EB00] =	vst v63  }
0x52b: {  	_ =	swait.ge [sflag:s26], $0x2000  }
0x52c: {  	s10 =	sld [smem:$0x7EF]  }
0x52d: {  	[sflag:s26] =	ssyncset.done $0x0  }
0x52e: {  	[sflag:s26] =	ssyncadd.s32 $0xFFFFE000  }
0x52f: {  	[hbm4b:s10+s2] =	stream.linear.scatter [tilespmem:s30], [sflag:$0x8], $0x2000, $0x38;
	[tilespmem:$0x1EB00] =	vst v63  }
0x530: {  	_ =	swait.ge [sflag:s26], $0x2000  }
0x531: {  	s10 =	sld [smem:$0x7FA]  }
0x532: {  	[sflag:s26] =	ssyncset.done $0x0  }
0x533: {  	[sflag:s26] =	ssyncadd.s32 $0xFFFFE000  }
0x534: {  	[tilespmem:s30], [sflag:$0x8] =	stream.linear.gather [spmem:s10], $0x2000, $0x38;
	[tilespmem:$0x1EB00] =	vst v63  }
0x535: {  	_ =	swait.ge [sflag:s26], $0x2000  }
0x536: {  	s11 =	sld [smem:$0x7F0]  }
0x537: {  	[sflag:s26] =	ssyncset.done $0x0  }
0x538: {  	[sflag:s26] =	ssyncadd.s32 $0xFFFFE000  }
0x539: {  	[hbm4b:s11+s2] =	stream.linear.scatter [tilespmem:s30], [sflag:$0x8], $0x2000, $0x38;
	[tilespmem:$0x1EB00] =	vst v63  }
0x53a: {  	_ =	swait.ge [sflag:s26], $0x2000  }
0x53b: {  	s11 =	sld [smem:$0x7FB]  }
0x53c: {  	[sflag:s26] =	ssyncset.done $0x0  }
0x53d: {  	[sflag:s26] =	ssyncadd.s32 $0xFFFFE000  }
0x53e: {  	[tilespmem:s30], [sflag:$0x8] =	stream.linear.gather [spmem:s11], $0x2000, $0x38;
	[tilespmem:$0x1EB00] =	vst v63  }
0x53f: {  	_ =	swait.ge [sflag:s26], $0x2000  }
0x540: {  	s15 =	sld [smem:$0x7F1]  }
0x541: {  	[sflag:s26] =	ssyncset.done $0x0  }
0x542: {  	[sflag:s26] =	ssyncadd.s32 $0xFFFFE000  }
0x543: {  	[hbm4b:s15+s2] =	stream.linear.scatter [tilespmem:s30], [sflag:$0x8], $0x2000, $0x38;
	[tilespmem:$0x1EB00] =	vst v63  }
0x544: {  	_ =	swait.ge [sflag:s26], $0x2000  }
0x545: {  	s15 =	sld [smem:$0x7FC]  }
0x546: {  	[sflag:s26] =	ssyncset.done $0x0  }
0x547: {  	[sflag:s26] =	ssyncadd.s32 $0xFFFFE000  }
0x548: {  	[tilespmem:s30], [sflag:$0x8] =	stream.linear.gather [spmem:s15], $0x2000, $0x38;
	[tilespmem:$0x1EB00] =	vst v63  }
0x549: {  	_ =	swait.ge [sflag:s26], $0x2000  }
0x54a: {  	s16 =	sld [smem:$0x7F2]  }
0x54b: {  	[sflag:s26] =	ssyncset.done $0x0  }
0x54c: {  	[sflag:s26] =	ssyncadd.s32 $0xFFFFE000  }
0x54d: {  	[hbm4b:s16+s2] =	stream.linear.scatter [tilespmem:s30], [sflag:$0x8], $0x2000, $0x38;
	[tilespmem:$0x1EB00] =	vst v63  }
0x54e: {  	_ =	swait.ge [sflag:s26], $0x2000  }
0x54f: {  	s16 =	sld [smem:$0x7FD]  }
0x550: {  	[sflag:s26] =	ssyncset.done $0x0  }
0x551: {  	[sflag:s26] =	ssyncadd.s32 $0xFFFFE000  }
0x552: {  	[tilespmem:s30], [sflag:$0x8] =	stream.linear.gather [spmem:s16], $0x2000, $0x38;
	[tilespmem:$0x1EB00] =	vst v63  }
0x553: {  	_ =	swait.ge [sflag:s26], $0x2000  }
0x554: {  	s17 =	sld [smem:$0x7F3]  }
0x555: {  	[sflag:s26] =	ssyncset.done $0x0  }
0x556: {  	[sflag:s26] =	ssyncadd.s32 $0xFFFFE000  }
0x557: {  	[hbm4b:s17+s2] =	stream.linear.scatter [tilespmem:s30], [sflag:$0x8], $0x2000, $0x38;
	[tilespmem:$0x1EB00] =	vst v63  }
0x558: {  	_ =	swait.ge [sflag:s26], $0x2000  }
0x559: {  	s1 =	sld [smem:$0x7F5]  }
0x55a: {  	[sflag:s26] =	ssyncset.done $0x0  }
0x55b: {  	[sflag:s26] =	ssyncadd.s32 $0xFFFFE000  }
0x55c: {  	[tilespmem:s30], [sflag:$0x8] =	stream.linear.gather [spmem:s1], $0x2000, $0x38;
	[tilespmem:$0x1EB00] =	vst v63  }
0x55d: {  	_ =	swait.ge [sflag:s26], $0x2000  }
0x55e: {  	s9 =	sld [smem:$0x7F4]  }
0x55f: {  	[sflag:s26] =	ssyncset.done $0x0  }
0x560: {  	[sflag:s26] =	ssyncadd.s32 $0xFFFFE000  }
0x561: {  	[hbm4b:s9+s2] =	stream.linear.scatter [tilespmem:s30], [sflag:$0x8], $0x2000, $0x38;
	[tilespmem:$0x1EB00] =	vst v63  }
0x562: {  	_ =	swait.ge [sflag:s26], $0x2000  }
0x563: {  	s1 =	sld [smem:$0x7EC];
	_ =	sdelay $0x2  }
0x564: {  	s17 =	rddreg [dreg:$0x15];
	s1 =	sadd.s32 $0x1, s1  }
0x565: {  	p0 =	sne.s32 s1, s17  }
.Ltmp9:
0x566: {  	_ = 	snop;
	(pc) =	sbr.rel @p0 .LBB2_1-.Ltmp9, $3  }
0x567: {  	[sflag:s26] =	ssyncset.done $0x0  }
0x568: {  	[sflag:s26] =	ssyncadd.s32 $0xFFFFE000  }
0x569: {  	[bflag:$0x0] =	sbarrier.arrive $0xFFFF;
	_ =	sdelay $0x1  }
0x56a: {  	_ =	sfence.sel $0x180000  }
0x56b: {  	[bflag:$0x0] =	sbarrier.arrive $0xFFFF  }
0x56c: {  	_ =	strace $0x9000004A  }
0x56d: {  	s0 =	stileid.u32;
	[bflag:$0x2] =	sbarrier.arrive $0xFFFF  }
0x56e: {  	p0 =	sne.s32 s0, $0x0;
	s0 =	rddreg [dreg:$0x2]  }
0x56f: {  	s0 =	sadd.s32 @!p0 $0x100000, s0  }
0x570: {  	[sflag:s0] =	ssyncadd.tile.s32 @!p0 $0x1;
	_ =	shalt  }
.Lfunc_end2:
_tile_overlayer_lowered:
.L_overlay_start_2:
0x571: {  	(tag) =	ssettag $0x2  }
0x572: {  	s0 =	rddreg [dreg:$0x0];
	s2 =	stileid.u32  }
0x573: {  	s1 =	rddreg [dreg:$0x1];
	p0 =	sne.s32 s2, $0x0  }
0x574: {  	s3 =	rddreg [dreg:$0x2];
	[bflag:$0x3] =	sbarrier.arrive $0xFFFF;
	s2 =	simm.s32 @!p0 $0x1C08  }
0x575: {  	[timem:s3], [sflag:s2] =	dma.local @!p0 [hbm:s0], s1  }
0x576: {  	s0 =	simm.s32 @!p0 $0x8  }
0x577: {  	_ =	swait.ge @!p0 [sflag:s0], s1  }
0x578: {  	s1 =	ssub.s32 @!p0 $0x0, s1;
	[sflag:s0] =	ssyncset.done @!p0 $0x0  }
0x579: {  	[sflag:s0] =	ssyncadd.s32 @!p0 s1  }
0x57a: {  	[bflag:$0x3] =	sbarrier.arrive $0xFFFF  }
0x57b: {  	_ =	shalt  }

</sc_bundles>
